<compile_context>
chip_gen: v7x
topology: tpu7x:2x2x1
jax: 0.10.2.dev20260603
libtpu: 0.0.44.dev20260713+nightly
codegen_flags: <defaults>
</compile_context>

<pallas_src>
import functools

import jax
import jax.numpy as jnp
from jax import lax
from jax.experimental import pallas as pl
from jax.experimental.pallas import tpu as pltpu
from jax.experimental.pallas import tpu_sc as plsc

CLS = 100000
FEAT = 64
B = 16384
NBLK = CLS // 8

NCORE = 2
NSUB = 16
NW = NCORE * NSUB
CHUNK = B // NW
BSZ = 32
NBATCH = CHUNK // BSZ
CLS_PAD = 100352
STRIPE = CLS_PAD // NSUB


def _main_body(xs_hbm, ys_hbm, center_hbm, cnt_hbm, dsum_hbm,
               cnt_sh, dsum_sh,
               idx_v, xs_v, tiles, dvals, ones_v, stage, sem, semx):
    cid = lax.axis_index("c")
    sid = lax.axis_index("s")
    wid = cid * NSUB + sid
    zero16 = jnp.zeros((16,), jnp.float32)
    one16 = jnp.ones((16,), jnp.float32)
    lane = lax.iota(jnp.int32, 16)

    def fire(b):
        pltpu.async_copy(
            xs_hbm.at[pl.ds((wid * CHUNK + b * BSZ) * FEAT, BSZ * FEAT)],
            xs_v.at[pl.ds((b & 1) * BSZ * FEAT, BSZ * FEAT)], semx)
        ring = (b & 1) * BSZ
        for k in range(BSZ // 16):
            yv = idx_v[b, pl.ds(k * 16, 16)]
            for l in range(16):
                y = yv[l]
                pltpu.async_copy(center_hbm.at[y >> 3],
                                 tiles.at[ring + k * 16 + l], sem)

    def drain(b):
        pltpu.make_async_copy(
            xs_hbm.at[pl.ds(0, BSZ * FEAT)],
            xs_v.at[pl.ds((b & 1) * BSZ * FEAT, BSZ * FEAT)], semx).wait()
        for n in range(BSZ):
            pltpu.make_async_copy(
                center_hbm.at[0],
                tiles.at[(b & 1) * BSZ + n], sem).wait()

    for b in range(NBATCH):
        pltpu.sync_copy(ys_hbm.at[pl.ds(wid * CHUNK + b * BSZ, BSZ)],
                        idx_v.at[b])

    def zfill(i, _):
        stage[pl.ds(i * 16, 16)] = zero16
        return 0
    lax.fori_loop(0, STRIPE // 16, zfill, 0)
    pltpu.sync_copy(stage.at[pl.ds(0, STRIPE)],
                    cnt_sh.at[pl.ds(sid * STRIPE, STRIPE)])
    pltpu.sync_copy(stage.at[pl.ds(0, STRIPE)],
                    dsum_sh.at[pl.ds(sid * STRIPE, STRIPE)])
    for k in range(BSZ // 16):
        ones_v[0, pl.ds(k * 16, 16)] = one16

    fire(0)
    plsc.subcore_barrier()

    def batch_step(b, _):
        @pl.when(b + 1 < NBATCH)
        def _():
            fire(b + 1)
        drain(b)
        ring = (b & 1) * BSZ

        def dgroup(k, _):
            yv = idx_v[b, pl.ds(k * 16, 16)]
            slot = ring + k * 16 + lane
            row = yv & 7
            xbase = ((b & 1) * BSZ + k * 16 + lane) * FEAT
            acc = jnp.zeros((16,), jnp.float32)
            for f0 in range(FEAT):
                fd = (lane + f0) & (FEAT - 1)
                xv = plsc.load_gather(xs_v, [xbase + fd])
                cv = plsc.load_gather(tiles, [slot, row, fd])
                df = xv - cv
                acc = acc + df * df
            dvals[0, pl.ds(k * 16, 16)] = acc
            return 0
        lax.fori_loop(0, BSZ // 16, dgroup, 0)

        pltpu.sync_copy(ones_v.at[0], cnt_sh.at[idx_v.at[b]], add=True)
        pltpu.sync_copy(dvals.at[0], dsum_sh.at[idx_v.at[b]], add=True)
        return 0
    lax.fori_loop(0, NBATCH, batch_step, 0)

    plsc.subcore_barrier()

    pltpu.sync_copy(cnt_sh.at[pl.ds(sid * STRIPE, STRIPE)], stage)
    pltpu.sync_copy(stage,
                    cnt_hbm.at[pl.ds(cid * CLS_PAD + sid * STRIPE, STRIPE)])
    pltpu.sync_copy(dsum_sh.at[pl.ds(sid * STRIPE, STRIPE)], stage)
    pltpu.sync_copy(stage,
                    dsum_hbm.at[pl.ds(cid * CLS_PAD + sid * STRIPE, STRIPE)])


def _reduce_body(cnt_hbm, dsum_hbm, out_hbm,
                 part_sh, n0, n1, d0, d1, fin_v):
    cid = lax.axis_index("c")
    sid = lax.axis_index("s")

    @pl.when(cid == 0)
    def _():
        base = sid * STRIPE
        pltpu.sync_copy(cnt_hbm.at[pl.ds(base, STRIPE)], n0)
        pltpu.sync_copy(cnt_hbm.at[pl.ds(CLS_PAD + base, STRIPE)], n1)
        pltpu.sync_copy(dsum_hbm.at[pl.ds(base, STRIPE)], d0)
        pltpu.sync_copy(dsum_hbm.at[pl.ds(CLS_PAD + base, STRIPE)], d1)

        def rstep(i, acc):
            n = n0[pl.ds(i * 16, 16)] + n1[pl.ds(i * 16, 16)]
            dv = d0[pl.ds(i * 16, 16)] + d1[pl.ds(i * 16, 16)]
            return acc + dv / (n + n + 2.0)
        accv = lax.fori_loop(0, STRIPE // 16, rstep,
                             jnp.zeros((16,), jnp.float32))
        fin_v[0, pl.ds(0, 16)] = accv
        pltpu.sync_copy(fin_v.at[0], part_sh.at[sid])

        plsc.subcore_barrier()

        @pl.when(sid == 0)
        def _():
            pltpu.sync_copy(part_sh, fin_v)
            tot = jnp.zeros((16,), jnp.float32)
            for r in range(NSUB):
                tot = tot + fin_v[r, pl.ds(0, 16)]
            tot = plsc.cumsum(tot) * (1.0 / B)
            fin_v[0, pl.ds(0, 16)] = tot
            pltpu.sync_copy(fin_v.at[0], out_hbm)


@jax.jit
def _center_loss(xs, ys, center):
    main_k = pl.kernel(
        _main_body,
        out_type=(
            jax.ShapeDtypeStruct((NCORE * CLS_PAD,), jnp.float32),
            jax.ShapeDtypeStruct((NCORE * CLS_PAD,), jnp.float32),
        ),
        mesh=plsc.VectorSubcoreMesh(core_axis_name="c", subcore_axis_name="s",
                                    num_cores=NCORE),
        compiler_params=pltpu.CompilerParams(
            needs_layout_passes=False, use_tc_tiling_on_sc=True),
        scratch_types=[
            pltpu.VMEM_SHARED((CLS_PAD,), jnp.float32),
            pltpu.VMEM_SHARED((CLS_PAD,), jnp.float32),
            pltpu.VMEM((NBATCH, BSZ), jnp.int32),
            pltpu.VMEM((2 * BSZ * FEAT,), jnp.float32),
            pltpu.VMEM((2 * BSZ, 8, FEAT), jnp.float32),
            pltpu.VMEM((1, BSZ), jnp.float32),
            pltpu.VMEM((1, BSZ), jnp.float32),
            pltpu.VMEM((STRIPE,), jnp.float32),
            pltpu.SemaphoreType.DMA,
            pltpu.SemaphoreType.DMA,
        ],
    )
    red_k = pl.kernel(
        _reduce_body,
        out_type=jax.ShapeDtypeStruct((16,), jnp.float32),
        mesh=plsc.VectorSubcoreMesh(core_axis_name="c", subcore_axis_name="s",
                                    num_cores=NCORE),
        compiler_params=pltpu.CompilerParams(
            needs_layout_passes=False, use_tc_tiling_on_sc=False),
        scratch_types=[
            pltpu.VMEM_SHARED((NSUB, 16), jnp.float32),
            pltpu.VMEM((STRIPE,), jnp.float32),
            pltpu.VMEM((STRIPE,), jnp.float32),
            pltpu.VMEM((STRIPE,), jnp.float32),
            pltpu.VMEM((STRIPE,), jnp.float32),
            pltpu.VMEM((NSUB, 16), jnp.float32),
        ],
    )
    center3 = center.reshape(NBLK, 8, FEAT)
    cnt, dsum = main_k(xs.reshape(-1), ys, center3)
    return red_k(cnt, dsum)


def kernel(xs, ys, center):
    out = _center_loss(xs, ys.astype(jnp.int32), center)
    return out[15]

# --- scband reference (transcript-rebuilt; emitter-appended) ---
"""Pipeline reference for scband-center-loss-11381663334608 (READ-ONLY COPY).

The authoritative reference and input builder live on the scoring server;
editing this copy changes nothing except your own understanding.
"""

import jax, jax.numpy as jnp
import numpy as np

CLS_NUM = 100000
FEAT_NUM = 64
BATCH = 16384


def setup_inputs(seed: int = 0) -> dict:
    key = jax.random.key(seed)
    k1, k2, k3 = jax.random.split(key, 3)
    xs = jax.random.normal(k1, (BATCH, FEAT_NUM), dtype=jnp.float32)
    ys = jax.random.randint(k2, (BATCH,), 0, CLS_NUM)
    # learned parameter: class centers, initialized like torch.rand
    center = jax.random.uniform(k3, (CLS_NUM, FEAT_NUM), dtype=jnp.float32)
    return {"xs": xs, "ys": ys, "center": center}


def reference(xs, ys, center):
    ys = ys.astype(jnp.int32)
    # torch.histc(ys, bins=cls_num, min=0, max=cls_num-1) on integer-valued labels
    # is equivalent to a bincount over class ids in [0, cls_num)
    count = jnp.bincount(ys, length=CLS_NUM)
    # self.center.index_select(0, ys)
    center_exp = jnp.take(center, ys, axis=0)
    # count.index_select(0, ys) + 1
    count_dis = jnp.take(count, ys, axis=0) + 1
    loss = jnp.mean(jnp.sum((xs - center_exp) ** 2, axis=1) / 2.0 / count_dis.astype(jnp.float32))
    return loss

if __name__ == "__main__":
    import jax
    _d = setup_inputs()
    print(jax.jit(kernel)(*tuple(_d.values())))

</pallas_src>

<mosaic_0001>
#map = affine_map<(d0, d1) -> (0)>
module attributes {stable_mosaic.version = 14 : i64} {
  func.func @_reduce_body(%arg0: i32, %arg1: i32, %arg2: memref<200704xf32, #tpu.memory_space<hbm>>, %arg3: memref<200704xf32, #tpu.memory_space<hbm>>, %arg4: memref<16xf32, #tpu.memory_space<hbm>>, %arg5: memref<16x16xf32, #tpu.memory_space<vmem_shared>>, %arg6: memref<6272xf32, #tpu.memory_space<vmem>>, %arg7: memref<6272xf32, #tpu.memory_space<vmem>>, %arg8: memref<6272xf32, #tpu.memory_space<vmem>>, %arg9: memref<6272xf32, #tpu.memory_space<vmem>>, %arg10: memref<16x16xf32, #tpu.memory_space<vmem>>) attributes {dimension_semantics = [#tpu.dimension_semantics<core_parallel>, #tpu.dimension_semantics<subcore_parallel>], iteration_bounds = array<i64: 2, 16>, scalar_prefetch = 0 : i64, scratch_operands = 6 : i64, tpu.core_type = #tpu.core_type<sc_vector_subcore>, window_params = [{transform_indices = #map}, {transform_indices = #map}, {transform_indices = #map}]} {
    %eq3A = arith.constant 0 : i32
    %eq3A_0 = arith.cmpi eq, %arg0, %eq3A : i32
    %convert_element_type3A = arith.extui %eq3A_0 : i1 to i32
    %cond3A = arith.constant 0 : i32
    %cond3A_1 = arith.cmpi ne, %convert_element_type3A, %cond3A : i32
    scf.if %cond3A_1 {
      %mul3A = arith.constant 6272 : i32
      %mul3A_2 = arith.muli %arg1, %mul3A : i32
      "tpu.region"() ({
        %run_scoped3A_20 = tpu.sem_alloc : memref<!tpu.dma_semaphore, #tpu.memory_space<semaphore_mem>>
        %dma_start3A = tpu.memref_slice %arg2[%mul3A_2] : memref<200704xf32, #tpu.memory_space<hbm>> -> memref<6272xf32, #tpu.memory_space<hbm>>
        %dma_start3A_21 = tpu.memref_slice %arg2[%mul3A_2] : memref<200704xf32, #tpu.memory_space<hbm>> -> memref<6272xf32, #tpu.memory_space<hbm>>
        tpu.enqueue_dma source(%dma_start3A_21 : memref<6272xf32, #tpu.memory_space<hbm>>) target(%arg6 : memref<6272xf32, #tpu.memory_space<vmem>>) target_semaphore(%run_scoped3A_20 : memref<!tpu.dma_semaphore, #tpu.memory_space<semaphore_mem>>)
        %dma_wait3A = tpu.memref_slice %arg2[%mul3A_2] : memref<200704xf32, #tpu.memory_space<hbm>> -> memref<6272xf32, #tpu.memory_space<hbm>>
        %dma_wait3A_22 = tpu.memref_slice %arg2[%mul3A_2] : memref<200704xf32, #tpu.memory_space<hbm>> -> memref<6272xf32, #tpu.memory_space<hbm>>
        tpu.wait_dma2 semaphore(%run_scoped3A_20 : memref<!tpu.dma_semaphore, #tpu.memory_space<semaphore_mem>>) src(%dma_wait3A_22 : memref<6272xf32, #tpu.memory_space<hbm>>) dst(%arg6 : memref<6272xf32, #tpu.memory_space<vmem>>)
        tpu.yield
      }) : () -> ()
      %add3A = arith.constant 100352 : i32
      %add3A_3 = arith.addi %add3A, %mul3A_2 : i32
      "tpu.region"() ({
        %run_scoped3A_20 = tpu.sem_alloc : memref<!tpu.dma_semaphore, #tpu.memory_space<semaphore_mem>>
        %dma_start3A = tpu.memref_slice %arg2[%add3A_3] : memref<200704xf32, #tpu.memory_space<hbm>> -> memref<6272xf32, #tpu.memory_space<hbm>>
        %dma_start3A_21 = tpu.memref_slice %arg2[%add3A_3] : memref<200704xf32, #tpu.memory_space<hbm>> -> memref<6272xf32, #tpu.memory_space<hbm>>
        tpu.enqueue_dma source(%dma_start3A_21 : memref<6272xf32, #tpu.memory_space<hbm>>) target(%arg7 : memref<6272xf32, #tpu.memory_space<vmem>>) target_semaphore(%run_scoped3A_20 : memref<!tpu.dma_semaphore, #tpu.memory_space<semaphore_mem>>)
        %dma_wait3A = tpu.memref_slice %arg2[%add3A_3] : memref<200704xf32, #tpu.memory_space<hbm>> -> memref<6272xf32, #tpu.memory_space<hbm>>
        %dma_wait3A_22 = tpu.memref_slice %arg2[%add3A_3] : memref<200704xf32, #tpu.memory_space<hbm>> -> memref<6272xf32, #tpu.memory_space<hbm>>
        tpu.wait_dma2 semaphore(%run_scoped3A_20 : memref<!tpu.dma_semaphore, #tpu.memory_space<semaphore_mem>>) src(%dma_wait3A_22 : memref<6272xf32, #tpu.memory_space<hbm>>) dst(%arg7 : memref<6272xf32, #tpu.memory_space<vmem>>)
        tpu.yield
      }) : () -> ()
      "tpu.region"() ({
        %run_scoped3A_20 = tpu.sem_alloc : memref<!tpu.dma_semaphore, #tpu.memory_space<semaphore_mem>>
        %dma_start3A = tpu.memref_slice %arg3[%mul3A_2] : memref<200704xf32, #tpu.memory_space<hbm>> -> memref<6272xf32, #tpu.memory_space<hbm>>
        %dma_start3A_21 = tpu.memref_slice %arg3[%mul3A_2] : memref<200704xf32, #tpu.memory_space<hbm>> -> memref<6272xf32, #tpu.memory_space<hbm>>
        tpu.enqueue_dma source(%dma_start3A_21 : memref<6272xf32, #tpu.memory_space<hbm>>) target(%arg8 : memref<6272xf32, #tpu.memory_space<vmem>>) target_semaphore(%run_scoped3A_20 : memref<!tpu.dma_semaphore, #tpu.memory_space<semaphore_mem>>)
        %dma_wait3A = tpu.memref_slice %arg3[%mul3A_2] : memref<200704xf32, #tpu.memory_space<hbm>> -> memref<6272xf32, #tpu.memory_space<hbm>>
        %dma_wait3A_22 = tpu.memref_slice %arg3[%mul3A_2] : memref<200704xf32, #tpu.memory_space<hbm>> -> memref<6272xf32, #tpu.memory_space<hbm>>
        tpu.wait_dma2 semaphore(%run_scoped3A_20 : memref<!tpu.dma_semaphore, #tpu.memory_space<semaphore_mem>>) src(%dma_wait3A_22 : memref<6272xf32, #tpu.memory_space<hbm>>) dst(%arg8 : memref<6272xf32, #tpu.memory_space<vmem>>)
        tpu.yield
      }) : () -> ()
      %add3A_4 = arith.constant 100352 : i32
      %add3A_5 = arith.addi %add3A_4, %mul3A_2 : i32
      "tpu.region"() ({
        %run_scoped3A_20 = tpu.sem_alloc : memref<!tpu.dma_semaphore, #tpu.memory_space<semaphore_mem>>
        %dma_start3A = tpu.memref_slice %arg3[%add3A_5] : memref<200704xf32, #tpu.memory_space<hbm>> -> memref<6272xf32, #tpu.memory_space<hbm>>
        %dma_start3A_21 = tpu.memref_slice %arg3[%add3A_5] : memref<200704xf32, #tpu.memory_space<hbm>> -> memref<6272xf32, #tpu.memory_space<hbm>>
        tpu.enqueue_dma source(%dma_start3A_21 : memref<6272xf32, #tpu.memory_space<hbm>>) target(%arg9 : memref<6272xf32, #tpu.memory_space<vmem>>) target_semaphore(%run_scoped3A_20 : memref<!tpu.dma_semaphore, #tpu.memory_space<semaphore_mem>>)
        %dma_wait3A = tpu.memref_slice %arg3[%add3A_5] : memref<200704xf32, #tpu.memory_space<hbm>> -> memref<6272xf32, #tpu.memory_space<hbm>>
        %dma_wait3A_22 = tpu.memref_slice %arg3[%add3A_5] : memref<200704xf32, #tpu.memory_space<hbm>> -> memref<6272xf32, #tpu.memory_space<hbm>>
        tpu.wait_dma2 semaphore(%run_scoped3A_20 : memref<!tpu.dma_semaphore, #tpu.memory_space<semaphore_mem>>) src(%dma_wait3A_22 : memref<6272xf32, #tpu.memory_space<hbm>>) dst(%arg9 : memref<6272xf32, #tpu.memory_space<vmem>>)
        tpu.yield
      }) : () -> ()
      %broadcast_in_dim3A = arith.constant 0.000000e+00 : f32
      %broadcast_in_dim3A_6 = vector.broadcast %broadcast_in_dim3A : f32 to vector<16xf32>
      %scan3A = arith.constant 0 : i32
      %scan3A_7 = arith.constant 392 : i32
      %scan3A_8 = arith.addi %scan3A, %scan3A_7 : i32
      %scan3A_9 = arith.constant 1 : i32
      %scan3A_10 = scf.for %scan3A_20 = %scan3A to %scan3A_8 step %scan3A_9 iter_args(%scan3A_21 = %broadcast_in_dim3A_6) -> (vector<16xf32>)  : i32 {
        %mul3A_22 = arith.constant 16 : i32
        %mul3A_23 = arith.muli %scan3A_20, %mul3A_22 : i32
        %get3A = arith.index_cast %mul3A_23 : i32 to index
        %get3A_24 = tpu.vector_load %arg6[%get3A] {strides = array<i32>} : memref<6272xf32, #tpu.memory_space<vmem>>, vector<16xf32>,
        %mul3A_25 = arith.constant 16 : i32
        %mul3A_26 = arith.muli %scan3A_20, %mul3A_25 : i32
        %get3A_27 = arith.index_cast %mul3A_26 : i32 to index
        %get3A_28 = tpu.vector_load %arg7[%get3A_27] {strides = array<i32>} : memref<6272xf32, #tpu.memory_space<vmem>>, vector<16xf32>,
        %add3A_29 = arith.addf %get3A_24, %get3A_28 : vector<16xf32>
        %mul3A_30 = arith.constant 16 : i32
        %mul3A_31 = arith.muli %scan3A_20, %mul3A_30 : i32
        %get3A_32 = arith.index_cast %mul3A_31 : i32 to index
        %get3A_33 = tpu.vector_load %arg8[%get3A_32] {strides = array<i32>} : memref<6272xf32, #tpu.memory_space<vmem>>, vector<16xf32>,
        %mul3A_34 = arith.constant 16 : i32
        %mul3A_35 = arith.muli %scan3A_20, %mul3A_34 : i32
        %get3A_36 = arith.index_cast %mul3A_35 : i32 to index
        %get3A_37 = tpu.vector_load %arg9[%get3A_36] {strides = array<i32>} : memref<6272xf32, #tpu.memory_space<vmem>>, vector<16xf32>,
        %add3A_38 = arith.addf %get3A_33, %get3A_37 : vector<16xf32>
        %add3A_39 = arith.addf %add3A_29, %add3A_29 : vector<16xf32>
        %add3A_40 = arith.constant 2.000000e+00 : f32
        %add3A_41 = vector.broadcast %add3A_40 : f32 to vector<16xf32>
        %add3A_42 = arith.addf %add3A_39, %add3A_41 : vector<16xf32>
        %div3A = arith.divf %add3A_38, %add3A_42 : vector<16xf32>
        %add3A_43 = arith.addf %scan3A_21, %div3A : vector<16xf32>
        scf.yield %add3A_43 : vector<16xf32>
      }
      %scan3A_11 = arith.constant 392 : i32
      %swap3A = arith.constant 0 : i32
      %swap3A_12 = arith.index_cast %swap3A : i32 to index
      %swap3A_13 = arith.constant 0 : index
      %swap3A_14 = tpu.vector_load %arg10[%swap3A_12, %swap3A_13] {strides = array<i32>} : memref<16x16xf32, #tpu.memory_space<vmem>>, vector<16xf32>,
      tpu.vector_store %arg10[%swap3A_12, %swap3A_13], %scan3A_10 {strides = array<i32>} : memref<16x16xf32, #tpu.memory_space<vmem>>, vector<16xf32>,
      %run_scoped3A = arith.constant 0 : i32
      "tpu.region"() ({
        %run_scoped3A_20 = tpu.sem_alloc : memref<!tpu.dma_semaphore, #tpu.memory_space<semaphore_mem>>
        %dma_start3A = arith.constant 0 : i32
        %dma_start3A_21 = tpu.memref_slice %arg10[%run_scoped3A, %dma_start3A] : memref<16x16xf32, #tpu.memory_space<vmem>> -> memref<1x16xf32, #tpu.memory_space<vmem>>
        %dma_start3A_22 = tpu.memref_squeeze %dma_start3A_21 : memref<1x16xf32, #tpu.memory_space<vmem>> -> memref<16xf32, #tpu.memory_space<vmem>>
        %dma_start3A_23 = arith.constant 0 : i32
        %dma_start3A_24 = tpu.memref_slice %arg5[%arg1, %dma_start3A_23] : memref<16x16xf32, #tpu.memory_space<vmem_shared>> -> memref<1x16xf32, #tpu.memory_space<vmem_shared>>
        %dma_start3A_25 = tpu.memref_squeeze %dma_start3A_24 : memref<1x16xf32, #tpu.memory_space<vmem_shared>> -> memref<16xf32, #tpu.memory_space<vmem_shared>>
        %dma_start3A_26 = arith.constant 0 : i32
        %dma_start3A_27 = tpu.memref_slice %arg5[%arg1, %dma_start3A_26] : memref<16x16xf32, #tpu.memory_space<vmem_shared>> -> memref<1x16xf32, #tpu.memory_space<vmem_shared>>
        %dma_start3A_28 = tpu.memref_squeeze %dma_start3A_27 : memref<1x16xf32, #tpu.memory_space<vmem_shared>> -> memref<16xf32, #tpu.memory_space<vmem_shared>>
        %dma_start3A_29 = arith.constant 0 : i32
        %dma_start3A_30 = tpu.memref_slice %arg10[%run_scoped3A, %dma_start3A_29] : memref<16x16xf32, #tpu.memory_space<vmem>> -> memref<1x16xf32, #tpu.memory_space<vmem>>
        %dma_start3A_31 = tpu.memref_squeeze %dma_start3A_30 : memref<1x16xf32, #tpu.memory_space<vmem>> -> memref<16xf32, #tpu.memory_space<vmem>>
        tpu.enqueue_dma source(%dma_start3A_31 : memref<16xf32, #tpu.memory_space<vmem>>) target(%dma_start3A_28 : memref<16xf32, #tpu.memory_space<vmem_shared>>) target_semaphore(%run_scoped3A_20 : memref<!tpu.dma_semaphore, #tpu.memory_space<semaphore_mem>>)
        %dma_wait3A = arith.constant 0 : i32
        %dma_wait3A_32 = tpu.memref_slice %arg10[%run_scoped3A, %dma_wait3A] : memref<16x16xf32, #tpu.memory_space<vmem>> -> memref<1x16xf32, #tpu.memory_space<vmem>>
        %dma_wait3A_33 = tpu.memref_squeeze %dma_wait3A_32 : memref<1x16xf32, #tpu.memory_space<vmem>> -> memref<16xf32, #tpu.memory_space<vmem>>
        %dma_wait3A_34 = arith.constant 0 : i32
        %dma_wait3A_35 = tpu.memref_slice %arg5[%arg1, %dma_wait3A_34] : memref<16x16xf32, #tpu.memory_space<vmem_shared>> -> memref<1x16xf32, #tpu.memory_space<vmem_shared>>
        %dma_wait3A_36 = tpu.memref_squeeze %dma_wait3A_35 : memref<1x16xf32, #tpu.memory_space<vmem_shared>> -> memref<16xf32, #tpu.memory_space<vmem_shared>>
        %dma_wait3A_37 = arith.constant 0 : i32
        %dma_wait3A_38 = tpu.memref_slice %arg5[%arg1, %dma_wait3A_37] : memref<16x16xf32, #tpu.memory_space<vmem_shared>> -> memref<1x16xf32, #tpu.memory_space<vmem_shared>>
        %dma_wait3A_39 = tpu.memref_squeeze %dma_wait3A_38 : memref<1x16xf32, #tpu.memory_space<vmem_shared>> -> memref<16xf32, #tpu.memory_space<vmem_shared>>
        %dma_wait3A_40 = arith.constant 0 : i32
        %dma_wait3A_41 = tpu.memref_slice %arg10[%run_scoped3A, %dma_wait3A_40] : memref<16x16xf32, #tpu.memory_space<vmem>> -> memref<1x16xf32, #tpu.memory_space<vmem>>
        %dma_wait3A_42 = tpu.memref_squeeze %dma_wait3A_41 : memref<1x16xf32, #tpu.memory_space<vmem>> -> memref<16xf32, #tpu.memory_space<vmem>>
        tpu.wait_dma2 semaphore(%run_scoped3A_20 : memref<!tpu.dma_semaphore, #tpu.memory_space<semaphore_mem>>) src(%dma_wait3A_42 : memref<16xf32, #tpu.memory_space<vmem>>) dst(%dma_wait3A_39 : memref<16xf32, #tpu.memory_space<vmem_shared>>)
        tpu.yield
      }) : () -> ()
      %barrier3A = arith.constant 0 : index
      tpu.barrier barrier_id(%barrier3A)
      %eq3A_15 = arith.constant 0 : i32
      %eq3A_16 = arith.cmpi eq, %arg1, %eq3A_15 : i32
      %convert_element_type3A_17 = arith.extui %eq3A_16 : i1 to i32
      %cond3A_18 = arith.constant 0 : i32
      %cond3A_19 = arith.cmpi ne, %convert_element_type3A_17, %cond3A_18 : i32
      scf.if %cond3A_19 {
        "tpu.region"() ({
          %run_scoped3A_111 = tpu.sem_alloc : memref<!tpu.dma_semaphore, #tpu.memory_space<semaphore_mem>>
          tpu.enqueue_dma source(%arg5 : memref<16x16xf32, #tpu.memory_space<vmem_shared>>) target(%arg10 : memref<16x16xf32, #tpu.memory_space<vmem>>) target_semaphore(%run_scoped3A_111 : memref<!tpu.dma_semaphore, #tpu.memory_space<semaphore_mem>>)
          tpu.wait_dma2 semaphore(%run_scoped3A_111 : memref<!tpu.dma_semaphore, #tpu.memory_space<semaphore_mem>>) src(%arg5 : memref<16x16xf32, #tpu.memory_space<vmem_shared>>) dst(%arg10 : memref<16x16xf32, #tpu.memory_space<vmem>>)
          tpu.yield
        }) : () -> ()
        %broadcast_in_dim3A_20 = arith.constant 0.000000e+00 : f32
        %broadcast_in_dim3A_21 = vector.broadcast %broadcast_in_dim3A_20 : f32 to vector<16xf32>
        %get3A = arith.constant 0 : i32
        %get3A_22 = arith.index_cast %get3A : i32 to index
        %get3A_23 = arith.constant 0 : index
        %get3A_24 = tpu.vector_load %arg10[%get3A_22, %get3A_23] {strides = array<i32>} : memref<16x16xf32, #tpu.memory_space<vmem>>, vector<16xf32>,
        %add3A_25 = arith.addf %broadcast_in_dim3A_21, %get3A_24 : vector<16xf32>
        %get3A_26 = arith.constant 1 : i32
        %get3A_27 = arith.index_cast %get3A_26 : i32 to index
        %get3A_28 = arith.constant 0 : index
        %get3A_29 = tpu.vector_load %arg10[%get3A_27, %get3A_28] {strides = array<i32>} : memref<16x16xf32, #tpu.memory_space<vmem>>, vector<16xf32>,
        %add3A_30 = arith.addf %add3A_25, %get3A_29 : vector<16xf32>
        %get3A_31 = arith.constant 2 : i32
        %get3A_32 = arith.index_cast %get3A_31 : i32 to index
        %get3A_33 = arith.constant 0 : index
        %get3A_34 = tpu.vector_load %arg10[%get3A_32, %get3A_33] {strides = array<i32>} : memref<16x16xf32, #tpu.memory_space<vmem>>, vector<16xf32>,
        %add3A_35 = arith.addf %add3A_30, %get3A_34 : vector<16xf32>
        %get3A_36 = arith.constant 3 : i32
        %get3A_37 = arith.index_cast %get3A_36 : i32 to index
        %get3A_38 = arith.constant 0 : index
        %get3A_39 = tpu.vector_load %arg10[%get3A_37, %get3A_38] {strides = array<i32>} : memref<16x16xf32, #tpu.memory_space<vmem>>, vector<16xf32>,
        %add3A_40 = arith.addf %add3A_35, %get3A_39 : vector<16xf32>
        %get3A_41 = arith.constant 4 : i32
        %get3A_42 = arith.index_cast %get3A_41 : i32 to index
        %get3A_43 = arith.constant 0 : index
        %get3A_44 = tpu.vector_load %arg10[%get3A_42, %get3A_43] {strides = array<i32>} : memref<16x16xf32, #tpu.memory_space<vmem>>, vector<16xf32>,
        %add3A_45 = arith.addf %add3A_40, %get3A_44 : vector<16xf32>
        %get3A_46 = arith.constant 5 : i32
        %get3A_47 = arith.index_cast %get3A_46 : i32 to index
        %get3A_48 = arith.constant 0 : index
        %get3A_49 = tpu.vector_load %arg10[%get3A_47, %get3A_48] {strides = array<i32>} : memref<16x16xf32, #tpu.memory_space<vmem>>, vector<16xf32>,
        %add3A_50 = arith.addf %add3A_45, %get3A_49 : vector<16xf32>
        %get3A_51 = arith.constant 6 : i32
        %get3A_52 = arith.index_cast %get3A_51 : i32 to index
        %get3A_53 = arith.constant 0 : index
        %get3A_54 = tpu.vector_load %arg10[%get3A_52, %get3A_53] {strides = array<i32>} : memref<16x16xf32, #tpu.memory_space<vmem>>, vector<16xf32>,
        %add3A_55 = arith.addf %add3A_50, %get3A_54 : vector<16xf32>
        %get3A_56 = arith.constant 7 : i32
        %get3A_57 = arith.index_cast %get3A_56 : i32 to index
        %get3A_58 = arith.constant 0 : index
        %get3A_59 = tpu.vector_load %arg10[%get3A_57, %get3A_58] {strides = array<i32>} : memref<16x16xf32, #tpu.memory_space<vmem>>, vector<16xf32>,
        %add3A_60 = arith.addf %add3A_55, %get3A_59 : vector<16xf32>
        %get3A_61 = arith.constant 8 : i32
        %get3A_62 = arith.index_cast %get3A_61 : i32 to index
        %get3A_63 = arith.constant 0 : index
        %get3A_64 = tpu.vector_load %arg10[%get3A_62, %get3A_63] {strides = array<i32>} : memref<16x16xf32, #tpu.memory_space<vmem>>, vector<16xf32>,
        %add3A_65 = arith.addf %add3A_60, %get3A_64 : vector<16xf32>
        %get3A_66 = arith.constant 9 : i32
        %get3A_67 = arith.index_cast %get3A_66 : i32 to index
        %get3A_68 = arith.constant 0 : index
        %get3A_69 = tpu.vector_load %arg10[%get3A_67, %get3A_68] {strides = array<i32>} : memref<16x16xf32, #tpu.memory_space<vmem>>, vector<16xf32>,
        %add3A_70 = arith.addf %add3A_65, %get3A_69 : vector<16xf32>
        %get3A_71 = arith.constant 10 : i32
        %get3A_72 = arith.index_cast %get3A_71 : i32 to index
        %get3A_73 = arith.constant 0 : index
        %get3A_74 = tpu.vector_load %arg10[%get3A_72, %get3A_73] {strides = array<i32>} : memref<16x16xf32, #tpu.memory_space<vmem>>, vector<16xf32>,
        %add3A_75 = arith.addf %add3A_70, %get3A_74 : vector<16xf32>
        %get3A_76 = arith.constant 11 : i32
        %get3A_77 = arith.index_cast %get3A_76 : i32 to index
        %get3A_78 = arith.constant 0 : index
        %get3A_79 = tpu.vector_load %arg10[%get3A_77, %get3A_78] {strides = array<i32>} : memref<16x16xf32, #tpu.memory_space<vmem>>, vector<16xf32>,
        %add3A_80 = arith.addf %add3A_75, %get3A_79 : vector<16xf32>
        %get3A_81 = arith.constant 12 : i32
        %get3A_82 = arith.index_cast %get3A_81 : i32 to index
        %get3A_83 = arith.constant 0 : index
        %get3A_84 = tpu.vector_load %arg10[%get3A_82, %get3A_83] {strides = array<i32>} : memref<16x16xf32, #tpu.memory_space<vmem>>, vector<16xf32>,
        %add3A_85 = arith.addf %add3A_80, %get3A_84 : vector<16xf32>
        %get3A_86 = arith.constant 13 : i32
        %get3A_87 = arith.index_cast %get3A_86 : i32 to index
        %get3A_88 = arith.constant 0 : index
        %get3A_89 = tpu.vector_load %arg10[%get3A_87, %get3A_88] {strides = array<i32>} : memref<16x16xf32, #tpu.memory_space<vmem>>, vector<16xf32>,
        %add3A_90 = arith.addf %add3A_85, %get3A_89 : vector<16xf32>
        %get3A_91 = arith.constant 14 : i32
        %get3A_92 = arith.index_cast %get3A_91 : i32 to index
        %get3A_93 = arith.constant 0 : index
        %get3A_94 = tpu.vector_load %arg10[%get3A_92, %get3A_93] {strides = array<i32>} : memref<16x16xf32, #tpu.memory_space<vmem>>, vector<16xf32>,
        %add3A_95 = arith.addf %add3A_90, %get3A_94 : vector<16xf32>
        %get3A_96 = arith.constant 15 : i32
        %get3A_97 = arith.index_cast %get3A_96 : i32 to index
        %get3A_98 = arith.constant 0 : index
        %get3A_99 = tpu.vector_load %arg10[%get3A_97, %get3A_98] {strides = array<i32>} : memref<16x16xf32, #tpu.memory_space<vmem>>, vector<16xf32>,
        %add3A_100 = arith.addf %add3A_95, %get3A_99 : vector<16xf32>
        %broadcast_in_dim3A_101 = arith.constant true
        %broadcast_in_dim3A_102 = vector.broadcast %broadcast_in_dim3A_101 : i1 to vector<16xi1>
        %masked_cumsum3A = tpu.scan <sum>, %add3A_100 masked %broadcast_in_dim3A_102 : vector<16xf32>, vector<16xi1> -> vector<16xf32>
        %mul3A_103 = arith.constant 6.10351563E-5 : f32
        %mul3A_104 = vector.broadcast %mul3A_103 : f32 to vector<16xf32>
        %mul3A_105 = arith.mulf %masked_cumsum3A, %mul3A_104 : vector<16xf32>
        %swap3A_106 = arith.constant 0 : i32
        %swap3A_107 = arith.index_cast %swap3A_106 : i32 to index
        %swap3A_108 = arith.constant 0 : index
        %swap3A_109 = tpu.vector_load %arg10[%swap3A_107, %swap3A_108] {strides = array<i32>} : memref<16x16xf32, #tpu.memory_space<vmem>>, vector<16xf32>,
        tpu.vector_store %arg10[%swap3A_107, %swap3A_108], %mul3A_105 {strides = array<i32>} : memref<16x16xf32, #tpu.memory_space<vmem>>, vector<16xf32>,
        %run_scoped3A_110 = arith.constant 0 : i32
        "tpu.region"() ({
          %run_scoped3A_111 = tpu.sem_alloc : memref<!tpu.dma_semaphore, #tpu.memory_space<semaphore_mem>>
          %dma_start3A = arith.constant 0 : i32
          %dma_start3A_112 = tpu.memref_slice %arg10[%run_scoped3A_110, %dma_start3A] : memref<16x16xf32, #tpu.memory_space<vmem>> -> memref<1x16xf32, #tpu.memory_space<vmem>>
          %dma_start3A_113 = tpu.memref_squeeze %dma_start3A_112 : memref<1x16xf32, #tpu.memory_space<vmem>> -> memref<16xf32, #tpu.memory_space<vmem>>
          %dma_start3A_114 = arith.constant 0 : i32
          %dma_start3A_115 = tpu.memref_slice %arg10[%run_scoped3A_110, %dma_start3A_114] : memref<16x16xf32, #tpu.memory_space<vmem>> -> memref<1x16xf32, #tpu.memory_space<vmem>>
          %dma_start3A_116 = tpu.memref_squeeze %dma_start3A_115 : memref<1x16xf32, #tpu.memory_space<vmem>> -> memref<16xf32, #tpu.memory_space<vmem>>
          tpu.enqueue_dma source(%dma_start3A_116 : memref<16xf32, #tpu.memory_space<vmem>>) target(%arg4 : memref<16xf32, #tpu.memory_space<hbm>>) target_semaphore(%run_scoped3A_111 : memref<!tpu.dma_semaphore, #tpu.memory_space<semaphore_mem>>)
          %dma_wait3A = arith.constant 0 : i32
          %dma_wait3A_117 = tpu.memref_slice %arg10[%run_scoped3A_110, %dma_wait3A] : memref<16x16xf32, #tpu.memory_space<vmem>> -> memref<1x16xf32, #tpu.memory_space<vmem>>
          %dma_wait3A_118 = tpu.memref_squeeze %dma_wait3A_117 : memref<1x16xf32, #tpu.memory_space<vmem>> -> memref<16xf32, #tpu.memory_space<vmem>>
          %dma_wait3A_119 = arith.constant 0 : i32
          %dma_wait3A_120 = tpu.memref_slice %arg10[%run_scoped3A_110, %dma_wait3A_119] : memref<16x16xf32, #tpu.memory_space<vmem>> -> memref<1x16xf32, #tpu.memory_space<vmem>>
          %dma_wait3A_121 = tpu.memref_squeeze %dma_wait3A_120 : memref<1x16xf32, #tpu.memory_space<vmem>> -> memref<16xf32, #tpu.memory_space<vmem>>
          tpu.wait_dma2 semaphore(%run_scoped3A_111 : memref<!tpu.dma_semaphore, #tpu.memory_space<semaphore_mem>>) src(%dma_wait3A_121 : memref<16xf32, #tpu.memory_space<vmem>>) dst(%arg4 : memref<16xf32, #tpu.memory_space<hbm>>)
          tpu.yield
        }) : () -> ()
      } else {
      }
    } else {
    }
    return
  }
}

#map = affine_map<(d0, d1) -> (0)>
#map1 = affine_map<(d0, d1) -> (0, 0, 0)>
module attributes {stable_mosaic.version = 14 : i64} {
  func.func @_main_body(%arg0: i32, %arg1: i32, %arg2: memref<1048576xf32, #tpu.memory_space<hbm>>, %arg3: memref<16384xi32, #tpu.memory_space<hbm>>, %arg4: memref<12500x8x64xf32, #tpu.memory_space<hbm>>, %arg5: memref<200704xf32, #tpu.memory_space<hbm>>, %arg6: memref<200704xf32, #tpu.memory_space<hbm>>, %arg7: memref<100352xf32, #tpu.memory_space<vmem_shared>>, %arg8: memref<100352xf32, #tpu.memory_space<vmem_shared>>, %arg9: memref<16x32xi32, #tpu.memory_space<vmem>>, %arg10: memref<4096xf32, #tpu.memory_space<vmem>>, %arg11: memref<64x8x64xf32, #tpu.memory_space<vmem>>, %arg12: memref<1x32xf32, #tpu.memory_space<vmem>>, %arg13: memref<1x32xf32, #tpu.memory_space<vmem>>, %arg14: memref<6272xf32, #tpu.memory_space<vmem>>, %arg15: memref<!tpu.dma_semaphore, #tpu.memory_space<semaphore_mem>>, %arg16: memref<!tpu.dma_semaphore, #tpu.memory_space<semaphore_mem>>) attributes {dimension_semantics = [#tpu.dimension_semantics<core_parallel>, #tpu.dimension_semantics<subcore_parallel>], iteration_bounds = array<i64: 2, 16>, scalar_prefetch = 0 : i64, scratch_operands = 10 : i64, tpu.core_type = #tpu.core_type<sc_vector_subcore>, window_params = [{transform_indices = #map}, {transform_indices = #map}, {transform_indices = #map1}, {transform_indices = #map}, {transform_indices = #map}]} {
    %mul3A = arith.constant 16 : i32
    %mul3A_0 = arith.muli %arg0, %mul3A : i32
    %add3A = arith.addi %mul3A_0, %arg1 : i32
    %broadcast_in_dim3A = arith.constant 0.000000e+00 : f32
    %broadcast_in_dim3A_1 = vector.broadcast %broadcast_in_dim3A : f32 to vector<16xf32>
    %broadcast_in_dim3A_2 = arith.constant 1.000000e+00 : f32
    %broadcast_in_dim3A_3 = vector.broadcast %broadcast_in_dim3A_2 : f32 to vector<16xf32>
    %iota3A = tpu.iota {dimensions = array<i32: 0>} : vector<16xi32>
    %mul3A_4 = arith.constant 512 : i32
    %mul3A_5 = arith.muli %add3A, %mul3A_4 : i32
    %add3A_6 = arith.constant 0 : i32
    %add3A_7 = arith.addi %mul3A_5, %add3A_6 : i32
    %run_scoped3A = arith.constant 0 : i32
    "tpu.region"() ({
      %run_scoped3A_809 = tpu.sem_alloc : memref<!tpu.dma_semaphore, #tpu.memory_space<semaphore_mem>>
      %dma_start3A_810 = arith.constant 0 : i32
      %dma_start3A_811 = tpu.memref_slice %arg9[%run_scoped3A, %dma_start3A_810] : memref<16x32xi32, #tpu.memory_space<vmem>> -> memref<1x32xi32, #tpu.memory_space<vmem>>
      %dma_start3A_812 = tpu.memref_squeeze %dma_start3A_811 : memref<1x32xi32, #tpu.memory_space<vmem>> -> memref<32xi32, #tpu.memory_space<vmem>>
      %dma_start3A_813 = tpu.memref_slice %arg3[%add3A_7] : memref<16384xi32, #tpu.memory_space<hbm>> -> memref<32xi32, #tpu.memory_space<hbm>>
      %dma_start3A_814 = arith.constant 0 : i32
      %dma_start3A_815 = tpu.memref_slice %arg9[%run_scoped3A, %dma_start3A_814] : memref<16x32xi32, #tpu.memory_space<vmem>> -> memref<1x32xi32, #tpu.memory_space<vmem>>
      %dma_start3A_816 = tpu.memref_squeeze %dma_start3A_815 : memref<1x32xi32, #tpu.memory_space<vmem>> -> memref<32xi32, #tpu.memory_space<vmem>>
      %dma_start3A_817 = tpu.memref_slice %arg3[%add3A_7] : memref<16384xi32, #tpu.memory_space<hbm>> -> memref<32xi32, #tpu.memory_space<hbm>>
      tpu.enqueue_dma source(%dma_start3A_817 : memref<32xi32, #tpu.memory_space<hbm>>) target(%dma_start3A_816 : memref<32xi32, #tpu.memory_space<vmem>>) target_semaphore(%run_scoped3A_809 : memref<!tpu.dma_semaphore, #tpu.memory_space<semaphore_mem>>)
      %dma_wait3A = arith.constant 0 : i32
      %dma_wait3A_818 = tpu.memref_slice %arg9[%run_scoped3A, %dma_wait3A] : memref<16x32xi32, #tpu.memory_space<vmem>> -> memref<1x32xi32, #tpu.memory_space<vmem>>
      %dma_wait3A_819 = tpu.memref_squeeze %dma_wait3A_818 : memref<1x32xi32, #tpu.memory_space<vmem>> -> memref<32xi32, #tpu.memory_space<vmem>>
      %dma_wait3A_820 = tpu.memref_slice %arg3[%add3A_7] : memref<16384xi32, #tpu.memory_space<hbm>> -> memref<32xi32, #tpu.memory_space<hbm>>
      %dma_wait3A_821 = arith.constant 0 : i32
      %dma_wait3A_822 = tpu.memref_slice %arg9[%run_scoped3A, %dma_wait3A_821] : memref<16x32xi32, #tpu.memory_space<vmem>> -> memref<1x32xi32, #tpu.memory_space<vmem>>
      %dma_wait3A_823 = tpu.memref_squeeze %dma_wait3A_822 : memref<1x32xi32, #tpu.memory_space<vmem>> -> memref<32xi32, #tpu.memory_space<vmem>>
      %dma_wait3A_824 = tpu.memref_slice %arg3[%add3A_7] : memref<16384xi32, #tpu.memory_space<hbm>> -> memref<32xi32, #tpu.memory_space<hbm>>
      tpu.wait_dma2 semaphore(%run_scoped3A_809 : memref<!tpu.dma_semaphore, #tpu.memory_space<semaphore_mem>>) src(%dma_wait3A_824 : memref<32xi32, #tpu.memory_space<hbm>>) dst(%dma_wait3A_823 : memref<32xi32, #tpu.memory_space<vmem>>)
      tpu.yield
    }) : () -> ()
    %mul3A_8 = arith.constant 512 : i32
    %mul3A_9 = arith.muli %add3A, %mul3A_8 : i32
    %add3A_10 = arith.constant 32 : i32
    %add3A_11 = arith.addi %mul3A_9, %add3A_10 : i32
    %run_scoped3A_12 = arith.constant 1 : i32
    "tpu.region"() ({
      %run_scoped3A_809 = tpu.sem_alloc : memref<!tpu.dma_semaphore, #tpu.memory_space<semaphore_mem>>
      %dma_start3A_810 = arith.constant 0 : i32
      %dma_start3A_811 = tpu.memref_slice %arg9[%run_scoped3A_12, %dma_start3A_810] : memref<16x32xi32, #tpu.memory_space<vmem>> -> memref<1x32xi32, #tpu.memory_space<vmem>>
      %dma_start3A_812 = tpu.memref_squeeze %dma_start3A_811 : memref<1x32xi32, #tpu.memory_space<vmem>> -> memref<32xi32, #tpu.memory_space<vmem>>
      %dma_start3A_813 = tpu.memref_slice %arg3[%add3A_11] : memref<16384xi32, #tpu.memory_space<hbm>> -> memref<32xi32, #tpu.memory_space<hbm>>
      %dma_start3A_814 = arith.constant 0 : i32
      %dma_start3A_815 = tpu.memref_slice %arg9[%run_scoped3A_12, %dma_start3A_814] : memref<16x32xi32, #tpu.memory_space<vmem>> -> memref<1x32xi32, #tpu.memory_space<vmem>>
      %dma_start3A_816 = tpu.memref_squeeze %dma_start3A_815 : memref<1x32xi32, #tpu.memory_space<vmem>> -> memref<32xi32, #tpu.memory_space<vmem>>
      %dma_start3A_817 = tpu.memref_slice %arg3[%add3A_11] : memref<16384xi32, #tpu.memory_space<hbm>> -> memref<32xi32, #tpu.memory_space<hbm>>
      tpu.enqueue_dma source(%dma_start3A_817 : memref<32xi32, #tpu.memory_space<hbm>>) target(%dma_start3A_816 : memref<32xi32, #tpu.memory_space<vmem>>) target_semaphore(%run_scoped3A_809 : memref<!tpu.dma_semaphore, #tpu.memory_space<semaphore_mem>>)
      %dma_wait3A = arith.constant 0 : i32
      %dma_wait3A_818 = tpu.memref_slice %arg9[%run_scoped3A_12, %dma_wait3A] : memref<16x32xi32, #tpu.memory_space<vmem>> -> memref<1x32xi32, #tpu.memory_space<vmem>>
      %dma_wait3A_819 = tpu.memref_squeeze %dma_wait3A_818 : memref<1x32xi32, #tpu.memory_space<vmem>> -> memref<32xi32, #tpu.memory_space<vmem>>
      %dma_wait3A_820 = tpu.memref_slice %arg3[%add3A_11] : memref<16384xi32, #tpu.memory_space<hbm>> -> memref<32xi32, #tpu.memory_space<hbm>>
      %dma_wait3A_821 = arith.constant 0 : i32
      %dma_wait3A_822 = tpu.memref_slice %arg9[%run_scoped3A_12, %dma_wait3A_821] : memref<16x32xi32, #tpu.memory_space<vmem>> -> memref<1x32xi32, #tpu.memory_space<vmem>>
      %dma_wait3A_823 = tpu.memref_squeeze %dma_wait3A_822 : memref<1x32xi32, #tpu.memory_space<vmem>> -> memref<32xi32, #tpu.memory_space<vmem>>
      %dma_wait3A_824 = tpu.memref_slice %arg3[%add3A_11] : memref<16384xi32, #tpu.memory_space<hbm>> -> memref<32xi32, #tpu.memory_space<hbm>>
      tpu.wait_dma2 semaphore(%run_scoped3A_809 : memref<!tpu.dma_semaphore, #tpu.memory_space<semaphore_mem>>) src(%dma_wait3A_824 : memref<32xi32, #tpu.memory_space<hbm>>) dst(%dma_wait3A_823 : memref<32xi32, #tpu.memory_space<vmem>>)
      tpu.yield
    }) : () -> ()
    %mul3A_13 = arith.constant 512 : i32
    %mul3A_14 = arith.muli %add3A, %mul3A_13 : i32
    %add3A_15 = arith.constant 64 : i32
    %add3A_16 = arith.addi %mul3A_14, %add3A_15 : i32
    %run_scoped3A_17 = arith.constant 2 : i32
    "tpu.region"() ({
      %run_scoped3A_809 = tpu.sem_alloc : memref<!tpu.dma_semaphore, #tpu.memory_space<semaphore_mem>>
      %dma_start3A_810 = arith.constant 0 : i32
      %dma_start3A_811 = tpu.memref_slice %arg9[%run_scoped3A_17, %dma_start3A_810] : memref<16x32xi32, #tpu.memory_space<vmem>> -> memref<1x32xi32, #tpu.memory_space<vmem>>
      %dma_start3A_812 = tpu.memref_squeeze %dma_start3A_811 : memref<1x32xi32, #tpu.memory_space<vmem>> -> memref<32xi32, #tpu.memory_space<vmem>>
      %dma_start3A_813 = tpu.memref_slice %arg3[%add3A_16] : memref<16384xi32, #tpu.memory_space<hbm>> -> memref<32xi32, #tpu.memory_space<hbm>>
      %dma_start3A_814 = arith.constant 0 : i32
      %dma_start3A_815 = tpu.memref_slice %arg9[%run_scoped3A_17, %dma_start3A_814] : memref<16x32xi32, #tpu.memory_space<vmem>> -> memref<1x32xi32, #tpu.memory_space<vmem>>
      %dma_start3A_816 = tpu.memref_squeeze %dma_start3A_815 : memref<1x32xi32, #tpu.memory_space<vmem>> -> memref<32xi32, #tpu.memory_space<vmem>>
      %dma_start3A_817 = tpu.memref_slice %arg3[%add3A_16] : memref<16384xi32, #tpu.memory_space<hbm>> -> memref<32xi32, #tpu.memory_space<hbm>>
      tpu.enqueue_dma source(%dma_start3A_817 : memref<32xi32, #tpu.memory_space<hbm>>) target(%dma_start3A_816 : memref<32xi32, #tpu.memory_space<vmem>>) target_semaphore(%run_scoped3A_809 : memref<!tpu.dma_semaphore, #tpu.memory_space<semaphore_mem>>)
      %dma_wait3A = arith.constant 0 : i32
      %dma_wait3A_818 = tpu.memref_slice %arg9[%run_scoped3A_17, %dma_wait3A] : memref<16x32xi32, #tpu.memory_space<vmem>> -> memref<1x32xi32, #tpu.memory_space<vmem>>
      %dma_wait3A_819 = tpu.memref_squeeze %dma_wait3A_818 : memref<1x32xi32, #tpu.memory_space<vmem>> -> memref<32xi32, #tpu.memory_space<vmem>>
      %dma_wait3A_820 = tpu.memref_slice %arg3[%add3A_16] : memref<16384xi32, #tpu.memory_space<hbm>> -> memref<32xi32, #tpu.memory_space<hbm>>
      %dma_wait3A_821 = arith.constant 0 : i32
      %dma_wait3A_822 = tpu.memref_slice %arg9[%run_scoped3A_17, %dma_wait3A_821] : memref<16x32xi32, #tpu.memory_space<vmem>> -> memref<1x32xi32, #tpu.memory_space<vmem>>
      %dma_wait3A_823 = tpu.memref_squeeze %dma_wait3A_822 : memref<1x32xi32, #tpu.memory_space<vmem>> -> memref<32xi32, #tpu.memory_space<vmem>>
      %dma_wait3A_824 = tpu.memref_slice %arg3[%add3A_16] : memref<16384xi32, #tpu.memory_space<hbm>> -> memref<32xi32, #tpu.memory_space<hbm>>
      tpu.wait_dma2 semaphore(%run_scoped3A_809 : memref<!tpu.dma_semaphore, #tpu.memory_space<semaphore_mem>>) src(%dma_wait3A_824 : memref<32xi32, #tpu.memory_space<hbm>>) dst(%dma_wait3A_823 : memref<32xi32, #tpu.memory_space<vmem>>)
      tpu.yield
    }) : () -> ()
    %mul3A_18 = arith.constant 512 : i32
    %mul3A_19 = arith.muli %add3A, %mul3A_18 : i32
    %add3A_20 = arith.constant 96 : i32
    %add3A_21 = arith.addi %mul3A_19, %add3A_20 : i32
    %run_scoped3A_22 = arith.constant 3 : i32
    "tpu.region"() ({
      %run_scoped3A_809 = tpu.sem_alloc : memref<!tpu.dma_semaphore, #tpu.memory_space<semaphore_mem>>
      %dma_start3A_810 = arith.constant 0 : i32
      %dma_start3A_811 = tpu.memref_slice %arg9[%run_scoped3A_22, %dma_start3A_810] : memref<16x32xi32, #tpu.memory_space<vmem>> -> memref<1x32xi32, #tpu.memory_space<vmem>>
      %dma_start3A_812 = tpu.memref_squeeze %dma_start3A_811 : memref<1x32xi32, #tpu.memory_space<vmem>> -> memref<32xi32, #tpu.memory_space<vmem>>
      %dma_start3A_813 = tpu.memref_slice %arg3[%add3A_21] : memref<16384xi32, #tpu.memory_space<hbm>> -> memref<32xi32, #tpu.memory_space<hbm>>
      %dma_start3A_814 = arith.constant 0 : i32
      %dma_start3A_815 = tpu.memref_slice %arg9[%run_scoped3A_22, %dma_start3A_814] : memref<16x32xi32, #tpu.memory_space<vmem>> -> memref<1x32xi32, #tpu.memory_space<vmem>>
      %dma_start3A_816 = tpu.memref_squeeze %dma_start3A_815 : memref<1x32xi32, #tpu.memory_space<vmem>> -> memref<32xi32, #tpu.memory_space<vmem>>
      %dma_start3A_817 = tpu.memref_slice %arg3[%add3A_21] : memref<16384xi32, #tpu.memory_space<hbm>> -> memref<32xi32, #tpu.memory_space<hbm>>
      tpu.enqueue_dma source(%dma_start3A_817 : memref<32xi32, #tpu.memory_space<hbm>>) target(%dma_start3A_816 : memref<32xi32, #tpu.memory_space<vmem>>) target_semaphore(%run_scoped3A_809 : memref<!tpu.dma_semaphore, #tpu.memory_space<semaphore_mem>>)
      %dma_wait3A = arith.constant 0 : i32
      %dma_wait3A_818 = tpu.memref_slice %arg9[%run_scoped3A_22, %dma_wait3A] : memref<16x32xi32, #tpu.memory_space<vmem>> -> memref<1x32xi32, #tpu.memory_space<vmem>>
      %dma_wait3A_819 = tpu.memref_squeeze %dma_wait3A_818 : memref<1x32xi32, #tpu.memory_space<vmem>> -> memref<32xi32, #tpu.memory_space<vmem>>
      %dma_wait3A_820 = tpu.memref_slice %arg3[%add3A_21] : memref<16384xi32, #tpu.memory_space<hbm>> -> memref<32xi32, #tpu.memory_space<hbm>>
      %dma_wait3A_821 = arith.constant 0 : i32
      %dma_wait3A_822 = tpu.memref_slice %arg9[%run_scoped3A_22, %dma_wait3A_821] : memref<16x32xi32, #tpu.memory_space<vmem>> -> memref<1x32xi32, #tpu.memory_space<vmem>>
      %dma_wait3A_823 = tpu.memref_squeeze %dma_wait3A_822 : memref<1x32xi32, #tpu.memory_space<vmem>> -> memref<32xi32, #tpu.memory_space<vmem>>
      %dma_wait3A_824 = tpu.memref_slice %arg3[%add3A_21] : memref<16384xi32, #tpu.memory_space<hbm>> -> memref<32xi32, #tpu.memory_space<hbm>>
      tpu.wait_dma2 semaphore(%run_scoped3A_809 : memref<!tpu.dma_semaphore, #tpu.memory_space<semaphore_mem>>) src(%dma_wait3A_824 : memref<32xi32, #tpu.memory_space<hbm>>) dst(%dma_wait3A_823 : memref<32xi32, #tpu.memory_space<vmem>>)
      tpu.yield
    }) : () -> ()
    %mul3A_23 = arith.constant 512 : i32
    %mul3A_24 = arith.muli %add3A, %mul3A_23 : i32
    %add3A_25 = arith.constant 128 : i32
    %add3A_26 = arith.addi %mul3A_24, %add3A_25 : i32
    %run_scoped3A_27 = arith.constant 4 : i32
    "tpu.region"() ({
      %run_scoped3A_809 = tpu.sem_alloc : memref<!tpu.dma_semaphore, #tpu.memory_space<semaphore_mem>>
      %dma_start3A_810 = arith.constant 0 : i32
      %dma_start3A_811 = tpu.memref_slice %arg9[%run_scoped3A_27, %dma_start3A_810] : memref<16x32xi32, #tpu.memory_space<vmem>> -> memref<1x32xi32, #tpu.memory_space<vmem>>
      %dma_start3A_812 = tpu.memref_squeeze %dma_start3A_811 : memref<1x32xi32, #tpu.memory_space<vmem>> -> memref<32xi32, #tpu.memory_space<vmem>>
      %dma_start3A_813 = tpu.memref_slice %arg3[%add3A_26] : memref<16384xi32, #tpu.memory_space<hbm>> -> memref<32xi32, #tpu.memory_space<hbm>>
      %dma_start3A_814 = arith.constant 0 : i32
      %dma_start3A_815 = tpu.memref_slice %arg9[%run_scoped3A_27, %dma_start3A_814] : memref<16x32xi32, #tpu.memory_space<vmem>> -> memref<1x32xi32, #tpu.memory_space<vmem>>
      %dma_start3A_816 = tpu.memref_squeeze %dma_start3A_815 : memref<1x32xi32, #tpu.memory_space<vmem>> -> memref<32xi32, #tpu.memory_space<vmem>>
      %dma_start3A_817 = tpu.memref_slice %arg3[%add3A_26] : memref<16384xi32, #tpu.memory_space<hbm>> -> memref<32xi32, #tpu.memory_space<hbm>>
      tpu.enqueue_dma source(%dma_start3A_817 : memref<32xi32, #tpu.memory_space<hbm>>) target(%dma_start3A_816 : memref<32xi32, #tpu.memory_space<vmem>>) target_semaphore(%run_scoped3A_809 : memref<!tpu.dma_semaphore, #tpu.memory_space<semaphore_mem>>)
      %dma_wait3A = arith.constant 0 : i32
      %dma_wait3A_818 = tpu.memref_slice %arg9[%run_scoped3A_27, %dma_wait3A] : memref<16x32xi32, #tpu.memory_space<vmem>> -> memref<1x32xi32, #tpu.memory_space<vmem>>
      %dma_wait3A_819 = tpu.memref_squeeze %dma_wait3A_818 : memref<1x32xi32, #tpu.memory_space<vmem>> -> memref<32xi32, #tpu.memory_space<vmem>>
      %dma_wait3A_820 = tpu.memref_slice %arg3[%add3A_26] : memref<16384xi32, #tpu.memory_space<hbm>> -> memref<32xi32, #tpu.memory_space<hbm>>
      %dma_wait3A_821 = arith.constant 0 : i32
      %dma_wait3A_822 = tpu.memref_slice %arg9[%run_scoped3A_27, %dma_wait3A_821] : memref<16x32xi32, #tpu.memory_space<vmem>> -> memref<1x32xi32, #tpu.memory_space<vmem>>
      %dma_wait3A_823 = tpu.memref_squeeze %dma_wait3A_822 : memref<1x32xi32, #tpu.memory_space<vmem>> -> memref<32xi32, #tpu.memory_space<vmem>>
      %dma_wait3A_824 = tpu.memref_slice %arg3[%add3A_26] : memref<16384xi32, #tpu.memory_space<hbm>> -> memref<32xi32, #tpu.memory_space<hbm>>
      tpu.wait_dma2 semaphore(%run_scoped3A_809 : memref<!tpu.dma_semaphore, #tpu.memory_space<semaphore_mem>>) src(%dma_wait3A_824 : memref<32xi32, #tpu.memory_space<hbm>>) dst(%dma_wait3A_823 : memref<32xi32, #tpu.memory_space<vmem>>)
      tpu.yield
    }) : () -> ()
    %mul3A_28 = arith.constant 512 : i32
    %mul3A_29 = arith.muli %add3A, %mul3A_28 : i32
    %add3A_30 = arith.constant 160 : i32
    %add3A_31 = arith.addi %mul3A_29, %add3A_30 : i32
    %run_scoped3A_32 = arith.constant 5 : i32
    "tpu.region"() ({
      %run_scoped3A_809 = tpu.sem_alloc : memref<!tpu.dma_semaphore, #tpu.memory_space<semaphore_mem>>
      %dma_start3A_810 = arith.constant 0 : i32
      %dma_start3A_811 = tpu.memref_slice %arg9[%run_scoped3A_32, %dma_start3A_810] : memref<16x32xi32, #tpu.memory_space<vmem>> -> memref<1x32xi32, #tpu.memory_space<vmem>>
      %dma_start3A_812 = tpu.memref_squeeze %dma_start3A_811 : memref<1x32xi32, #tpu.memory_space<vmem>> -> memref<32xi32, #tpu.memory_space<vmem>>
      %dma_start3A_813 = tpu.memref_slice %arg3[%add3A_31] : memref<16384xi32, #tpu.memory_space<hbm>> -> memref<32xi32, #tpu.memory_space<hbm>>
      %dma_start3A_814 = arith.constant 0 : i32
      %dma_start3A_815 = tpu.memref_slice %arg9[%run_scoped3A_32, %dma_start3A_814] : memref<16x32xi32, #tpu.memory_space<vmem>> -> memref<1x32xi32, #tpu.memory_space<vmem>>
      %dma_start3A_816 = tpu.memref_squeeze %dma_start3A_815 : memref<1x32xi32, #tpu.memory_space<vmem>> -> memref<32xi32, #tpu.memory_space<vmem>>
      %dma_start3A_817 = tpu.memref_slice %arg3[%add3A_31] : memref<16384xi32, #tpu.memory_space<hbm>> -> memref<32xi32, #tpu.memory_space<hbm>>
      tpu.enqueue_dma source(%dma_start3A_817 : memref<32xi32, #tpu.memory_space<hbm>>) target(%dma_start3A_816 : memref<32xi32, #tpu.memory_space<vmem>>) target_semaphore(%run_scoped3A_809 : memref<!tpu.dma_semaphore, #tpu.memory_space<semaphore_mem>>)
      %dma_wait3A = arith.constant 0 : i32
      %dma_wait3A_818 = tpu.memref_slice %arg9[%run_scoped3A_32, %dma_wait3A] : memref<16x32xi32, #tpu.memory_space<vmem>> -> memref<1x32xi32, #tpu.memory_space<vmem>>
      %dma_wait3A_819 = tpu.memref_squeeze %dma_wait3A_818 : memref<1x32xi32, #tpu.memory_space<vmem>> -> memref<32xi32, #tpu.memory_space<vmem>>
      %dma_wait3A_820 = tpu.memref_slice %arg3[%add3A_31] : memref<16384xi32, #tpu.memory_space<hbm>> -> memref<32xi32, #tpu.memory_space<hbm>>
      %dma_wait3A_821 = arith.constant 0 : i32
      %dma_wait3A_822 = tpu.memref_slice %arg9[%run_scoped3A_32, %dma_wait3A_821] : memref<16x32xi32, #tpu.memory_space<vmem>> -> memref<1x32xi32, #tpu.memory_space<vmem>>
      %dma_wait3A_823 = tpu.memref_squeeze %dma_wait3A_822 : memref<1x32xi32, #tpu.memory_space<vmem>> -> memref<32xi32, #tpu.memory_space<vmem>>
      %dma_wait3A_824 = tpu.memref_slice %arg3[%add3A_31] : memref<16384xi32, #tpu.memory_space<hbm>> -> memref<32xi32, #tpu.memory_space<hbm>>
      tpu.wait_dma2 semaphore(%run_scoped3A_809 : memref<!tpu.dma_semaphore, #tpu.memory_space<semaphore_mem>>) src(%dma_wait3A_824 : memref<32xi32, #tpu.memory_space<hbm>>) dst(%dma_wait3A_823 : memref<32xi32, #tpu.memory_space<vmem>>)
      tpu.yield
    }) : () -> ()
    %mul3A_33 = arith.constant 512 : i32
    %mul3A_34 = arith.muli %add3A, %mul3A_33 : i32
    %add3A_35 = arith.constant 192 : i32
    %add3A_36 = arith.addi %mul3A_34, %add3A_35 : i32
    %run_scoped3A_37 = arith.constant 6 : i32
    "tpu.region"() ({
      %run_scoped3A_809 = tpu.sem_alloc : memref<!tpu.dma_semaphore, #tpu.memory_space<semaphore_mem>>
      %dma_start3A_810 = arith.constant 0 : i32
      %dma_start3A_811 = tpu.memref_slice %arg9[%run_scoped3A_37, %dma_start3A_810] : memref<16x32xi32, #tpu.memory_space<vmem>> -> memref<1x32xi32, #tpu.memory_space<vmem>>
      %dma_start3A_812 = tpu.memref_squeeze %dma_start3A_811 : memref<1x32xi32, #tpu.memory_space<vmem>> -> memref<32xi32, #tpu.memory_space<vmem>>
      %dma_start3A_813 = tpu.memref_slice %arg3[%add3A_36] : memref<16384xi32, #tpu.memory_space<hbm>> -> memref<32xi32, #tpu.memory_space<hbm>>
      %dma_start3A_814 = arith.constant 0 : i32
      %dma_start3A_815 = tpu.memref_slice %arg9[%run_scoped3A_37, %dma_start3A_814] : memref<16x32xi32, #tpu.memory_space<vmem>> -> memref<1x32xi32, #tpu.memory_space<vmem>>
      %dma_start3A_816 = tpu.memref_squeeze %dma_start3A_815 : memref<1x32xi32, #tpu.memory_space<vmem>> -> memref<32xi32, #tpu.memory_space<vmem>>
      %dma_start3A_817 = tpu.memref_slice %arg3[%add3A_36] : memref<16384xi32, #tpu.memory_space<hbm>> -> memref<32xi32, #tpu.memory_space<hbm>>
      tpu.enqueue_dma source(%dma_start3A_817 : memref<32xi32, #tpu.memory_space<hbm>>) target(%dma_start3A_816 : memref<32xi32, #tpu.memory_space<vmem>>) target_semaphore(%run_scoped3A_809 : memref<!tpu.dma_semaphore, #tpu.memory_space<semaphore_mem>>)
      %dma_wait3A = arith.constant 0 : i32
      %dma_wait3A_818 = tpu.memref_slice %arg9[%run_scoped3A_37, %dma_wait3A] : memref<16x32xi32, #tpu.memory_space<vmem>> -> memref<1x32xi32, #tpu.memory_space<vmem>>
      %dma_wait3A_819 = tpu.memref_squeeze %dma_wait3A_818 : memref<1x32xi32, #tpu.memory_space<vmem>> -> memref<32xi32, #tpu.memory_space<vmem>>
      %dma_wait3A_820 = tpu.memref_slice %arg3[%add3A_36] : memref<16384xi32, #tpu.memory_space<hbm>> -> memref<32xi32, #tpu.memory_space<hbm>>
      %dma_wait3A_821 = arith.constant 0 : i32
      %dma_wait3A_822 = tpu.memref_slice %arg9[%run_scoped3A_37, %dma_wait3A_821] : memref<16x32xi32, #tpu.memory_space<vmem>> -> memref<1x32xi32, #tpu.memory_space<vmem>>
      %dma_wait3A_823 = tpu.memref_squeeze %dma_wait3A_822 : memref<1x32xi32, #tpu.memory_space<vmem>> -> memref<32xi32, #tpu.memory_space<vmem>>
      %dma_wait3A_824 = tpu.memref_slice %arg3[%add3A_36] : memref<16384xi32, #tpu.memory_space<hbm>> -> memref<32xi32, #tpu.memory_space<hbm>>
      tpu.wait_dma2 semaphore(%run_scoped3A_809 : memref<!tpu.dma_semaphore, #tpu.memory_space<semaphore_mem>>) src(%dma_wait3A_824 : memref<32xi32, #tpu.memory_space<hbm>>) dst(%dma_wait3A_823 : memref<32xi32, #tpu.memory_space<vmem>>)
      tpu.yield
    }) : () -> ()
    %mul3A_38 = arith.constant 512 : i32
    %mul3A_39 = arith.muli %add3A, %mul3A_38 : i32
    %add3A_40 = arith.constant 224 : i32
    %add3A_41 = arith.addi %mul3A_39, %add3A_40 : i32
    %run_scoped3A_42 = arith.constant 7 : i32
    "tpu.region"() ({
      %run_scoped3A_809 = tpu.sem_alloc : memref<!tpu.dma_semaphore, #tpu.memory_space<semaphore_mem>>
      %dma_start3A_810 = arith.constant 0 : i32
      %dma_start3A_811 = tpu.memref_slice %arg9[%run_scoped3A_42, %dma_start3A_810] : memref<16x32xi32, #tpu.memory_space<vmem>> -> memref<1x32xi32, #tpu.memory_space<vmem>>
      %dma_start3A_812 = tpu.memref_squeeze %dma_start3A_811 : memref<1x32xi32, #tpu.memory_space<vmem>> -> memref<32xi32, #tpu.memory_space<vmem>>
      %dma_start3A_813 = tpu.memref_slice %arg3[%add3A_41] : memref<16384xi32, #tpu.memory_space<hbm>> -> memref<32xi32, #tpu.memory_space<hbm>>
      %dma_start3A_814 = arith.constant 0 : i32
      %dma_start3A_815 = tpu.memref_slice %arg9[%run_scoped3A_42, %dma_start3A_814] : memref<16x32xi32, #tpu.memory_space<vmem>> -> memref<1x32xi32, #tpu.memory_space<vmem>>
      %dma_start3A_816 = tpu.memref_squeeze %dma_start3A_815 : memref<1x32xi32, #tpu.memory_space<vmem>> -> memref<32xi32, #tpu.memory_space<vmem>>
      %dma_start3A_817 = tpu.memref_slice %arg3[%add3A_41] : memref<16384xi32, #tpu.memory_space<hbm>> -> memref<32xi32, #tpu.memory_space<hbm>>
      tpu.enqueue_dma source(%dma_start3A_817 : memref<32xi32, #tpu.memory_space<hbm>>) target(%dma_start3A_816 : memref<32xi32, #tpu.memory_space<vmem>>) target_semaphore(%run_scoped3A_809 : memref<!tpu.dma_semaphore, #tpu.memory_space<semaphore_mem>>)
      %dma_wait3A = arith.constant 0 : i32
      %dma_wait3A_818 = tpu.memref_slice %arg9[%run_scoped3A_42, %dma_wait3A] : memref<16x32xi32, #tpu.memory_space<vmem>> -> memref<1x32xi32, #tpu.memory_space<vmem>>
      %dma_wait3A_819 = tpu.memref_squeeze %dma_wait3A_818 : memref<1x32xi32, #tpu.memory_space<vmem>> -> memref<32xi32, #tpu.memory_space<vmem>>
      %dma_wait3A_820 = tpu.memref_slice %arg3[%add3A_41] : memref<16384xi32, #tpu.memory_space<hbm>> -> memref<32xi32, #tpu.memory_space<hbm>>
      %dma_wait3A_821 = arith.constant 0 : i32
      %dma_wait3A_822 = tpu.memref_slice %arg9[%run_scoped3A_42, %dma_wait3A_821] : memref<16x32xi32, #tpu.memory_space<vmem>> -> memref<1x32xi32, #tpu.memory_space<vmem>>
      %dma_wait3A_823 = tpu.memref_squeeze %dma_wait3A_822 : memref<1x32xi32, #tpu.memory_space<vmem>> -> memref<32xi32, #tpu.memory_space<vmem>>
      %dma_wait3A_824 = tpu.memref_slice %arg3[%add3A_41] : memref<16384xi32, #tpu.memory_space<hbm>> -> memref<32xi32, #tpu.memory_space<hbm>>
      tpu.wait_dma2 semaphore(%run_scoped3A_809 : memref<!tpu.dma_semaphore, #tpu.memory_space<semaphore_mem>>) src(%dma_wait3A_824 : memref<32xi32, #tpu.memory_space<hbm>>) dst(%dma_wait3A_823 : memref<32xi32, #tpu.memory_space<vmem>>)
      tpu.yield
    }) : () -> ()
    %mul3A_43 = arith.constant 512 : i32
    %mul3A_44 = arith.muli %add3A, %mul3A_43 : i32
    %add3A_45 = arith.constant 256 : i32
    %add3A_46 = arith.addi %mul3A_44, %add3A_45 : i32
    %run_scoped3A_47 = arith.constant 8 : i32
    "tpu.region"() ({
      %run_scoped3A_809 = tpu.sem_alloc : memref<!tpu.dma_semaphore, #tpu.memory_space<semaphore_mem>>
      %dma_start3A_810 = arith.constant 0 : i32
      %dma_start3A_811 = tpu.memref_slice %arg9[%run_scoped3A_47, %dma_start3A_810] : memref<16x32xi32, #tpu.memory_space<vmem>> -> memref<1x32xi32, #tpu.memory_space<vmem>>
      %dma_start3A_812 = tpu.memref_squeeze %dma_start3A_811 : memref<1x32xi32, #tpu.memory_space<vmem>> -> memref<32xi32, #tpu.memory_space<vmem>>
      %dma_start3A_813 = tpu.memref_slice %arg3[%add3A_46] : memref<16384xi32, #tpu.memory_space<hbm>> -> memref<32xi32, #tpu.memory_space<hbm>>
      %dma_start3A_814 = arith.constant 0 : i32
      %dma_start3A_815 = tpu.memref_slice %arg9[%run_scoped3A_47, %dma_start3A_814] : memref<16x32xi32, #tpu.memory_space<vmem>> -> memref<1x32xi32, #tpu.memory_space<vmem>>
      %dma_start3A_816 = tpu.memref_squeeze %dma_start3A_815 : memref<1x32xi32, #tpu.memory_space<vmem>> -> memref<32xi32, #tpu.memory_space<vmem>>
      %dma_start3A_817 = tpu.memref_slice %arg3[%add3A_46] : memref<16384xi32, #tpu.memory_space<hbm>> -> memref<32xi32, #tpu.memory_space<hbm>>
      tpu.enqueue_dma source(%dma_start3A_817 : memref<32xi32, #tpu.memory_space<hbm>>) target(%dma_start3A_816 : memref<32xi32, #tpu.memory_space<vmem>>) target_semaphore(%run_scoped3A_809 : memref<!tpu.dma_semaphore, #tpu.memory_space<semaphore_mem>>)
      %dma_wait3A = arith.constant 0 : i32
      %dma_wait3A_818 = tpu.memref_slice %arg9[%run_scoped3A_47, %dma_wait3A] : memref<16x32xi32, #tpu.memory_space<vmem>> -> memref<1x32xi32, #tpu.memory_space<vmem>>
      %dma_wait3A_819 = tpu.memref_squeeze %dma_wait3A_818 : memref<1x32xi32, #tpu.memory_space<vmem>> -> memref<32xi32, #tpu.memory_space<vmem>>
      %dma_wait3A_820 = tpu.memref_slice %arg3[%add3A_46] : memref<16384xi32, #tpu.memory_space<hbm>> -> memref<32xi32, #tpu.memory_space<hbm>>
      %dma_wait3A_821 = arith.constant 0 : i32
      %dma_wait3A_822 = tpu.memref_slice %arg9[%run_scoped3A_47, %dma_wait3A_821] : memref<16x32xi32, #tpu.memory_space<vmem>> -> memref<1x32xi32, #tpu.memory_space<vmem>>
      %dma_wait3A_823 = tpu.memref_squeeze %dma_wait3A_822 : memref<1x32xi32, #tpu.memory_space<vmem>> -> memref<32xi32, #tpu.memory_space<vmem>>
      %dma_wait3A_824 = tpu.memref_slice %arg3[%add3A_46] : memref<16384xi32, #tpu.memory_space<hbm>> -> memref<32xi32, #tpu.memory_space<hbm>>
      tpu.wait_dma2 semaphore(%run_scoped3A_809 : memref<!tpu.dma_semaphore, #tpu.memory_space<semaphore_mem>>) src(%dma_wait3A_824 : memref<32xi32, #tpu.memory_space<hbm>>) dst(%dma_wait3A_823 : memref<32xi32, #tpu.memory_space<vmem>>)
      tpu.yield
    }) : () -> ()
    %mul3A_48 = arith.constant 512 : i32
    %mul3A_49 = arith.muli %add3A, %mul3A_48 : i32
    %add3A_50 = arith.constant 288 : i32
    %add3A_51 = arith.addi %mul3A_49, %add3A_50 : i32
    %run_scoped3A_52 = arith.constant 9 : i32
    "tpu.region"() ({
      %run_scoped3A_809 = tpu.sem_alloc : memref<!tpu.dma_semaphore, #tpu.memory_space<semaphore_mem>>
      %dma_start3A_810 = arith.constant 0 : i32
      %dma_start3A_811 = tpu.memref_slice %arg9[%run_scoped3A_52, %dma_start3A_810] : memref<16x32xi32, #tpu.memory_space<vmem>> -> memref<1x32xi32, #tpu.memory_space<vmem>>
      %dma_start3A_812 = tpu.memref_squeeze %dma_start3A_811 : memref<1x32xi32, #tpu.memory_space<vmem>> -> memref<32xi32, #tpu.memory_space<vmem>>
      %dma_start3A_813 = tpu.memref_slice %arg3[%add3A_51] : memref<16384xi32, #tpu.memory_space<hbm>> -> memref<32xi32, #tpu.memory_space<hbm>>
      %dma_start3A_814 = arith.constant 0 : i32
      %dma_start3A_815 = tpu.memref_slice %arg9[%run_scoped3A_52, %dma_start3A_814] : memref<16x32xi32, #tpu.memory_space<vmem>> -> memref<1x32xi32, #tpu.memory_space<vmem>>
      %dma_start3A_816 = tpu.memref_squeeze %dma_start3A_815 : memref<1x32xi32, #tpu.memory_space<vmem>> -> memref<32xi32, #tpu.memory_space<vmem>>
      %dma_start3A_817 = tpu.memref_slice %arg3[%add3A_51] : memref<16384xi32, #tpu.memory_space<hbm>> -> memref<32xi32, #tpu.memory_space<hbm>>
      tpu.enqueue_dma source(%dma_start3A_817 : memref<32xi32, #tpu.memory_space<hbm>>) target(%dma_start3A_816 : memref<32xi32, #tpu.memory_space<vmem>>) target_semaphore(%run_scoped3A_809 : memref<!tpu.dma_semaphore, #tpu.memory_space<semaphore_mem>>)
      %dma_wait3A = arith.constant 0 : i32
      %dma_wait3A_818 = tpu.memref_slice %arg9[%run_scoped3A_52, %dma_wait3A] : memref<16x32xi32, #tpu.memory_space<vmem>> -> memref<1x32xi32, #tpu.memory_space<vmem>>
      %dma_wait3A_819 = tpu.memref_squeeze %dma_wait3A_818 : memref<1x32xi32, #tpu.memory_space<vmem>> -> memref<32xi32, #tpu.memory_space<vmem>>
      %dma_wait3A_820 = tpu.memref_slice %arg3[%add3A_51] : memref<16384xi32, #tpu.memory_space<hbm>> -> memref<32xi32, #tpu.memory_space<hbm>>
      %dma_wait3A_821 = arith.constant 0 : i32
      %dma_wait3A_822 = tpu.memref_slice %arg9[%run_scoped3A_52, %dma_wait3A_821] : memref<16x32xi32, #tpu.memory_space<vmem>> -> memref<1x32xi32, #tpu.memory_space<vmem>>
      %dma_wait3A_823 = tpu.memref_squeeze %dma_wait3A_822 : memref<1x32xi32, #tpu.memory_space<vmem>> -> memref<32xi32, #tpu.memory_space<vmem>>
      %dma_wait3A_824 = tpu.memref_slice %arg3[%add3A_51] : memref<16384xi32, #tpu.memory_space<hbm>> -> memref<32xi32, #tpu.memory_space<hbm>>
      tpu.wait_dma2 semaphore(%run_scoped3A_809 : memref<!tpu.dma_semaphore, #tpu.memory_space<semaphore_mem>>) src(%dma_wait3A_824 : memref<32xi32, #tpu.memory_space<hbm>>) dst(%dma_wait3A_823 : memref<32xi32, #tpu.memory_space<vmem>>)
      tpu.yield
    }) : () -> ()
    %mul3A_53 = arith.constant 512 : i32
    %mul3A_54 = arith.muli %add3A, %mul3A_53 : i32
    %add3A_55 = arith.constant 320 : i32
    %add3A_56 = arith.addi %mul3A_54, %add3A_55 : i32
    %run_scoped3A_57 = arith.constant 10 : i32
    "tpu.region"() ({
      %run_scoped3A_809 = tpu.sem_alloc : memref<!tpu.dma_semaphore, #tpu.memory_space<semaphore_mem>>
      %dma_start3A_810 = arith.constant 0 : i32
      %dma_start3A_811 = tpu.memref_slice %arg9[%run_scoped3A_57, %dma_start3A_810] : memref<16x32xi32, #tpu.memory_space<vmem>> -> memref<1x32xi32, #tpu.memory_space<vmem>>
      %dma_start3A_812 = tpu.memref_squeeze %dma_start3A_811 : memref<1x32xi32, #tpu.memory_space<vmem>> -> memref<32xi32, #tpu.memory_space<vmem>>
      %dma_start3A_813 = tpu.memref_slice %arg3[%add3A_56] : memref<16384xi32, #tpu.memory_space<hbm>> -> memref<32xi32, #tpu.memory_space<hbm>>
      %dma_start3A_814 = arith.constant 0 : i32
      %dma_start3A_815 = tpu.memref_slice %arg9[%run_scoped3A_57, %dma_start3A_814] : memref<16x32xi32, #tpu.memory_space<vmem>> -> memref<1x32xi32, #tpu.memory_space<vmem>>
      %dma_start3A_816 = tpu.memref_squeeze %dma_start3A_815 : memref<1x32xi32, #tpu.memory_space<vmem>> -> memref<32xi32, #tpu.memory_space<vmem>>
      %dma_start3A_817 = tpu.memref_slice %arg3[%add3A_56] : memref<16384xi32, #tpu.memory_space<hbm>> -> memref<32xi32, #tpu.memory_space<hbm>>
      tpu.enqueue_dma source(%dma_start3A_817 : memref<32xi32, #tpu.memory_space<hbm>>) target(%dma_start3A_816 : memref<32xi32, #tpu.memory_space<vmem>>) target_semaphore(%run_scoped3A_809 : memref<!tpu.dma_semaphore, #tpu.memory_space<semaphore_mem>>)
      %dma_wait3A = arith.constant 0 : i32
      %dma_wait3A_818 = tpu.memref_slice %arg9[%run_scoped3A_57, %dma_wait3A] : memref<16x32xi32, #tpu.memory_space<vmem>> -> memref<1x32xi32, #tpu.memory_space<vmem>>
      %dma_wait3A_819 = tpu.memref_squeeze %dma_wait3A_818 : memref<1x32xi32, #tpu.memory_space<vmem>> -> memref<32xi32, #tpu.memory_space<vmem>>
      %dma_wait3A_820 = tpu.memref_slice %arg3[%add3A_56] : memref<16384xi32, #tpu.memory_space<hbm>> -> memref<32xi32, #tpu.memory_space<hbm>>
      %dma_wait3A_821 = arith.constant 0 : i32
      %dma_wait3A_822 = tpu.memref_slice %arg9[%run_scoped3A_57, %dma_wait3A_821] : memref<16x32xi32, #tpu.memory_space<vmem>> -> memref<1x32xi32, #tpu.memory_space<vmem>>
      %dma_wait3A_823 = tpu.memref_squeeze %dma_wait3A_822 : memref<1x32xi32, #tpu.memory_space<vmem>> -> memref<32xi32, #tpu.memory_space<vmem>>
      %dma_wait3A_824 = tpu.memref_slice %arg3[%add3A_56] : memref<16384xi32, #tpu.memory_space<hbm>> -> memref<32xi32, #tpu.memory_space<hbm>>
      tpu.wait_dma2 semaphore(%run_scoped3A_809 : memref<!tpu.dma_semaphore, #tpu.memory_space<semaphore_mem>>) src(%dma_wait3A_824 : memref<32xi32, #tpu.memory_space<hbm>>) dst(%dma_wait3A_823 : memref<32xi32, #tpu.memory_space<vmem>>)
      tpu.yield
    }) : () -> ()
    %mul3A_58 = arith.constant 512 : i32
    %mul3A_59 = arith.muli %add3A, %mul3A_58 : i32
    %add3A_60 = arith.constant 352 : i32
    %add3A_61 = arith.addi %mul3A_59, %add3A_60 : i32
    %run_scoped3A_62 = arith.constant 11 : i32
    "tpu.region"() ({
      %run_scoped3A_809 = tpu.sem_alloc : memref<!tpu.dma_semaphore, #tpu.memory_space<semaphore_mem>>
      %dma_start3A_810 = arith.constant 0 : i32
      %dma_start3A_811 = tpu.memref_slice %arg9[%run_scoped3A_62, %dma_start3A_810] : memref<16x32xi32, #tpu.memory_space<vmem>> -> memref<1x32xi32, #tpu.memory_space<vmem>>
      %dma_start3A_812 = tpu.memref_squeeze %dma_start3A_811 : memref<1x32xi32, #tpu.memory_space<vmem>> -> memref<32xi32, #tpu.memory_space<vmem>>
      %dma_start3A_813 = tpu.memref_slice %arg3[%add3A_61] : memref<16384xi32, #tpu.memory_space<hbm>> -> memref<32xi32, #tpu.memory_space<hbm>>
      %dma_start3A_814 = arith.constant 0 : i32
      %dma_start3A_815 = tpu.memref_slice %arg9[%run_scoped3A_62, %dma_start3A_814] : memref<16x32xi32, #tpu.memory_space<vmem>> -> memref<1x32xi32, #tpu.memory_space<vmem>>
      %dma_start3A_816 = tpu.memref_squeeze %dma_start3A_815 : memref<1x32xi32, #tpu.memory_space<vmem>> -> memref<32xi32, #tpu.memory_space<vmem>>
      %dma_start3A_817 = tpu.memref_slice %arg3[%add3A_61] : memref<16384xi32, #tpu.memory_space<hbm>> -> memref<32xi32, #tpu.memory_space<hbm>>
      tpu.enqueue_dma source(%dma_start3A_817 : memref<32xi32, #tpu.memory_space<hbm>>) target(%dma_start3A_816 : memref<32xi32, #tpu.memory_space<vmem>>) target_semaphore(%run_scoped3A_809 : memref<!tpu.dma_semaphore, #tpu.memory_space<semaphore_mem>>)
      %dma_wait3A = arith.constant 0 : i32
      %dma_wait3A_818 = tpu.memref_slice %arg9[%run_scoped3A_62, %dma_wait3A] : memref<16x32xi32, #tpu.memory_space<vmem>> -> memref<1x32xi32, #tpu.memory_space<vmem>>
      %dma_wait3A_819 = tpu.memref_squeeze %dma_wait3A_818 : memref<1x32xi32, #tpu.memory_space<vmem>> -> memref<32xi32, #tpu.memory_space<vmem>>
      %dma_wait3A_820 = tpu.memref_slice %arg3[%add3A_61] : memref<16384xi32, #tpu.memory_space<hbm>> -> memref<32xi32, #tpu.memory_space<hbm>>
      %dma_wait3A_821 = arith.constant 0 : i32
      %dma_wait3A_822 = tpu.memref_slice %arg9[%run_scoped3A_62, %dma_wait3A_821] : memref<16x32xi32, #tpu.memory_space<vmem>> -> memref<1x32xi32, #tpu.memory_space<vmem>>
      %dma_wait3A_823 = tpu.memref_squeeze %dma_wait3A_822 : memref<1x32xi32, #tpu.memory_space<vmem>> -> memref<32xi32, #tpu.memory_space<vmem>>
      %dma_wait3A_824 = tpu.memref_slice %arg3[%add3A_61] : memref<16384xi32, #tpu.memory_space<hbm>> -> memref<32xi32, #tpu.memory_space<hbm>>
      tpu.wait_dma2 semaphore(%run_scoped3A_809 : memref<!tpu.dma_semaphore, #tpu.memory_space<semaphore_mem>>) src(%dma_wait3A_824 : memref<32xi32, #tpu.memory_space<hbm>>) dst(%dma_wait3A_823 : memref<32xi32, #tpu.memory_space<vmem>>)
      tpu.yield
    }) : () -> ()
    %mul3A_63 = arith.constant 512 : i32
    %mul3A_64 = arith.muli %add3A, %mul3A_63 : i32
    %add3A_65 = arith.constant 384 : i32
    %add3A_66 = arith.addi %mul3A_64, %add3A_65 : i32
    %run_scoped3A_67 = arith.constant 12 : i32
    "tpu.region"() ({
      %run_scoped3A_809 = tpu.sem_alloc : memref<!tpu.dma_semaphore, #tpu.memory_space<semaphore_mem>>
      %dma_start3A_810 = arith.constant 0 : i32
      %dma_start3A_811 = tpu.memref_slice %arg9[%run_scoped3A_67, %dma_start3A_810] : memref<16x32xi32, #tpu.memory_space<vmem>> -> memref<1x32xi32, #tpu.memory_space<vmem>>
      %dma_start3A_812 = tpu.memref_squeeze %dma_start3A_811 : memref<1x32xi32, #tpu.memory_space<vmem>> -> memref<32xi32, #tpu.memory_space<vmem>>
      %dma_start3A_813 = tpu.memref_slice %arg3[%add3A_66] : memref<16384xi32, #tpu.memory_space<hbm>> -> memref<32xi32, #tpu.memory_space<hbm>>
      %dma_start3A_814 = arith.constant 0 : i32
      %dma_start3A_815 = tpu.memref_slice %arg9[%run_scoped3A_67, %dma_start3A_814] : memref<16x32xi32, #tpu.memory_space<vmem>> -> memref<1x32xi32, #tpu.memory_space<vmem>>
      %dma_start3A_816 = tpu.memref_squeeze %dma_start3A_815 : memref<1x32xi32, #tpu.memory_space<vmem>> -> memref<32xi32, #tpu.memory_space<vmem>>
      %dma_start3A_817 = tpu.memref_slice %arg3[%add3A_66] : memref<16384xi32, #tpu.memory_space<hbm>> -> memref<32xi32, #tpu.memory_space<hbm>>
      tpu.enqueue_dma source(%dma_start3A_817 : memref<32xi32, #tpu.memory_space<hbm>>) target(%dma_start3A_816 : memref<32xi32, #tpu.memory_space<vmem>>) target_semaphore(%run_scoped3A_809 : memref<!tpu.dma_semaphore, #tpu.memory_space<semaphore_mem>>)
      %dma_wait3A = arith.constant 0 : i32
      %dma_wait3A_818 = tpu.memref_slice %arg9[%run_scoped3A_67, %dma_wait3A] : memref<16x32xi32, #tpu.memory_space<vmem>> -> memref<1x32xi32, #tpu.memory_space<vmem>>
      %dma_wait3A_819 = tpu.memref_squeeze %dma_wait3A_818 : memref<1x32xi32, #tpu.memory_space<vmem>> -> memref<32xi32, #tpu.memory_space<vmem>>
      %dma_wait3A_820 = tpu.memref_slice %arg3[%add3A_66] : memref<16384xi32, #tpu.memory_space<hbm>> -> memref<32xi32, #tpu.memory_space<hbm>>
      %dma_wait3A_821 = arith.constant 0 : i32
      %dma_wait3A_822 = tpu.memref_slice %arg9[%run_scoped3A_67, %dma_wait3A_821] : memref<16x32xi32, #tpu.memory_space<vmem>> -> memref<1x32xi32, #tpu.memory_space<vmem>>
      %dma_wait3A_823 = tpu.memref_squeeze %dma_wait3A_822 : memref<1x32xi32, #tpu.memory_space<vmem>> -> memref<32xi32, #tpu.memory_space<vmem>>
      %dma_wait3A_824 = tpu.memref_slice %arg3[%add3A_66] : memref<16384xi32, #tpu.memory_space<hbm>> -> memref<32xi32, #tpu.memory_space<hbm>>
      tpu.wait_dma2 semaphore(%run_scoped3A_809 : memref<!tpu.dma_semaphore, #tpu.memory_space<semaphore_mem>>) src(%dma_wait3A_824 : memref<32xi32, #tpu.memory_space<hbm>>) dst(%dma_wait3A_823 : memref<32xi32, #tpu.memory_space<vmem>>)
      tpu.yield
    }) : () -> ()
    %mul3A_68 = arith.constant 512 : i32
    %mul3A_69 = arith.muli %add3A, %mul3A_68 : i32
    %add3A_70 = arith.constant 416 : i32
    %add3A_71 = arith.addi %mul3A_69, %add3A_70 : i32
    %run_scoped3A_72 = arith.constant 13 : i32
    "tpu.region"() ({
      %run_scoped3A_809 = tpu.sem_alloc : memref<!tpu.dma_semaphore, #tpu.memory_space<semaphore_mem>>
      %dma_start3A_810 = arith.constant 0 : i32
      %dma_start3A_811 = tpu.memref_slice %arg9[%run_scoped3A_72, %dma_start3A_810] : memref<16x32xi32, #tpu.memory_space<vmem>> -> memref<1x32xi32, #tpu.memory_space<vmem>>
      %dma_start3A_812 = tpu.memref_squeeze %dma_start3A_811 : memref<1x32xi32, #tpu.memory_space<vmem>> -> memref<32xi32, #tpu.memory_space<vmem>>
      %dma_start3A_813 = tpu.memref_slice %arg3[%add3A_71] : memref<16384xi32, #tpu.memory_space<hbm>> -> memref<32xi32, #tpu.memory_space<hbm>>
      %dma_start3A_814 = arith.constant 0 : i32
      %dma_start3A_815 = tpu.memref_slice %arg9[%run_scoped3A_72, %dma_start3A_814] : memref<16x32xi32, #tpu.memory_space<vmem>> -> memref<1x32xi32, #tpu.memory_space<vmem>>
      %dma_start3A_816 = tpu.memref_squeeze %dma_start3A_815 : memref<1x32xi32, #tpu.memory_space<vmem>> -> memref<32xi32, #tpu.memory_space<vmem>>
      %dma_start3A_817 = tpu.memref_slice %arg3[%add3A_71] : memref<16384xi32, #tpu.memory_space<hbm>> -> memref<32xi32, #tpu.memory_space<hbm>>
      tpu.enqueue_dma source(%dma_start3A_817 : memref<32xi32, #tpu.memory_space<hbm>>) target(%dma_start3A_816 : memref<32xi32, #tpu.memory_space<vmem>>) target_semaphore(%run_scoped3A_809 : memref<!tpu.dma_semaphore, #tpu.memory_space<semaphore_mem>>)
      %dma_wait3A = arith.constant 0 : i32
      %dma_wait3A_818 = tpu.memref_slice %arg9[%run_scoped3A_72, %dma_wait3A] : memref<16x32xi32, #tpu.memory_space<vmem>> -> memref<1x32xi32, #tpu.memory_space<vmem>>
      %dma_wait3A_819 = tpu.memref_squeeze %dma_wait3A_818 : memref<1x32xi32, #tpu.memory_space<vmem>> -> memref<32xi32, #tpu.memory_space<vmem>>
      %dma_wait3A_820 = tpu.memref_slice %arg3[%add3A_71] : memref<16384xi32, #tpu.memory_space<hbm>> -> memref<32xi32, #tpu.memory_space<hbm>>
      %dma_wait3A_821 = arith.constant 0 : i32
      %dma_wait3A_822 = tpu.memref_slice %arg9[%run_scoped3A_72, %dma_wait3A_821] : memref<16x32xi32, #tpu.memory_space<vmem>> -> memref<1x32xi32, #tpu.memory_space<vmem>>
      %dma_wait3A_823 = tpu.memref_squeeze %dma_wait3A_822 : memref<1x32xi32, #tpu.memory_space<vmem>> -> memref<32xi32, #tpu.memory_space<vmem>>
      %dma_wait3A_824 = tpu.memref_slice %arg3[%add3A_71] : memref<16384xi32, #tpu.memory_space<hbm>> -> memref<32xi32, #tpu.memory_space<hbm>>
      tpu.wait_dma2 semaphore(%run_scoped3A_809 : memref<!tpu.dma_semaphore, #tpu.memory_space<semaphore_mem>>) src(%dma_wait3A_824 : memref<32xi32, #tpu.memory_space<hbm>>) dst(%dma_wait3A_823 : memref<32xi32, #tpu.memory_space<vmem>>)
      tpu.yield
    }) : () -> ()
    %mul3A_73 = arith.constant 512 : i32
    %mul3A_74 = arith.muli %add3A, %mul3A_73 : i32
    %add3A_75 = arith.constant 448 : i32
    %add3A_76 = arith.addi %mul3A_74, %add3A_75 : i32
    %run_scoped3A_77 = arith.constant 14 : i32
    "tpu.region"() ({
      %run_scoped3A_809 = tpu.sem_alloc : memref<!tpu.dma_semaphore, #tpu.memory_space<semaphore_mem>>
      %dma_start3A_810 = arith.constant 0 : i32
      %dma_start3A_811 = tpu.memref_slice %arg9[%run_scoped3A_77, %dma_start3A_810] : memref<16x32xi32, #tpu.memory_space<vmem>> -> memref<1x32xi32, #tpu.memory_space<vmem>>
      %dma_start3A_812 = tpu.memref_squeeze %dma_start3A_811 : memref<1x32xi32, #tpu.memory_space<vmem>> -> memref<32xi32, #tpu.memory_space<vmem>>
      %dma_start3A_813 = tpu.memref_slice %arg3[%add3A_76] : memref<16384xi32, #tpu.memory_space<hbm>> -> memref<32xi32, #tpu.memory_space<hbm>>
      %dma_start3A_814 = arith.constant 0 : i32
      %dma_start3A_815 = tpu.memref_slice %arg9[%run_scoped3A_77, %dma_start3A_814] : memref<16x32xi32, #tpu.memory_space<vmem>> -> memref<1x32xi32, #tpu.memory_space<vmem>>
      %dma_start3A_816 = tpu.memref_squeeze %dma_start3A_815 : memref<1x32xi32, #tpu.memory_space<vmem>> -> memref<32xi32, #tpu.memory_space<vmem>>
      %dma_start3A_817 = tpu.memref_slice %arg3[%add3A_76] : memref<16384xi32, #tpu.memory_space<hbm>> -> memref<32xi32, #tpu.memory_space<hbm>>
      tpu.enqueue_dma source(%dma_start3A_817 : memref<32xi32, #tpu.memory_space<hbm>>) target(%dma_start3A_816 : memref<32xi32, #tpu.memory_space<vmem>>) target_semaphore(%run_scoped3A_809 : memref<!tpu.dma_semaphore, #tpu.memory_space<semaphore_mem>>)
      %dma_wait3A = arith.constant 0 : i32
      %dma_wait3A_818 = tpu.memref_slice %arg9[%run_scoped3A_77, %dma_wait3A] : memref<16x32xi32, #tpu.memory_space<vmem>> -> memref<1x32xi32, #tpu.memory_space<vmem>>
      %dma_wait3A_819 = tpu.memref_squeeze %dma_wait3A_818 : memref<1x32xi32, #tpu.memory_space<vmem>> -> memref<32xi32, #tpu.memory_space<vmem>>
      %dma_wait3A_820 = tpu.memref_slice %arg3[%add3A_76] : memref<16384xi32, #tpu.memory_space<hbm>> -> memref<32xi32, #tpu.memory_space<hbm>>
      %dma_wait3A_821 = arith.constant 0 : i32
      %dma_wait3A_822 = tpu.memref_slice %arg9[%run_scoped3A_77, %dma_wait3A_821] : memref<16x32xi32, #tpu.memory_space<vmem>> -> memref<1x32xi32, #tpu.memory_space<vmem>>
      %dma_wait3A_823 = tpu.memref_squeeze %dma_wait3A_822 : memref<1x32xi32, #tpu.memory_space<vmem>> -> memref<32xi32, #tpu.memory_space<vmem>>
      %dma_wait3A_824 = tpu.memref_slice %arg3[%add3A_76] : memref<16384xi32, #tpu.memory_space<hbm>> -> memref<32xi32, #tpu.memory_space<hbm>>
      tpu.wait_dma2 semaphore(%run_scoped3A_809 : memref<!tpu.dma_semaphore, #tpu.memory_space<semaphore_mem>>) src(%dma_wait3A_824 : memref<32xi32, #tpu.memory_space<hbm>>) dst(%dma_wait3A_823 : memref<32xi32, #tpu.memory_space<vmem>>)
      tpu.yield
    }) : () -> ()
    %mul3A_78 = arith.constant 512 : i32
    %mul3A_79 = arith.muli %add3A, %mul3A_78 : i32
    %add3A_80 = arith.constant 480 : i32
    %add3A_81 = arith.addi %mul3A_79, %add3A_80 : i32
    %run_scoped3A_82 = arith.constant 15 : i32
    "tpu.region"() ({
      %run_scoped3A_809 = tpu.sem_alloc : memref<!tpu.dma_semaphore, #tpu.memory_space<semaphore_mem>>
      %dma_start3A_810 = arith.constant 0 : i32
      %dma_start3A_811 = tpu.memref_slice %arg9[%run_scoped3A_82, %dma_start3A_810] : memref<16x32xi32, #tpu.memory_space<vmem>> -> memref<1x32xi32, #tpu.memory_space<vmem>>
      %dma_start3A_812 = tpu.memref_squeeze %dma_start3A_811 : memref<1x32xi32, #tpu.memory_space<vmem>> -> memref<32xi32, #tpu.memory_space<vmem>>
      %dma_start3A_813 = tpu.memref_slice %arg3[%add3A_81] : memref<16384xi32, #tpu.memory_space<hbm>> -> memref<32xi32, #tpu.memory_space<hbm>>
      %dma_start3A_814 = arith.constant 0 : i32
      %dma_start3A_815 = tpu.memref_slice %arg9[%run_scoped3A_82, %dma_start3A_814] : memref<16x32xi32, #tpu.memory_space<vmem>> -> memref<1x32xi32, #tpu.memory_space<vmem>>
      %dma_start3A_816 = tpu.memref_squeeze %dma_start3A_815 : memref<1x32xi32, #tpu.memory_space<vmem>> -> memref<32xi32, #tpu.memory_space<vmem>>
      %dma_start3A_817 = tpu.memref_slice %arg3[%add3A_81] : memref<16384xi32, #tpu.memory_space<hbm>> -> memref<32xi32, #tpu.memory_space<hbm>>
      tpu.enqueue_dma source(%dma_start3A_817 : memref<32xi32, #tpu.memory_space<hbm>>) target(%dma_start3A_816 : memref<32xi32, #tpu.memory_space<vmem>>) target_semaphore(%run_scoped3A_809 : memref<!tpu.dma_semaphore, #tpu.memory_space<semaphore_mem>>)
      %dma_wait3A = arith.constant 0 : i32
      %dma_wait3A_818 = tpu.memref_slice %arg9[%run_scoped3A_82, %dma_wait3A] : memref<16x32xi32, #tpu.memory_space<vmem>> -> memref<1x32xi32, #tpu.memory_space<vmem>>
      %dma_wait3A_819 = tpu.memref_squeeze %dma_wait3A_818 : memref<1x32xi32, #tpu.memory_space<vmem>> -> memref<32xi32, #tpu.memory_space<vmem>>
      %dma_wait3A_820 = tpu.memref_slice %arg3[%add3A_81] : memref<16384xi32, #tpu.memory_space<hbm>> -> memref<32xi32, #tpu.memory_space<hbm>>
      %dma_wait3A_821 = arith.constant 0 : i32
      %dma_wait3A_822 = tpu.memref_slice %arg9[%run_scoped3A_82, %dma_wait3A_821] : memref<16x32xi32, #tpu.memory_space<vmem>> -> memref<1x32xi32, #tpu.memory_space<vmem>>
      %dma_wait3A_823 = tpu.memref_squeeze %dma_wait3A_822 : memref<1x32xi32, #tpu.memory_space<vmem>> -> memref<32xi32, #tpu.memory_space<vmem>>
      %dma_wait3A_824 = tpu.memref_slice %arg3[%add3A_81] : memref<16384xi32, #tpu.memory_space<hbm>> -> memref<32xi32, #tpu.memory_space<hbm>>
      tpu.wait_dma2 semaphore(%run_scoped3A_809 : memref<!tpu.dma_semaphore, #tpu.memory_space<semaphore_mem>>) src(%dma_wait3A_824 : memref<32xi32, #tpu.memory_space<hbm>>) dst(%dma_wait3A_823 : memref<32xi32, #tpu.memory_space<vmem>>)
      tpu.yield
    }) : () -> ()
    %scan3A = arith.constant 0 : i32
    %scan3A_83 = arith.constant 0 : i32
    %scan3A_84 = arith.constant 392 : i32
    %scan3A_85 = arith.addi %scan3A_83, %scan3A_84 : i32
    %scan3A_86 = arith.constant 1 : i32
    %scan3A_87 = scf.for %scan3A_809 = %scan3A_83 to %scan3A_85 step %scan3A_86 iter_args(%scan3A_810 = %scan3A) -> (i32)  : i32 {
      %mul3A_811 = arith.constant 16 : i32
      %mul3A_812 = arith.muli %scan3A_809, %mul3A_811 : i32
      %swap3A_813 = arith.index_cast %mul3A_812 : i32 to index
      %swap3A_814 = tpu.vector_load %arg14[%swap3A_813] {strides = array<i32>} : memref<6272xf32, #tpu.memory_space<vmem>>, vector<16xf32>,
      tpu.vector_store %arg14[%swap3A_813], %broadcast_in_dim3A_1 {strides = array<i32>} : memref<6272xf32, #tpu.memory_space<vmem>>, vector<16xf32>,
      %scan3A_815 = arith.constant 0 : i32
      scf.yield %scan3A_815 : i32
    }
    %scan3A_88 = arith.constant 392 : i32
    %mul3A_89 = arith.constant 6272 : i32
    %mul3A_90 = arith.muli %arg1, %mul3A_89 : i32
    "tpu.region"() ({
      %run_scoped3A_809 = tpu.sem_alloc : memref<!tpu.dma_semaphore, #tpu.memory_space<semaphore_mem>>
      %dma_start3A_810 = arith.constant 0 : i32
      %dma_start3A_811 = tpu.memref_slice %arg14[%dma_start3A_810] : memref<6272xf32, #tpu.memory_space<vmem>> -> memref<6272xf32, #tpu.memory_space<vmem>>
      %dma_start3A_812 = tpu.memref_slice %arg7[%mul3A_90] : memref<100352xf32, #tpu.memory_space<vmem_shared>> -> memref<6272xf32, #tpu.memory_space<vmem_shared>>
      %dma_start3A_813 = tpu.memref_slice %arg7[%mul3A_90] : memref<100352xf32, #tpu.memory_space<vmem_shared>> -> memref<6272xf32, #tpu.memory_space<vmem_shared>>
      %dma_start3A_814 = arith.constant 0 : i32
      %dma_start3A_815 = tpu.memref_slice %arg14[%dma_start3A_814] : memref<6272xf32, #tpu.memory_space<vmem>> -> memref<6272xf32, #tpu.memory_space<vmem>>
      tpu.enqueue_dma source(%dma_start3A_815 : memref<6272xf32, #tpu.memory_space<vmem>>) target(%dma_start3A_813 : memref<6272xf32, #tpu.memory_space<vmem_shared>>) target_semaphore(%run_scoped3A_809 : memref<!tpu.dma_semaphore, #tpu.memory_space<semaphore_mem>>)
      %dma_wait3A = arith.constant 0 : i32
      %dma_wait3A_816 = tpu.memref_slice %arg14[%dma_wait3A] : memref<6272xf32, #tpu.memory_space<vmem>> -> memref<6272xf32, #tpu.memory_space<vmem>>
      %dma_wait3A_817 = tpu.memref_slice %arg7[%mul3A_90] : memref<100352xf32, #tpu.memory_space<vmem_shared>> -> memref<6272xf32, #tpu.memory_space<vmem_shared>>
      %dma_wait3A_818 = tpu.memref_slice %arg7[%mul3A_90] : memref<100352xf32, #tpu.memory_space<vmem_shared>> -> memref<6272xf32, #tpu.memory_space<vmem_shared>>
      %dma_wait3A_819 = arith.constant 0 : i32
      %dma_wait3A_820 = tpu.memref_slice %arg14[%dma_wait3A_819] : memref<6272xf32, #tpu.memory_space<vmem>> -> memref<6272xf32, #tpu.memory_space<vmem>>
      tpu.wait_dma2 semaphore(%run_scoped3A_809 : memref<!tpu.dma_semaphore, #tpu.memory_space<semaphore_mem>>) src(%dma_wait3A_820 : memref<6272xf32, #tpu.memory_space<vmem>>) dst(%dma_wait3A_818 : memref<6272xf32, #tpu.memory_space<vmem_shared>>)
      tpu.yield
    }) : () -> ()
    %mul3A_91 = arith.constant 6272 : i32
    %mul3A_92 = arith.muli %arg1, %mul3A_91 : i32
    "tpu.region"() ({
      %run_scoped3A_809 = tpu.sem_alloc : memref<!tpu.dma_semaphore, #tpu.memory_space<semaphore_mem>>
      %dma_start3A_810 = arith.constant 0 : i32
      %dma_start3A_811 = tpu.memref_slice %arg14[%dma_start3A_810] : memref<6272xf32, #tpu.memory_space<vmem>> -> memref<6272xf32, #tpu.memory_space<vmem>>
      %dma_start3A_812 = tpu.memref_slice %arg8[%mul3A_92] : memref<100352xf32, #tpu.memory_space<vmem_shared>> -> memref<6272xf32, #tpu.memory_space<vmem_shared>>
      %dma_start3A_813 = tpu.memref_slice %arg8[%mul3A_92] : memref<100352xf32, #tpu.memory_space<vmem_shared>> -> memref<6272xf32, #tpu.memory_space<vmem_shared>>
      %dma_start3A_814 = arith.constant 0 : i32
      %dma_start3A_815 = tpu.memref_slice %arg14[%dma_start3A_814] : memref<6272xf32, #tpu.memory_space<vmem>> -> memref<6272xf32, #tpu.memory_space<vmem>>
      tpu.enqueue_dma source(%dma_start3A_815 : memref<6272xf32, #tpu.memory_space<vmem>>) target(%dma_start3A_813 : memref<6272xf32, #tpu.memory_space<vmem_shared>>) target_semaphore(%run_scoped3A_809 : memref<!tpu.dma_semaphore, #tpu.memory_space<semaphore_mem>>)
      %dma_wait3A = arith.constant 0 : i32
      %dma_wait3A_816 = tpu.memref_slice %arg14[%dma_wait3A] : memref<6272xf32, #tpu.memory_space<vmem>> -> memref<6272xf32, #tpu.memory_space<vmem>>
      %dma_wait3A_817 = tpu.memref_slice %arg8[%mul3A_92] : memref<100352xf32, #tpu.memory_space<vmem_shared>> -> memref<6272xf32, #tpu.memory_space<vmem_shared>>
      %dma_wait3A_818 = tpu.memref_slice %arg8[%mul3A_92] : memref<100352xf32, #tpu.memory_space<vmem_shared>> -> memref<6272xf32, #tpu.memory_space<vmem_shared>>
      %dma_wait3A_819 = arith.constant 0 : i32
      %dma_wait3A_820 = tpu.memref_slice %arg14[%dma_wait3A_819] : memref<6272xf32, #tpu.memory_space<vmem>> -> memref<6272xf32, #tpu.memory_space<vmem>>
      tpu.wait_dma2 semaphore(%run_scoped3A_809 : memref<!tpu.dma_semaphore, #tpu.memory_space<semaphore_mem>>) src(%dma_wait3A_820 : memref<6272xf32, #tpu.memory_space<vmem>>) dst(%dma_wait3A_818 : memref<6272xf32, #tpu.memory_space<vmem_shared>>)
      tpu.yield
    }) : () -> ()
    %swap3A = arith.constant 0 : i32
    %swap3A_93 = arith.index_cast %swap3A : i32 to index
    %swap3A_94 = arith.constant 0 : index
    %swap3A_95 = tpu.vector_load %arg13[%swap3A_93, %swap3A_94] {strides = array<i32>} : memref<1x32xf32, #tpu.memory_space<vmem>>, vector<16xf32>,
    tpu.vector_store %arg13[%swap3A_93, %swap3A_94], %broadcast_in_dim3A_3 {strides = array<i32>} : memref<1x32xf32, #tpu.memory_space<vmem>>, vector<16xf32>,
    %swap3A_96 = arith.constant 0 : i32
    %swap3A_97 = arith.index_cast %swap3A_96 : i32 to index
    %swap3A_98 = arith.constant 16 : index
    %swap3A_99 = tpu.vector_load %arg13[%swap3A_97, %swap3A_98] {strides = array<i32>} : memref<1x32xf32, #tpu.memory_space<vmem>>, vector<16xf32>,
    tpu.vector_store %arg13[%swap3A_97, %swap3A_98], %broadcast_in_dim3A_3 {strides = array<i32>} : memref<1x32xf32, #tpu.memory_space<vmem>>, vector<16xf32>,
    %mul3A_100 = arith.constant 512 : i32
    %mul3A_101 = arith.muli %add3A, %mul3A_100 : i32
    %add3A_102 = arith.constant 0 : i32
    %add3A_103 = arith.addi %mul3A_101, %add3A_102 : i32
    %mul3A_104 = arith.constant 64 : i32
    %mul3A_105 = arith.muli %add3A_103, %mul3A_104 : i32
    %dma_start3A = arith.constant 0 : i32
    %dma_start3A_106 = tpu.memref_slice %arg10[%dma_start3A] : memref<4096xf32, #tpu.memory_space<vmem>> -> memref<2048xf32, #tpu.memory_space<vmem>>
    %dma_start3A_107 = tpu.memref_slice %arg2[%mul3A_105] : memref<1048576xf32, #tpu.memory_space<hbm>> -> memref<2048xf32, #tpu.memory_space<hbm>>
    %dma_start3A_108 = arith.constant 0 : i32
    %dma_start3A_109 = tpu.memref_slice %arg10[%dma_start3A_108] : memref<4096xf32, #tpu.memory_space<vmem>> -> memref<2048xf32, #tpu.memory_space<vmem>>
    %dma_start3A_110 = tpu.memref_slice %arg2[%mul3A_105] : memref<1048576xf32, #tpu.memory_space<hbm>> -> memref<2048xf32, #tpu.memory_space<hbm>>
    tpu.enqueue_dma source(%dma_start3A_110 : memref<2048xf32, #tpu.memory_space<hbm>>) target(%dma_start3A_109 : memref<2048xf32, #tpu.memory_space<vmem>>) target_semaphore(%arg16 : memref<!tpu.dma_semaphore, #tpu.memory_space<semaphore_mem>>)
    %get3A = arith.constant 0 : i32
    %get3A_111 = arith.index_cast %get3A : i32 to index
    %get3A_112 = arith.constant 0 : index
    %get3A_113 = tpu.vector_load %arg9[%get3A_111, %get3A_112] {strides = array<i32>} : memref<16x32xi32, #tpu.memory_space<vmem>>, vector<16xi32>,
    %slice3A = vector.extract_strided_slice %get3A_113 {offsets = [0], sizes = [1], strides = [1]} : vector<16xi32> to vector<1xi32>
    %squeeze3A = vector.extract %slice3A[0] : i32 from vector<1xi32>
    %shift_right_arithmetic3A = arith.constant 3 : i32
    %shift_right_arithmetic3A_114 = arith.shrsi %squeeze3A, %shift_right_arithmetic3A : i32
    %dma_start3A_115 = arith.constant 0 : i32
    %dma_start3A_116 = arith.constant 0 : i32
    %dma_start3A_117 = arith.constant 0 : i32
    %dma_start3A_118 = tpu.memref_slice %arg11[%dma_start3A_115, %dma_start3A_116, %dma_start3A_117] : memref<64x8x64xf32, #tpu.memory_space<vmem>> -> memref<1x8x64xf32, #tpu.memory_space<vmem>>
    %dma_start3A_119 = tpu.memref_squeeze %dma_start3A_118 : memref<1x8x64xf32, #tpu.memory_space<vmem>> -> memref<8x64xf32, #tpu.memory_space<vmem>>
    %dma_start3A_120 = arith.constant 0 : i32
    %dma_start3A_121 = arith.constant 0 : i32
    %dma_start3A_122 = tpu.memref_slice %arg4[%shift_right_arithmetic3A_114, %dma_start3A_120, %dma_start3A_121] : memref<12500x8x64xf32, #tpu.memory_space<hbm>> -> memref<1x8x64xf32, #tpu.memory_space<hbm>>
    %dma_start3A_123 = tpu.memref_squeeze %dma_start3A_122 : memref<1x8x64xf32, #tpu.memory_space<hbm>> -> memref<8x64xf32, #tpu.memory_space<hbm>>
    %dma_start3A_124 = arith.constant 0 : i32
    %dma_start3A_125 = arith.constant 0 : i32
    %dma_start3A_126 = tpu.memref_slice %arg11[%dma_start3A_115, %dma_start3A_124, %dma_start3A_125] : memref<64x8x64xf32, #tpu.memory_space<vmem>> -> memref<1x8x64xf32, #tpu.memory_space<vmem>>
    %dma_start3A_127 = tpu.memref_squeeze %dma_start3A_126 : memref<1x8x64xf32, #tpu.memory_space<vmem>> -> memref<8x64xf32, #tpu.memory_space<vmem>>
    %dma_start3A_128 = arith.constant 0 : i32
    %dma_start3A_129 = arith.constant 0 : i32
    %dma_start3A_130 = tpu.memref_slice %arg4[%shift_right_arithmetic3A_114, %dma_start3A_128, %dma_start3A_129] : memref<12500x8x64xf32, #tpu.memory_space<hbm>> -> memref<1x8x64xf32, #tpu.memory_space<hbm>>
    %dma_start3A_131 = tpu.memref_squeeze %dma_start3A_130 : memref<1x8x64xf32, #tpu.memory_space<hbm>> -> memref<8x64xf32, #tpu.memory_space<hbm>>
    tpu.enqueue_dma source(%dma_start3A_131 : memref<8x64xf32, #tpu.memory_space<hbm>>) target(%dma_start3A_127 : memref<8x64xf32, #tpu.memory_space<vmem>>) target_semaphore(%arg15 : memref<!tpu.dma_semaphore, #tpu.memory_space<semaphore_mem>>)
    %slice3A_132 = vector.extract_strided_slice %get3A_113 {offsets = [1], sizes = [1], strides = [1]} : vector<16xi32> to vector<1xi32>
    %squeeze3A_133 = vector.extract %slice3A_132[0] : i32 from vector<1xi32>
    %shift_right_arithmetic3A_134 = arith.constant 3 : i32
    %shift_right_arithmetic3A_135 = arith.shrsi %squeeze3A_133, %shift_right_arithmetic3A_134 : i32
    %dma_start3A_136 = arith.constant 1 : i32
    %dma_start3A_137 = arith.constant 0 : i32
    %dma_start3A_138 = arith.constant 0 : i32
    %dma_start3A_139 = tpu.memref_slice %arg11[%dma_start3A_136, %dma_start3A_137, %dma_start3A_138] : memref<64x8x64xf32, #tpu.memory_space<vmem>> -> memref<1x8x64xf32, #tpu.memory_space<vmem>>
    %dma_start3A_140 = tpu.memref_squeeze %dma_start3A_139 : memref<1x8x64xf32, #tpu.memory_space<vmem>> -> memref<8x64xf32, #tpu.memory_space<vmem>>
    %dma_start3A_141 = arith.constant 0 : i32
    %dma_start3A_142 = arith.constant 0 : i32
    %dma_start3A_143 = tpu.memref_slice %arg4[%shift_right_arithmetic3A_135, %dma_start3A_141, %dma_start3A_142] : memref<12500x8x64xf32, #tpu.memory_space<hbm>> -> memref<1x8x64xf32, #tpu.memory_space<hbm>>
    %dma_start3A_144 = tpu.memref_squeeze %dma_start3A_143 : memref<1x8x64xf32, #tpu.memory_space<hbm>> -> memref<8x64xf32, #tpu.memory_space<hbm>>
    %dma_start3A_145 = arith.constant 0 : i32
    %dma_start3A_146 = arith.constant 0 : i32
    %dma_start3A_147 = tpu.memref_slice %arg11[%dma_start3A_136, %dma_start3A_145, %dma_start3A_146] : memref<64x8x64xf32, #tpu.memory_space<vmem>> -> memref<1x8x64xf32, #tpu.memory_space<vmem>>
    %dma_start3A_148 = tpu.memref_squeeze %dma_start3A_147 : memref<1x8x64xf32, #tpu.memory_space<vmem>> -> memref<8x64xf32, #tpu.memory_space<vmem>>
    %dma_start3A_149 = arith.constant 0 : i32
    %dma_start3A_150 = arith.constant 0 : i32
    %dma_start3A_151 = tpu.memref_slice %arg4[%shift_right_arithmetic3A_135, %dma_start3A_149, %dma_start3A_150] : memref<12500x8x64xf32, #tpu.memory_space<hbm>> -> memref<1x8x64xf32, #tpu.memory_space<hbm>>
    %dma_start3A_152 = tpu.memref_squeeze %dma_start3A_151 : memref<1x8x64xf32, #tpu.memory_space<hbm>> -> memref<8x64xf32, #tpu.memory_space<hbm>>
    tpu.enqueue_dma source(%dma_start3A_152 : memref<8x64xf32, #tpu.memory_space<hbm>>) target(%dma_start3A_148 : memref<8x64xf32, #tpu.memory_space<vmem>>) target_semaphore(%arg15 : memref<!tpu.dma_semaphore, #tpu.memory_space<semaphore_mem>>)
    %slice3A_153 = vector.extract_strided_slice %get3A_113 {offsets = [2], sizes = [1], strides = [1]} : vector<16xi32> to vector<1xi32>
    %squeeze3A_154 = vector.extract %slice3A_153[0] : i32 from vector<1xi32>
    %shift_right_arithmetic3A_155 = arith.constant 3 : i32
    %shift_right_arithmetic3A_156 = arith.shrsi %squeeze3A_154, %shift_right_arithmetic3A_155 : i32
    %dma_start3A_157 = arith.constant 2 : i32
    %dma_start3A_158 = arith.constant 0 : i32
    %dma_start3A_159 = arith.constant 0 : i32
    %dma_start3A_160 = tpu.memref_slice %arg11[%dma_start3A_157, %dma_start3A_158, %dma_start3A_159] : memref<64x8x64xf32, #tpu.memory_space<vmem>> -> memref<1x8x64xf32, #tpu.memory_space<vmem>>
    %dma_start3A_161 = tpu.memref_squeeze %dma_start3A_160 : memref<1x8x64xf32, #tpu.memory_space<vmem>> -> memref<8x64xf32, #tpu.memory_space<vmem>>
    %dma_start3A_162 = arith.constant 0 : i32
    %dma_start3A_163 = arith.constant 0 : i32
    %dma_start3A_164 = tpu.memref_slice %arg4[%shift_right_arithmetic3A_156, %dma_start3A_162, %dma_start3A_163] : memref<12500x8x64xf32, #tpu.memory_space<hbm>> -> memref<1x8x64xf32, #tpu.memory_space<hbm>>
    %dma_start3A_165 = tpu.memref_squeeze %dma_start3A_164 : memref<1x8x64xf32, #tpu.memory_space<hbm>> -> memref<8x64xf32, #tpu.memory_space<hbm>>
    %dma_start3A_166 = arith.constant 0 : i32
    %dma_start3A_167 = arith.constant 0 : i32
    %dma_start3A_168 = tpu.memref_slice %arg11[%dma_start3A_157, %dma_start3A_166, %dma_start3A_167] : memref<64x8x64xf32, #tpu.memory_space<vmem>> -> memref<1x8x64xf32, #tpu.memory_space<vmem>>
    %dma_start3A_169 = tpu.memref_squeeze %dma_start3A_168 : memref<1x8x64xf32, #tpu.memory_space<vmem>> -> memref<8x64xf32, #tpu.memory_space<vmem>>
    %dma_start3A_170 = arith.constant 0 : i32
    %dma_start3A_171 = arith.constant 0 : i32
    %dma_start3A_172 = tpu.memref_slice %arg4[%shift_right_arithmetic3A_156, %dma_start3A_170, %dma_start3A_171] : memref<12500x8x64xf32, #tpu.memory_space<hbm>> -> memref<1x8x64xf32, #tpu.memory_space<hbm>>
    %dma_start3A_173 = tpu.memref_squeeze %dma_start3A_172 : memref<1x8x64xf32, #tpu.memory_space<hbm>> -> memref<8x64xf32, #tpu.memory_space<hbm>>
    tpu.enqueue_dma source(%dma_start3A_173 : memref<8x64xf32, #tpu.memory_space<hbm>>) target(%dma_start3A_169 : memref<8x64xf32, #tpu.memory_space<vmem>>) target_semaphore(%arg15 : memref<!tpu.dma_semaphore, #tpu.memory_space<semaphore_mem>>)
    %slice3A_174 = vector.extract_strided_slice %get3A_113 {offsets = [3], sizes = [1], strides = [1]} : vector<16xi32> to vector<1xi32>
    %squeeze3A_175 = vector.extract %slice3A_174[0] : i32 from vector<1xi32>
    %shift_right_arithmetic3A_176 = arith.constant 3 : i32
    %shift_right_arithmetic3A_177 = arith.shrsi %squeeze3A_175, %shift_right_arithmetic3A_176 : i32
    %dma_start3A_178 = arith.constant 3 : i32
    %dma_start3A_179 = arith.constant 0 : i32
    %dma_start3A_180 = arith.constant 0 : i32
    %dma_start3A_181 = tpu.memref_slice %arg11[%dma_start3A_178, %dma_start3A_179, %dma_start3A_180] : memref<64x8x64xf32, #tpu.memory_space<vmem>> -> memref<1x8x64xf32, #tpu.memory_space<vmem>>
    %dma_start3A_182 = tpu.memref_squeeze %dma_start3A_181 : memref<1x8x64xf32, #tpu.memory_space<vmem>> -> memref<8x64xf32, #tpu.memory_space<vmem>>
    %dma_start3A_183 = arith.constant 0 : i32
    %dma_start3A_184 = arith.constant 0 : i32
    %dma_start3A_185 = tpu.memref_slice %arg4[%shift_right_arithmetic3A_177, %dma_start3A_183, %dma_start3A_184] : memref<12500x8x64xf32, #tpu.memory_space<hbm>> -> memref<1x8x64xf32, #tpu.memory_space<hbm>>
    %dma_start3A_186 = tpu.memref_squeeze %dma_start3A_185 : memref<1x8x64xf32, #tpu.memory_space<hbm>> -> memref<8x64xf32, #tpu.memory_space<hbm>>
    %dma_start3A_187 = arith.constant 0 : i32
    %dma_start3A_188 = arith.constant 0 : i32
    %dma_start3A_189 = tpu.memref_slice %arg11[%dma_start3A_178, %dma_start3A_187, %dma_start3A_188] : memref<64x8x64xf32, #tpu.memory_space<vmem>> -> memref<1x8x64xf32, #tpu.memory_space<vmem>>
    %dma_start3A_190 = tpu.memref_squeeze %dma_start3A_189 : memref<1x8x64xf32, #tpu.memory_space<vmem>> -> memref<8x64xf32, #tpu.memory_space<vmem>>
    %dma_start3A_191 = arith.constant 0 : i32
    %dma_start3A_192 = arith.constant 0 : i32
    %dma_start3A_193 = tpu.memref_slice %arg4[%shift_right_arithmetic3A_177, %dma_start3A_191, %dma_start3A_192] : memref<12500x8x64xf32, #tpu.memory_space<hbm>> -> memref<1x8x64xf32, #tpu.memory_space<hbm>>
    %dma_start3A_194 = tpu.memref_squeeze %dma_start3A_193 : memref<1x8x64xf32, #tpu.memory_space<hbm>> -> memref<8x64xf32, #tpu.memory_space<hbm>>
    tpu.enqueue_dma source(%dma_start3A_194 : memref<8x64xf32, #tpu.memory_space<hbm>>) target(%dma_start3A_190 : memref<8x64xf32, #tpu.memory_space<vmem>>) target_semaphore(%arg15 : memref<!tpu.dma_semaphore, #tpu.memory_space<semaphore_mem>>)
    %slice3A_195 = vector.extract_strided_slice %get3A_113 {offsets = [4], sizes = [1], strides = [1]} : vector<16xi32> to vector<1xi32>
    %squeeze3A_196 = vector.extract %slice3A_195[0] : i32 from vector<1xi32>
    %shift_right_arithmetic3A_197 = arith.constant 3 : i32
    %shift_right_arithmetic3A_198 = arith.shrsi %squeeze3A_196, %shift_right_arithmetic3A_197 : i32
    %dma_start3A_199 = arith.constant 4 : i32
    %dma_start3A_200 = arith.constant 0 : i32
    %dma_start3A_201 = arith.constant 0 : i32
    %dma_start3A_202 = tpu.memref_slice %arg11[%dma_start3A_199, %dma_start3A_200, %dma_start3A_201] : memref<64x8x64xf32, #tpu.memory_space<vmem>> -> memref<1x8x64xf32, #tpu.memory_space<vmem>>
    %dma_start3A_203 = tpu.memref_squeeze %dma_start3A_202 : memref<1x8x64xf32, #tpu.memory_space<vmem>> -> memref<8x64xf32, #tpu.memory_space<vmem>>
    %dma_start3A_204 = arith.constant 0 : i32
    %dma_start3A_205 = arith.constant 0 : i32
    %dma_start3A_206 = tpu.memref_slice %arg4[%shift_right_arithmetic3A_198, %dma_start3A_204, %dma_start3A_205] : memref<12500x8x64xf32, #tpu.memory_space<hbm>> -> memref<1x8x64xf32, #tpu.memory_space<hbm>>
    %dma_start3A_207 = tpu.memref_squeeze %dma_start3A_206 : memref<1x8x64xf32, #tpu.memory_space<hbm>> -> memref<8x64xf32, #tpu.memory_space<hbm>>
    %dma_start3A_208 = arith.constant 0 : i32
    %dma_start3A_209 = arith.constant 0 : i32
    %dma_start3A_210 = tpu.memref_slice %arg11[%dma_start3A_199, %dma_start3A_208, %dma_start3A_209] : memref<64x8x64xf32, #tpu.memory_space<vmem>> -> memref<1x8x64xf32, #tpu.memory_space<vmem>>
    %dma_start3A_211 = tpu.memref_squeeze %dma_start3A_210 : memref<1x8x64xf32, #tpu.memory_space<vmem>> -> memref<8x64xf32, #tpu.memory_space<vmem>>
    %dma_start3A_212 = arith.constant 0 : i32
    %dma_start3A_213 = arith.constant 0 : i32
    %dma_start3A_214 = tpu.memref_slice %arg4[%shift_right_arithmetic3A_198, %dma_start3A_212, %dma_start3A_213] : memref<12500x8x64xf32, #tpu.memory_space<hbm>> -> memref<1x8x64xf32, #tpu.memory_space<hbm>>
    %dma_start3A_215 = tpu.memref_squeeze %dma_start3A_214 : memref<1x8x64xf32, #tpu.memory_space<hbm>> -> memref<8x64xf32, #tpu.memory_space<hbm>>
    tpu.enqueue_dma source(%dma_start3A_215 : memref<8x64xf32, #tpu.memory_space<hbm>>) target(%dma_start3A_211 : memref<8x64xf32, #tpu.memory_space<vmem>>) target_semaphore(%arg15 : memref<!tpu.dma_semaphore, #tpu.memory_space<semaphore_mem>>)
    %slice3A_216 = vector.extract_strided_slice %get3A_113 {offsets = [5], sizes = [1], strides = [1]} : vector<16xi32> to vector<1xi32>
    %squeeze3A_217 = vector.extract %slice3A_216[0] : i32 from vector<1xi32>
    %shift_right_arithmetic3A_218 = arith.constant 3 : i32
    %shift_right_arithmetic3A_219 = arith.shrsi %squeeze3A_217, %shift_right_arithmetic3A_218 : i32
    %dma_start3A_220 = arith.constant 5 : i32
    %dma_start3A_221 = arith.constant 0 : i32
    %dma_start3A_222 = arith.constant 0 : i32
    %dma_start3A_223 = tpu.memref_slice %arg11[%dma_start3A_220, %dma_start3A_221, %dma_start3A_222] : memref<64x8x64xf32, #tpu.memory_space<vmem>> -> memref<1x8x64xf32, #tpu.memory_space<vmem>>
    %dma_start3A_224 = tpu.memref_squeeze %dma_start3A_223 : memref<1x8x64xf32, #tpu.memory_space<vmem>> -> memref<8x64xf32, #tpu.memory_space<vmem>>
    %dma_start3A_225 = arith.constant 0 : i32
    %dma_start3A_226 = arith.constant 0 : i32
    %dma_start3A_227 = tpu.memref_slice %arg4[%shift_right_arithmetic3A_219, %dma_start3A_225, %dma_start3A_226] : memref<12500x8x64xf32, #tpu.memory_space<hbm>> -> memref<1x8x64xf32, #tpu.memory_space<hbm>>
    %dma_start3A_228 = tpu.memref_squeeze %dma_start3A_227 : memref<1x8x64xf32, #tpu.memory_space<hbm>> -> memref<8x64xf32, #tpu.memory_space<hbm>>
    %dma_start3A_229 = arith.constant 0 : i32
    %dma_start3A_230 = arith.constant 0 : i32
    %dma_start3A_231 = tpu.memref_slice %arg11[%dma_start3A_220, %dma_start3A_229, %dma_start3A_230] : memref<64x8x64xf32, #tpu.memory_space<vmem>> -> memref<1x8x64xf32, #tpu.memory_space<vmem>>
    %dma_start3A_232 = tpu.memref_squeeze %dma_start3A_231 : memref<1x8x64xf32, #tpu.memory_space<vmem>> -> memref<8x64xf32, #tpu.memory_space<vmem>>
    %dma_start3A_233 = arith.constant 0 : i32
    %dma_start3A_234 = arith.constant 0 : i32
    %dma_start3A_235 = tpu.memref_slice %arg4[%shift_right_arithmetic3A_219, %dma_start3A_233, %dma_start3A_234] : memref<12500x8x64xf32, #tpu.memory_space<hbm>> -> memref<1x8x64xf32, #tpu.memory_space<hbm>>
    %dma_start3A_236 = tpu.memref_squeeze %dma_start3A_235 : memref<1x8x64xf32, #tpu.memory_space<hbm>> -> memref<8x64xf32, #tpu.memory_space<hbm>>
    tpu.enqueue_dma source(%dma_start3A_236 : memref<8x64xf32, #tpu.memory_space<hbm>>) target(%dma_start3A_232 : memref<8x64xf32, #tpu.memory_space<vmem>>) target_semaphore(%arg15 : memref<!tpu.dma_semaphore, #tpu.memory_space<semaphore_mem>>)
    %slice3A_237 = vector.extract_strided_slice %get3A_113 {offsets = [6], sizes = [1], strides = [1]} : vector<16xi32> to vector<1xi32>
    %squeeze3A_238 = vector.extract %slice3A_237[0] : i32 from vector<1xi32>
    %shift_right_arithmetic3A_239 = arith.constant 3 : i32
    %shift_right_arithmetic3A_240 = arith.shrsi %squeeze3A_238, %shift_right_arithmetic3A_239 : i32
    %dma_start3A_241 = arith.constant 6 : i32
    %dma_start3A_242 = arith.constant 0 : i32
    %dma_start3A_243 = arith.constant 0 : i32
    %dma_start3A_244 = tpu.memref_slice %arg11[%dma_start3A_241, %dma_start3A_242, %dma_start3A_243] : memref<64x8x64xf32, #tpu.memory_space<vmem>> -> memref<1x8x64xf32, #tpu.memory_space<vmem>>
    %dma_start3A_245 = tpu.memref_squeeze %dma_start3A_244 : memref<1x8x64xf32, #tpu.memory_space<vmem>> -> memref<8x64xf32, #tpu.memory_space<vmem>>
    %dma_start3A_246 = arith.constant 0 : i32
    %dma_start3A_247 = arith.constant 0 : i32
    %dma_start3A_248 = tpu.memref_slice %arg4[%shift_right_arithmetic3A_240, %dma_start3A_246, %dma_start3A_247] : memref<12500x8x64xf32, #tpu.memory_space<hbm>> -> memref<1x8x64xf32, #tpu.memory_space<hbm>>
    %dma_start3A_249 = tpu.memref_squeeze %dma_start3A_248 : memref<1x8x64xf32, #tpu.memory_space<hbm>> -> memref<8x64xf32, #tpu.memory_space<hbm>>
    %dma_start3A_250 = arith.constant 0 : i32
    %dma_start3A_251 = arith.constant 0 : i32
    %dma_start3A_252 = tpu.memref_slice %arg11[%dma_start3A_241, %dma_start3A_250, %dma_start3A_251] : memref<64x8x64xf32, #tpu.memory_space<vmem>> -> memref<1x8x64xf32, #tpu.memory_space<vmem>>
    %dma_start3A_253 = tpu.memref_squeeze %dma_start3A_252 : memref<1x8x64xf32, #tpu.memory_space<vmem>> -> memref<8x64xf32, #tpu.memory_space<vmem>>
    %dma_start3A_254 = arith.constant 0 : i32
    %dma_start3A_255 = arith.constant 0 : i32
    %dma_start3A_256 = tpu.memref_slice %arg4[%shift_right_arithmetic3A_240, %dma_start3A_254, %dma_start3A_255] : memref<12500x8x64xf32, #tpu.memory_space<hbm>> -> memref<1x8x64xf32, #tpu.memory_space<hbm>>
    %dma_start3A_257 = tpu.memref_squeeze %dma_start3A_256 : memref<1x8x64xf32, #tpu.memory_space<hbm>> -> memref<8x64xf32, #tpu.memory_space<hbm>>
    tpu.enqueue_dma source(%dma_start3A_257 : memref<8x64xf32, #tpu.memory_space<hbm>>) target(%dma_start3A_253 : memref<8x64xf32, #tpu.memory_space<vmem>>) target_semaphore(%arg15 : memref<!tpu.dma_semaphore, #tpu.memory_space<semaphore_mem>>)
    %slice3A_258 = vector.extract_strided_slice %get3A_113 {offsets = [7], sizes = [1], strides = [1]} : vector<16xi32> to vector<1xi32>
    %squeeze3A_259 = vector.extract %slice3A_258[0] : i32 from vector<1xi32>
    %shift_right_arithmetic3A_260 = arith.constant 3 : i32
    %shift_right_arithmetic3A_261 = arith.shrsi %squeeze3A_259, %shift_right_arithmetic3A_260 : i32
    %dma_start3A_262 = arith.constant 7 : i32
    %dma_start3A_263 = arith.constant 0 : i32
    %dma_start3A_264 = arith.constant 0 : i32
    %dma_start3A_265 = tpu.memref_slice %arg11[%dma_start3A_262, %dma_start3A_263, %dma_start3A_264] : memref<64x8x64xf32, #tpu.memory_space<vmem>> -> memref<1x8x64xf32, #tpu.memory_space<vmem>>
    %dma_start3A_266 = tpu.memref_squeeze %dma_start3A_265 : memref<1x8x64xf32, #tpu.memory_space<vmem>> -> memref<8x64xf32, #tpu.memory_space<vmem>>
    %dma_start3A_267 = arith.constant 0 : i32
    %dma_start3A_268 = arith.constant 0 : i32
    %dma_start3A_269 = tpu.memref_slice %arg4[%shift_right_arithmetic3A_261, %dma_start3A_267, %dma_start3A_268] : memref<12500x8x64xf32, #tpu.memory_space<hbm>> -> memref<1x8x64xf32, #tpu.memory_space<hbm>>
    %dma_start3A_270 = tpu.memref_squeeze %dma_start3A_269 : memref<1x8x64xf32, #tpu.memory_space<hbm>> -> memref<8x64xf32, #tpu.memory_space<hbm>>
    %dma_start3A_271 = arith.constant 0 : i32
    %dma_start3A_272 = arith.constant 0 : i32
    %dma_start3A_273 = tpu.memref_slice %arg11[%dma_start3A_262, %dma_start3A_271, %dma_start3A_272] : memref<64x8x64xf32, #tpu.memory_space<vmem>> -> memref<1x8x64xf32, #tpu.memory_space<vmem>>
    %dma_start3A_274 = tpu.memref_squeeze %dma_start3A_273 : memref<1x8x64xf32, #tpu.memory_space<vmem>> -> memref<8x64xf32, #tpu.memory_space<vmem>>
    %dma_start3A_275 = arith.constant 0 : i32
    %dma_start3A_276 = arith.constant 0 : i32
    %dma_start3A_277 = tpu.memref_slice %arg4[%shift_right_arithmetic3A_261, %dma_start3A_275, %dma_start3A_276] : memref<12500x8x64xf32, #tpu.memory_space<hbm>> -> memref<1x8x64xf32, #tpu.memory_space<hbm>>
    %dma_start3A_278 = tpu.memref_squeeze %dma_start3A_277 : memref<1x8x64xf32, #tpu.memory_space<hbm>> -> memref<8x64xf32, #tpu.memory_space<hbm>>
    tpu.enqueue_dma source(%dma_start3A_278 : memref<8x64xf32, #tpu.memory_space<hbm>>) target(%dma_start3A_274 : memref<8x64xf32, #tpu.memory_space<vmem>>) target_semaphore(%arg15 : memref<!tpu.dma_semaphore, #tpu.memory_space<semaphore_mem>>)
    %slice3A_279 = vector.extract_strided_slice %get3A_113 {offsets = [8], sizes = [1], strides = [1]} : vector<16xi32> to vector<1xi32>
    %squeeze3A_280 = vector.extract %slice3A_279[0] : i32 from vector<1xi32>
    %shift_right_arithmetic3A_281 = arith.constant 3 : i32
    %shift_right_arithmetic3A_282 = arith.shrsi %squeeze3A_280, %shift_right_arithmetic3A_281 : i32
    %dma_start3A_283 = arith.constant 8 : i32
    %dma_start3A_284 = arith.constant 0 : i32
    %dma_start3A_285 = arith.constant 0 : i32
    %dma_start3A_286 = tpu.memref_slice %arg11[%dma_start3A_283, %dma_start3A_284, %dma_start3A_285] : memref<64x8x64xf32, #tpu.memory_space<vmem>> -> memref<1x8x64xf32, #tpu.memory_space<vmem>>
    %dma_start3A_287 = tpu.memref_squeeze %dma_start3A_286 : memref<1x8x64xf32, #tpu.memory_space<vmem>> -> memref<8x64xf32, #tpu.memory_space<vmem>>
    %dma_start3A_288 = arith.constant 0 : i32
    %dma_start3A_289 = arith.constant 0 : i32
    %dma_start3A_290 = tpu.memref_slice %arg4[%shift_right_arithmetic3A_282, %dma_start3A_288, %dma_start3A_289] : memref<12500x8x64xf32, #tpu.memory_space<hbm>> -> memref<1x8x64xf32, #tpu.memory_space<hbm>>
    %dma_start3A_291 = tpu.memref_squeeze %dma_start3A_290 : memref<1x8x64xf32, #tpu.memory_space<hbm>> -> memref<8x64xf32, #tpu.memory_space<hbm>>
    %dma_start3A_292 = arith.constant 0 : i32
    %dma_start3A_293 = arith.constant 0 : i32
    %dma_start3A_294 = tpu.memref_slice %arg11[%dma_start3A_283, %dma_start3A_292, %dma_start3A_293] : memref<64x8x64xf32, #tpu.memory_space<vmem>> -> memref<1x8x64xf32, #tpu.memory_space<vmem>>
    %dma_start3A_295 = tpu.memref_squeeze %dma_start3A_294 : memref<1x8x64xf32, #tpu.memory_space<vmem>> -> memref<8x64xf32, #tpu.memory_space<vmem>>
    %dma_start3A_296 = arith.constant 0 : i32
    %dma_start3A_297 = arith.constant 0 : i32
    %dma_start3A_298 = tpu.memref_slice %arg4[%shift_right_arithmetic3A_282, %dma_start3A_296, %dma_start3A_297] : memref<12500x8x64xf32, #tpu.memory_space<hbm>> -> memref<1x8x64xf32, #tpu.memory_space<hbm>>
    %dma_start3A_299 = tpu.memref_squeeze %dma_start3A_298 : memref<1x8x64xf32, #tpu.memory_space<hbm>> -> memref<8x64xf32, #tpu.memory_space<hbm>>
    tpu.enqueue_dma source(%dma_start3A_299 : memref<8x64xf32, #tpu.memory_space<hbm>>) target(%dma_start3A_295 : memref<8x64xf32, #tpu.memory_space<vmem>>) target_semaphore(%arg15 : memref<!tpu.dma_semaphore, #tpu.memory_space<semaphore_mem>>)
    %slice3A_300 = vector.extract_strided_slice %get3A_113 {offsets = [9], sizes = [1], strides = [1]} : vector<16xi32> to vector<1xi32>
    %squeeze3A_301 = vector.extract %slice3A_300[0] : i32 from vector<1xi32>
    %shift_right_arithmetic3A_302 = arith.constant 3 : i32
    %shift_right_arithmetic3A_303 = arith.shrsi %squeeze3A_301, %shift_right_arithmetic3A_302 : i32
    %dma_start3A_304 = arith.constant 9 : i32
    %dma_start3A_305 = arith.constant 0 : i32
    %dma_start3A_306 = arith.constant 0 : i32
    %dma_start3A_307 = tpu.memref_slice %arg11[%dma_start3A_304, %dma_start3A_305, %dma_start3A_306] : memref<64x8x64xf32, #tpu.memory_space<vmem>> -> memref<1x8x64xf32, #tpu.memory_space<vmem>>
    %dma_start3A_308 = tpu.memref_squeeze %dma_start3A_307 : memref<1x8x64xf32, #tpu.memory_space<vmem>> -> memref<8x64xf32, #tpu.memory_space<vmem>>
    %dma_start3A_309 = arith.constant 0 : i32
    %dma_start3A_310 = arith.constant 0 : i32
    %dma_start3A_311 = tpu.memref_slice %arg4[%shift_right_arithmetic3A_303, %dma_start3A_309, %dma_start3A_310] : memref<12500x8x64xf32, #tpu.memory_space<hbm>> -> memref<1x8x64xf32, #tpu.memory_space<hbm>>
    %dma_start3A_312 = tpu.memref_squeeze %dma_start3A_311 : memref<1x8x64xf32, #tpu.memory_space<hbm>> -> memref<8x64xf32, #tpu.memory_space<hbm>>
    %dma_start3A_313 = arith.constant 0 : i32
    %dma_start3A_314 = arith.constant 0 : i32
    %dma_start3A_315 = tpu.memref_slice %arg11[%dma_start3A_304, %dma_start3A_313, %dma_start3A_314] : memref<64x8x64xf32, #tpu.memory_space<vmem>> -> memref<1x8x64xf32, #tpu.memory_space<vmem>>
    %dma_start3A_316 = tpu.memref_squeeze %dma_start3A_315 : memref<1x8x64xf32, #tpu.memory_space<vmem>> -> memref<8x64xf32, #tpu.memory_space<vmem>>
    %dma_start3A_317 = arith.constant 0 : i32
    %dma_start3A_318 = arith.constant 0 : i32
    %dma_start3A_319 = tpu.memref_slice %arg4[%shift_right_arithmetic3A_303, %dma_start3A_317, %dma_start3A_318] : memref<12500x8x64xf32, #tpu.memory_space<hbm>> -> memref<1x8x64xf32, #tpu.memory_space<hbm>>
    %dma_start3A_320 = tpu.memref_squeeze %dma_start3A_319 : memref<1x8x64xf32, #tpu.memory_space<hbm>> -> memref<8x64xf32, #tpu.memory_space<hbm>>
    tpu.enqueue_dma source(%dma_start3A_320 : memref<8x64xf32, #tpu.memory_space<hbm>>) target(%dma_start3A_316 : memref<8x64xf32, #tpu.memory_space<vmem>>) target_semaphore(%arg15 : memref<!tpu.dma_semaphore, #tpu.memory_space<semaphore_mem>>)
    %slice3A_321 = vector.extract_strided_slice %get3A_113 {offsets = [10], sizes = [1], strides = [1]} : vector<16xi32> to vector<1xi32>
    %squeeze3A_322 = vector.extract %slice3A_321[0] : i32 from vector<1xi32>
    %shift_right_arithmetic3A_323 = arith.constant 3 : i32
    %shift_right_arithmetic3A_324 = arith.shrsi %squeeze3A_322, %shift_right_arithmetic3A_323 : i32
    %dma_start3A_325 = arith.constant 10 : i32
    %dma_start3A_326 = arith.constant 0 : i32
    %dma_start3A_327 = arith.constant 0 : i32
    %dma_start3A_328 = tpu.memref_slice %arg11[%dma_start3A_325, %dma_start3A_326, %dma_start3A_327] : memref<64x8x64xf32, #tpu.memory_space<vmem>> -> memref<1x8x64xf32, #tpu.memory_space<vmem>>
    %dma_start3A_329 = tpu.memref_squeeze %dma_start3A_328 : memref<1x8x64xf32, #tpu.memory_space<vmem>> -> memref<8x64xf32, #tpu.memory_space<vmem>>
    %dma_start3A_330 = arith.constant 0 : i32
    %dma_start3A_331 = arith.constant 0 : i32
    %dma_start3A_332 = tpu.memref_slice %arg4[%shift_right_arithmetic3A_324, %dma_start3A_330, %dma_start3A_331] : memref<12500x8x64xf32, #tpu.memory_space<hbm>> -> memref<1x8x64xf32, #tpu.memory_space<hbm>>
    %dma_start3A_333 = tpu.memref_squeeze %dma_start3A_332 : memref<1x8x64xf32, #tpu.memory_space<hbm>> -> memref<8x64xf32, #tpu.memory_space<hbm>>
    %dma_start3A_334 = arith.constant 0 : i32
    %dma_start3A_335 = arith.constant 0 : i32
    %dma_start3A_336 = tpu.memref_slice %arg11[%dma_start3A_325, %dma_start3A_334, %dma_start3A_335] : memref<64x8x64xf32, #tpu.memory_space<vmem>> -> memref<1x8x64xf32, #tpu.memory_space<vmem>>
    %dma_start3A_337 = tpu.memref_squeeze %dma_start3A_336 : memref<1x8x64xf32, #tpu.memory_space<vmem>> -> memref<8x64xf32, #tpu.memory_space<vmem>>
    %dma_start3A_338 = arith.constant 0 : i32
    %dma_start3A_339 = arith.constant 0 : i32
    %dma_start3A_340 = tpu.memref_slice %arg4[%shift_right_arithmetic3A_324, %dma_start3A_338, %dma_start3A_339] : memref<12500x8x64xf32, #tpu.memory_space<hbm>> -> memref<1x8x64xf32, #tpu.memory_space<hbm>>
    %dma_start3A_341 = tpu.memref_squeeze %dma_start3A_340 : memref<1x8x64xf32, #tpu.memory_space<hbm>> -> memref<8x64xf32, #tpu.memory_space<hbm>>
    tpu.enqueue_dma source(%dma_start3A_341 : memref<8x64xf32, #tpu.memory_space<hbm>>) target(%dma_start3A_337 : memref<8x64xf32, #tpu.memory_space<vmem>>) target_semaphore(%arg15 : memref<!tpu.dma_semaphore, #tpu.memory_space<semaphore_mem>>)
    %slice3A_342 = vector.extract_strided_slice %get3A_113 {offsets = [11], sizes = [1], strides = [1]} : vector<16xi32> to vector<1xi32>
    %squeeze3A_343 = vector.extract %slice3A_342[0] : i32 from vector<1xi32>
    %shift_right_arithmetic3A_344 = arith.constant 3 : i32
    %shift_right_arithmetic3A_345 = arith.shrsi %squeeze3A_343, %shift_right_arithmetic3A_344 : i32
    %dma_start3A_346 = arith.constant 11 : i32
    %dma_start3A_347 = arith.constant 0 : i32
    %dma_start3A_348 = arith.constant 0 : i32
    %dma_start3A_349 = tpu.memref_slice %arg11[%dma_start3A_346, %dma_start3A_347, %dma_start3A_348] : memref<64x8x64xf32, #tpu.memory_space<vmem>> -> memref<1x8x64xf32, #tpu.memory_space<vmem>>
    %dma_start3A_350 = tpu.memref_squeeze %dma_start3A_349 : memref<1x8x64xf32, #tpu.memory_space<vmem>> -> memref<8x64xf32, #tpu.memory_space<vmem>>
    %dma_start3A_351 = arith.constant 0 : i32
    %dma_start3A_352 = arith.constant 0 : i32
    %dma_start3A_353 = tpu.memref_slice %arg4[%shift_right_arithmetic3A_345, %dma_start3A_351, %dma_start3A_352] : memref<12500x8x64xf32, #tpu.memory_space<hbm>> -> memref<1x8x64xf32, #tpu.memory_space<hbm>>
    %dma_start3A_354 = tpu.memref_squeeze %dma_start3A_353 : memref<1x8x64xf32, #tpu.memory_space<hbm>> -> memref<8x64xf32, #tpu.memory_space<hbm>>
    %dma_start3A_355 = arith.constant 0 : i32
    %dma_start3A_356 = arith.constant 0 : i32
    %dma_start3A_357 = tpu.memref_slice %arg11[%dma_start3A_346, %dma_start3A_355, %dma_start3A_356] : memref<64x8x64xf32, #tpu.memory_space<vmem>> -> memref<1x8x64xf32, #tpu.memory_space<vmem>>
    %dma_start3A_358 = tpu.memref_squeeze %dma_start3A_357 : memref<1x8x64xf32, #tpu.memory_space<vmem>> -> memref<8x64xf32, #tpu.memory_space<vmem>>
    %dma_start3A_359 = arith.constant 0 : i32
    %dma_start3A_360 = arith.constant 0 : i32
    %dma_start3A_361 = tpu.memref_slice %arg4[%shift_right_arithmetic3A_345, %dma_start3A_359, %dma_start3A_360] : memref<12500x8x64xf32, #tpu.memory_space<hbm>> -> memref<1x8x64xf32, #tpu.memory_space<hbm>>
    %dma_start3A_362 = tpu.memref_squeeze %dma_start3A_361 : memref<1x8x64xf32, #tpu.memory_space<hbm>> -> memref<8x64xf32, #tpu.memory_space<hbm>>
    tpu.enqueue_dma source(%dma_start3A_362 : memref<8x64xf32, #tpu.memory_space<hbm>>) target(%dma_start3A_358 : memref<8x64xf32, #tpu.memory_space<vmem>>) target_semaphore(%arg15 : memref<!tpu.dma_semaphore, #tpu.memory_space<semaphore_mem>>)
    %slice3A_363 = vector.extract_strided_slice %get3A_113 {offsets = [12], sizes = [1], strides = [1]} : vector<16xi32> to vector<1xi32>
    %squeeze3A_364 = vector.extract %slice3A_363[0] : i32 from vector<1xi32>
    %shift_right_arithmetic3A_365 = arith.constant 3 : i32
    %shift_right_arithmetic3A_366 = arith.shrsi %squeeze3A_364, %shift_right_arithmetic3A_365 : i32
    %dma_start3A_367 = arith.constant 12 : i32
    %dma_start3A_368 = arith.constant 0 : i32
    %dma_start3A_369 = arith.constant 0 : i32
    %dma_start3A_370 = tpu.memref_slice %arg11[%dma_start3A_367, %dma_start3A_368, %dma_start3A_369] : memref<64x8x64xf32, #tpu.memory_space<vmem>> -> memref<1x8x64xf32, #tpu.memory_space<vmem>>
    %dma_start3A_371 = tpu.memref_squeeze %dma_start3A_370 : memref<1x8x64xf32, #tpu.memory_space<vmem>> -> memref<8x64xf32, #tpu.memory_space<vmem>>
    %dma_start3A_372 = arith.constant 0 : i32
    %dma_start3A_373 = arith.constant 0 : i32
    %dma_start3A_374 = tpu.memref_slice %arg4[%shift_right_arithmetic3A_366, %dma_start3A_372, %dma_start3A_373] : memref<12500x8x64xf32, #tpu.memory_space<hbm>> -> memref<1x8x64xf32, #tpu.memory_space<hbm>>
    %dma_start3A_375 = tpu.memref_squeeze %dma_start3A_374 : memref<1x8x64xf32, #tpu.memory_space<hbm>> -> memref<8x64xf32, #tpu.memory_space<hbm>>
    %dma_start3A_376 = arith.constant 0 : i32
    %dma_start3A_377 = arith.constant 0 : i32
    %dma_start3A_378 = tpu.memref_slice %arg11[%dma_start3A_367, %dma_start3A_376, %dma_start3A_377] : memref<64x8x64xf32, #tpu.memory_space<vmem>> -> memref<1x8x64xf32, #tpu.memory_space<vmem>>
    %dma_start3A_379 = tpu.memref_squeeze %dma_start3A_378 : memref<1x8x64xf32, #tpu.memory_space<vmem>> -> memref<8x64xf32, #tpu.memory_space<vmem>>
    %dma_start3A_380 = arith.constant 0 : i32
    %dma_start3A_381 = arith.constant 0 : i32
    %dma_start3A_382 = tpu.memref_slice %arg4[%shift_right_arithmetic3A_366, %dma_start3A_380, %dma_start3A_381] : memref<12500x8x64xf32, #tpu.memory_space<hbm>> -> memref<1x8x64xf32, #tpu.memory_space<hbm>>
    %dma_start3A_383 = tpu.memref_squeeze %dma_start3A_382 : memref<1x8x64xf32, #tpu.memory_space<hbm>> -> memref<8x64xf32, #tpu.memory_space<hbm>>
    tpu.enqueue_dma source(%dma_start3A_383 : memref<8x64xf32, #tpu.memory_space<hbm>>) target(%dma_start3A_379 : memref<8x64xf32, #tpu.memory_space<vmem>>) target_semaphore(%arg15 : memref<!tpu.dma_semaphore, #tpu.memory_space<semaphore_mem>>)
    %slice3A_384 = vector.extract_strided_slice %get3A_113 {offsets = [13], sizes = [1], strides = [1]} : vector<16xi32> to vector<1xi32>
    %squeeze3A_385 = vector.extract %slice3A_384[0] : i32 from vector<1xi32>
    %shift_right_arithmetic3A_386 = arith.constant 3 : i32
    %shift_right_arithmetic3A_387 = arith.shrsi %squeeze3A_385, %shift_right_arithmetic3A_386 : i32
    %dma_start3A_388 = arith.constant 13 : i32
    %dma_start3A_389 = arith.constant 0 : i32
    %dma_start3A_390 = arith.constant 0 : i32
    %dma_start3A_391 = tpu.memref_slice %arg11[%dma_start3A_388, %dma_start3A_389, %dma_start3A_390] : memref<64x8x64xf32, #tpu.memory_space<vmem>> -> memref<1x8x64xf32, #tpu.memory_space<vmem>>
    %dma_start3A_392 = tpu.memref_squeeze %dma_start3A_391 : memref<1x8x64xf32, #tpu.memory_space<vmem>> -> memref<8x64xf32, #tpu.memory_space<vmem>>
    %dma_start3A_393 = arith.constant 0 : i32
    %dma_start3A_394 = arith.constant 0 : i32
    %dma_start3A_395 = tpu.memref_slice %arg4[%shift_right_arithmetic3A_387, %dma_start3A_393, %dma_start3A_394] : memref<12500x8x64xf32, #tpu.memory_space<hbm>> -> memref<1x8x64xf32, #tpu.memory_space<hbm>>
    %dma_start3A_396 = tpu.memref_squeeze %dma_start3A_395 : memref<1x8x64xf32, #tpu.memory_space<hbm>> -> memref<8x64xf32, #tpu.memory_space<hbm>>
    %dma_start3A_397 = arith.constant 0 : i32
    %dma_start3A_398 = arith.constant 0 : i32
    %dma_start3A_399 = tpu.memref_slice %arg11[%dma_start3A_388, %dma_start3A_397, %dma_start3A_398] : memref<64x8x64xf32, #tpu.memory_space<vmem>> -> memref<1x8x64xf32, #tpu.memory_space<vmem>>
    %dma_start3A_400 = tpu.memref_squeeze %dma_start3A_399 : memref<1x8x64xf32, #tpu.memory_space<vmem>> -> memref<8x64xf32, #tpu.memory_space<vmem>>
    %dma_start3A_401 = arith.constant 0 : i32
    %dma_start3A_402 = arith.constant 0 : i32
    %dma_start3A_403 = tpu.memref_slice %arg4[%shift_right_arithmetic3A_387, %dma_start3A_401, %dma_start3A_402] : memref<12500x8x64xf32, #tpu.memory_space<hbm>> -> memref<1x8x64xf32, #tpu.memory_space<hbm>>
    %dma_start3A_404 = tpu.memref_squeeze %dma_start3A_403 : memref<1x8x64xf32, #tpu.memory_space<hbm>> -> memref<8x64xf32, #tpu.memory_space<hbm>>
    tpu.enqueue_dma source(%dma_start3A_404 : memref<8x64xf32, #tpu.memory_space<hbm>>) target(%dma_start3A_400 : memref<8x64xf32, #tpu.memory_space<vmem>>) target_semaphore(%arg15 : memref<!tpu.dma_semaphore, #tpu.memory_space<semaphore_mem>>)
    %slice3A_405 = vector.extract_strided_slice %get3A_113 {offsets = [14], sizes = [1], strides = [1]} : vector<16xi32> to vector<1xi32>
    %squeeze3A_406 = vector.extract %slice3A_405[0] : i32 from vector<1xi32>
    %shift_right_arithmetic3A_407 = arith.constant 3 : i32
    %shift_right_arithmetic3A_408 = arith.shrsi %squeeze3A_406, %shift_right_arithmetic3A_407 : i32
    %dma_start3A_409 = arith.constant 14 : i32
    %dma_start3A_410 = arith.constant 0 : i32
    %dma_start3A_411 = arith.constant 0 : i32
    %dma_start3A_412 = tpu.memref_slice %arg11[%dma_start3A_409, %dma_start3A_410, %dma_start3A_411] : memref<64x8x64xf32, #tpu.memory_space<vmem>> -> memref<1x8x64xf32, #tpu.memory_space<vmem>>
    %dma_start3A_413 = tpu.memref_squeeze %dma_start3A_412 : memref<1x8x64xf32, #tpu.memory_space<vmem>> -> memref<8x64xf32, #tpu.memory_space<vmem>>
    %dma_start3A_414 = arith.constant 0 : i32
    %dma_start3A_415 = arith.constant 0 : i32
    %dma_start3A_416 = tpu.memref_slice %arg4[%shift_right_arithmetic3A_408, %dma_start3A_414, %dma_start3A_415] : memref<12500x8x64xf32, #tpu.memory_space<hbm>> -> memref<1x8x64xf32, #tpu.memory_space<hbm>>
    %dma_start3A_417 = tpu.memref_squeeze %dma_start3A_416 : memref<1x8x64xf32, #tpu.memory_space<hbm>> -> memref<8x64xf32, #tpu.memory_space<hbm>>
    %dma_start3A_418 = arith.constant 0 : i32
    %dma_start3A_419 = arith.constant 0 : i32
    %dma_start3A_420 = tpu.memref_slice %arg11[%dma_start3A_409, %dma_start3A_418, %dma_start3A_419] : memref<64x8x64xf32, #tpu.memory_space<vmem>> -> memref<1x8x64xf32, #tpu.memory_space<vmem>>
    %dma_start3A_421 = tpu.memref_squeeze %dma_start3A_420 : memref<1x8x64xf32, #tpu.memory_space<vmem>> -> memref<8x64xf32, #tpu.memory_space<vmem>>
    %dma_start3A_422 = arith.constant 0 : i32
    %dma_start3A_423 = arith.constant 0 : i32
    %dma_start3A_424 = tpu.memref_slice %arg4[%shift_right_arithmetic3A_408, %dma_start3A_422, %dma_start3A_423] : memref<12500x8x64xf32, #tpu.memory_space<hbm>> -> memref<1x8x64xf32, #tpu.memory_space<hbm>>
    %dma_start3A_425 = tpu.memref_squeeze %dma_start3A_424 : memref<1x8x64xf32, #tpu.memory_space<hbm>> -> memref<8x64xf32, #tpu.memory_space<hbm>>
    tpu.enqueue_dma source(%dma_start3A_425 : memref<8x64xf32, #tpu.memory_space<hbm>>) target(%dma_start3A_421 : memref<8x64xf32, #tpu.memory_space<vmem>>) target_semaphore(%arg15 : memref<!tpu.dma_semaphore, #tpu.memory_space<semaphore_mem>>)
    %slice3A_426 = vector.extract_strided_slice %get3A_113 {offsets = [15], sizes = [1], strides = [1]} : vector<16xi32> to vector<1xi32>
    %squeeze3A_427 = vector.extract %slice3A_426[0] : i32 from vector<1xi32>
    %shift_right_arithmetic3A_428 = arith.constant 3 : i32
    %shift_right_arithmetic3A_429 = arith.shrsi %squeeze3A_427, %shift_right_arithmetic3A_428 : i32
    %dma_start3A_430 = arith.constant 15 : i32
    %dma_start3A_431 = arith.constant 0 : i32
    %dma_start3A_432 = arith.constant 0 : i32
    %dma_start3A_433 = tpu.memref_slice %arg11[%dma_start3A_430, %dma_start3A_431, %dma_start3A_432] : memref<64x8x64xf32, #tpu.memory_space<vmem>> -> memref<1x8x64xf32, #tpu.memory_space<vmem>>
    %dma_start3A_434 = tpu.memref_squeeze %dma_start3A_433 : memref<1x8x64xf32, #tpu.memory_space<vmem>> -> memref<8x64xf32, #tpu.memory_space<vmem>>
    %dma_start3A_435 = arith.constant 0 : i32
    %dma_start3A_436 = arith.constant 0 : i32
    %dma_start3A_437 = tpu.memref_slice %arg4[%shift_right_arithmetic3A_429, %dma_start3A_435, %dma_start3A_436] : memref<12500x8x64xf32, #tpu.memory_space<hbm>> -> memref<1x8x64xf32, #tpu.memory_space<hbm>>
    %dma_start3A_438 = tpu.memref_squeeze %dma_start3A_437 : memref<1x8x64xf32, #tpu.memory_space<hbm>> -> memref<8x64xf32, #tpu.memory_space<hbm>>
    %dma_start3A_439 = arith.constant 0 : i32
    %dma_start3A_440 = arith.constant 0 : i32
    %dma_start3A_441 = tpu.memref_slice %arg11[%dma_start3A_430, %dma_start3A_439, %dma_start3A_440] : memref<64x8x64xf32, #tpu.memory_space<vmem>> -> memref<1x8x64xf32, #tpu.memory_space<vmem>>
    %dma_start3A_442 = tpu.memref_squeeze %dma_start3A_441 : memref<1x8x64xf32, #tpu.memory_space<vmem>> -> memref<8x64xf32, #tpu.memory_space<vmem>>
    %dma_start3A_443 = arith.constant 0 : i32
    %dma_start3A_444 = arith.constant 0 : i32
    %dma_start3A_445 = tpu.memref_slice %arg4[%shift_right_arithmetic3A_429, %dma_start3A_443, %dma_start3A_444] : memref<12500x8x64xf32, #tpu.memory_space<hbm>> -> memref<1x8x64xf32, #tpu.memory_space<hbm>>
    %dma_start3A_446 = tpu.memref_squeeze %dma_start3A_445 : memref<1x8x64xf32, #tpu.memory_space<hbm>> -> memref<8x64xf32, #tpu.memory_space<hbm>>
    tpu.enqueue_dma source(%dma_start3A_446 : memref<8x64xf32, #tpu.memory_space<hbm>>) target(%dma_start3A_442 : memref<8x64xf32, #tpu.memory_space<vmem>>) target_semaphore(%arg15 : memref<!tpu.dma_semaphore, #tpu.memory_space<semaphore_mem>>)
    %get3A_447 = arith.constant 0 : i32
    %get3A_448 = arith.index_cast %get3A_447 : i32 to index
    %get3A_449 = arith.constant 16 : index
    %get3A_450 = tpu.vector_load %arg9[%get3A_448, %get3A_449] {strides = array<i32>} : memref<16x32xi32, #tpu.memory_space<vmem>>, vector<16xi32>,
    %slice3A_451 = vector.extract_strided_slice %get3A_450 {offsets = [0], sizes = [1], strides = [1]} : vector<16xi32> to vector<1xi32>
    %squeeze3A_452 = vector.extract %slice3A_451[0] : i32 from vector<1xi32>
    %shift_right_arithmetic3A_453 = arith.constant 3 : i32
    %shift_right_arithmetic3A_454 = arith.shrsi %squeeze3A_452, %shift_right_arithmetic3A_453 : i32
    %dma_start3A_455 = arith.constant 16 : i32
    %dma_start3A_456 = arith.constant 0 : i32
    %dma_start3A_457 = arith.constant 0 : i32
    %dma_start3A_458 = tpu.memref_slice %arg11[%dma_start3A_455, %dma_start3A_456, %dma_start3A_457] : memref<64x8x64xf32, #tpu.memory_space<vmem>> -> memref<1x8x64xf32, #tpu.memory_space<vmem>>
    %dma_start3A_459 = tpu.memref_squeeze %dma_start3A_458 : memref<1x8x64xf32, #tpu.memory_space<vmem>> -> memref<8x64xf32, #tpu.memory_space<vmem>>
    %dma_start3A_460 = arith.constant 0 : i32
    %dma_start3A_461 = arith.constant 0 : i32
    %dma_start3A_462 = tpu.memref_slice %arg4[%shift_right_arithmetic3A_454, %dma_start3A_460, %dma_start3A_461] : memref<12500x8x64xf32, #tpu.memory_space<hbm>> -> memref<1x8x64xf32, #tpu.memory_space<hbm>>
    %dma_start3A_463 = tpu.memref_squeeze %dma_start3A_462 : memref<1x8x64xf32, #tpu.memory_space<hbm>> -> memref<8x64xf32, #tpu.memory_space<hbm>>
    %dma_start3A_464 = arith.constant 0 : i32
    %dma_start3A_465 = arith.constant 0 : i32
    %dma_start3A_466 = tpu.memref_slice %arg11[%dma_start3A_455, %dma_start3A_464, %dma_start3A_465] : memref<64x8x64xf32, #tpu.memory_space<vmem>> -> memref<1x8x64xf32, #tpu.memory_space<vmem>>
    %dma_start3A_467 = tpu.memref_squeeze %dma_start3A_466 : memref<1x8x64xf32, #tpu.memory_space<vmem>> -> memref<8x64xf32, #tpu.memory_space<vmem>>
    %dma_start3A_468 = arith.constant 0 : i32
    %dma_start3A_469 = arith.constant 0 : i32
    %dma_start3A_470 = tpu.memref_slice %arg4[%shift_right_arithmetic3A_454, %dma_start3A_468, %dma_start3A_469] : memref<12500x8x64xf32, #tpu.memory_space<hbm>> -> memref<1x8x64xf32, #tpu.memory_space<hbm>>
    %dma_start3A_471 = tpu.memref_squeeze %dma_start3A_470 : memref<1x8x64xf32, #tpu.memory_space<hbm>> -> memref<8x64xf32, #tpu.memory_space<hbm>>
    tpu.enqueue_dma source(%dma_start3A_471 : memref<8x64xf32, #tpu.memory_space<hbm>>) target(%dma_start3A_467 : memref<8x64xf32, #tpu.memory_space<vmem>>) target_semaphore(%arg15 : memref<!tpu.dma_semaphore, #tpu.memory_space<semaphore_mem>>)
    %slice3A_472 = vector.extract_strided_slice %get3A_450 {offsets = [1], sizes = [1], strides = [1]} : vector<16xi32> to vector<1xi32>
    %squeeze3A_473 = vector.extract %slice3A_472[0] : i32 from vector<1xi32>
    %shift_right_arithmetic3A_474 = arith.constant 3 : i32
    %shift_right_arithmetic3A_475 = arith.shrsi %squeeze3A_473, %shift_right_arithmetic3A_474 : i32
    %dma_start3A_476 = arith.constant 17 : i32
    %dma_start3A_477 = arith.constant 0 : i32
    %dma_start3A_478 = arith.constant 0 : i32
    %dma_start3A_479 = tpu.memref_slice %arg11[%dma_start3A_476, %dma_start3A_477, %dma_start3A_478] : memref<64x8x64xf32, #tpu.memory_space<vmem>> -> memref<1x8x64xf32, #tpu.memory_space<vmem>>
    %dma_start3A_480 = tpu.memref_squeeze %dma_start3A_479 : memref<1x8x64xf32, #tpu.memory_space<vmem>> -> memref<8x64xf32, #tpu.memory_space<vmem>>
    %dma_start3A_481 = arith.constant 0 : i32
    %dma_start3A_482 = arith.constant 0 : i32
    %dma_start3A_483 = tpu.memref_slice %arg4[%shift_right_arithmetic3A_475, %dma_start3A_481, %dma_start3A_482] : memref<12500x8x64xf32, #tpu.memory_space<hbm>> -> memref<1x8x64xf32, #tpu.memory_space<hbm>>
    %dma_start3A_484 = tpu.memref_squeeze %dma_start3A_483 : memref<1x8x64xf32, #tpu.memory_space<hbm>> -> memref<8x64xf32, #tpu.memory_space<hbm>>
    %dma_start3A_485 = arith.constant 0 : i32
    %dma_start3A_486 = arith.constant 0 : i32
    %dma_start3A_487 = tpu.memref_slice %arg11[%dma_start3A_476, %dma_start3A_485, %dma_start3A_486] : memref<64x8x64xf32, #tpu.memory_space<vmem>> -> memref<1x8x64xf32, #tpu.memory_space<vmem>>
    %dma_start3A_488 = tpu.memref_squeeze %dma_start3A_487 : memref<1x8x64xf32, #tpu.memory_space<vmem>> -> memref<8x64xf32, #tpu.memory_space<vmem>>
    %dma_start3A_489 = arith.constant 0 : i32
    %dma_start3A_490 = arith.constant 0 : i32
    %dma_start3A_491 = tpu.memref_slice %arg4[%shift_right_arithmetic3A_475, %dma_start3A_489, %dma_start3A_490] : memref<12500x8x64xf32, #tpu.memory_space<hbm>> -> memref<1x8x64xf32, #tpu.memory_space<hbm>>
    %dma_start3A_492 = tpu.memref_squeeze %dma_start3A_491 : memref<1x8x64xf32, #tpu.memory_space<hbm>> -> memref<8x64xf32, #tpu.memory_space<hbm>>
    tpu.enqueue_dma source(%dma_start3A_492 : memref<8x64xf32, #tpu.memory_space<hbm>>) target(%dma_start3A_488 : memref<8x64xf32, #tpu.memory_space<vmem>>) target_semaphore(%arg15 : memref<!tpu.dma_semaphore, #tpu.memory_space<semaphore_mem>>)
    %slice3A_493 = vector.extract_strided_slice %get3A_450 {offsets = [2], sizes = [1], strides = [1]} : vector<16xi32> to vector<1xi32>
    %squeeze3A_494 = vector.extract %slice3A_493[0] : i32 from vector<1xi32>
    %shift_right_arithmetic3A_495 = arith.constant 3 : i32
    %shift_right_arithmetic3A_496 = arith.shrsi %squeeze3A_494, %shift_right_arithmetic3A_495 : i32
    %dma_start3A_497 = arith.constant 18 : i32
    %dma_start3A_498 = arith.constant 0 : i32
    %dma_start3A_499 = arith.constant 0 : i32
    %dma_start3A_500 = tpu.memref_slice %arg11[%dma_start3A_497, %dma_start3A_498, %dma_start3A_499] : memref<64x8x64xf32, #tpu.memory_space<vmem>> -> memref<1x8x64xf32, #tpu.memory_space<vmem>>
    %dma_start3A_501 = tpu.memref_squeeze %dma_start3A_500 : memref<1x8x64xf32, #tpu.memory_space<vmem>> -> memref<8x64xf32, #tpu.memory_space<vmem>>
    %dma_start3A_502 = arith.constant 0 : i32
    %dma_start3A_503 = arith.constant 0 : i32
    %dma_start3A_504 = tpu.memref_slice %arg4[%shift_right_arithmetic3A_496, %dma_start3A_502, %dma_start3A_503] : memref<12500x8x64xf32, #tpu.memory_space<hbm>> -> memref<1x8x64xf32, #tpu.memory_space<hbm>>
    %dma_start3A_505 = tpu.memref_squeeze %dma_start3A_504 : memref<1x8x64xf32, #tpu.memory_space<hbm>> -> memref<8x64xf32, #tpu.memory_space<hbm>>
    %dma_start3A_506 = arith.constant 0 : i32
    %dma_start3A_507 = arith.constant 0 : i32
    %dma_start3A_508 = tpu.memref_slice %arg11[%dma_start3A_497, %dma_start3A_506, %dma_start3A_507] : memref<64x8x64xf32, #tpu.memory_space<vmem>> -> memref<1x8x64xf32, #tpu.memory_space<vmem>>
    %dma_start3A_509 = tpu.memref_squeeze %dma_start3A_508 : memref<1x8x64xf32, #tpu.memory_space<vmem>> -> memref<8x64xf32, #tpu.memory_space<vmem>>
    %dma_start3A_510 = arith.constant 0 : i32
    %dma_start3A_511 = arith.constant 0 : i32
    %dma_start3A_512 = tpu.memref_slice %arg4[%shift_right_arithmetic3A_496, %dma_start3A_510, %dma_start3A_511] : memref<12500x8x64xf32, #tpu.memory_space<hbm>> -> memref<1x8x64xf32, #tpu.memory_space<hbm>>
    %dma_start3A_513 = tpu.memref_squeeze %dma_start3A_512 : memref<1x8x64xf32, #tpu.memory_space<hbm>> -> memref<8x64xf32, #tpu.memory_space<hbm>>
    tpu.enqueue_dma source(%dma_start3A_513 : memref<8x64xf32, #tpu.memory_space<hbm>>) target(%dma_start3A_509 : memref<8x64xf32, #tpu.memory_space<vmem>>) target_semaphore(%arg15 : memref<!tpu.dma_semaphore, #tpu.memory_space<semaphore_mem>>)
    %slice3A_514 = vector.extract_strided_slice %get3A_450 {offsets = [3], sizes = [1], strides = [1]} : vector<16xi32> to vector<1xi32>
    %squeeze3A_515 = vector.extract %slice3A_514[0] : i32 from vector<1xi32>
    %shift_right_arithmetic3A_516 = arith.constant 3 : i32
    %shift_right_arithmetic3A_517 = arith.shrsi %squeeze3A_515, %shift_right_arithmetic3A_516 : i32
    %dma_start3A_518 = arith.constant 19 : i32
    %dma_start3A_519 = arith.constant 0 : i32
    %dma_start3A_520 = arith.constant 0 : i32
    %dma_start3A_521 = tpu.memref_slice %arg11[%dma_start3A_518, %dma_start3A_519, %dma_start3A_520] : memref<64x8x64xf32, #tpu.memory_space<vmem>> -> memref<1x8x64xf32, #tpu.memory_space<vmem>>
    %dma_start3A_522 = tpu.memref_squeeze %dma_start3A_521 : memref<1x8x64xf32, #tpu.memory_space<vmem>> -> memref<8x64xf32, #tpu.memory_space<vmem>>
    %dma_start3A_523 = arith.constant 0 : i32
    %dma_start3A_524 = arith.constant 0 : i32
    %dma_start3A_525 = tpu.memref_slice %arg4[%shift_right_arithmetic3A_517, %dma_start3A_523, %dma_start3A_524] : memref<12500x8x64xf32, #tpu.memory_space<hbm>> -> memref<1x8x64xf32, #tpu.memory_space<hbm>>
    %dma_start3A_526 = tpu.memref_squeeze %dma_start3A_525 : memref<1x8x64xf32, #tpu.memory_space<hbm>> -> memref<8x64xf32, #tpu.memory_space<hbm>>
    %dma_start3A_527 = arith.constant 0 : i32
    %dma_start3A_528 = arith.constant 0 : i32
    %dma_start3A_529 = tpu.memref_slice %arg11[%dma_start3A_518, %dma_start3A_527, %dma_start3A_528] : memref<64x8x64xf32, #tpu.memory_space<vmem>> -> memref<1x8x64xf32, #tpu.memory_space<vmem>>
    %dma_start3A_530 = tpu.memref_squeeze %dma_start3A_529 : memref<1x8x64xf32, #tpu.memory_space<vmem>> -> memref<8x64xf32, #tpu.memory_space<vmem>>
    %dma_start3A_531 = arith.constant 0 : i32
    %dma_start3A_532 = arith.constant 0 : i32
    %dma_start3A_533 = tpu.memref_slice %arg4[%shift_right_arithmetic3A_517, %dma_start3A_531, %dma_start3A_532] : memref<12500x8x64xf32, #tpu.memory_space<hbm>> -> memref<1x8x64xf32, #tpu.memory_space<hbm>>
    %dma_start3A_534 = tpu.memref_squeeze %dma_start3A_533 : memref<1x8x64xf32, #tpu.memory_space<hbm>> -> memref<8x64xf32, #tpu.memory_space<hbm>>
    tpu.enqueue_dma source(%dma_start3A_534 : memref<8x64xf32, #tpu.memory_space<hbm>>) target(%dma_start3A_530 : memref<8x64xf32, #tpu.memory_space<vmem>>) target_semaphore(%arg15 : memref<!tpu.dma_semaphore, #tpu.memory_space<semaphore_mem>>)
    %slice3A_535 = vector.extract_strided_slice %get3A_450 {offsets = [4], sizes = [1], strides = [1]} : vector<16xi32> to vector<1xi32>
    %squeeze3A_536 = vector.extract %slice3A_535[0] : i32 from vector<1xi32>
    %shift_right_arithmetic3A_537 = arith.constant 3 : i32
    %shift_right_arithmetic3A_538 = arith.shrsi %squeeze3A_536, %shift_right_arithmetic3A_537 : i32
    %dma_start3A_539 = arith.constant 20 : i32
    %dma_start3A_540 = arith.constant 0 : i32
    %dma_start3A_541 = arith.constant 0 : i32
    %dma_start3A_542 = tpu.memref_slice %arg11[%dma_start3A_539, %dma_start3A_540, %dma_start3A_541] : memref<64x8x64xf32, #tpu.memory_space<vmem>> -> memref<1x8x64xf32, #tpu.memory_space<vmem>>
    %dma_start3A_543 = tpu.memref_squeeze %dma_start3A_542 : memref<1x8x64xf32, #tpu.memory_space<vmem>> -> memref<8x64xf32, #tpu.memory_space<vmem>>
    %dma_start3A_544 = arith.constant 0 : i32
    %dma_start3A_545 = arith.constant 0 : i32
    %dma_start3A_546 = tpu.memref_slice %arg4[%shift_right_arithmetic3A_538, %dma_start3A_544, %dma_start3A_545] : memref<12500x8x64xf32, #tpu.memory_space<hbm>> -> memref<1x8x64xf32, #tpu.memory_space<hbm>>
    %dma_start3A_547 = tpu.memref_squeeze %dma_start3A_546 : memref<1x8x64xf32, #tpu.memory_space<hbm>> -> memref<8x64xf32, #tpu.memory_space<hbm>>
    %dma_start3A_548 = arith.constant 0 : i32
    %dma_start3A_549 = arith.constant 0 : i32
    %dma_start3A_550 = tpu.memref_slice %arg11[%dma_start3A_539, %dma_start3A_548, %dma_start3A_549] : memref<64x8x64xf32, #tpu.memory_space<vmem>> -> memref<1x8x64xf32, #tpu.memory_space<vmem>>
    %dma_start3A_551 = tpu.memref_squeeze %dma_start3A_550 : memref<1x8x64xf32, #tpu.memory_space<vmem>> -> memref<8x64xf32, #tpu.memory_space<vmem>>
    %dma_start3A_552 = arith.constant 0 : i32
    %dma_start3A_553 = arith.constant 0 : i32
    %dma_start3A_554 = tpu.memref_slice %arg4[%shift_right_arithmetic3A_538, %dma_start3A_552, %dma_start3A_553] : memref<12500x8x64xf32, #tpu.memory_space<hbm>> -> memref<1x8x64xf32, #tpu.memory_space<hbm>>
    %dma_start3A_555 = tpu.memref_squeeze %dma_start3A_554 : memref<1x8x64xf32, #tpu.memory_space<hbm>> -> memref<8x64xf32, #tpu.memory_space<hbm>>
    tpu.enqueue_dma source(%dma_start3A_555 : memref<8x64xf32, #tpu.memory_space<hbm>>) target(%dma_start3A_551 : memref<8x64xf32, #tpu.memory_space<vmem>>) target_semaphore(%arg15 : memref<!tpu.dma_semaphore, #tpu.memory_space<semaphore_mem>>)
    %slice3A_556 = vector.extract_strided_slice %get3A_450 {offsets = [5], sizes = [1], strides = [1]} : vector<16xi32> to vector<1xi32>
    %squeeze3A_557 = vector.extract %slice3A_556[0] : i32 from vector<1xi32>
    %shift_right_arithmetic3A_558 = arith.constant 3 : i32
    %shift_right_arithmetic3A_559 = arith.shrsi %squeeze3A_557, %shift_right_arithmetic3A_558 : i32
    %dma_start3A_560 = arith.constant 21 : i32
    %dma_start3A_561 = arith.constant 0 : i32
    %dma_start3A_562 = arith.constant 0 : i32
    %dma_start3A_563 = tpu.memref_slice %arg11[%dma_start3A_560, %dma_start3A_561, %dma_start3A_562] : memref<64x8x64xf32, #tpu.memory_space<vmem>> -> memref<1x8x64xf32, #tpu.memory_space<vmem>>
    %dma_start3A_564 = tpu.memref_squeeze %dma_start3A_563 : memref<1x8x64xf32, #tpu.memory_space<vmem>> -> memref<8x64xf32, #tpu.memory_space<vmem>>
    %dma_start3A_565 = arith.constant 0 : i32
    %dma_start3A_566 = arith.constant 0 : i32
    %dma_start3A_567 = tpu.memref_slice %arg4[%shift_right_arithmetic3A_559, %dma_start3A_565, %dma_start3A_566] : memref<12500x8x64xf32, #tpu.memory_space<hbm>> -> memref<1x8x64xf32, #tpu.memory_space<hbm>>
    %dma_start3A_568 = tpu.memref_squeeze %dma_start3A_567 : memref<1x8x64xf32, #tpu.memory_space<hbm>> -> memref<8x64xf32, #tpu.memory_space<hbm>>
    %dma_start3A_569 = arith.constant 0 : i32
    %dma_start3A_570 = arith.constant 0 : i32
    %dma_start3A_571 = tpu.memref_slice %arg11[%dma_start3A_560, %dma_start3A_569, %dma_start3A_570] : memref<64x8x64xf32, #tpu.memory_space<vmem>> -> memref<1x8x64xf32, #tpu.memory_space<vmem>>
    %dma_start3A_572 = tpu.memref_squeeze %dma_start3A_571 : memref<1x8x64xf32, #tpu.memory_space<vmem>> -> memref<8x64xf32, #tpu.memory_space<vmem>>
    %dma_start3A_573 = arith.constant 0 : i32
    %dma_start3A_574 = arith.constant 0 : i32
    %dma_start3A_575 = tpu.memref_slice %arg4[%shift_right_arithmetic3A_559, %dma_start3A_573, %dma_start3A_574] : memref<12500x8x64xf32, #tpu.memory_space<hbm>> -> memref<1x8x64xf32, #tpu.memory_space<hbm>>
    %dma_start3A_576 = tpu.memref_squeeze %dma_start3A_575 : memref<1x8x64xf32, #tpu.memory_space<hbm>> -> memref<8x64xf32, #tpu.memory_space<hbm>>
    tpu.enqueue_dma source(%dma_start3A_576 : memref<8x64xf32, #tpu.memory_space<hbm>>) target(%dma_start3A_572 : memref<8x64xf32, #tpu.memory_space<vmem>>) target_semaphore(%arg15 : memref<!tpu.dma_semaphore, #tpu.memory_space<semaphore_mem>>)
    %slice3A_577 = vector.extract_strided_slice %get3A_450 {offsets = [6], sizes = [1], strides = [1]} : vector<16xi32> to vector<1xi32>
    %squeeze3A_578 = vector.extract %slice3A_577[0] : i32 from vector<1xi32>
    %shift_right_arithmetic3A_579 = arith.constant 3 : i32
    %shift_right_arithmetic3A_580 = arith.shrsi %squeeze3A_578, %shift_right_arithmetic3A_579 : i32
    %dma_start3A_581 = arith.constant 22 : i32
    %dma_start3A_582 = arith.constant 0 : i32
    %dma_start3A_583 = arith.constant 0 : i32
    %dma_start3A_584 = tpu.memref_slice %arg11[%dma_start3A_581, %dma_start3A_582, %dma_start3A_583] : memref<64x8x64xf32, #tpu.memory_space<vmem>> -> memref<1x8x64xf32, #tpu.memory_space<vmem>>
    %dma_start3A_585 = tpu.memref_squeeze %dma_start3A_584 : memref<1x8x64xf32, #tpu.memory_space<vmem>> -> memref<8x64xf32, #tpu.memory_space<vmem>>
    %dma_start3A_586 = arith.constant 0 : i32
    %dma_start3A_587 = arith.constant 0 : i32
    %dma_start3A_588 = tpu.memref_slice %arg4[%shift_right_arithmetic3A_580, %dma_start3A_586, %dma_start3A_587] : memref<12500x8x64xf32, #tpu.memory_space<hbm>> -> memref<1x8x64xf32, #tpu.memory_space<hbm>>
    %dma_start3A_589 = tpu.memref_squeeze %dma_start3A_588 : memref<1x8x64xf32, #tpu.memory_space<hbm>> -> memref<8x64xf32, #tpu.memory_space<hbm>>
    %dma_start3A_590 = arith.constant 0 : i32
    %dma_start3A_591 = arith.constant 0 : i32
    %dma_start3A_592 = tpu.memref_slice %arg11[%dma_start3A_581, %dma_start3A_590, %dma_start3A_591] : memref<64x8x64xf32, #tpu.memory_space<vmem>> -> memref<1x8x64xf32, #tpu.memory_space<vmem>>
    %dma_start3A_593 = tpu.memref_squeeze %dma_start3A_592 : memref<1x8x64xf32, #tpu.memory_space<vmem>> -> memref<8x64xf32, #tpu.memory_space<vmem>>
    %dma_start3A_594 = arith.constant 0 : i32
    %dma_start3A_595 = arith.constant 0 : i32
    %dma_start3A_596 = tpu.memref_slice %arg4[%shift_right_arithmetic3A_580, %dma_start3A_594, %dma_start3A_595] : memref<12500x8x64xf32, #tpu.memory_space<hbm>> -> memref<1x8x64xf32, #tpu.memory_space<hbm>>
    %dma_start3A_597 = tpu.memref_squeeze %dma_start3A_596 : memref<1x8x64xf32, #tpu.memory_space<hbm>> -> memref<8x64xf32, #tpu.memory_space<hbm>>
    tpu.enqueue_dma source(%dma_start3A_597 : memref<8x64xf32, #tpu.memory_space<hbm>>) target(%dma_start3A_593 : memref<8x64xf32, #tpu.memory_space<vmem>>) target_semaphore(%arg15 : memref<!tpu.dma_semaphore, #tpu.memory_space<semaphore_mem>>)
    %slice3A_598 = vector.extract_strided_slice %get3A_450 {offsets = [7], sizes = [1], strides = [1]} : vector<16xi32> to vector<1xi32>
    %squeeze3A_599 = vector.extract %slice3A_598[0] : i32 from vector<1xi32>
    %shift_right_arithmetic3A_600 = arith.constant 3 : i32
    %shift_right_arithmetic3A_601 = arith.shrsi %squeeze3A_599, %shift_right_arithmetic3A_600 : i32
    %dma_start3A_602 = arith.constant 23 : i32
    %dma_start3A_603 = arith.constant 0 : i32
    %dma_start3A_604 = arith.constant 0 : i32
    %dma_start3A_605 = tpu.memref_slice %arg11[%dma_start3A_602, %dma_start3A_603, %dma_start3A_604] : memref<64x8x64xf32, #tpu.memory_space<vmem>> -> memref<1x8x64xf32, #tpu.memory_space<vmem>>
    %dma_start3A_606 = tpu.memref_squeeze %dma_start3A_605 : memref<1x8x64xf32, #tpu.memory_space<vmem>> -> memref<8x64xf32, #tpu.memory_space<vmem>>
    %dma_start3A_607 = arith.constant 0 : i32
    %dma_start3A_608 = arith.constant 0 : i32
    %dma_start3A_609 = tpu.memref_slice %arg4[%shift_right_arithmetic3A_601, %dma_start3A_607, %dma_start3A_608] : memref<12500x8x64xf32, #tpu.memory_space<hbm>> -> memref<1x8x64xf32, #tpu.memory_space<hbm>>
    %dma_start3A_610 = tpu.memref_squeeze %dma_start3A_609 : memref<1x8x64xf32, #tpu.memory_space<hbm>> -> memref<8x64xf32, #tpu.memory_space<hbm>>
    %dma_start3A_611 = arith.constant 0 : i32
    %dma_start3A_612 = arith.constant 0 : i32
    %dma_start3A_613 = tpu.memref_slice %arg11[%dma_start3A_602, %dma_start3A_611, %dma_start3A_612] : memref<64x8x64xf32, #tpu.memory_space<vmem>> -> memref<1x8x64xf32, #tpu.memory_space<vmem>>
    %dma_start3A_614 = tpu.memref_squeeze %dma_start3A_613 : memref<1x8x64xf32, #tpu.memory_space<vmem>> -> memref<8x64xf32, #tpu.memory_space<vmem>>
    %dma_start3A_615 = arith.constant 0 : i32
    %dma_start3A_616 = arith.constant 0 : i32
    %dma_start3A_617 = tpu.memref_slice %arg4[%shift_right_arithmetic3A_601, %dma_start3A_615, %dma_start3A_616] : memref<12500x8x64xf32, #tpu.memory_space<hbm>> -> memref<1x8x64xf32, #tpu.memory_space<hbm>>
    %dma_start3A_618 = tpu.memref_squeeze %dma_start3A_617 : memref<1x8x64xf32, #tpu.memory_space<hbm>> -> memref<8x64xf32, #tpu.memory_space<hbm>>
    tpu.enqueue_dma source(%dma_start3A_618 : memref<8x64xf32, #tpu.memory_space<hbm>>) target(%dma_start3A_614 : memref<8x64xf32, #tpu.memory_space<vmem>>) target_semaphore(%arg15 : memref<!tpu.dma_semaphore, #tpu.memory_space<semaphore_mem>>)
    %slice3A_619 = vector.extract_strided_slice %get3A_450 {offsets = [8], sizes = [1], strides = [1]} : vector<16xi32> to vector<1xi32>
    %squeeze3A_620 = vector.extract %slice3A_619[0] : i32 from vector<1xi32>
    %shift_right_arithmetic3A_621 = arith.constant 3 : i32
    %shift_right_arithmetic3A_622 = arith.shrsi %squeeze3A_620, %shift_right_arithmetic3A_621 : i32
    %dma_start3A_623 = arith.constant 24 : i32
    %dma_start3A_624 = arith.constant 0 : i32
    %dma_start3A_625 = arith.constant 0 : i32
    %dma_start3A_626 = tpu.memref_slice %arg11[%dma_start3A_623, %dma_start3A_624, %dma_start3A_625] : memref<64x8x64xf32, #tpu.memory_space<vmem>> -> memref<1x8x64xf32, #tpu.memory_space<vmem>>
    %dma_start3A_627 = tpu.memref_squeeze %dma_start3A_626 : memref<1x8x64xf32, #tpu.memory_space<vmem>> -> memref<8x64xf32, #tpu.memory_space<vmem>>
    %dma_start3A_628 = arith.constant 0 : i32
    %dma_start3A_629 = arith.constant 0 : i32
    %dma_start3A_630 = tpu.memref_slice %arg4[%shift_right_arithmetic3A_622, %dma_start3A_628, %dma_start3A_629] : memref<12500x8x64xf32, #tpu.memory_space<hbm>> -> memref<1x8x64xf32, #tpu.memory_space<hbm>>
    %dma_start3A_631 = tpu.memref_squeeze %dma_start3A_630 : memref<1x8x64xf32, #tpu.memory_space<hbm>> -> memref<8x64xf32, #tpu.memory_space<hbm>>
    %dma_start3A_632 = arith.constant 0 : i32
    %dma_start3A_633 = arith.constant 0 : i32
    %dma_start3A_634 = tpu.memref_slice %arg11[%dma_start3A_623, %dma_start3A_632, %dma_start3A_633] : memref<64x8x64xf32, #tpu.memory_space<vmem>> -> memref<1x8x64xf32, #tpu.memory_space<vmem>>
    %dma_start3A_635 = tpu.memref_squeeze %dma_start3A_634 : memref<1x8x64xf32, #tpu.memory_space<vmem>> -> memref<8x64xf32, #tpu.memory_space<vmem>>
    %dma_start3A_636 = arith.constant 0 : i32
    %dma_start3A_637 = arith.constant 0 : i32
    %dma_start3A_638 = tpu.memref_slice %arg4[%shift_right_arithmetic3A_622, %dma_start3A_636, %dma_start3A_637] : memref<12500x8x64xf32, #tpu.memory_space<hbm>> -> memref<1x8x64xf32, #tpu.memory_space<hbm>>
    %dma_start3A_639 = tpu.memref_squeeze %dma_start3A_638 : memref<1x8x64xf32, #tpu.memory_space<hbm>> -> memref<8x64xf32, #tpu.memory_space<hbm>>
    tpu.enqueue_dma source(%dma_start3A_639 : memref<8x64xf32, #tpu.memory_space<hbm>>) target(%dma_start3A_635 : memref<8x64xf32, #tpu.memory_space<vmem>>) target_semaphore(%arg15 : memref<!tpu.dma_semaphore, #tpu.memory_space<semaphore_mem>>)
    %slice3A_640 = vector.extract_strided_slice %get3A_450 {offsets = [9], sizes = [1], strides = [1]} : vector<16xi32> to vector<1xi32>
    %squeeze3A_641 = vector.extract %slice3A_640[0] : i32 from vector<1xi32>
    %shift_right_arithmetic3A_642 = arith.constant 3 : i32
    %shift_right_arithmetic3A_643 = arith.shrsi %squeeze3A_641, %shift_right_arithmetic3A_642 : i32
    %dma_start3A_644 = arith.constant 25 : i32
    %dma_start3A_645 = arith.constant 0 : i32
    %dma_start3A_646 = arith.constant 0 : i32
    %dma_start3A_647 = tpu.memref_slice %arg11[%dma_start3A_644, %dma_start3A_645, %dma_start3A_646] : memref<64x8x64xf32, #tpu.memory_space<vmem>> -> memref<1x8x64xf32, #tpu.memory_space<vmem>>
    %dma_start3A_648 = tpu.memref_squeeze %dma_start3A_647 : memref<1x8x64xf32, #tpu.memory_space<vmem>> -> memref<8x64xf32, #tpu.memory_space<vmem>>
    %dma_start3A_649 = arith.constant 0 : i32
    %dma_start3A_650 = arith.constant 0 : i32
    %dma_start3A_651 = tpu.memref_slice %arg4[%shift_right_arithmetic3A_643, %dma_start3A_649, %dma_start3A_650] : memref<12500x8x64xf32, #tpu.memory_space<hbm>> -> memref<1x8x64xf32, #tpu.memory_space<hbm>>
    %dma_start3A_652 = tpu.memref_squeeze %dma_start3A_651 : memref<1x8x64xf32, #tpu.memory_space<hbm>> -> memref<8x64xf32, #tpu.memory_space<hbm>>
    %dma_start3A_653 = arith.constant 0 : i32
    %dma_start3A_654 = arith.constant 0 : i32
    %dma_start3A_655 = tpu.memref_slice %arg11[%dma_start3A_644, %dma_start3A_653, %dma_start3A_654] : memref<64x8x64xf32, #tpu.memory_space<vmem>> -> memref<1x8x64xf32, #tpu.memory_space<vmem>>
    %dma_start3A_656 = tpu.memref_squeeze %dma_start3A_655 : memref<1x8x64xf32, #tpu.memory_space<vmem>> -> memref<8x64xf32, #tpu.memory_space<vmem>>
    %dma_start3A_657 = arith.constant 0 : i32
    %dma_start3A_658 = arith.constant 0 : i32
    %dma_start3A_659 = tpu.memref_slice %arg4[%shift_right_arithmetic3A_643, %dma_start3A_657, %dma_start3A_658] : memref<12500x8x64xf32, #tpu.memory_space<hbm>> -> memref<1x8x64xf32, #tpu.memory_space<hbm>>
    %dma_start3A_660 = tpu.memref_squeeze %dma_start3A_659 : memref<1x8x64xf32, #tpu.memory_space<hbm>> -> memref<8x64xf32, #tpu.memory_space<hbm>>
    tpu.enqueue_dma source(%dma_start3A_660 : memref<8x64xf32, #tpu.memory_space<hbm>>) target(%dma_start3A_656 : memref<8x64xf32, #tpu.memory_space<vmem>>) target_semaphore(%arg15 : memref<!tpu.dma_semaphore, #tpu.memory_space<semaphore_mem>>)
    %slice3A_661 = vector.extract_strided_slice %get3A_450 {offsets = [10], sizes = [1], strides = [1]} : vector<16xi32> to vector<1xi32>
    %squeeze3A_662 = vector.extract %slice3A_661[0] : i32 from vector<1xi32>
    %shift_right_arithmetic3A_663 = arith.constant 3 : i32
    %shift_right_arithmetic3A_664 = arith.shrsi %squeeze3A_662, %shift_right_arithmetic3A_663 : i32
    %dma_start3A_665 = arith.constant 26 : i32
    %dma_start3A_666 = arith.constant 0 : i32
    %dma_start3A_667 = arith.constant 0 : i32
    %dma_start3A_668 = tpu.memref_slice %arg11[%dma_start3A_665, %dma_start3A_666, %dma_start3A_667] : memref<64x8x64xf32, #tpu.memory_space<vmem>> -> memref<1x8x64xf32, #tpu.memory_space<vmem>>
    %dma_start3A_669 = tpu.memref_squeeze %dma_start3A_668 : memref<1x8x64xf32, #tpu.memory_space<vmem>> -> memref<8x64xf32, #tpu.memory_space<vmem>>
    %dma_start3A_670 = arith.constant 0 : i32
    %dma_start3A_671 = arith.constant 0 : i32
    %dma_start3A_672 = tpu.memref_slice %arg4[%shift_right_arithmetic3A_664, %dma_start3A_670, %dma_start3A_671] : memref<12500x8x64xf32, #tpu.memory_space<hbm>> -> memref<1x8x64xf32, #tpu.memory_space<hbm>>
    %dma_start3A_673 = tpu.memref_squeeze %dma_start3A_672 : memref<1x8x64xf32, #tpu.memory_space<hbm>> -> memref<8x64xf32, #tpu.memory_space<hbm>>
    %dma_start3A_674 = arith.constant 0 : i32
    %dma_start3A_675 = arith.constant 0 : i32
    %dma_start3A_676 = tpu.memref_slice %arg11[%dma_start3A_665, %dma_start3A_674, %dma_start3A_675] : memref<64x8x64xf32, #tpu.memory_space<vmem>> -> memref<1x8x64xf32, #tpu.memory_space<vmem>>
    %dma_start3A_677 = tpu.memref_squeeze %dma_start3A_676 : memref<1x8x64xf32, #tpu.memory_space<vmem>> -> memref<8x64xf32, #tpu.memory_space<vmem>>
    %dma_start3A_678 = arith.constant 0 : i32
    %dma_start3A_679 = arith.constant 0 : i32
    %dma_start3A_680 = tpu.memref_slice %arg4[%shift_right_arithmetic3A_664, %dma_start3A_678, %dma_start3A_679] : memref<12500x8x64xf32, #tpu.memory_space<hbm>> -> memref<1x8x64xf32, #tpu.memory_space<hbm>>
    %dma_start3A_681 = tpu.memref_squeeze %dma_start3A_680 : memref<1x8x64xf32, #tpu.memory_space<hbm>> -> memref<8x64xf32, #tpu.memory_space<hbm>>
    tpu.enqueue_dma source(%dma_start3A_681 : memref<8x64xf32, #tpu.memory_space<hbm>>) target(%dma_start3A_677 : memref<8x64xf32, #tpu.memory_space<vmem>>) target_semaphore(%arg15 : memref<!tpu.dma_semaphore, #tpu.memory_space<semaphore_mem>>)
    %slice3A_682 = vector.extract_strided_slice %get3A_450 {offsets = [11], sizes = [1], strides = [1]} : vector<16xi32> to vector<1xi32>
    %squeeze3A_683 = vector.extract %slice3A_682[0] : i32 from vector<1xi32>
    %shift_right_arithmetic3A_684 = arith.constant 3 : i32
    %shift_right_arithmetic3A_685 = arith.shrsi %squeeze3A_683, %shift_right_arithmetic3A_684 : i32
    %dma_start3A_686 = arith.constant 27 : i32
    %dma_start3A_687 = arith.constant 0 : i32
    %dma_start3A_688 = arith.constant 0 : i32
    %dma_start3A_689 = tpu.memref_slice %arg11[%dma_start3A_686, %dma_start3A_687, %dma_start3A_688] : memref<64x8x64xf32, #tpu.memory_space<vmem>> -> memref<1x8x64xf32, #tpu.memory_space<vmem>>
    %dma_start3A_690 = tpu.memref_squeeze %dma_start3A_689 : memref<1x8x64xf32, #tpu.memory_space<vmem>> -> memref<8x64xf32, #tpu.memory_space<vmem>>
    %dma_start3A_691 = arith.constant 0 : i32
    %dma_start3A_692 = arith.constant 0 : i32
    %dma_start3A_693 = tpu.memref_slice %arg4[%shift_right_arithmetic3A_685, %dma_start3A_691, %dma_start3A_692] : memref<12500x8x64xf32, #tpu.memory_space<hbm>> -> memref<1x8x64xf32, #tpu.memory_space<hbm>>
    %dma_start3A_694 = tpu.memref_squeeze %dma_start3A_693 : memref<1x8x64xf32, #tpu.memory_space<hbm>> -> memref<8x64xf32, #tpu.memory_space<hbm>>
    %dma_start3A_695 = arith.constant 0 : i32
    %dma_start3A_696 = arith.constant 0 : i32
    %dma_start3A_697 = tpu.memref_slice %arg11[%dma_start3A_686, %dma_start3A_695, %dma_start3A_696] : memref<64x8x64xf32, #tpu.memory_space<vmem>> -> memref<1x8x64xf32, #tpu.memory_space<vmem>>
    %dma_start3A_698 = tpu.memref_squeeze %dma_start3A_697 : memref<1x8x64xf32, #tpu.memory_space<vmem>> -> memref<8x64xf32, #tpu.memory_space<vmem>>
    %dma_start3A_699 = arith.constant 0 : i32
    %dma_start3A_700 = arith.constant 0 : i32
    %dma_start3A_701 = tpu.memref_slice %arg4[%shift_right_arithmetic3A_685, %dma_start3A_699, %dma_start3A_700] : memref<12500x8x64xf32, #tpu.memory_space<hbm>> -> memref<1x8x64xf32, #tpu.memory_space<hbm>>
    %dma_start3A_702 = tpu.memref_squeeze %dma_start3A_701 : memref<1x8x64xf32, #tpu.memory_space<hbm>> -> memref<8x64xf32, #tpu.memory_space<hbm>>
    tpu.enqueue_dma source(%dma_start3A_702 : memref<8x64xf32, #tpu.memory_space<hbm>>) target(%dma_start3A_698 : memref<8x64xf32, #tpu.memory_space<vmem>>) target_semaphore(%arg15 : memref<!tpu.dma_semaphore, #tpu.memory_space<semaphore_mem>>)
    %slice3A_703 = vector.extract_strided_slice %get3A_450 {offsets = [12], sizes = [1], strides = [1]} : vector<16xi32> to vector<1xi32>
    %squeeze3A_704 = vector.extract %slice3A_703[0] : i32 from vector<1xi32>
    %shift_right_arithmetic3A_705 = arith.constant 3 : i32
    %shift_right_arithmetic3A_706 = arith.shrsi %squeeze3A_704, %shift_right_arithmetic3A_705 : i32
    %dma_start3A_707 = arith.constant 28 : i32
    %dma_start3A_708 = arith.constant 0 : i32
    %dma_start3A_709 = arith.constant 0 : i32
    %dma_start3A_710 = tpu.memref_slice %arg11[%dma_start3A_707, %dma_start3A_708, %dma_start3A_709] : memref<64x8x64xf32, #tpu.memory_space<vmem>> -> memref<1x8x64xf32, #tpu.memory_space<vmem>>
    %dma_start3A_711 = tpu.memref_squeeze %dma_start3A_710 : memref<1x8x64xf32, #tpu.memory_space<vmem>> -> memref<8x64xf32, #tpu.memory_space<vmem>>
    %dma_start3A_712 = arith.constant 0 : i32
    %dma_start3A_713 = arith.constant 0 : i32
    %dma_start3A_714 = tpu.memref_slice %arg4[%shift_right_arithmetic3A_706, %dma_start3A_712, %dma_start3A_713] : memref<12500x8x64xf32, #tpu.memory_space<hbm>> -> memref<1x8x64xf32, #tpu.memory_space<hbm>>
    %dma_start3A_715 = tpu.memref_squeeze %dma_start3A_714 : memref<1x8x64xf32, #tpu.memory_space<hbm>> -> memref<8x64xf32, #tpu.memory_space<hbm>>
    %dma_start3A_716 = arith.constant 0 : i32
    %dma_start3A_717 = arith.constant 0 : i32
    %dma_start3A_718 = tpu.memref_slice %arg11[%dma_start3A_707, %dma_start3A_716, %dma_start3A_717] : memref<64x8x64xf32, #tpu.memory_space<vmem>> -> memref<1x8x64xf32, #tpu.memory_space<vmem>>
    %dma_start3A_719 = tpu.memref_squeeze %dma_start3A_718 : memref<1x8x64xf32, #tpu.memory_space<vmem>> -> memref<8x64xf32, #tpu.memory_space<vmem>>
    %dma_start3A_720 = arith.constant 0 : i32
    %dma_start3A_721 = arith.constant 0 : i32
    %dma_start3A_722 = tpu.memref_slice %arg4[%shift_right_arithmetic3A_706, %dma_start3A_720, %dma_start3A_721] : memref<12500x8x64xf32, #tpu.memory_space<hbm>> -> memref<1x8x64xf32, #tpu.memory_space<hbm>>
    %dma_start3A_723 = tpu.memref_squeeze %dma_start3A_722 : memref<1x8x64xf32, #tpu.memory_space<hbm>> -> memref<8x64xf32, #tpu.memory_space<hbm>>
    tpu.enqueue_dma source(%dma_start3A_723 : memref<8x64xf32, #tpu.memory_space<hbm>>) target(%dma_start3A_719 : memref<8x64xf32, #tpu.memory_space<vmem>>) target_semaphore(%arg15 : memref<!tpu.dma_semaphore, #tpu.memory_space<semaphore_mem>>)
    %slice3A_724 = vector.extract_strided_slice %get3A_450 {offsets = [13], sizes = [1], strides = [1]} : vector<16xi32> to vector<1xi32>
    %squeeze3A_725 = vector.extract %slice3A_724[0] : i32 from vector<1xi32>
    %shift_right_arithmetic3A_726 = arith.constant 3 : i32
    %shift_right_arithmetic3A_727 = arith.shrsi %squeeze3A_725, %shift_right_arithmetic3A_726 : i32
    %dma_start3A_728 = arith.constant 29 : i32
    %dma_start3A_729 = arith.constant 0 : i32
    %dma_start3A_730 = arith.constant 0 : i32
    %dma_start3A_731 = tpu.memref_slice %arg11[%dma_start3A_728, %dma_start3A_729, %dma_start3A_730] : memref<64x8x64xf32, #tpu.memory_space<vmem>> -> memref<1x8x64xf32, #tpu.memory_space<vmem>>
    %dma_start3A_732 = tpu.memref_squeeze %dma_start3A_731 : memref<1x8x64xf32, #tpu.memory_space<vmem>> -> memref<8x64xf32, #tpu.memory_space<vmem>>
    %dma_start3A_733 = arith.constant 0 : i32
    %dma_start3A_734 = arith.constant 0 : i32
    %dma_start3A_735 = tpu.memref_slice %arg4[%shift_right_arithmetic3A_727, %dma_start3A_733, %dma_start3A_734] : memref<12500x8x64xf32, #tpu.memory_space<hbm>> -> memref<1x8x64xf32, #tpu.memory_space<hbm>>
    %dma_start3A_736 = tpu.memref_squeeze %dma_start3A_735 : memref<1x8x64xf32, #tpu.memory_space<hbm>> -> memref<8x64xf32, #tpu.memory_space<hbm>>
    %dma_start3A_737 = arith.constant 0 : i32
    %dma_start3A_738 = arith.constant 0 : i32
    %dma_start3A_739 = tpu.memref_slice %arg11[%dma_start3A_728, %dma_start3A_737, %dma_start3A_738] : memref<64x8x64xf32, #tpu.memory_space<vmem>> -> memref<1x8x64xf32, #tpu.memory_space<vmem>>
    %dma_start3A_740 = tpu.memref_squeeze %dma_start3A_739 : memref<1x8x64xf32, #tpu.memory_space<vmem>> -> memref<8x64xf32, #tpu.memory_space<vmem>>
    %dma_start3A_741 = arith.constant 0 : i32
    %dma_start3A_742 = arith.constant 0 : i32
    %dma_start3A_743 = tpu.memref_slice %arg4[%shift_right_arithmetic3A_727, %dma_start3A_741, %dma_start3A_742] : memref<12500x8x64xf32, #tpu.memory_space<hbm>> -> memref<1x8x64xf32, #tpu.memory_space<hbm>>
    %dma_start3A_744 = tpu.memref_squeeze %dma_start3A_743 : memref<1x8x64xf32, #tpu.memory_space<hbm>> -> memref<8x64xf32, #tpu.memory_space<hbm>>
    tpu.enqueue_dma source(%dma_start3A_744 : memref<8x64xf32, #tpu.memory_space<hbm>>) target(%dma_start3A_740 : memref<8x64xf32, #tpu.memory_space<vmem>>) target_semaphore(%arg15 : memref<!tpu.dma_semaphore, #tpu.memory_space<semaphore_mem>>)
    %slice3A_745 = vector.extract_strided_slice %get3A_450 {offsets = [14], sizes = [1], strides = [1]} : vector<16xi32> to vector<1xi32>
    %squeeze3A_746 = vector.extract %slice3A_745[0] : i32 from vector<1xi32>
    %shift_right_arithmetic3A_747 = arith.constant 3 : i32
    %shift_right_arithmetic3A_748 = arith.shrsi %squeeze3A_746, %shift_right_arithmetic3A_747 : i32
    %dma_start3A_749 = arith.constant 30 : i32
    %dma_start3A_750 = arith.constant 0 : i32
    %dma_start3A_751 = arith.constant 0 : i32
    %dma_start3A_752 = tpu.memref_slice %arg11[%dma_start3A_749, %dma_start3A_750, %dma_start3A_751] : memref<64x8x64xf32, #tpu.memory_space<vmem>> -> memref<1x8x64xf32, #tpu.memory_space<vmem>>
    %dma_start3A_753 = tpu.memref_squeeze %dma_start3A_752 : memref<1x8x64xf32, #tpu.memory_space<vmem>> -> memref<8x64xf32, #tpu.memory_space<vmem>>
    %dma_start3A_754 = arith.constant 0 : i32
    %dma_start3A_755 = arith.constant 0 : i32
    %dma_start3A_756 = tpu.memref_slice %arg4[%shift_right_arithmetic3A_748, %dma_start3A_754, %dma_start3A_755] : memref<12500x8x64xf32, #tpu.memory_space<hbm>> -> memref<1x8x64xf32, #tpu.memory_space<hbm>>
    %dma_start3A_757 = tpu.memref_squeeze %dma_start3A_756 : memref<1x8x64xf32, #tpu.memory_space<hbm>> -> memref<8x64xf32, #tpu.memory_space<hbm>>
    %dma_start3A_758 = arith.constant 0 : i32
    %dma_start3A_759 = arith.constant 0 : i32
    %dma_start3A_760 = tpu.memref_slice %arg11[%dma_start3A_749, %dma_start3A_758, %dma_start3A_759] : memref<64x8x64xf32, #tpu.memory_space<vmem>> -> memref<1x8x64xf32, #tpu.memory_space<vmem>>
    %dma_start3A_761 = tpu.memref_squeeze %dma_start3A_760 : memref<1x8x64xf32, #tpu.memory_space<vmem>> -> memref<8x64xf32, #tpu.memory_space<vmem>>
    %dma_start3A_762 = arith.constant 0 : i32
    %dma_start3A_763 = arith.constant 0 : i32
    %dma_start3A_764 = tpu.memref_slice %arg4[%shift_right_arithmetic3A_748, %dma_start3A_762, %dma_start3A_763] : memref<12500x8x64xf32, #tpu.memory_space<hbm>> -> memref<1x8x64xf32, #tpu.memory_space<hbm>>
    %dma_start3A_765 = tpu.memref_squeeze %dma_start3A_764 : memref<1x8x64xf32, #tpu.memory_space<hbm>> -> memref<8x64xf32, #tpu.memory_space<hbm>>
    tpu.enqueue_dma source(%dma_start3A_765 : memref<8x64xf32, #tpu.memory_space<hbm>>) target(%dma_start3A_761 : memref<8x64xf32, #tpu.memory_space<vmem>>) target_semaphore(%arg15 : memref<!tpu.dma_semaphore, #tpu.memory_space<semaphore_mem>>)
    %slice3A_766 = vector.extract_strided_slice %get3A_450 {offsets = [15], sizes = [1], strides = [1]} : vector<16xi32> to vector<1xi32>
    %squeeze3A_767 = vector.extract %slice3A_766[0] : i32 from vector<1xi32>
    %shift_right_arithmetic3A_768 = arith.constant 3 : i32
    %shift_right_arithmetic3A_769 = arith.shrsi %squeeze3A_767, %shift_right_arithmetic3A_768 : i32
    %dma_start3A_770 = arith.constant 31 : i32
    %dma_start3A_771 = arith.constant 0 : i32
    %dma_start3A_772 = arith.constant 0 : i32
    %dma_start3A_773 = tpu.memref_slice %arg11[%dma_start3A_770, %dma_start3A_771, %dma_start3A_772] : memref<64x8x64xf32, #tpu.memory_space<vmem>> -> memref<1x8x64xf32, #tpu.memory_space<vmem>>
    %dma_start3A_774 = tpu.memref_squeeze %dma_start3A_773 : memref<1x8x64xf32, #tpu.memory_space<vmem>> -> memref<8x64xf32, #tpu.memory_space<vmem>>
    %dma_start3A_775 = arith.constant 0 : i32
    %dma_start3A_776 = arith.constant 0 : i32
    %dma_start3A_777 = tpu.memref_slice %arg4[%shift_right_arithmetic3A_769, %dma_start3A_775, %dma_start3A_776] : memref<12500x8x64xf32, #tpu.memory_space<hbm>> -> memref<1x8x64xf32, #tpu.memory_space<hbm>>
    %dma_start3A_778 = tpu.memref_squeeze %dma_start3A_777 : memref<1x8x64xf32, #tpu.memory_space<hbm>> -> memref<8x64xf32, #tpu.memory_space<hbm>>
    %dma_start3A_779 = arith.constant 0 : i32
    %dma_start3A_780 = arith.constant 0 : i32
    %dma_start3A_781 = tpu.memref_slice %arg11[%dma_start3A_770, %dma_start3A_779, %dma_start3A_780] : memref<64x8x64xf32, #tpu.memory_space<vmem>> -> memref<1x8x64xf32, #tpu.memory_space<vmem>>
    %dma_start3A_782 = tpu.memref_squeeze %dma_start3A_781 : memref<1x8x64xf32, #tpu.memory_space<vmem>> -> memref<8x64xf32, #tpu.memory_space<vmem>>
    %dma_start3A_783 = arith.constant 0 : i32
    %dma_start3A_784 = arith.constant 0 : i32
    %dma_start3A_785 = tpu.memref_slice %arg4[%shift_right_arithmetic3A_769, %dma_start3A_783, %dma_start3A_784] : memref<12500x8x64xf32, #tpu.memory_space<hbm>> -> memref<1x8x64xf32, #tpu.memory_space<hbm>>
    %dma_start3A_786 = tpu.memref_squeeze %dma_start3A_785 : memref<1x8x64xf32, #tpu.memory_space<hbm>> -> memref<8x64xf32, #tpu.memory_space<hbm>>
    tpu.enqueue_dma source(%dma_start3A_786 : memref<8x64xf32, #tpu.memory_space<hbm>>) target(%dma_start3A_782 : memref<8x64xf32, #tpu.memory_space<vmem>>) target_semaphore(%arg15 : memref<!tpu.dma_semaphore, #tpu.memory_space<semaphore_mem>>)
    %barrier3A = arith.constant 0 : index
    tpu.barrier barrier_id(%barrier3A)
    %scan3A_787 = arith.constant 0 : i32
    %scan3A_788 = arith.constant 0 : i32
    %scan3A_789 = arith.constant 16 : i32
    %scan3A_790 = arith.addi %scan3A_788, %scan3A_789 : i32
    %scan3A_791 = arith.constant 1 : i32
    %scan3A_792 = scf.for %scan3A_809 = %scan3A_788 to %scan3A_790 step %scan3A_791 iter_args(%scan3A_810 = %scan3A_787) -> (i32)  : i32 {
      %add3A_811 = arith.constant 1 : i32
      %add3A_812 = arith.addi %scan3A_809, %add3A_811 : i32
      %lt3A = arith.constant 16 : i32
      %lt3A_813 = arith.cmpi slt, %add3A_812, %lt3A : i32
      %convert_element_type3A = arith.extui %lt3A_813 : i1 to i32
      %cond3A = arith.constant 0 : i32
      %cond3A_814 = arith.cmpi ne, %convert_element_type3A, %cond3A : i32
      scf.if %cond3A_814 {
        %add3A_1575 = arith.constant 1 : i32
        %add3A_1576 = arith.addi %scan3A_809, %add3A_1575 : i32
        %mul3A_1577 = arith.constant 512 : i32
        %mul3A_1578 = arith.muli %add3A, %mul3A_1577 : i32
        %mul3A_1579 = arith.constant 32 : i32
        %mul3A_1580 = arith.muli %add3A_1576, %mul3A_1579 : i32
        %add3A_1581 = arith.addi %mul3A_1578, %mul3A_1580 : i32
        %mul3A_1582 = arith.constant 64 : i32
        %mul3A_1583 = arith.muli %add3A_1581, %mul3A_1582 : i32
        %and3A_1584 = arith.constant 1 : i32
        %and3A_1585 = arith.andi %add3A_1576, %and3A_1584 : i32
        %mul3A_1586 = arith.constant 32 : i32
        %mul3A_1587 = arith.muli %and3A_1585, %mul3A_1586 : i32
        %mul3A_1588 = arith.constant 64 : i32
        %mul3A_1589 = arith.muli %mul3A_1587, %mul3A_1588 : i32
        %dma_start3A_1590 = tpu.memref_slice %arg10[%mul3A_1589] : memref<4096xf32, #tpu.memory_space<vmem>> -> memref<2048xf32, #tpu.memory_space<vmem>>
        %dma_start3A_1591 = tpu.memref_slice %arg2[%mul3A_1583] : memref<1048576xf32, #tpu.memory_space<hbm>> -> memref<2048xf32, #tpu.memory_space<hbm>>
        %dma_start3A_1592 = tpu.memref_slice %arg10[%mul3A_1589] : memref<4096xf32, #tpu.memory_space<vmem>> -> memref<2048xf32, #tpu.memory_space<vmem>>
        %dma_start3A_1593 = tpu.memref_slice %arg2[%mul3A_1583] : memref<1048576xf32, #tpu.memory_space<hbm>> -> memref<2048xf32, #tpu.memory_space<hbm>>
        tpu.enqueue_dma source(%dma_start3A_1593 : memref<2048xf32, #tpu.memory_space<hbm>>) target(%dma_start3A_1592 : memref<2048xf32, #tpu.memory_space<vmem>>) target_semaphore(%arg16 : memref<!tpu.dma_semaphore, #tpu.memory_space<semaphore_mem>>)
        %and3A_1594 = arith.constant 1 : i32
        %and3A_1595 = arith.andi %add3A_1576, %and3A_1594 : i32
        %mul3A_1596 = arith.constant 32 : i32
        %mul3A_1597 = arith.muli %and3A_1595, %mul3A_1596 : i32
        %get3A_1598 = arith.index_cast %add3A_1576 : i32 to index
        %get3A_1599 = arith.constant 0 : index
        %get3A_1600 = tpu.vector_load %arg9[%get3A_1598, %get3A_1599] {strides = array<i32>} : memref<16x32xi32, #tpu.memory_space<vmem>>, vector<16xi32>,
        %slice3A_1601 = vector.extract_strided_slice %get3A_1600 {offsets = [0], sizes = [1], strides = [1]} : vector<16xi32> to vector<1xi32>
        %squeeze3A_1602 = vector.extract %slice3A_1601[0] : i32 from vector<1xi32>
        %shift_right_arithmetic3A_1603 = arith.constant 3 : i32
        %shift_right_arithmetic3A_1604 = arith.shrsi %squeeze3A_1602, %shift_right_arithmetic3A_1603 : i32
        %add3A_1605 = arith.constant 0 : i32
        %add3A_1606 = arith.addi %mul3A_1597, %add3A_1605 : i32
        %add3A_1607 = arith.constant 0 : i32
        %add3A_1608 = arith.addi %add3A_1606, %add3A_1607 : i32
        %dma_start3A_1609 = arith.constant 0 : i32
        %dma_start3A_1610 = arith.constant 0 : i32
        %dma_start3A_1611 = tpu.memref_slice %arg11[%add3A_1608, %dma_start3A_1609, %dma_start3A_1610] : memref<64x8x64xf32, #tpu.memory_space<vmem>> -> memref<1x8x64xf32, #tpu.memory_space<vmem>>
        %dma_start3A_1612 = tpu.memref_squeeze %dma_start3A_1611 : memref<1x8x64xf32, #tpu.memory_space<vmem>> -> memref<8x64xf32, #tpu.memory_space<vmem>>
        %dma_start3A_1613 = arith.constant 0 : i32
        %dma_start3A_1614 = arith.constant 0 : i32
        %dma_start3A_1615 = tpu.memref_slice %arg4[%shift_right_arithmetic3A_1604, %dma_start3A_1613, %dma_start3A_1614] : memref<12500x8x64xf32, #tpu.memory_space<hbm>> -> memref<1x8x64xf32, #tpu.memory_space<hbm>>
        %dma_start3A_1616 = tpu.memref_squeeze %dma_start3A_1615 : memref<1x8x64xf32, #tpu.memory_space<hbm>> -> memref<8x64xf32, #tpu.memory_space<hbm>>
        %dma_start3A_1617 = arith.constant 0 : i32
        %dma_start3A_1618 = arith.constant 0 : i32
        %dma_start3A_1619 = tpu.memref_slice %arg11[%add3A_1608, %dma_start3A_1617, %dma_start3A_1618] : memref<64x8x64xf32, #tpu.memory_space<vmem>> -> memref<1x8x64xf32, #tpu.memory_space<vmem>>
        %dma_start3A_1620 = tpu.memref_squeeze %dma_start3A_1619 : memref<1x8x64xf32, #tpu.memory_space<vmem>> -> memref<8x64xf32, #tpu.memory_space<vmem>>
        %dma_start3A_1621 = arith.constant 0 : i32
        %dma_start3A_1622 = arith.constant 0 : i32
        %dma_start3A_1623 = tpu.memref_slice %arg4[%shift_right_arithmetic3A_1604, %dma_start3A_1621, %dma_start3A_1622] : memref<12500x8x64xf32, #tpu.memory_space<hbm>> -> memref<1x8x64xf32, #tpu.memory_space<hbm>>
        %dma_start3A_1624 = tpu.memref_squeeze %dma_start3A_1623 : memref<1x8x64xf32, #tpu.memory_space<hbm>> -> memref<8x64xf32, #tpu.memory_space<hbm>>
        tpu.enqueue_dma source(%dma_start3A_1624 : memref<8x64xf32, #tpu.memory_space<hbm>>) target(%dma_start3A_1620 : memref<8x64xf32, #tpu.memory_space<vmem>>) target_semaphore(%arg15 : memref<!tpu.dma_semaphore, #tpu.memory_space<semaphore_mem>>)
        %slice3A_1625 = vector.extract_strided_slice %get3A_1600 {offsets = [1], sizes = [1], strides = [1]} : vector<16xi32> to vector<1xi32>
        %squeeze3A_1626 = vector.extract %slice3A_1625[0] : i32 from vector<1xi32>
        %shift_right_arithmetic3A_1627 = arith.constant 3 : i32
        %shift_right_arithmetic3A_1628 = arith.shrsi %squeeze3A_1626, %shift_right_arithmetic3A_1627 : i32
        %add3A_1629 = arith.constant 0 : i32
        %add3A_1630 = arith.addi %mul3A_1597, %add3A_1629 : i32
        %add3A_1631 = arith.constant 1 : i32
        %add3A_1632 = arith.addi %add3A_1630, %add3A_1631 : i32
        %dma_start3A_1633 = arith.constant 0 : i32
        %dma_start3A_1634 = arith.constant 0 : i32
        %dma_start3A_1635 = tpu.memref_slice %arg11[%add3A_1632, %dma_start3A_1633, %dma_start3A_1634] : memref<64x8x64xf32, #tpu.memory_space<vmem>> -> memref<1x8x64xf32, #tpu.memory_space<vmem>>
        %dma_start3A_1636 = tpu.memref_squeeze %dma_start3A_1635 : memref<1x8x64xf32, #tpu.memory_space<vmem>> -> memref<8x64xf32, #tpu.memory_space<vmem>>
        %dma_start3A_1637 = arith.constant 0 : i32
        %dma_start3A_1638 = arith.constant 0 : i32
        %dma_start3A_1639 = tpu.memref_slice %arg4[%shift_right_arithmetic3A_1628, %dma_start3A_1637, %dma_start3A_1638] : memref<12500x8x64xf32, #tpu.memory_space<hbm>> -> memref<1x8x64xf32, #tpu.memory_space<hbm>>
        %dma_start3A_1640 = tpu.memref_squeeze %dma_start3A_1639 : memref<1x8x64xf32, #tpu.memory_space<hbm>> -> memref<8x64xf32, #tpu.memory_space<hbm>>
        %dma_start3A_1641 = arith.constant 0 : i32
        %dma_start3A_1642 = arith.constant 0 : i32
        %dma_start3A_1643 = tpu.memref_slice %arg11[%add3A_1632, %dma_start3A_1641, %dma_start3A_1642] : memref<64x8x64xf32, #tpu.memory_space<vmem>> -> memref<1x8x64xf32, #tpu.memory_space<vmem>>
        %dma_start3A_1644 = tpu.memref_squeeze %dma_start3A_1643 : memref<1x8x64xf32, #tpu.memory_space<vmem>> -> memref<8x64xf32, #tpu.memory_space<vmem>>
        %dma_start3A_1645 = arith.constant 0 : i32
        %dma_start3A_1646 = arith.constant 0 : i32
        %dma_start3A_1647 = tpu.memref_slice %arg4[%shift_right_arithmetic3A_1628, %dma_start3A_1645, %dma_start3A_1646] : memref<12500x8x64xf32, #tpu.memory_space<hbm>> -> memref<1x8x64xf32, #tpu.memory_space<hbm>>
        %dma_start3A_1648 = tpu.memref_squeeze %dma_start3A_1647 : memref<1x8x64xf32, #tpu.memory_space<hbm>> -> memref<8x64xf32, #tpu.memory_space<hbm>>
        tpu.enqueue_dma source(%dma_start3A_1648 : memref<8x64xf32, #tpu.memory_space<hbm>>) target(%dma_start3A_1644 : memref<8x64xf32, #tpu.memory_space<vmem>>) target_semaphore(%arg15 : memref<!tpu.dma_semaphore, #tpu.memory_space<semaphore_mem>>)
        %slice3A_1649 = vector.extract_strided_slice %get3A_1600 {offsets = [2], sizes = [1], strides = [1]} : vector<16xi32> to vector<1xi32>
        %squeeze3A_1650 = vector.extract %slice3A_1649[0] : i32 from vector<1xi32>
        %shift_right_arithmetic3A_1651 = arith.constant 3 : i32
        %shift_right_arithmetic3A_1652 = arith.shrsi %squeeze3A_1650, %shift_right_arithmetic3A_1651 : i32
        %add3A_1653 = arith.constant 0 : i32
        %add3A_1654 = arith.addi %mul3A_1597, %add3A_1653 : i32
        %add3A_1655 = arith.constant 2 : i32
        %add3A_1656 = arith.addi %add3A_1654, %add3A_1655 : i32
        %dma_start3A_1657 = arith.constant 0 : i32
        %dma_start3A_1658 = arith.constant 0 : i32
        %dma_start3A_1659 = tpu.memref_slice %arg11[%add3A_1656, %dma_start3A_1657, %dma_start3A_1658] : memref<64x8x64xf32, #tpu.memory_space<vmem>> -> memref<1x8x64xf32, #tpu.memory_space<vmem>>
        %dma_start3A_1660 = tpu.memref_squeeze %dma_start3A_1659 : memref<1x8x64xf32, #tpu.memory_space<vmem>> -> memref<8x64xf32, #tpu.memory_space<vmem>>
        %dma_start3A_1661 = arith.constant 0 : i32
        %dma_start3A_1662 = arith.constant 0 : i32
        %dma_start3A_1663 = tpu.memref_slice %arg4[%shift_right_arithmetic3A_1652, %dma_start3A_1661, %dma_start3A_1662] : memref<12500x8x64xf32, #tpu.memory_space<hbm>> -> memref<1x8x64xf32, #tpu.memory_space<hbm>>
        %dma_start3A_1664 = tpu.memref_squeeze %dma_start3A_1663 : memref<1x8x64xf32, #tpu.memory_space<hbm>> -> memref<8x64xf32, #tpu.memory_space<hbm>>
        %dma_start3A_1665 = arith.constant 0 : i32
        %dma_start3A_1666 = arith.constant 0 : i32
        %dma_start3A_1667 = tpu.memref_slice %arg11[%add3A_1656, %dma_start3A_1665, %dma_start3A_1666] : memref<64x8x64xf32, #tpu.memory_space<vmem>> -> memref<1x8x64xf32, #tpu.memory_space<vmem>>
        %dma_start3A_1668 = tpu.memref_squeeze %dma_start3A_1667 : memref<1x8x64xf32, #tpu.memory_space<vmem>> -> memref<8x64xf32, #tpu.memory_space<vmem>>
        %dma_start3A_1669 = arith.constant 0 : i32
        %dma_start3A_1670 = arith.constant 0 : i32
        %dma_start3A_1671 = tpu.memref_slice %arg4[%shift_right_arithmetic3A_1652, %dma_start3A_1669, %dma_start3A_1670] : memref<12500x8x64xf32, #tpu.memory_space<hbm>> -> memref<1x8x64xf32, #tpu.memory_space<hbm>>
        %dma_start3A_1672 = tpu.memref_squeeze %dma_start3A_1671 : memref<1x8x64xf32, #tpu.memory_space<hbm>> -> memref<8x64xf32, #tpu.memory_space<hbm>>
        tpu.enqueue_dma source(%dma_start3A_1672 : memref<8x64xf32, #tpu.memory_space<hbm>>) target(%dma_start3A_1668 : memref<8x64xf32, #tpu.memory_space<vmem>>) target_semaphore(%arg15 : memref<!tpu.dma_semaphore, #tpu.memory_space<semaphore_mem>>)
        %slice3A_1673 = vector.extract_strided_slice %get3A_1600 {offsets = [3], sizes = [1], strides = [1]} : vector<16xi32> to vector<1xi32>
        %squeeze3A_1674 = vector.extract %slice3A_1673[0] : i32 from vector<1xi32>
        %shift_right_arithmetic3A_1675 = arith.constant 3 : i32
        %shift_right_arithmetic3A_1676 = arith.shrsi %squeeze3A_1674, %shift_right_arithmetic3A_1675 : i32
        %add3A_1677 = arith.constant 0 : i32
        %add3A_1678 = arith.addi %mul3A_1597, %add3A_1677 : i32
        %add3A_1679 = arith.constant 3 : i32
        %add3A_1680 = arith.addi %add3A_1678, %add3A_1679 : i32
        %dma_start3A_1681 = arith.constant 0 : i32
        %dma_start3A_1682 = arith.constant 0 : i32
        %dma_start3A_1683 = tpu.memref_slice %arg11[%add3A_1680, %dma_start3A_1681, %dma_start3A_1682] : memref<64x8x64xf32, #tpu.memory_space<vmem>> -> memref<1x8x64xf32, #tpu.memory_space<vmem>>
        %dma_start3A_1684 = tpu.memref_squeeze %dma_start3A_1683 : memref<1x8x64xf32, #tpu.memory_space<vmem>> -> memref<8x64xf32, #tpu.memory_space<vmem>>
        %dma_start3A_1685 = arith.constant 0 : i32
        %dma_start3A_1686 = arith.constant 0 : i32
        %dma_start3A_1687 = tpu.memref_slice %arg4[%shift_right_arithmetic3A_1676, %dma_start3A_1685, %dma_start3A_1686] : memref<12500x8x64xf32, #tpu.memory_space<hbm>> -> memref<1x8x64xf32, #tpu.memory_space<hbm>>
        %dma_start3A_1688 = tpu.memref_squeeze %dma_start3A_1687 : memref<1x8x64xf32, #tpu.memory_space<hbm>> -> memref<8x64xf32, #tpu.memory_space<hbm>>
        %dma_start3A_1689 = arith.constant 0 : i32
        %dma_start3A_1690 = arith.constant 0 : i32
        %dma_start3A_1691 = tpu.memref_slice %arg11[%add3A_1680, %dma_start3A_1689, %dma_start3A_1690] : memref<64x8x64xf32, #tpu.memory_space<vmem>> -> memref<1x8x64xf32, #tpu.memory_space<vmem>>
        %dma_start3A_1692 = tpu.memref_squeeze %dma_start3A_1691 : memref<1x8x64xf32, #tpu.memory_space<vmem>> -> memref<8x64xf32, #tpu.memory_space<vmem>>
        %dma_start3A_1693 = arith.constant 0 : i32
        %dma_start3A_1694 = arith.constant 0 : i32
        %dma_start3A_1695 = tpu.memref_slice %arg4[%shift_right_arithmetic3A_1676, %dma_start3A_1693, %dma_start3A_1694] : memref<12500x8x64xf32, #tpu.memory_space<hbm>> -> memref<1x8x64xf32, #tpu.memory_space<hbm>>
        %dma_start3A_1696 = tpu.memref_squeeze %dma_start3A_1695 : memref<1x8x64xf32, #tpu.memory_space<hbm>> -> memref<8x64xf32, #tpu.memory_space<hbm>>
        tpu.enqueue_dma source(%dma_start3A_1696 : memref<8x64xf32, #tpu.memory_space<hbm>>) target(%dma_start3A_1692 : memref<8x64xf32, #tpu.memory_space<vmem>>) target_semaphore(%arg15 : memref<!tpu.dma_semaphore, #tpu.memory_space<semaphore_mem>>)
        %slice3A_1697 = vector.extract_strided_slice %get3A_1600 {offsets = [4], sizes = [1], strides = [1]} : vector<16xi32> to vector<1xi32>
        %squeeze3A_1698 = vector.extract %slice3A_1697[0] : i32 from vector<1xi32>
        %shift_right_arithmetic3A_1699 = arith.constant 3 : i32
        %shift_right_arithmetic3A_1700 = arith.shrsi %squeeze3A_1698, %shift_right_arithmetic3A_1699 : i32
        %add3A_1701 = arith.constant 0 : i32
        %add3A_1702 = arith.addi %mul3A_1597, %add3A_1701 : i32
        %add3A_1703 = arith.constant 4 : i32
        %add3A_1704 = arith.addi %add3A_1702, %add3A_1703 : i32
        %dma_start3A_1705 = arith.constant 0 : i32
        %dma_start3A_1706 = arith.constant 0 : i32
        %dma_start3A_1707 = tpu.memref_slice %arg11[%add3A_1704, %dma_start3A_1705, %dma_start3A_1706] : memref<64x8x64xf32, #tpu.memory_space<vmem>> -> memref<1x8x64xf32, #tpu.memory_space<vmem>>
        %dma_start3A_1708 = tpu.memref_squeeze %dma_start3A_1707 : memref<1x8x64xf32, #tpu.memory_space<vmem>> -> memref<8x64xf32, #tpu.memory_space<vmem>>
        %dma_start3A_1709 = arith.constant 0 : i32
        %dma_start3A_1710 = arith.constant 0 : i32
        %dma_start3A_1711 = tpu.memref_slice %arg4[%shift_right_arithmetic3A_1700, %dma_start3A_1709, %dma_start3A_1710] : memref<12500x8x64xf32, #tpu.memory_space<hbm>> -> memref<1x8x64xf32, #tpu.memory_space<hbm>>
        %dma_start3A_1712 = tpu.memref_squeeze %dma_start3A_1711 : memref<1x8x64xf32, #tpu.memory_space<hbm>> -> memref<8x64xf32, #tpu.memory_space<hbm>>
        %dma_start3A_1713 = arith.constant 0 : i32
        %dma_start3A_1714 = arith.constant 0 : i32
        %dma_start3A_1715 = tpu.memref_slice %arg11[%add3A_1704, %dma_start3A_1713, %dma_start3A_1714] : memref<64x8x64xf32, #tpu.memory_space<vmem>> -> memref<1x8x64xf32, #tpu.memory_space<vmem>>
        %dma_start3A_1716 = tpu.memref_squeeze %dma_start3A_1715 : memref<1x8x64xf32, #tpu.memory_space<vmem>> -> memref<8x64xf32, #tpu.memory_space<vmem>>
        %dma_start3A_1717 = arith.constant 0 : i32
        %dma_start3A_1718 = arith.constant 0 : i32
        %dma_start3A_1719 = tpu.memref_slice %arg4[%shift_right_arithmetic3A_1700, %dma_start3A_1717, %dma_start3A_1718] : memref<12500x8x64xf32, #tpu.memory_space<hbm>> -> memref<1x8x64xf32, #tpu.memory_space<hbm>>
        %dma_start3A_1720 = tpu.memref_squeeze %dma_start3A_1719 : memref<1x8x64xf32, #tpu.memory_space<hbm>> -> memref<8x64xf32, #tpu.memory_space<hbm>>
        tpu.enqueue_dma source(%dma_start3A_1720 : memref<8x64xf32, #tpu.memory_space<hbm>>) target(%dma_start3A_1716 : memref<8x64xf32, #tpu.memory_space<vmem>>) target_semaphore(%arg15 : memref<!tpu.dma_semaphore, #tpu.memory_space<semaphore_mem>>)
        %slice3A_1721 = vector.extract_strided_slice %get3A_1600 {offsets = [5], sizes = [1], strides = [1]} : vector<16xi32> to vector<1xi32>
        %squeeze3A_1722 = vector.extract %slice3A_1721[0] : i32 from vector<1xi32>
        %shift_right_arithmetic3A_1723 = arith.constant 3 : i32
        %shift_right_arithmetic3A_1724 = arith.shrsi %squeeze3A_1722, %shift_right_arithmetic3A_1723 : i32
        %add3A_1725 = arith.constant 0 : i32
        %add3A_1726 = arith.addi %mul3A_1597, %add3A_1725 : i32
        %add3A_1727 = arith.constant 5 : i32
        %add3A_1728 = arith.addi %add3A_1726, %add3A_1727 : i32
        %dma_start3A_1729 = arith.constant 0 : i32
        %dma_start3A_1730 = arith.constant 0 : i32
        %dma_start3A_1731 = tpu.memref_slice %arg11[%add3A_1728, %dma_start3A_1729, %dma_start3A_1730] : memref<64x8x64xf32, #tpu.memory_space<vmem>> -> memref<1x8x64xf32, #tpu.memory_space<vmem>>
        %dma_start3A_1732 = tpu.memref_squeeze %dma_start3A_1731 : memref<1x8x64xf32, #tpu.memory_space<vmem>> -> memref<8x64xf32, #tpu.memory_space<vmem>>
        %dma_start3A_1733 = arith.constant 0 : i32
        %dma_start3A_1734 = arith.constant 0 : i32
        %dma_start3A_1735 = tpu.memref_slice %arg4[%shift_right_arithmetic3A_1724, %dma_start3A_1733, %dma_start3A_1734] : memref<12500x8x64xf32, #tpu.memory_space<hbm>> -> memref<1x8x64xf32, #tpu.memory_space<hbm>>
        %dma_start3A_1736 = tpu.memref_squeeze %dma_start3A_1735 : memref<1x8x64xf32, #tpu.memory_space<hbm>> -> memref<8x64xf32, #tpu.memory_space<hbm>>
        %dma_start3A_1737 = arith.constant 0 : i32
        %dma_start3A_1738 = arith.constant 0 : i32
        %dma_start3A_1739 = tpu.memref_slice %arg11[%add3A_1728, %dma_start3A_1737, %dma_start3A_1738] : memref<64x8x64xf32, #tpu.memory_space<vmem>> -> memref<1x8x64xf32, #tpu.memory_space<vmem>>
        %dma_start3A_1740 = tpu.memref_squeeze %dma_start3A_1739 : memref<1x8x64xf32, #tpu.memory_space<vmem>> -> memref<8x64xf32, #tpu.memory_space<vmem>>
        %dma_start3A_1741 = arith.constant 0 : i32
        %dma_start3A_1742 = arith.constant 0 : i32
        %dma_start3A_1743 = tpu.memref_slice %arg4[%shift_right_arithmetic3A_1724, %dma_start3A_1741, %dma_start3A_1742] : memref<12500x8x64xf32, #tpu.memory_space<hbm>> -> memref<1x8x64xf32, #tpu.memory_space<hbm>>
        %dma_start3A_1744 = tpu.memref_squeeze %dma_start3A_1743 : memref<1x8x64xf32, #tpu.memory_space<hbm>> -> memref<8x64xf32, #tpu.memory_space<hbm>>
        tpu.enqueue_dma source(%dma_start3A_1744 : memref<8x64xf32, #tpu.memory_space<hbm>>) target(%dma_start3A_1740 : memref<8x64xf32, #tpu.memory_space<vmem>>) target_semaphore(%arg15 : memref<!tpu.dma_semaphore, #tpu.memory_space<semaphore_mem>>)
        %slice3A_1745 = vector.extract_strided_slice %get3A_1600 {offsets = [6], sizes = [1], strides = [1]} : vector<16xi32> to vector<1xi32>
        %squeeze3A_1746 = vector.extract %slice3A_1745[0] : i32 from vector<1xi32>
        %shift_right_arithmetic3A_1747 = arith.constant 3 : i32
        %shift_right_arithmetic3A_1748 = arith.shrsi %squeeze3A_1746, %shift_right_arithmetic3A_1747 : i32
        %add3A_1749 = arith.constant 0 : i32
        %add3A_1750 = arith.addi %mul3A_1597, %add3A_1749 : i32
        %add3A_1751 = arith.constant 6 : i32
        %add3A_1752 = arith.addi %add3A_1750, %add3A_1751 : i32
        %dma_start3A_1753 = arith.constant 0 : i32
        %dma_start3A_1754 = arith.constant 0 : i32
        %dma_start3A_1755 = tpu.memref_slice %arg11[%add3A_1752, %dma_start3A_1753, %dma_start3A_1754] : memref<64x8x64xf32, #tpu.memory_space<vmem>> -> memref<1x8x64xf32, #tpu.memory_space<vmem>>
        %dma_start3A_1756 = tpu.memref_squeeze %dma_start3A_1755 : memref<1x8x64xf32, #tpu.memory_space<vmem>> -> memref<8x64xf32, #tpu.memory_space<vmem>>
        %dma_start3A_1757 = arith.constant 0 : i32
        %dma_start3A_1758 = arith.constant 0 : i32
        %dma_start3A_1759 = tpu.memref_slice %arg4[%shift_right_arithmetic3A_1748, %dma_start3A_1757, %dma_start3A_1758] : memref<12500x8x64xf32, #tpu.memory_space<hbm>> -> memref<1x8x64xf32, #tpu.memory_space<hbm>>
        %dma_start3A_1760 = tpu.memref_squeeze %dma_start3A_1759 : memref<1x8x64xf32, #tpu.memory_space<hbm>> -> memref<8x64xf32, #tpu.memory_space<hbm>>
        %dma_start3A_1761 = arith.constant 0 : i32
        %dma_start3A_1762 = arith.constant 0 : i32
        %dma_start3A_1763 = tpu.memref_slice %arg11[%add3A_1752, %dma_start3A_1761, %dma_start3A_1762] : memref<64x8x64xf32, #tpu.memory_space<vmem>> -> memref<1x8x64xf32, #tpu.memory_space<vmem>>
        %dma_start3A_1764 = tpu.memref_squeeze %dma_start3A_1763 : memref<1x8x64xf32, #tpu.memory_space<vmem>> -> memref<8x64xf32, #tpu.memory_space<vmem>>
        %dma_start3A_1765 = arith.constant 0 : i32
        %dma_start3A_1766 = arith.constant 0 : i32
        %dma_start3A_1767 = tpu.memref_slice %arg4[%shift_right_arithmetic3A_1748, %dma_start3A_1765, %dma_start3A_1766] : memref<12500x8x64xf32, #tpu.memory_space<hbm>> -> memref<1x8x64xf32, #tpu.memory_space<hbm>>
        %dma_start3A_1768 = tpu.memref_squeeze %dma_start3A_1767 : memref<1x8x64xf32, #tpu.memory_space<hbm>> -> memref<8x64xf32, #tpu.memory_space<hbm>>
        tpu.enqueue_dma source(%dma_start3A_1768 : memref<8x64xf32, #tpu.memory_space<hbm>>) target(%dma_start3A_1764 : memref<8x64xf32, #tpu.memory_space<vmem>>) target_semaphore(%arg15 : memref<!tpu.dma_semaphore, #tpu.memory_space<semaphore_mem>>)
        %slice3A_1769 = vector.extract_strided_slice %get3A_1600 {offsets = [7], sizes = [1], strides = [1]} : vector<16xi32> to vector<1xi32>
        %squeeze3A_1770 = vector.extract %slice3A_1769[0] : i32 from vector<1xi32>
        %shift_right_arithmetic3A_1771 = arith.constant 3 : i32
        %shift_right_arithmetic3A_1772 = arith.shrsi %squeeze3A_1770, %shift_right_arithmetic3A_1771 : i32
        %add3A_1773 = arith.constant 0 : i32
        %add3A_1774 = arith.addi %mul3A_1597, %add3A_1773 : i32
        %add3A_1775 = arith.constant 7 : i32
        %add3A_1776 = arith.addi %add3A_1774, %add3A_1775 : i32
        %dma_start3A_1777 = arith.constant 0 : i32
        %dma_start3A_1778 = arith.constant 0 : i32
        %dma_start3A_1779 = tpu.memref_slice %arg11[%add3A_1776, %dma_start3A_1777, %dma_start3A_1778] : memref<64x8x64xf32, #tpu.memory_space<vmem>> -> memref<1x8x64xf32, #tpu.memory_space<vmem>>
        %dma_start3A_1780 = tpu.memref_squeeze %dma_start3A_1779 : memref<1x8x64xf32, #tpu.memory_space<vmem>> -> memref<8x64xf32, #tpu.memory_space<vmem>>
        %dma_start3A_1781 = arith.constant 0 : i32
        %dma_start3A_1782 = arith.constant 0 : i32
        %dma_start3A_1783 = tpu.memref_slice %arg4[%shift_right_arithmetic3A_1772, %dma_start3A_1781, %dma_start3A_1782] : memref<12500x8x64xf32, #tpu.memory_space<hbm>> -> memref<1x8x64xf32, #tpu.memory_space<hbm>>
        %dma_start3A_1784 = tpu.memref_squeeze %dma_start3A_1783 : memref<1x8x64xf32, #tpu.memory_space<hbm>> -> memref<8x64xf32, #tpu.memory_space<hbm>>
        %dma_start3A_1785 = arith.constant 0 : i32
        %dma_start3A_1786 = arith.constant 0 : i32
        %dma_start3A_1787 = tpu.memref_slice %arg11[%add3A_1776, %dma_start3A_1785, %dma_start3A_1786] : memref<64x8x64xf32, #tpu.memory_space<vmem>> -> memref<1x8x64xf32, #tpu.memory_space<vmem>>
        %dma_start3A_1788 = tpu.memref_squeeze %dma_start3A_1787 : memref<1x8x64xf32, #tpu.memory_space<vmem>> -> memref<8x64xf32, #tpu.memory_space<vmem>>
        %dma_start3A_1789 = arith.constant 0 : i32
        %dma_start3A_1790 = arith.constant 0 : i32
        %dma_start3A_1791 = tpu.memref_slice %arg4[%shift_right_arithmetic3A_1772, %dma_start3A_1789, %dma_start3A_1790] : memref<12500x8x64xf32, #tpu.memory_space<hbm>> -> memref<1x8x64xf32, #tpu.memory_space<hbm>>
        %dma_start3A_1792 = tpu.memref_squeeze %dma_start3A_1791 : memref<1x8x64xf32, #tpu.memory_space<hbm>> -> memref<8x64xf32, #tpu.memory_space<hbm>>
        tpu.enqueue_dma source(%dma_start3A_1792 : memref<8x64xf32, #tpu.memory_space<hbm>>) target(%dma_start3A_1788 : memref<8x64xf32, #tpu.memory_space<vmem>>) target_semaphore(%arg15 : memref<!tpu.dma_semaphore, #tpu.memory_space<semaphore_mem>>)
        %slice3A_1793 = vector.extract_strided_slice %get3A_1600 {offsets = [8], sizes = [1], strides = [1]} : vector<16xi32> to vector<1xi32>
        %squeeze3A_1794 = vector.extract %slice3A_1793[0] : i32 from vector<1xi32>
        %shift_right_arithmetic3A_1795 = arith.constant 3 : i32
        %shift_right_arithmetic3A_1796 = arith.shrsi %squeeze3A_1794, %shift_right_arithmetic3A_1795 : i32
        %add3A_1797 = arith.constant 0 : i32
        %add3A_1798 = arith.addi %mul3A_1597, %add3A_1797 : i32
        %add3A_1799 = arith.constant 8 : i32
        %add3A_1800 = arith.addi %add3A_1798, %add3A_1799 : i32
        %dma_start3A_1801 = arith.constant 0 : i32
        %dma_start3A_1802 = arith.constant 0 : i32
        %dma_start3A_1803 = tpu.memref_slice %arg11[%add3A_1800, %dma_start3A_1801, %dma_start3A_1802] : memref<64x8x64xf32, #tpu.memory_space<vmem>> -> memref<1x8x64xf32, #tpu.memory_space<vmem>>
        %dma_start3A_1804 = tpu.memref_squeeze %dma_start3A_1803 : memref<1x8x64xf32, #tpu.memory_space<vmem>> -> memref<8x64xf32, #tpu.memory_space<vmem>>
        %dma_start3A_1805 = arith.constant 0 : i32
        %dma_start3A_1806 = arith.constant 0 : i32
        %dma_start3A_1807 = tpu.memref_slice %arg4[%shift_right_arithmetic3A_1796, %dma_start3A_1805, %dma_start3A_1806] : memref<12500x8x64xf32, #tpu.memory_space<hbm>> -> memref<1x8x64xf32, #tpu.memory_space<hbm>>
        %dma_start3A_1808 = tpu.memref_squeeze %dma_start3A_1807 : memref<1x8x64xf32, #tpu.memory_space<hbm>> -> memref<8x64xf32, #tpu.memory_space<hbm>>
        %dma_start3A_1809 = arith.constant 0 : i32
        %dma_start3A_1810 = arith.constant 0 : i32
        %dma_start3A_1811 = tpu.memref_slice %arg11[%add3A_1800, %dma_start3A_1809, %dma_start3A_1810] : memref<64x8x64xf32, #tpu.memory_space<vmem>> -> memref<1x8x64xf32, #tpu.memory_space<vmem>>
        %dma_start3A_1812 = tpu.memref_squeeze %dma_start3A_1811 : memref<1x8x64xf32, #tpu.memory_space<vmem>> -> memref<8x64xf32, #tpu.memory_space<vmem>>
        %dma_start3A_1813 = arith.constant 0 : i32
        %dma_start3A_1814 = arith.constant 0 : i32
        %dma_start3A_1815 = tpu.memref_slice %arg4[%shift_right_arithmetic3A_1796, %dma_start3A_1813, %dma_start3A_1814] : memref<12500x8x64xf32, #tpu.memory_space<hbm>> -> memref<1x8x64xf32, #tpu.memory_space<hbm>>
        %dma_start3A_1816 = tpu.memref_squeeze %dma_start3A_1815 : memref<1x8x64xf32, #tpu.memory_space<hbm>> -> memref<8x64xf32, #tpu.memory_space<hbm>>
        tpu.enqueue_dma source(%dma_start3A_1816 : memref<8x64xf32, #tpu.memory_space<hbm>>) target(%dma_start3A_1812 : memref<8x64xf32, #tpu.memory_space<vmem>>) target_semaphore(%arg15 : memref<!tpu.dma_semaphore, #tpu.memory_space<semaphore_mem>>)
        %slice3A_1817 = vector.extract_strided_slice %get3A_1600 {offsets = [9], sizes = [1], strides = [1]} : vector<16xi32> to vector<1xi32>
        %squeeze3A_1818 = vector.extract %slice3A_1817[0] : i32 from vector<1xi32>
        %shift_right_arithmetic3A_1819 = arith.constant 3 : i32
        %shift_right_arithmetic3A_1820 = arith.shrsi %squeeze3A_1818, %shift_right_arithmetic3A_1819 : i32
        %add3A_1821 = arith.constant 0 : i32
        %add3A_1822 = arith.addi %mul3A_1597, %add3A_1821 : i32
        %add3A_1823 = arith.constant 9 : i32
        %add3A_1824 = arith.addi %add3A_1822, %add3A_1823 : i32
        %dma_start3A_1825 = arith.constant 0 : i32
        %dma_start3A_1826 = arith.constant 0 : i32
        %dma_start3A_1827 = tpu.memref_slice %arg11[%add3A_1824, %dma_start3A_1825, %dma_start3A_1826] : memref<64x8x64xf32, #tpu.memory_space<vmem>> -> memref<1x8x64xf32, #tpu.memory_space<vmem>>
        %dma_start3A_1828 = tpu.memref_squeeze %dma_start3A_1827 : memref<1x8x64xf32, #tpu.memory_space<vmem>> -> memref<8x64xf32, #tpu.memory_space<vmem>>
        %dma_start3A_1829 = arith.constant 0 : i32
        %dma_start3A_1830 = arith.constant 0 : i32
        %dma_start3A_1831 = tpu.memref_slice %arg4[%shift_right_arithmetic3A_1820, %dma_start3A_1829, %dma_start3A_1830] : memref<12500x8x64xf32, #tpu.memory_space<hbm>> -> memref<1x8x64xf32, #tpu.memory_space<hbm>>
        %dma_start3A_1832 = tpu.memref_squeeze %dma_start3A_1831 : memref<1x8x64xf32, #tpu.memory_space<hbm>> -> memref<8x64xf32, #tpu.memory_space<hbm>>
        %dma_start3A_1833 = arith.constant 0 : i32
        %dma_start3A_1834 = arith.constant 0 : i32
        %dma_start3A_1835 = tpu.memref_slice %arg11[%add3A_1824, %dma_start3A_1833, %dma_start3A_1834] : memref<64x8x64xf32, #tpu.memory_space<vmem>> -> memref<1x8x64xf32, #tpu.memory_space<vmem>>
        %dma_start3A_1836 = tpu.memref_squeeze %dma_start3A_1835 : memref<1x8x64xf32, #tpu.memory_space<vmem>> -> memref<8x64xf32, #tpu.memory_space<vmem>>
        %dma_start3A_1837 = arith.constant 0 : i32
        %dma_start3A_1838 = arith.constant 0 : i32
        %dma_start3A_1839 = tpu.memref_slice %arg4[%shift_right_arithmetic3A_1820, %dma_start3A_1837, %dma_start3A_1838] : memref<12500x8x64xf32, #tpu.memory_space<hbm>> -> memref<1x8x64xf32, #tpu.memory_space<hbm>>
        %dma_start3A_1840 = tpu.memref_squeeze %dma_start3A_1839 : memref<1x8x64xf32, #tpu.memory_space<hbm>> -> memref<8x64xf32, #tpu.memory_space<hbm>>
        tpu.enqueue_dma source(%dma_start3A_1840 : memref<8x64xf32, #tpu.memory_space<hbm>>) target(%dma_start3A_1836 : memref<8x64xf32, #tpu.memory_space<vmem>>) target_semaphore(%arg15 : memref<!tpu.dma_semaphore, #tpu.memory_space<semaphore_mem>>)
        %slice3A_1841 = vector.extract_strided_slice %get3A_1600 {offsets = [10], sizes = [1], strides = [1]} : vector<16xi32> to vector<1xi32>
        %squeeze3A_1842 = vector.extract %slice3A_1841[0] : i32 from vector<1xi32>
        %shift_right_arithmetic3A_1843 = arith.constant 3 : i32
        %shift_right_arithmetic3A_1844 = arith.shrsi %squeeze3A_1842, %shift_right_arithmetic3A_1843 : i32
        %add3A_1845 = arith.constant 0 : i32
        %add3A_1846 = arith.addi %mul3A_1597, %add3A_1845 : i32
        %add3A_1847 = arith.constant 10 : i32
        %add3A_1848 = arith.addi %add3A_1846, %add3A_1847 : i32
        %dma_start3A_1849 = arith.constant 0 : i32
        %dma_start3A_1850 = arith.constant 0 : i32
        %dma_start3A_1851 = tpu.memref_slice %arg11[%add3A_1848, %dma_start3A_1849, %dma_start3A_1850] : memref<64x8x64xf32, #tpu.memory_space<vmem>> -> memref<1x8x64xf32, #tpu.memory_space<vmem>>
        %dma_start3A_1852 = tpu.memref_squeeze %dma_start3A_1851 : memref<1x8x64xf32, #tpu.memory_space<vmem>> -> memref<8x64xf32, #tpu.memory_space<vmem>>
        %dma_start3A_1853 = arith.constant 0 : i32
        %dma_start3A_1854 = arith.constant 0 : i32
        %dma_start3A_1855 = tpu.memref_slice %arg4[%shift_right_arithmetic3A_1844, %dma_start3A_1853, %dma_start3A_1854] : memref<12500x8x64xf32, #tpu.memory_space<hbm>> -> memref<1x8x64xf32, #tpu.memory_space<hbm>>
        %dma_start3A_1856 = tpu.memref_squeeze %dma_start3A_1855 : memref<1x8x64xf32, #tpu.memory_space<hbm>> -> memref<8x64xf32, #tpu.memory_space<hbm>>
        %dma_start3A_1857 = arith.constant 0 : i32
        %dma_start3A_1858 = arith.constant 0 : i32
        %dma_start3A_1859 = tpu.memref_slice %arg11[%add3A_1848, %dma_start3A_1857, %dma_start3A_1858] : memref<64x8x64xf32, #tpu.memory_space<vmem>> -> memref<1x8x64xf32, #tpu.memory_space<vmem>>
        %dma_start3A_1860 = tpu.memref_squeeze %dma_start3A_1859 : memref<1x8x64xf32, #tpu.memory_space<vmem>> -> memref<8x64xf32, #tpu.memory_space<vmem>>
        %dma_start3A_1861 = arith.constant 0 : i32
        %dma_start3A_1862 = arith.constant 0 : i32
        %dma_start3A_1863 = tpu.memref_slice %arg4[%shift_right_arithmetic3A_1844, %dma_start3A_1861, %dma_start3A_1862] : memref<12500x8x64xf32, #tpu.memory_space<hbm>> -> memref<1x8x64xf32, #tpu.memory_space<hbm>>
        %dma_start3A_1864 = tpu.memref_squeeze %dma_start3A_1863 : memref<1x8x64xf32, #tpu.memory_space<hbm>> -> memref<8x64xf32, #tpu.memory_space<hbm>>
        tpu.enqueue_dma source(%dma_start3A_1864 : memref<8x64xf32, #tpu.memory_space<hbm>>) target(%dma_start3A_1860 : memref<8x64xf32, #tpu.memory_space<vmem>>) target_semaphore(%arg15 : memref<!tpu.dma_semaphore, #tpu.memory_space<semaphore_mem>>)
        %slice3A_1865 = vector.extract_strided_slice %get3A_1600 {offsets = [11], sizes = [1], strides = [1]} : vector<16xi32> to vector<1xi32>
        %squeeze3A_1866 = vector.extract %slice3A_1865[0] : i32 from vector<1xi32>
        %shift_right_arithmetic3A_1867 = arith.constant 3 : i32
        %shift_right_arithmetic3A_1868 = arith.shrsi %squeeze3A_1866, %shift_right_arithmetic3A_1867 : i32
        %add3A_1869 = arith.constant 0 : i32
        %add3A_1870 = arith.addi %mul3A_1597, %add3A_1869 : i32
        %add3A_1871 = arith.constant 11 : i32
        %add3A_1872 = arith.addi %add3A_1870, %add3A_1871 : i32
        %dma_start3A_1873 = arith.constant 0 : i32
        %dma_start3A_1874 = arith.constant 0 : i32
        %dma_start3A_1875 = tpu.memref_slice %arg11[%add3A_1872, %dma_start3A_1873, %dma_start3A_1874] : memref<64x8x64xf32, #tpu.memory_space<vmem>> -> memref<1x8x64xf32, #tpu.memory_space<vmem>>
        %dma_start3A_1876 = tpu.memref_squeeze %dma_start3A_1875 : memref<1x8x64xf32, #tpu.memory_space<vmem>> -> memref<8x64xf32, #tpu.memory_space<vmem>>
        %dma_start3A_1877 = arith.constant 0 : i32
        %dma_start3A_1878 = arith.constant 0 : i32
        %dma_start3A_1879 = tpu.memref_slice %arg4[%shift_right_arithmetic3A_1868, %dma_start3A_1877, %dma_start3A_1878] : memref<12500x8x64xf32, #tpu.memory_space<hbm>> -> memref<1x8x64xf32, #tpu.memory_space<hbm>>
        %dma_start3A_1880 = tpu.memref_squeeze %dma_start3A_1879 : memref<1x8x64xf32, #tpu.memory_space<hbm>> -> memref<8x64xf32, #tpu.memory_space<hbm>>
        %dma_start3A_1881 = arith.constant 0 : i32
        %dma_start3A_1882 = arith.constant 0 : i32
        %dma_start3A_1883 = tpu.memref_slice %arg11[%add3A_1872, %dma_start3A_1881, %dma_start3A_1882] : memref<64x8x64xf32, #tpu.memory_space<vmem>> -> memref<1x8x64xf32, #tpu.memory_space<vmem>>
        %dma_start3A_1884 = tpu.memref_squeeze %dma_start3A_1883 : memref<1x8x64xf32, #tpu.memory_space<vmem>> -> memref<8x64xf32, #tpu.memory_space<vmem>>
        %dma_start3A_1885 = arith.constant 0 : i32
        %dma_start3A_1886 = arith.constant 0 : i32
        %dma_start3A_1887 = tpu.memref_slice %arg4[%shift_right_arithmetic3A_1868, %dma_start3A_1885, %dma_start3A_1886] : memref<12500x8x64xf32, #tpu.memory_space<hbm>> -> memref<1x8x64xf32, #tpu.memory_space<hbm>>
        %dma_start3A_1888 = tpu.memref_squeeze %dma_start3A_1887 : memref<1x8x64xf32, #tpu.memory_space<hbm>> -> memref<8x64xf32, #tpu.memory_space<hbm>>
        tpu.enqueue_dma source(%dma_start3A_1888 : memref<8x64xf32, #tpu.memory_space<hbm>>) target(%dma_start3A_1884 : memref<8x64xf32, #tpu.memory_space<vmem>>) target_semaphore(%arg15 : memref<!tpu.dma_semaphore, #tpu.memory_space<semaphore_mem>>)
        %slice3A_1889 = vector.extract_strided_slice %get3A_1600 {offsets = [12], sizes = [1], strides = [1]} : vector<16xi32> to vector<1xi32>
        %squeeze3A_1890 = vector.extract %slice3A_1889[0] : i32 from vector<1xi32>
        %shift_right_arithmetic3A_1891 = arith.constant 3 : i32
        %shift_right_arithmetic3A_1892 = arith.shrsi %squeeze3A_1890, %shift_right_arithmetic3A_1891 : i32
        %add3A_1893 = arith.constant 0 : i32
        %add3A_1894 = arith.addi %mul3A_1597, %add3A_1893 : i32
        %add3A_1895 = arith.constant 12 : i32
        %add3A_1896 = arith.addi %add3A_1894, %add3A_1895 : i32
        %dma_start3A_1897 = arith.constant 0 : i32
        %dma_start3A_1898 = arith.constant 0 : i32
        %dma_start3A_1899 = tpu.memref_slice %arg11[%add3A_1896, %dma_start3A_1897, %dma_start3A_1898] : memref<64x8x64xf32, #tpu.memory_space<vmem>> -> memref<1x8x64xf32, #tpu.memory_space<vmem>>
        %dma_start3A_1900 = tpu.memref_squeeze %dma_start3A_1899 : memref<1x8x64xf32, #tpu.memory_space<vmem>> -> memref<8x64xf32, #tpu.memory_space<vmem>>
        %dma_start3A_1901 = arith.constant 0 : i32
        %dma_start3A_1902 = arith.constant 0 : i32
        %dma_start3A_1903 = tpu.memref_slice %arg4[%shift_right_arithmetic3A_1892, %dma_start3A_1901, %dma_start3A_1902] : memref<12500x8x64xf32, #tpu.memory_space<hbm>> -> memref<1x8x64xf32, #tpu.memory_space<hbm>>
        %dma_start3A_1904 = tpu.memref_squeeze %dma_start3A_1903 : memref<1x8x64xf32, #tpu.memory_space<hbm>> -> memref<8x64xf32, #tpu.memory_space<hbm>>
        %dma_start3A_1905 = arith.constant 0 : i32
        %dma_start3A_1906 = arith.constant 0 : i32
        %dma_start3A_1907 = tpu.memref_slice %arg11[%add3A_1896, %dma_start3A_1905, %dma_start3A_1906] : memref<64x8x64xf32, #tpu.memory_space<vmem>> -> memref<1x8x64xf32, #tpu.memory_space<vmem>>
        %dma_start3A_1908 = tpu.memref_squeeze %dma_start3A_1907 : memref<1x8x64xf32, #tpu.memory_space<vmem>> -> memref<8x64xf32, #tpu.memory_space<vmem>>
        %dma_start3A_1909 = arith.constant 0 : i32
        %dma_start3A_1910 = arith.constant 0 : i32
        %dma_start3A_1911 = tpu.memref_slice %arg4[%shift_right_arithmetic3A_1892, %dma_start3A_1909, %dma_start3A_1910] : memref<12500x8x64xf32, #tpu.memory_space<hbm>> -> memref<1x8x64xf32, #tpu.memory_space<hbm>>
        %dma_start3A_1912 = tpu.memref_squeeze %dma_start3A_1911 : memref<1x8x64xf32, #tpu.memory_space<hbm>> -> memref<8x64xf32, #tpu.memory_space<hbm>>
        tpu.enqueue_dma source(%dma_start3A_1912 : memref<8x64xf32, #tpu.memory_space<hbm>>) target(%dma_start3A_1908 : memref<8x64xf32, #tpu.memory_space<vmem>>) target_semaphore(%arg15 : memref<!tpu.dma_semaphore, #tpu.memory_space<semaphore_mem>>)
        %slice3A_1913 = vector.extract_strided_slice %get3A_1600 {offsets = [13], sizes = [1], strides = [1]} : vector<16xi32> to vector<1xi32>
        %squeeze3A_1914 = vector.extract %slice3A_1913[0] : i32 from vector<1xi32>
        %shift_right_arithmetic3A_1915 = arith.constant 3 : i32
        %shift_right_arithmetic3A_1916 = arith.shrsi %squeeze3A_1914, %shift_right_arithmetic3A_1915 : i32
        %add3A_1917 = arith.constant 0 : i32
        %add3A_1918 = arith.addi %mul3A_1597, %add3A_1917 : i32
        %add3A_1919 = arith.constant 13 : i32
        %add3A_1920 = arith.addi %add3A_1918, %add3A_1919 : i32
        %dma_start3A_1921 = arith.constant 0 : i32
        %dma_start3A_1922 = arith.constant 0 : i32
        %dma_start3A_1923 = tpu.memref_slice %arg11[%add3A_1920, %dma_start3A_1921, %dma_start3A_1922] : memref<64x8x64xf32, #tpu.memory_space<vmem>> -> memref<1x8x64xf32, #tpu.memory_space<vmem>>
        %dma_start3A_1924 = tpu.memref_squeeze %dma_start3A_1923 : memref<1x8x64xf32, #tpu.memory_space<vmem>> -> memref<8x64xf32, #tpu.memory_space<vmem>>
        %dma_start3A_1925 = arith.constant 0 : i32
        %dma_start3A_1926 = arith.constant 0 : i32
        %dma_start3A_1927 = tpu.memref_slice %arg4[%shift_right_arithmetic3A_1916, %dma_start3A_1925, %dma_start3A_1926] : memref<12500x8x64xf32, #tpu.memory_space<hbm>> -> memref<1x8x64xf32, #tpu.memory_space<hbm>>
        %dma_start3A_1928 = tpu.memref_squeeze %dma_start3A_1927 : memref<1x8x64xf32, #tpu.memory_space<hbm>> -> memref<8x64xf32, #tpu.memory_space<hbm>>
        %dma_start3A_1929 = arith.constant 0 : i32
        %dma_start3A_1930 = arith.constant 0 : i32
        %dma_start3A_1931 = tpu.memref_slice %arg11[%add3A_1920, %dma_start3A_1929, %dma_start3A_1930] : memref<64x8x64xf32, #tpu.memory_space<vmem>> -> memref<1x8x64xf32, #tpu.memory_space<vmem>>
        %dma_start3A_1932 = tpu.memref_squeeze %dma_start3A_1931 : memref<1x8x64xf32, #tpu.memory_space<vmem>> -> memref<8x64xf32, #tpu.memory_space<vmem>>
        %dma_start3A_1933 = arith.constant 0 : i32
        %dma_start3A_1934 = arith.constant 0 : i32
        %dma_start3A_1935 = tpu.memref_slice %arg4[%shift_right_arithmetic3A_1916, %dma_start3A_1933, %dma_start3A_1934] : memref<12500x8x64xf32, #tpu.memory_space<hbm>> -> memref<1x8x64xf32, #tpu.memory_space<hbm>>
        %dma_start3A_1936 = tpu.memref_squeeze %dma_start3A_1935 : memref<1x8x64xf32, #tpu.memory_space<hbm>> -> memref<8x64xf32, #tpu.memory_space<hbm>>
        tpu.enqueue_dma source(%dma_start3A_1936 : memref<8x64xf32, #tpu.memory_space<hbm>>) target(%dma_start3A_1932 : memref<8x64xf32, #tpu.memory_space<vmem>>) target_semaphore(%arg15 : memref<!tpu.dma_semaphore, #tpu.memory_space<semaphore_mem>>)
        %slice3A_1937 = vector.extract_strided_slice %get3A_1600 {offsets = [14], sizes = [1], strides = [1]} : vector<16xi32> to vector<1xi32>
        %squeeze3A_1938 = vector.extract %slice3A_1937[0] : i32 from vector<1xi32>
        %shift_right_arithmetic3A_1939 = arith.constant 3 : i32
        %shift_right_arithmetic3A_1940 = arith.shrsi %squeeze3A_1938, %shift_right_arithmetic3A_1939 : i32
        %add3A_1941 = arith.constant 0 : i32
        %add3A_1942 = arith.addi %mul3A_1597, %add3A_1941 : i32
        %add3A_1943 = arith.constant 14 : i32
        %add3A_1944 = arith.addi %add3A_1942, %add3A_1943 : i32
        %dma_start3A_1945 = arith.constant 0 : i32
        %dma_start3A_1946 = arith.constant 0 : i32
        %dma_start3A_1947 = tpu.memref_slice %arg11[%add3A_1944, %dma_start3A_1945, %dma_start3A_1946] : memref<64x8x64xf32, #tpu.memory_space<vmem>> -> memref<1x8x64xf32, #tpu.memory_space<vmem>>
        %dma_start3A_1948 = tpu.memref_squeeze %dma_start3A_1947 : memref<1x8x64xf32, #tpu.memory_space<vmem>> -> memref<8x64xf32, #tpu.memory_space<vmem>>
        %dma_start3A_1949 = arith.constant 0 : i32
        %dma_start3A_1950 = arith.constant 0 : i32
        %dma_start3A_1951 = tpu.memref_slice %arg4[%shift_right_arithmetic3A_1940, %dma_start3A_1949, %dma_start3A_1950] : memref<12500x8x64xf32, #tpu.memory_space<hbm>> -> memref<1x8x64xf32, #tpu.memory_space<hbm>>
        %dma_start3A_1952 = tpu.memref_squeeze %dma_start3A_1951 : memref<1x8x64xf32, #tpu.memory_space<hbm>> -> memref<8x64xf32, #tpu.memory_space<hbm>>
        %dma_start3A_1953 = arith.constant 0 : i32
        %dma_start3A_1954 = arith.constant 0 : i32
        %dma_start3A_1955 = tpu.memref_slice %arg11[%add3A_1944, %dma_start3A_1953, %dma_start3A_1954] : memref<64x8x64xf32, #tpu.memory_space<vmem>> -> memref<1x8x64xf32, #tpu.memory_space<vmem>>
        %dma_start3A_1956 = tpu.memref_squeeze %dma_start3A_1955 : memref<1x8x64xf32, #tpu.memory_space<vmem>> -> memref<8x64xf32, #tpu.memory_space<vmem>>
        %dma_start3A_1957 = arith.constant 0 : i32
        %dma_start3A_1958 = arith.constant 0 : i32
        %dma_start3A_1959 = tpu.memref_slice %arg4[%shift_right_arithmetic3A_1940, %dma_start3A_1957, %dma_start3A_1958] : memref<12500x8x64xf32, #tpu.memory_space<hbm>> -> memref<1x8x64xf32, #tpu.memory_space<hbm>>
        %dma_start3A_1960 = tpu.memref_squeeze %dma_start3A_1959 : memref<1x8x64xf32, #tpu.memory_space<hbm>> -> memref<8x64xf32, #tpu.memory_space<hbm>>
        tpu.enqueue_dma source(%dma_start3A_1960 : memref<8x64xf32, #tpu.memory_space<hbm>>) target(%dma_start3A_1956 : memref<8x64xf32, #tpu.memory_space<vmem>>) target_semaphore(%arg15 : memref<!tpu.dma_semaphore, #tpu.memory_space<semaphore_mem>>)
        %slice3A_1961 = vector.extract_strided_slice %get3A_1600 {offsets = [15], sizes = [1], strides = [1]} : vector<16xi32> to vector<1xi32>
        %squeeze3A_1962 = vector.extract %slice3A_1961[0] : i32 from vector<1xi32>
        %shift_right_arithmetic3A_1963 = arith.constant 3 : i32
        %shift_right_arithmetic3A_1964 = arith.shrsi %squeeze3A_1962, %shift_right_arithmetic3A_1963 : i32
        %add3A_1965 = arith.constant 0 : i32
        %add3A_1966 = arith.addi %mul3A_1597, %add3A_1965 : i32
        %add3A_1967 = arith.constant 15 : i32
        %add3A_1968 = arith.addi %add3A_1966, %add3A_1967 : i32
        %dma_start3A_1969 = arith.constant 0 : i32
        %dma_start3A_1970 = arith.constant 0 : i32
        %dma_start3A_1971 = tpu.memref_slice %arg11[%add3A_1968, %dma_start3A_1969, %dma_start3A_1970] : memref<64x8x64xf32, #tpu.memory_space<vmem>> -> memref<1x8x64xf32, #tpu.memory_space<vmem>>
        %dma_start3A_1972 = tpu.memref_squeeze %dma_start3A_1971 : memref<1x8x64xf32, #tpu.memory_space<vmem>> -> memref<8x64xf32, #tpu.memory_space<vmem>>
        %dma_start3A_1973 = arith.constant 0 : i32
        %dma_start3A_1974 = arith.constant 0 : i32
        %dma_start3A_1975 = tpu.memref_slice %arg4[%shift_right_arithmetic3A_1964, %dma_start3A_1973, %dma_start3A_1974] : memref<12500x8x64xf32, #tpu.memory_space<hbm>> -> memref<1x8x64xf32, #tpu.memory_space<hbm>>
        %dma_start3A_1976 = tpu.memref_squeeze %dma_start3A_1975 : memref<1x8x64xf32, #tpu.memory_space<hbm>> -> memref<8x64xf32, #tpu.memory_space<hbm>>
        %dma_start3A_1977 = arith.constant 0 : i32
        %dma_start3A_1978 = arith.constant 0 : i32
        %dma_start3A_1979 = tpu.memref_slice %arg11[%add3A_1968, %dma_start3A_1977, %dma_start3A_1978] : memref<64x8x64xf32, #tpu.memory_space<vmem>> -> memref<1x8x64xf32, #tpu.memory_space<vmem>>
        %dma_start3A_1980 = tpu.memref_squeeze %dma_start3A_1979 : memref<1x8x64xf32, #tpu.memory_space<vmem>> -> memref<8x64xf32, #tpu.memory_space<vmem>>
        %dma_start3A_1981 = arith.constant 0 : i32
        %dma_start3A_1982 = arith.constant 0 : i32
        %dma_start3A_1983 = tpu.memref_slice %arg4[%shift_right_arithmetic3A_1964, %dma_start3A_1981, %dma_start3A_1982] : memref<12500x8x64xf32, #tpu.memory_space<hbm>> -> memref<1x8x64xf32, #tpu.memory_space<hbm>>
        %dma_start3A_1984 = tpu.memref_squeeze %dma_start3A_1983 : memref<1x8x64xf32, #tpu.memory_space<hbm>> -> memref<8x64xf32, #tpu.memory_space<hbm>>
        tpu.enqueue_dma source(%dma_start3A_1984 : memref<8x64xf32, #tpu.memory_space<hbm>>) target(%dma_start3A_1980 : memref<8x64xf32, #tpu.memory_space<vmem>>) target_semaphore(%arg15 : memref<!tpu.dma_semaphore, #tpu.memory_space<semaphore_mem>>)
        %get3A_1985 = arith.index_cast %add3A_1576 : i32 to index
        %get3A_1986 = arith.constant 16 : index
        %get3A_1987 = tpu.vector_load %arg9[%get3A_1985, %get3A_1986] {strides = array<i32>} : memref<16x32xi32, #tpu.memory_space<vmem>>, vector<16xi32>,
        %slice3A_1988 = vector.extract_strided_slice %get3A_1987 {offsets = [0], sizes = [1], strides = [1]} : vector<16xi32> to vector<1xi32>
        %squeeze3A_1989 = vector.extract %slice3A_1988[0] : i32 from vector<1xi32>
        %shift_right_arithmetic3A_1990 = arith.constant 3 : i32
        %shift_right_arithmetic3A_1991 = arith.shrsi %squeeze3A_1989, %shift_right_arithmetic3A_1990 : i32
        %add3A_1992 = arith.constant 16 : i32
        %add3A_1993 = arith.addi %mul3A_1597, %add3A_1992 : i32
        %add3A_1994 = arith.constant 0 : i32
        %add3A_1995 = arith.addi %add3A_1993, %add3A_1994 : i32
        %dma_start3A_1996 = arith.constant 0 : i32
        %dma_start3A_1997 = arith.constant 0 : i32
        %dma_start3A_1998 = tpu.memref_slice %arg11[%add3A_1995, %dma_start3A_1996, %dma_start3A_1997] : memref<64x8x64xf32, #tpu.memory_space<vmem>> -> memref<1x8x64xf32, #tpu.memory_space<vmem>>
        %dma_start3A_1999 = tpu.memref_squeeze %dma_start3A_1998 : memref<1x8x64xf32, #tpu.memory_space<vmem>> -> memref<8x64xf32, #tpu.memory_space<vmem>>
        %dma_start3A_2000 = arith.constant 0 : i32
        %dma_start3A_2001 = arith.constant 0 : i32
        %dma_start3A_2002 = tpu.memref_slice %arg4[%shift_right_arithmetic3A_1991, %dma_start3A_2000, %dma_start3A_2001] : memref<12500x8x64xf32, #tpu.memory_space<hbm>> -> memref<1x8x64xf32, #tpu.memory_space<hbm>>
        %dma_start3A_2003 = tpu.memref_squeeze %dma_start3A_2002 : memref<1x8x64xf32, #tpu.memory_space<hbm>> -> memref<8x64xf32, #tpu.memory_space<hbm>>
        %dma_start3A_2004 = arith.constant 0 : i32
        %dma_start3A_2005 = arith.constant 0 : i32
        %dma_start3A_2006 = tpu.memref_slice %arg11[%add3A_1995, %dma_start3A_2004, %dma_start3A_2005] : memref<64x8x64xf32, #tpu.memory_space<vmem>> -> memref<1x8x64xf32, #tpu.memory_space<vmem>>
        %dma_start3A_2007 = tpu.memref_squeeze %dma_start3A_2006 : memref<1x8x64xf32, #tpu.memory_space<vmem>> -> memref<8x64xf32, #tpu.memory_space<vmem>>
        %dma_start3A_2008 = arith.constant 0 : i32
        %dma_start3A_2009 = arith.constant 0 : i32
        %dma_start3A_2010 = tpu.memref_slice %arg4[%shift_right_arithmetic3A_1991, %dma_start3A_2008, %dma_start3A_2009] : memref<12500x8x64xf32, #tpu.memory_space<hbm>> -> memref<1x8x64xf32, #tpu.memory_space<hbm>>
        %dma_start3A_2011 = tpu.memref_squeeze %dma_start3A_2010 : memref<1x8x64xf32, #tpu.memory_space<hbm>> -> memref<8x64xf32, #tpu.memory_space<hbm>>
        tpu.enqueue_dma source(%dma_start3A_2011 : memref<8x64xf32, #tpu.memory_space<hbm>>) target(%dma_start3A_2007 : memref<8x64xf32, #tpu.memory_space<vmem>>) target_semaphore(%arg15 : memref<!tpu.dma_semaphore, #tpu.memory_space<semaphore_mem>>)
        %slice3A_2012 = vector.extract_strided_slice %get3A_1987 {offsets = [1], sizes = [1], strides = [1]} : vector<16xi32> to vector<1xi32>
        %squeeze3A_2013 = vector.extract %slice3A_2012[0] : i32 from vector<1xi32>
        %shift_right_arithmetic3A_2014 = arith.constant 3 : i32
        %shift_right_arithmetic3A_2015 = arith.shrsi %squeeze3A_2013, %shift_right_arithmetic3A_2014 : i32
        %add3A_2016 = arith.constant 16 : i32
        %add3A_2017 = arith.addi %mul3A_1597, %add3A_2016 : i32
        %add3A_2018 = arith.constant 1 : i32
        %add3A_2019 = arith.addi %add3A_2017, %add3A_2018 : i32
        %dma_start3A_2020 = arith.constant 0 : i32
        %dma_start3A_2021 = arith.constant 0 : i32
        %dma_start3A_2022 = tpu.memref_slice %arg11[%add3A_2019, %dma_start3A_2020, %dma_start3A_2021] : memref<64x8x64xf32, #tpu.memory_space<vmem>> -> memref<1x8x64xf32, #tpu.memory_space<vmem>>
        %dma_start3A_2023 = tpu.memref_squeeze %dma_start3A_2022 : memref<1x8x64xf32, #tpu.memory_space<vmem>> -> memref<8x64xf32, #tpu.memory_space<vmem>>
        %dma_start3A_2024 = arith.constant 0 : i32
        %dma_start3A_2025 = arith.constant 0 : i32
        %dma_start3A_2026 = tpu.memref_slice %arg4[%shift_right_arithmetic3A_2015, %dma_start3A_2024, %dma_start3A_2025] : memref<12500x8x64xf32, #tpu.memory_space<hbm>> -> memref<1x8x64xf32, #tpu.memory_space<hbm>>
        %dma_start3A_2027 = tpu.memref_squeeze %dma_start3A_2026 : memref<1x8x64xf32, #tpu.memory_space<hbm>> -> memref<8x64xf32, #tpu.memory_space<hbm>>
        %dma_start3A_2028 = arith.constant 0 : i32
        %dma_start3A_2029 = arith.constant 0 : i32
        %dma_start3A_2030 = tpu.memref_slice %arg11[%add3A_2019, %dma_start3A_2028, %dma_start3A_2029] : memref<64x8x64xf32, #tpu.memory_space<vmem>> -> memref<1x8x64xf32, #tpu.memory_space<vmem>>
        %dma_start3A_2031 = tpu.memref_squeeze %dma_start3A_2030 : memref<1x8x64xf32, #tpu.memory_space<vmem>> -> memref<8x64xf32, #tpu.memory_space<vmem>>
        %dma_start3A_2032 = arith.constant 0 : i32
        %dma_start3A_2033 = arith.constant 0 : i32
        %dma_start3A_2034 = tpu.memref_slice %arg4[%shift_right_arithmetic3A_2015, %dma_start3A_2032, %dma_start3A_2033] : memref<12500x8x64xf32, #tpu.memory_space<hbm>> -> memref<1x8x64xf32, #tpu.memory_space<hbm>>
        %dma_start3A_2035 = tpu.memref_squeeze %dma_start3A_2034 : memref<1x8x64xf32, #tpu.memory_space<hbm>> -> memref<8x64xf32, #tpu.memory_space<hbm>>
        tpu.enqueue_dma source(%dma_start3A_2035 : memref<8x64xf32, #tpu.memory_space<hbm>>) target(%dma_start3A_2031 : memref<8x64xf32, #tpu.memory_space<vmem>>) target_semaphore(%arg15 : memref<!tpu.dma_semaphore, #tpu.memory_space<semaphore_mem>>)
        %slice3A_2036 = vector.extract_strided_slice %get3A_1987 {offsets = [2], sizes = [1], strides = [1]} : vector<16xi32> to vector<1xi32>
        %squeeze3A_2037 = vector.extract %slice3A_2036[0] : i32 from vector<1xi32>
        %shift_right_arithmetic3A_2038 = arith.constant 3 : i32
        %shift_right_arithmetic3A_2039 = arith.shrsi %squeeze3A_2037, %shift_right_arithmetic3A_2038 : i32
        %add3A_2040 = arith.constant 16 : i32
        %add3A_2041 = arith.addi %mul3A_1597, %add3A_2040 : i32
        %add3A_2042 = arith.constant 2 : i32
        %add3A_2043 = arith.addi %add3A_2041, %add3A_2042 : i32
        %dma_start3A_2044 = arith.constant 0 : i32
        %dma_start3A_2045 = arith.constant 0 : i32
        %dma_start3A_2046 = tpu.memref_slice %arg11[%add3A_2043, %dma_start3A_2044, %dma_start3A_2045] : memref<64x8x64xf32, #tpu.memory_space<vmem>> -> memref<1x8x64xf32, #tpu.memory_space<vmem>>
        %dma_start3A_2047 = tpu.memref_squeeze %dma_start3A_2046 : memref<1x8x64xf32, #tpu.memory_space<vmem>> -> memref<8x64xf32, #tpu.memory_space<vmem>>
        %dma_start3A_2048 = arith.constant 0 : i32
        %dma_start3A_2049 = arith.constant 0 : i32
        %dma_start3A_2050 = tpu.memref_slice %arg4[%shift_right_arithmetic3A_2039, %dma_start3A_2048, %dma_start3A_2049] : memref<12500x8x64xf32, #tpu.memory_space<hbm>> -> memref<1x8x64xf32, #tpu.memory_space<hbm>>
        %dma_start3A_2051 = tpu.memref_squeeze %dma_start3A_2050 : memref<1x8x64xf32, #tpu.memory_space<hbm>> -> memref<8x64xf32, #tpu.memory_space<hbm>>
        %dma_start3A_2052 = arith.constant 0 : i32
        %dma_start3A_2053 = arith.constant 0 : i32
        %dma_start3A_2054 = tpu.memref_slice %arg11[%add3A_2043, %dma_start3A_2052, %dma_start3A_2053] : memref<64x8x64xf32, #tpu.memory_space<vmem>> -> memref<1x8x64xf32, #tpu.memory_space<vmem>>
        %dma_start3A_2055 = tpu.memref_squeeze %dma_start3A_2054 : memref<1x8x64xf32, #tpu.memory_space<vmem>> -> memref<8x64xf32, #tpu.memory_space<vmem>>
        %dma_start3A_2056 = arith.constant 0 : i32
        %dma_start3A_2057 = arith.constant 0 : i32
        %dma_start3A_2058 = tpu.memref_slice %arg4[%shift_right_arithmetic3A_2039, %dma_start3A_2056, %dma_start3A_2057] : memref<12500x8x64xf32, #tpu.memory_space<hbm>> -> memref<1x8x64xf32, #tpu.memory_space<hbm>>
        %dma_start3A_2059 = tpu.memref_squeeze %dma_start3A_2058 : memref<1x8x64xf32, #tpu.memory_space<hbm>> -> memref<8x64xf32, #tpu.memory_space<hbm>>
        tpu.enqueue_dma source(%dma_start3A_2059 : memref<8x64xf32, #tpu.memory_space<hbm>>) target(%dma_start3A_2055 : memref<8x64xf32, #tpu.memory_space<vmem>>) target_semaphore(%arg15 : memref<!tpu.dma_semaphore, #tpu.memory_space<semaphore_mem>>)
        %slice3A_2060 = vector.extract_strided_slice %get3A_1987 {offsets = [3], sizes = [1], strides = [1]} : vector<16xi32> to vector<1xi32>
        %squeeze3A_2061 = vector.extract %slice3A_2060[0] : i32 from vector<1xi32>
        %shift_right_arithmetic3A_2062 = arith.constant 3 : i32
        %shift_right_arithmetic3A_2063 = arith.shrsi %squeeze3A_2061, %shift_right_arithmetic3A_2062 : i32
        %add3A_2064 = arith.constant 16 : i32
        %add3A_2065 = arith.addi %mul3A_1597, %add3A_2064 : i32
        %add3A_2066 = arith.constant 3 : i32
        %add3A_2067 = arith.addi %add3A_2065, %add3A_2066 : i32
        %dma_start3A_2068 = arith.constant 0 : i32
        %dma_start3A_2069 = arith.constant 0 : i32
        %dma_start3A_2070 = tpu.memref_slice %arg11[%add3A_2067, %dma_start3A_2068, %dma_start3A_2069] : memref<64x8x64xf32, #tpu.memory_space<vmem>> -> memref<1x8x64xf32, #tpu.memory_space<vmem>>
        %dma_start3A_2071 = tpu.memref_squeeze %dma_start3A_2070 : memref<1x8x64xf32, #tpu.memory_space<vmem>> -> memref<8x64xf32, #tpu.memory_space<vmem>>
        %dma_start3A_2072 = arith.constant 0 : i32
        %dma_start3A_2073 = arith.constant 0 : i32
        %dma_start3A_2074 = tpu.memref_slice %arg4[%shift_right_arithmetic3A_2063, %dma_start3A_2072, %dma_start3A_2073] : memref<12500x8x64xf32, #tpu.memory_space<hbm>> -> memref<1x8x64xf32, #tpu.memory_space<hbm>>
        %dma_start3A_2075 = tpu.memref_squeeze %dma_start3A_2074 : memref<1x8x64xf32, #tpu.memory_space<hbm>> -> memref<8x64xf32, #tpu.memory_space<hbm>>
        %dma_start3A_2076 = arith.constant 0 : i32
        %dma_start3A_2077 = arith.constant 0 : i32
        %dma_start3A_2078 = tpu.memref_slice %arg11[%add3A_2067, %dma_start3A_2076, %dma_start3A_2077] : memref<64x8x64xf32, #tpu.memory_space<vmem>> -> memref<1x8x64xf32, #tpu.memory_space<vmem>>
        %dma_start3A_2079 = tpu.memref_squeeze %dma_start3A_2078 : memref<1x8x64xf32, #tpu.memory_space<vmem>> -> memref<8x64xf32, #tpu.memory_space<vmem>>
        %dma_start3A_2080 = arith.constant 0 : i32
        %dma_start3A_2081 = arith.constant 0 : i32
        %dma_start3A_2082 = tpu.memref_slice %arg4[%shift_right_arithmetic3A_2063, %dma_start3A_2080, %dma_start3A_2081] : memref<12500x8x64xf32, #tpu.memory_space<hbm>> -> memref<1x8x64xf32, #tpu.memory_space<hbm>>
        %dma_start3A_2083 = tpu.memref_squeeze %dma_start3A_2082 : memref<1x8x64xf32, #tpu.memory_space<hbm>> -> memref<8x64xf32, #tpu.memory_space<hbm>>
        tpu.enqueue_dma source(%dma_start3A_2083 : memref<8x64xf32, #tpu.memory_space<hbm>>) target(%dma_start3A_2079 : memref<8x64xf32, #tpu.memory_space<vmem>>) target_semaphore(%arg15 : memref<!tpu.dma_semaphore, #tpu.memory_space<semaphore_mem>>)
        %slice3A_2084 = vector.extract_strided_slice %get3A_1987 {offsets = [4], sizes = [1], strides = [1]} : vector<16xi32> to vector<1xi32>
        %squeeze3A_2085 = vector.extract %slice3A_2084[0] : i32 from vector<1xi32>
        %shift_right_arithmetic3A_2086 = arith.constant 3 : i32
        %shift_right_arithmetic3A_2087 = arith.shrsi %squeeze3A_2085, %shift_right_arithmetic3A_2086 : i32
        %add3A_2088 = arith.constant 16 : i32
        %add3A_2089 = arith.addi %mul3A_1597, %add3A_2088 : i32
        %add3A_2090 = arith.constant 4 : i32
        %add3A_2091 = arith.addi %add3A_2089, %add3A_2090 : i32
        %dma_start3A_2092 = arith.constant 0 : i32
        %dma_start3A_2093 = arith.constant 0 : i32
        %dma_start3A_2094 = tpu.memref_slice %arg11[%add3A_2091, %dma_start3A_2092, %dma_start3A_2093] : memref<64x8x64xf32, #tpu.memory_space<vmem>> -> memref<1x8x64xf32, #tpu.memory_space<vmem>>
        %dma_start3A_2095 = tpu.memref_squeeze %dma_start3A_2094 : memref<1x8x64xf32, #tpu.memory_space<vmem>> -> memref<8x64xf32, #tpu.memory_space<vmem>>
        %dma_start3A_2096 = arith.constant 0 : i32
        %dma_start3A_2097 = arith.constant 0 : i32
        %dma_start3A_2098 = tpu.memref_slice %arg4[%shift_right_arithmetic3A_2087, %dma_start3A_2096, %dma_start3A_2097] : memref<12500x8x64xf32, #tpu.memory_space<hbm>> -> memref<1x8x64xf32, #tpu.memory_space<hbm>>
        %dma_start3A_2099 = tpu.memref_squeeze %dma_start3A_2098 : memref<1x8x64xf32, #tpu.memory_space<hbm>> -> memref<8x64xf32, #tpu.memory_space<hbm>>
        %dma_start3A_2100 = arith.constant 0 : i32
        %dma_start3A_2101 = arith.constant 0 : i32
        %dma_start3A_2102 = tpu.memref_slice %arg11[%add3A_2091, %dma_start3A_2100, %dma_start3A_2101] : memref<64x8x64xf32, #tpu.memory_space<vmem>> -> memref<1x8x64xf32, #tpu.memory_space<vmem>>
        %dma_start3A_2103 = tpu.memref_squeeze %dma_start3A_2102 : memref<1x8x64xf32, #tpu.memory_space<vmem>> -> memref<8x64xf32, #tpu.memory_space<vmem>>
        %dma_start3A_2104 = arith.constant 0 : i32
        %dma_start3A_2105 = arith.constant 0 : i32
        %dma_start3A_2106 = tpu.memref_slice %arg4[%shift_right_arithmetic3A_2087, %dma_start3A_2104, %dma_start3A_2105] : memref<12500x8x64xf32, #tpu.memory_space<hbm>> -> memref<1x8x64xf32, #tpu.memory_space<hbm>>
        %dma_start3A_2107 = tpu.memref_squeeze %dma_start3A_2106 : memref<1x8x64xf32, #tpu.memory_space<hbm>> -> memref<8x64xf32, #tpu.memory_space<hbm>>
        tpu.enqueue_dma source(%dma_start3A_2107 : memref<8x64xf32, #tpu.memory_space<hbm>>) target(%dma_start3A_2103 : memref<8x64xf32, #tpu.memory_space<vmem>>) target_semaphore(%arg15 : memref<!tpu.dma_semaphore, #tpu.memory_space<semaphore_mem>>)
        %slice3A_2108 = vector.extract_strided_slice %get3A_1987 {offsets = [5], sizes = [1], strides = [1]} : vector<16xi32> to vector<1xi32>
        %squeeze3A_2109 = vector.extract %slice3A_2108[0] : i32 from vector<1xi32>
        %shift_right_arithmetic3A_2110 = arith.constant 3 : i32
        %shift_right_arithmetic3A_2111 = arith.shrsi %squeeze3A_2109, %shift_right_arithmetic3A_2110 : i32
        %add3A_2112 = arith.constant 16 : i32
        %add3A_2113 = arith.addi %mul3A_1597, %add3A_2112 : i32
        %add3A_2114 = arith.constant 5 : i32
        %add3A_2115 = arith.addi %add3A_2113, %add3A_2114 : i32
        %dma_start3A_2116 = arith.constant 0 : i32
        %dma_start3A_2117 = arith.constant 0 : i32
        %dma_start3A_2118 = tpu.memref_slice %arg11[%add3A_2115, %dma_start3A_2116, %dma_start3A_2117] : memref<64x8x64xf32, #tpu.memory_space<vmem>> -> memref<1x8x64xf32, #tpu.memory_space<vmem>>
        %dma_start3A_2119 = tpu.memref_squeeze %dma_start3A_2118 : memref<1x8x64xf32, #tpu.memory_space<vmem>> -> memref<8x64xf32, #tpu.memory_space<vmem>>
        %dma_start3A_2120 = arith.constant 0 : i32
        %dma_start3A_2121 = arith.constant 0 : i32
        %dma_start3A_2122 = tpu.memref_slice %arg4[%shift_right_arithmetic3A_2111, %dma_start3A_2120, %dma_start3A_2121] : memref<12500x8x64xf32, #tpu.memory_space<hbm>> -> memref<1x8x64xf32, #tpu.memory_space<hbm>>
        %dma_start3A_2123 = tpu.memref_squeeze %dma_start3A_2122 : memref<1x8x64xf32, #tpu.memory_space<hbm>> -> memref<8x64xf32, #tpu.memory_space<hbm>>
        %dma_start3A_2124 = arith.constant 0 : i32
        %dma_start3A_2125 = arith.constant 0 : i32
        %dma_start3A_2126 = tpu.memref_slice %arg11[%add3A_2115, %dma_start3A_2124, %dma_start3A_2125] : memref<64x8x64xf32, #tpu.memory_space<vmem>> -> memref<1x8x64xf32, #tpu.memory_space<vmem>>
        %dma_start3A_2127 = tpu.memref_squeeze %dma_start3A_2126 : memref<1x8x64xf32, #tpu.memory_space<vmem>> -> memref<8x64xf32, #tpu.memory_space<vmem>>
        %dma_start3A_2128 = arith.constant 0 : i32
        %dma_start3A_2129 = arith.constant 0 : i32
        %dma_start3A_2130 = tpu.memref_slice %arg4[%shift_right_arithmetic3A_2111, %dma_start3A_2128, %dma_start3A_2129] : memref<12500x8x64xf32, #tpu.memory_space<hbm>> -> memref<1x8x64xf32, #tpu.memory_space<hbm>>
        %dma_start3A_2131 = tpu.memref_squeeze %dma_start3A_2130 : memref<1x8x64xf32, #tpu.memory_space<hbm>> -> memref<8x64xf32, #tpu.memory_space<hbm>>
        tpu.enqueue_dma source(%dma_start3A_2131 : memref<8x64xf32, #tpu.memory_space<hbm>>) target(%dma_start3A_2127 : memref<8x64xf32, #tpu.memory_space<vmem>>) target_semaphore(%arg15 : memref<!tpu.dma_semaphore, #tpu.memory_space<semaphore_mem>>)
        %slice3A_2132 = vector.extract_strided_slice %get3A_1987 {offsets = [6], sizes = [1], strides = [1]} : vector<16xi32> to vector<1xi32>
        %squeeze3A_2133 = vector.extract %slice3A_2132[0] : i32 from vector<1xi32>
        %shift_right_arithmetic3A_2134 = arith.constant 3 : i32
        %shift_right_arithmetic3A_2135 = arith.shrsi %squeeze3A_2133, %shift_right_arithmetic3A_2134 : i32
        %add3A_2136 = arith.constant 16 : i32
        %add3A_2137 = arith.addi %mul3A_1597, %add3A_2136 : i32
        %add3A_2138 = arith.constant 6 : i32
        %add3A_2139 = arith.addi %add3A_2137, %add3A_2138 : i32
        %dma_start3A_2140 = arith.constant 0 : i32
        %dma_start3A_2141 = arith.constant 0 : i32
        %dma_start3A_2142 = tpu.memref_slice %arg11[%add3A_2139, %dma_start3A_2140, %dma_start3A_2141] : memref<64x8x64xf32, #tpu.memory_space<vmem>> -> memref<1x8x64xf32, #tpu.memory_space<vmem>>
        %dma_start3A_2143 = tpu.memref_squeeze %dma_start3A_2142 : memref<1x8x64xf32, #tpu.memory_space<vmem>> -> memref<8x64xf32, #tpu.memory_space<vmem>>
        %dma_start3A_2144 = arith.constant 0 : i32
        %dma_start3A_2145 = arith.constant 0 : i32
        %dma_start3A_2146 = tpu.memref_slice %arg4[%shift_right_arithmetic3A_2135, %dma_start3A_2144, %dma_start3A_2145] : memref<12500x8x64xf32, #tpu.memory_space<hbm>> -> memref<1x8x64xf32, #tpu.memory_space<hbm>>
        %dma_start3A_2147 = tpu.memref_squeeze %dma_start3A_2146 : memref<1x8x64xf32, #tpu.memory_space<hbm>> -> memref<8x64xf32, #tpu.memory_space<hbm>>
        %dma_start3A_2148 = arith.constant 0 : i32
        %dma_start3A_2149 = arith.constant 0 : i32
        %dma_start3A_2150 = tpu.memref_slice %arg11[%add3A_2139, %dma_start3A_2148, %dma_start3A_2149] : memref<64x8x64xf32, #tpu.memory_space<vmem>> -> memref<1x8x64xf32, #tpu.memory_space<vmem>>
        %dma_start3A_2151 = tpu.memref_squeeze %dma_start3A_2150 : memref<1x8x64xf32, #tpu.memory_space<vmem>> -> memref<8x64xf32, #tpu.memory_space<vmem>>
        %dma_start3A_2152 = arith.constant 0 : i32
        %dma_start3A_2153 = arith.constant 0 : i32
        %dma_start3A_2154 = tpu.memref_slice %arg4[%shift_right_arithmetic3A_2135, %dma_start3A_2152, %dma_start3A_2153] : memref<12500x8x64xf32, #tpu.memory_space<hbm>> -> memref<1x8x64xf32, #tpu.memory_space<hbm>>
        %dma_start3A_2155 = tpu.memref_squeeze %dma_start3A_2154 : memref<1x8x64xf32, #tpu.memory_space<hbm>> -> memref<8x64xf32, #tpu.memory_space<hbm>>
        tpu.enqueue_dma source(%dma_start3A_2155 : memref<8x64xf32, #tpu.memory_space<hbm>>) target(%dma_start3A_2151 : memref<8x64xf32, #tpu.memory_space<vmem>>) target_semaphore(%arg15 : memref<!tpu.dma_semaphore, #tpu.memory_space<semaphore_mem>>)
        %slice3A_2156 = vector.extract_strided_slice %get3A_1987 {offsets = [7], sizes = [1], strides = [1]} : vector<16xi32> to vector<1xi32>
        %squeeze3A_2157 = vector.extract %slice3A_2156[0] : i32 from vector<1xi32>
        %shift_right_arithmetic3A_2158 = arith.constant 3 : i32
        %shift_right_arithmetic3A_2159 = arith.shrsi %squeeze3A_2157, %shift_right_arithmetic3A_2158 : i32
        %add3A_2160 = arith.constant 16 : i32
        %add3A_2161 = arith.addi %mul3A_1597, %add3A_2160 : i32
        %add3A_2162 = arith.constant 7 : i32
        %add3A_2163 = arith.addi %add3A_2161, %add3A_2162 : i32
        %dma_start3A_2164 = arith.constant 0 : i32
        %dma_start3A_2165 = arith.constant 0 : i32
        %dma_start3A_2166 = tpu.memref_slice %arg11[%add3A_2163, %dma_start3A_2164, %dma_start3A_2165] : memref<64x8x64xf32, #tpu.memory_space<vmem>> -> memref<1x8x64xf32, #tpu.memory_space<vmem>>
        %dma_start3A_2167 = tpu.memref_squeeze %dma_start3A_2166 : memref<1x8x64xf32, #tpu.memory_space<vmem>> -> memref<8x64xf32, #tpu.memory_space<vmem>>
        %dma_start3A_2168 = arith.constant 0 : i32
        %dma_start3A_2169 = arith.constant 0 : i32
        %dma_start3A_2170 = tpu.memref_slice %arg4[%shift_right_arithmetic3A_2159, %dma_start3A_2168, %dma_start3A_2169] : memref<12500x8x64xf32, #tpu.memory_space<hbm>> -> memref<1x8x64xf32, #tpu.memory_space<hbm>>
        %dma_start3A_2171 = tpu.memref_squeeze %dma_start3A_2170 : memref<1x8x64xf32, #tpu.memory_space<hbm>> -> memref<8x64xf32, #tpu.memory_space<hbm>>
        %dma_start3A_2172 = arith.constant 0 : i32
        %dma_start3A_2173 = arith.constant 0 : i32
        %dma_start3A_2174 = tpu.memref_slice %arg11[%add3A_2163, %dma_start3A_2172, %dma_start3A_2173] : memref<64x8x64xf32, #tpu.memory_space<vmem>> -> memref<1x8x64xf32, #tpu.memory_space<vmem>>
        %dma_start3A_2175 = tpu.memref_squeeze %dma_start3A_2174 : memref<1x8x64xf32, #tpu.memory_space<vmem>> -> memref<8x64xf32, #tpu.memory_space<vmem>>
        %dma_start3A_2176 = arith.constant 0 : i32
        %dma_start3A_2177 = arith.constant 0 : i32
        %dma_start3A_2178 = tpu.memref_slice %arg4[%shift_right_arithmetic3A_2159, %dma_start3A_2176, %dma_start3A_2177] : memref<12500x8x64xf32, #tpu.memory_space<hbm>> -> memref<1x8x64xf32, #tpu.memory_space<hbm>>
        %dma_start3A_2179 = tpu.memref_squeeze %dma_start3A_2178 : memref<1x8x64xf32, #tpu.memory_space<hbm>> -> memref<8x64xf32, #tpu.memory_space<hbm>>
        tpu.enqueue_dma source(%dma_start3A_2179 : memref<8x64xf32, #tpu.memory_space<hbm>>) target(%dma_start3A_2175 : memref<8x64xf32, #tpu.memory_space<vmem>>) target_semaphore(%arg15 : memref<!tpu.dma_semaphore, #tpu.memory_space<semaphore_mem>>)
        %slice3A_2180 = vector.extract_strided_slice %get3A_1987 {offsets = [8], sizes = [1], strides = [1]} : vector<16xi32> to vector<1xi32>
        %squeeze3A_2181 = vector.extract %slice3A_2180[0] : i32 from vector<1xi32>
        %shift_right_arithmetic3A_2182 = arith.constant 3 : i32
        %shift_right_arithmetic3A_2183 = arith.shrsi %squeeze3A_2181, %shift_right_arithmetic3A_2182 : i32
        %add3A_2184 = arith.constant 16 : i32
        %add3A_2185 = arith.addi %mul3A_1597, %add3A_2184 : i32
        %add3A_2186 = arith.constant 8 : i32
        %add3A_2187 = arith.addi %add3A_2185, %add3A_2186 : i32
        %dma_start3A_2188 = arith.constant 0 : i32
        %dma_start3A_2189 = arith.constant 0 : i32
        %dma_start3A_2190 = tpu.memref_slice %arg11[%add3A_2187, %dma_start3A_2188, %dma_start3A_2189] : memref<64x8x64xf32, #tpu.memory_space<vmem>> -> memref<1x8x64xf32, #tpu.memory_space<vmem>>
        %dma_start3A_2191 = tpu.memref_squeeze %dma_start3A_2190 : memref<1x8x64xf32, #tpu.memory_space<vmem>> -> memref<8x64xf32, #tpu.memory_space<vmem>>
        %dma_start3A_2192 = arith.constant 0 : i32
        %dma_start3A_2193 = arith.constant 0 : i32
        %dma_start3A_2194 = tpu.memref_slice %arg4[%shift_right_arithmetic3A_2183, %dma_start3A_2192, %dma_start3A_2193] : memref<12500x8x64xf32, #tpu.memory_space<hbm>> -> memref<1x8x64xf32, #tpu.memory_space<hbm>>
        %dma_start3A_2195 = tpu.memref_squeeze %dma_start3A_2194 : memref<1x8x64xf32, #tpu.memory_space<hbm>> -> memref<8x64xf32, #tpu.memory_space<hbm>>
        %dma_start3A_2196 = arith.constant 0 : i32
        %dma_start3A_2197 = arith.constant 0 : i32
        %dma_start3A_2198 = tpu.memref_slice %arg11[%add3A_2187, %dma_start3A_2196, %dma_start3A_2197] : memref<64x8x64xf32, #tpu.memory_space<vmem>> -> memref<1x8x64xf32, #tpu.memory_space<vmem>>
        %dma_start3A_2199 = tpu.memref_squeeze %dma_start3A_2198 : memref<1x8x64xf32, #tpu.memory_space<vmem>> -> memref<8x64xf32, #tpu.memory_space<vmem>>
        %dma_start3A_2200 = arith.constant 0 : i32
        %dma_start3A_2201 = arith.constant 0 : i32
        %dma_start3A_2202 = tpu.memref_slice %arg4[%shift_right_arithmetic3A_2183, %dma_start3A_2200, %dma_start3A_2201] : memref<12500x8x64xf32, #tpu.memory_space<hbm>> -> memref<1x8x64xf32, #tpu.memory_space<hbm>>
        %dma_start3A_2203 = tpu.memref_squeeze %dma_start3A_2202 : memref<1x8x64xf32, #tpu.memory_space<hbm>> -> memref<8x64xf32, #tpu.memory_space<hbm>>
        tpu.enqueue_dma source(%dma_start3A_2203 : memref<8x64xf32, #tpu.memory_space<hbm>>) target(%dma_start3A_2199 : memref<8x64xf32, #tpu.memory_space<vmem>>) target_semaphore(%arg15 : memref<!tpu.dma_semaphore, #tpu.memory_space<semaphore_mem>>)
        %slice3A_2204 = vector.extract_strided_slice %get3A_1987 {offsets = [9], sizes = [1], strides = [1]} : vector<16xi32> to vector<1xi32>
        %squeeze3A_2205 = vector.extract %slice3A_2204[0] : i32 from vector<1xi32>
        %shift_right_arithmetic3A_2206 = arith.constant 3 : i32
        %shift_right_arithmetic3A_2207 = arith.shrsi %squeeze3A_2205, %shift_right_arithmetic3A_2206 : i32
        %add3A_2208 = arith.constant 16 : i32
        %add3A_2209 = arith.addi %mul3A_1597, %add3A_2208 : i32
        %add3A_2210 = arith.constant 9 : i32
        %add3A_2211 = arith.addi %add3A_2209, %add3A_2210 : i32
        %dma_start3A_2212 = arith.constant 0 : i32
        %dma_start3A_2213 = arith.constant 0 : i32
        %dma_start3A_2214 = tpu.memref_slice %arg11[%add3A_2211, %dma_start3A_2212, %dma_start3A_2213] : memref<64x8x64xf32, #tpu.memory_space<vmem>> -> memref<1x8x64xf32, #tpu.memory_space<vmem>>
        %dma_start3A_2215 = tpu.memref_squeeze %dma_start3A_2214 : memref<1x8x64xf32, #tpu.memory_space<vmem>> -> memref<8x64xf32, #tpu.memory_space<vmem>>
        %dma_start3A_2216 = arith.constant 0 : i32
        %dma_start3A_2217 = arith.constant 0 : i32
        %dma_start3A_2218 = tpu.memref_slice %arg4[%shift_right_arithmetic3A_2207, %dma_start3A_2216, %dma_start3A_2217] : memref<12500x8x64xf32, #tpu.memory_space<hbm>> -> memref<1x8x64xf32, #tpu.memory_space<hbm>>
        %dma_start3A_2219 = tpu.memref_squeeze %dma_start3A_2218 : memref<1x8x64xf32, #tpu.memory_space<hbm>> -> memref<8x64xf32, #tpu.memory_space<hbm>>
        %dma_start3A_2220 = arith.constant 0 : i32
        %dma_start3A_2221 = arith.constant 0 : i32
        %dma_start3A_2222 = tpu.memref_slice %arg11[%add3A_2211, %dma_start3A_2220, %dma_start3A_2221] : memref<64x8x64xf32, #tpu.memory_space<vmem>> -> memref<1x8x64xf32, #tpu.memory_space<vmem>>
        %dma_start3A_2223 = tpu.memref_squeeze %dma_start3A_2222 : memref<1x8x64xf32, #tpu.memory_space<vmem>> -> memref<8x64xf32, #tpu.memory_space<vmem>>
        %dma_start3A_2224 = arith.constant 0 : i32
        %dma_start3A_2225 = arith.constant 0 : i32
        %dma_start3A_2226 = tpu.memref_slice %arg4[%shift_right_arithmetic3A_2207, %dma_start3A_2224, %dma_start3A_2225] : memref<12500x8x64xf32, #tpu.memory_space<hbm>> -> memref<1x8x64xf32, #tpu.memory_space<hbm>>
        %dma_start3A_2227 = tpu.memref_squeeze %dma_start3A_2226 : memref<1x8x64xf32, #tpu.memory_space<hbm>> -> memref<8x64xf32, #tpu.memory_space<hbm>>
        tpu.enqueue_dma source(%dma_start3A_2227 : memref<8x64xf32, #tpu.memory_space<hbm>>) target(%dma_start3A_2223 : memref<8x64xf32, #tpu.memory_space<vmem>>) target_semaphore(%arg15 : memref<!tpu.dma_semaphore, #tpu.memory_space<semaphore_mem>>)
        %slice3A_2228 = vector.extract_strided_slice %get3A_1987 {offsets = [10], sizes = [1], strides = [1]} : vector<16xi32> to vector<1xi32>
        %squeeze3A_2229 = vector.extract %slice3A_2228[0] : i32 from vector<1xi32>
        %shift_right_arithmetic3A_2230 = arith.constant 3 : i32
        %shift_right_arithmetic3A_2231 = arith.shrsi %squeeze3A_2229, %shift_right_arithmetic3A_2230 : i32
        %add3A_2232 = arith.constant 16 : i32
        %add3A_2233 = arith.addi %mul3A_1597, %add3A_2232 : i32
        %add3A_2234 = arith.constant 10 : i32
        %add3A_2235 = arith.addi %add3A_2233, %add3A_2234 : i32
        %dma_start3A_2236 = arith.constant 0 : i32
        %dma_start3A_2237 = arith.constant 0 : i32
        %dma_start3A_2238 = tpu.memref_slice %arg11[%add3A_2235, %dma_start3A_2236, %dma_start3A_2237] : memref<64x8x64xf32, #tpu.memory_space<vmem>> -> memref<1x8x64xf32, #tpu.memory_space<vmem>>
        %dma_start3A_2239 = tpu.memref_squeeze %dma_start3A_2238 : memref<1x8x64xf32, #tpu.memory_space<vmem>> -> memref<8x64xf32, #tpu.memory_space<vmem>>
        %dma_start3A_2240 = arith.constant 0 : i32
        %dma_start3A_2241 = arith.constant 0 : i32
        %dma_start3A_2242 = tpu.memref_slice %arg4[%shift_right_arithmetic3A_2231, %dma_start3A_2240, %dma_start3A_2241] : memref<12500x8x64xf32, #tpu.memory_space<hbm>> -> memref<1x8x64xf32, #tpu.memory_space<hbm>>
        %dma_start3A_2243 = tpu.memref_squeeze %dma_start3A_2242 : memref<1x8x64xf32, #tpu.memory_space<hbm>> -> memref<8x64xf32, #tpu.memory_space<hbm>>
        %dma_start3A_2244 = arith.constant 0 : i32
        %dma_start3A_2245 = arith.constant 0 : i32
        %dma_start3A_2246 = tpu.memref_slice %arg11[%add3A_2235, %dma_start3A_2244, %dma_start3A_2245] : memref<64x8x64xf32, #tpu.memory_space<vmem>> -> memref<1x8x64xf32, #tpu.memory_space<vmem>>
        %dma_start3A_2247 = tpu.memref_squeeze %dma_start3A_2246 : memref<1x8x64xf32, #tpu.memory_space<vmem>> -> memref<8x64xf32, #tpu.memory_space<vmem>>
        %dma_start3A_2248 = arith.constant 0 : i32
        %dma_start3A_2249 = arith.constant 0 : i32
        %dma_start3A_2250 = tpu.memref_slice %arg4[%shift_right_arithmetic3A_2231, %dma_start3A_2248, %dma_start3A_2249] : memref<12500x8x64xf32, #tpu.memory_space<hbm>> -> memref<1x8x64xf32, #tpu.memory_space<hbm>>
        %dma_start3A_2251 = tpu.memref_squeeze %dma_start3A_2250 : memref<1x8x64xf32, #tpu.memory_space<hbm>> -> memref<8x64xf32, #tpu.memory_space<hbm>>
        tpu.enqueue_dma source(%dma_start3A_2251 : memref<8x64xf32, #tpu.memory_space<hbm>>) target(%dma_start3A_2247 : memref<8x64xf32, #tpu.memory_space<vmem>>) target_semaphore(%arg15 : memref<!tpu.dma_semaphore, #tpu.memory_space<semaphore_mem>>)
        %slice3A_2252 = vector.extract_strided_slice %get3A_1987 {offsets = [11], sizes = [1], strides = [1]} : vector<16xi32> to vector<1xi32>
        %squeeze3A_2253 = vector.extract %slice3A_2252[0] : i32 from vector<1xi32>
        %shift_right_arithmetic3A_2254 = arith.constant 3 : i32
        %shift_right_arithmetic3A_2255 = arith.shrsi %squeeze3A_2253, %shift_right_arithmetic3A_2254 : i32
        %add3A_2256 = arith.constant 16 : i32
        %add3A_2257 = arith.addi %mul3A_1597, %add3A_2256 : i32
        %add3A_2258 = arith.constant 11 : i32
        %add3A_2259 = arith.addi %add3A_2257, %add3A_2258 : i32
        %dma_start3A_2260 = arith.constant 0 : i32
        %dma_start3A_2261 = arith.constant 0 : i32
        %dma_start3A_2262 = tpu.memref_slice %arg11[%add3A_2259, %dma_start3A_2260, %dma_start3A_2261] : memref<64x8x64xf32, #tpu.memory_space<vmem>> -> memref<1x8x64xf32, #tpu.memory_space<vmem>>
        %dma_start3A_2263 = tpu.memref_squeeze %dma_start3A_2262 : memref<1x8x64xf32, #tpu.memory_space<vmem>> -> memref<8x64xf32, #tpu.memory_space<vmem>>
        %dma_start3A_2264 = arith.constant 0 : i32
        %dma_start3A_2265 = arith.constant 0 : i32
        %dma_start3A_2266 = tpu.memref_slice %arg4[%shift_right_arithmetic3A_2255, %dma_start3A_2264, %dma_start3A_2265] : memref<12500x8x64xf32, #tpu.memory_space<hbm>> -> memref<1x8x64xf32, #tpu.memory_space<hbm>>
        %dma_start3A_2267 = tpu.memref_squeeze %dma_start3A_2266 : memref<1x8x64xf32, #tpu.memory_space<hbm>> -> memref<8x64xf32, #tpu.memory_space<hbm>>
        %dma_start3A_2268 = arith.constant 0 : i32
        %dma_start3A_2269 = arith.constant 0 : i32
        %dma_start3A_2270 = tpu.memref_slice %arg11[%add3A_2259, %dma_start3A_2268, %dma_start3A_2269] : memref<64x8x64xf32, #tpu.memory_space<vmem>> -> memref<1x8x64xf32, #tpu.memory_space<vmem>>
        %dma_start3A_2271 = tpu.memref_squeeze %dma_start3A_2270 : memref<1x8x64xf32, #tpu.memory_space<vmem>> -> memref<8x64xf32, #tpu.memory_space<vmem>>
        %dma_start3A_2272 = arith.constant 0 : i32
        %dma_start3A_2273 = arith.constant 0 : i32
        %dma_start3A_2274 = tpu.memref_slice %arg4[%shift_right_arithmetic3A_2255, %dma_start3A_2272, %dma_start3A_2273] : memref<12500x8x64xf32, #tpu.memory_space<hbm>> -> memref<1x8x64xf32, #tpu.memory_space<hbm>>
        %dma_start3A_2275 = tpu.memref_squeeze %dma_start3A_2274 : memref<1x8x64xf32, #tpu.memory_space<hbm>> -> memref<8x64xf32, #tpu.memory_space<hbm>>
        tpu.enqueue_dma source(%dma_start3A_2275 : memref<8x64xf32, #tpu.memory_space<hbm>>) target(%dma_start3A_2271 : memref<8x64xf32, #tpu.memory_space<vmem>>) target_semaphore(%arg15 : memref<!tpu.dma_semaphore, #tpu.memory_space<semaphore_mem>>)
        %slice3A_2276 = vector.extract_strided_slice %get3A_1987 {offsets = [12], sizes = [1], strides = [1]} : vector<16xi32> to vector<1xi32>
        %squeeze3A_2277 = vector.extract %slice3A_2276[0] : i32 from vector<1xi32>
        %shift_right_arithmetic3A_2278 = arith.constant 3 : i32
        %shift_right_arithmetic3A_2279 = arith.shrsi %squeeze3A_2277, %shift_right_arithmetic3A_2278 : i32
        %add3A_2280 = arith.constant 16 : i32
        %add3A_2281 = arith.addi %mul3A_1597, %add3A_2280 : i32
        %add3A_2282 = arith.constant 12 : i32
        %add3A_2283 = arith.addi %add3A_2281, %add3A_2282 : i32
        %dma_start3A_2284 = arith.constant 0 : i32
        %dma_start3A_2285 = arith.constant 0 : i32
        %dma_start3A_2286 = tpu.memref_slice %arg11[%add3A_2283, %dma_start3A_2284, %dma_start3A_2285] : memref<64x8x64xf32, #tpu.memory_space<vmem>> -> memref<1x8x64xf32, #tpu.memory_space<vmem>>
        %dma_start3A_2287 = tpu.memref_squeeze %dma_start3A_2286 : memref<1x8x64xf32, #tpu.memory_space<vmem>> -> memref<8x64xf32, #tpu.memory_space<vmem>>
        %dma_start3A_2288 = arith.constant 0 : i32
        %dma_start3A_2289 = arith.constant 0 : i32
        %dma_start3A_2290 = tpu.memref_slice %arg4[%shift_right_arithmetic3A_2279, %dma_start3A_2288, %dma_start3A_2289] : memref<12500x8x64xf32, #tpu.memory_space<hbm>> -> memref<1x8x64xf32, #tpu.memory_space<hbm>>
        %dma_start3A_2291 = tpu.memref_squeeze %dma_start3A_2290 : memref<1x8x64xf32, #tpu.memory_space<hbm>> -> memref<8x64xf32, #tpu.memory_space<hbm>>
        %dma_start3A_2292 = arith.constant 0 : i32
        %dma_start3A_2293 = arith.constant 0 : i32
        %dma_start3A_2294 = tpu.memref_slice %arg11[%add3A_2283, %dma_start3A_2292, %dma_start3A_2293] : memref<64x8x64xf32, #tpu.memory_space<vmem>> -> memref<1x8x64xf32, #tpu.memory_space<vmem>>
        %dma_start3A_2295 = tpu.memref_squeeze %dma_start3A_2294 : memref<1x8x64xf32, #tpu.memory_space<vmem>> -> memref<8x64xf32, #tpu.memory_space<vmem>>
        %dma_start3A_2296 = arith.constant 0 : i32
        %dma_start3A_2297 = arith.constant 0 : i32
        %dma_start3A_2298 = tpu.memref_slice %arg4[%shift_right_arithmetic3A_2279, %dma_start3A_2296, %dma_start3A_2297] : memref<12500x8x64xf32, #tpu.memory_space<hbm>> -> memref<1x8x64xf32, #tpu.memory_space<hbm>>
        %dma_start3A_2299 = tpu.memref_squeeze %dma_start3A_2298 : memref<1x8x64xf32, #tpu.memory_space<hbm>> -> memref<8x64xf32, #tpu.memory_space<hbm>>
        tpu.enqueue_dma source(%dma_start3A_2299 : memref<8x64xf32, #tpu.memory_space<hbm>>) target(%dma_start3A_2295 : memref<8x64xf32, #tpu.memory_space<vmem>>) target_semaphore(%arg15 : memref<!tpu.dma_semaphore, #tpu.memory_space<semaphore_mem>>)
        %slice3A_2300 = vector.extract_strided_slice %get3A_1987 {offsets = [13], sizes = [1], strides = [1]} : vector<16xi32> to vector<1xi32>
        %squeeze3A_2301 = vector.extract %slice3A_2300[0] : i32 from vector<1xi32>
        %shift_right_arithmetic3A_2302 = arith.constant 3 : i32
        %shift_right_arithmetic3A_2303 = arith.shrsi %squeeze3A_2301, %shift_right_arithmetic3A_2302 : i32
        %add3A_2304 = arith.constant 16 : i32
        %add3A_2305 = arith.addi %mul3A_1597, %add3A_2304 : i32
        %add3A_2306 = arith.constant 13 : i32
        %add3A_2307 = arith.addi %add3A_2305, %add3A_2306 : i32
        %dma_start3A_2308 = arith.constant 0 : i32
        %dma_start3A_2309 = arith.constant 0 : i32
        %dma_start3A_2310 = tpu.memref_slice %arg11[%add3A_2307, %dma_start3A_2308, %dma_start3A_2309] : memref<64x8x64xf32, #tpu.memory_space<vmem>> -> memref<1x8x64xf32, #tpu.memory_space<vmem>>
        %dma_start3A_2311 = tpu.memref_squeeze %dma_start3A_2310 : memref<1x8x64xf32, #tpu.memory_space<vmem>> -> memref<8x64xf32, #tpu.memory_space<vmem>>
        %dma_start3A_2312 = arith.constant 0 : i32
        %dma_start3A_2313 = arith.constant 0 : i32
        %dma_start3A_2314 = tpu.memref_slice %arg4[%shift_right_arithmetic3A_2303, %dma_start3A_2312, %dma_start3A_2313] : memref<12500x8x64xf32, #tpu.memory_space<hbm>> -> memref<1x8x64xf32, #tpu.memory_space<hbm>>
        %dma_start3A_2315 = tpu.memref_squeeze %dma_start3A_2314 : memref<1x8x64xf32, #tpu.memory_space<hbm>> -> memref<8x64xf32, #tpu.memory_space<hbm>>
        %dma_start3A_2316 = arith.constant 0 : i32
        %dma_start3A_2317 = arith.constant 0 : i32
        %dma_start3A_2318 = tpu.memref_slice %arg11[%add3A_2307, %dma_start3A_2316, %dma_start3A_2317] : memref<64x8x64xf32, #tpu.memory_space<vmem>> -> memref<1x8x64xf32, #tpu.memory_space<vmem>>
        %dma_start3A_2319 = tpu.memref_squeeze %dma_start3A_2318 : memref<1x8x64xf32, #tpu.memory_space<vmem>> -> memref<8x64xf32, #tpu.memory_space<vmem>>
        %dma_start3A_2320 = arith.constant 0 : i32
        %dma_start3A_2321 = arith.constant 0 : i32
        %dma_start3A_2322 = tpu.memref_slice %arg4[%shift_right_arithmetic3A_2303, %dma_start3A_2320, %dma_start3A_2321] : memref<12500x8x64xf32, #tpu.memory_space<hbm>> -> memref<1x8x64xf32, #tpu.memory_space<hbm>>
        %dma_start3A_2323 = tpu.memref_squeeze %dma_start3A_2322 : memref<1x8x64xf32, #tpu.memory_space<hbm>> -> memref<8x64xf32, #tpu.memory_space<hbm>>
        tpu.enqueue_dma source(%dma_start3A_2323 : memref<8x64xf32, #tpu.memory_space<hbm>>) target(%dma_start3A_2319 : memref<8x64xf32, #tpu.memory_space<vmem>>) target_semaphore(%arg15 : memref<!tpu.dma_semaphore, #tpu.memory_space<semaphore_mem>>)
        %slice3A_2324 = vector.extract_strided_slice %get3A_1987 {offsets = [14], sizes = [1], strides = [1]} : vector<16xi32> to vector<1xi32>
        %squeeze3A_2325 = vector.extract %slice3A_2324[0] : i32 from vector<1xi32>
        %shift_right_arithmetic3A_2326 = arith.constant 3 : i32
        %shift_right_arithmetic3A_2327 = arith.shrsi %squeeze3A_2325, %shift_right_arithmetic3A_2326 : i32
        %add3A_2328 = arith.constant 16 : i32
        %add3A_2329 = arith.addi %mul3A_1597, %add3A_2328 : i32
        %add3A_2330 = arith.constant 14 : i32
        %add3A_2331 = arith.addi %add3A_2329, %add3A_2330 : i32
        %dma_start3A_2332 = arith.constant 0 : i32
        %dma_start3A_2333 = arith.constant 0 : i32
        %dma_start3A_2334 = tpu.memref_slice %arg11[%add3A_2331, %dma_start3A_2332, %dma_start3A_2333] : memref<64x8x64xf32, #tpu.memory_space<vmem>> -> memref<1x8x64xf32, #tpu.memory_space<vmem>>
        %dma_start3A_2335 = tpu.memref_squeeze %dma_start3A_2334 : memref<1x8x64xf32, #tpu.memory_space<vmem>> -> memref<8x64xf32, #tpu.memory_space<vmem>>
        %dma_start3A_2336 = arith.constant 0 : i32
        %dma_start3A_2337 = arith.constant 0 : i32
        %dma_start3A_2338 = tpu.memref_slice %arg4[%shift_right_arithmetic3A_2327, %dma_start3A_2336, %dma_start3A_2337] : memref<12500x8x64xf32, #tpu.memory_space<hbm>> -> memref<1x8x64xf32, #tpu.memory_space<hbm>>
        %dma_start3A_2339 = tpu.memref_squeeze %dma_start3A_2338 : memref<1x8x64xf32, #tpu.memory_space<hbm>> -> memref<8x64xf32, #tpu.memory_space<hbm>>
        %dma_start3A_2340 = arith.constant 0 : i32
        %dma_start3A_2341 = arith.constant 0 : i32
        %dma_start3A_2342 = tpu.memref_slice %arg11[%add3A_2331, %dma_start3A_2340, %dma_start3A_2341] : memref<64x8x64xf32, #tpu.memory_space<vmem>> -> memref<1x8x64xf32, #tpu.memory_space<vmem>>
        %dma_start3A_2343 = tpu.memref_squeeze %dma_start3A_2342 : memref<1x8x64xf32, #tpu.memory_space<vmem>> -> memref<8x64xf32, #tpu.memory_space<vmem>>
        %dma_start3A_2344 = arith.constant 0 : i32
        %dma_start3A_2345 = arith.constant 0 : i32
        %dma_start3A_2346 = tpu.memref_slice %arg4[%shift_right_arithmetic3A_2327, %dma_start3A_2344, %dma_start3A_2345] : memref<12500x8x64xf32, #tpu.memory_space<hbm>> -> memref<1x8x64xf32, #tpu.memory_space<hbm>>
        %dma_start3A_2347 = tpu.memref_squeeze %dma_start3A_2346 : memref<1x8x64xf32, #tpu.memory_space<hbm>> -> memref<8x64xf32, #tpu.memory_space<hbm>>
        tpu.enqueue_dma source(%dma_start3A_2347 : memref<8x64xf32, #tpu.memory_space<hbm>>) target(%dma_start3A_2343 : memref<8x64xf32, #tpu.memory_space<vmem>>) target_semaphore(%arg15 : memref<!tpu.dma_semaphore, #tpu.memory_space<semaphore_mem>>)
        %slice3A_2348 = vector.extract_strided_slice %get3A_1987 {offsets = [15], sizes = [1], strides = [1]} : vector<16xi32> to vector<1xi32>
        %squeeze3A_2349 = vector.extract %slice3A_2348[0] : i32 from vector<1xi32>
        %shift_right_arithmetic3A_2350 = arith.constant 3 : i32
        %shift_right_arithmetic3A_2351 = arith.shrsi %squeeze3A_2349, %shift_right_arithmetic3A_2350 : i32
        %add3A_2352 = arith.constant 16 : i32
        %add3A_2353 = arith.addi %mul3A_1597, %add3A_2352 : i32
        %add3A_2354 = arith.constant 15 : i32
        %add3A_2355 = arith.addi %add3A_2353, %add3A_2354 : i32
        %dma_start3A_2356 = arith.constant 0 : i32
        %dma_start3A_2357 = arith.constant 0 : i32
        %dma_start3A_2358 = tpu.memref_slice %arg11[%add3A_2355, %dma_start3A_2356, %dma_start3A_2357] : memref<64x8x64xf32, #tpu.memory_space<vmem>> -> memref<1x8x64xf32, #tpu.memory_space<vmem>>
        %dma_start3A_2359 = tpu.memref_squeeze %dma_start3A_2358 : memref<1x8x64xf32, #tpu.memory_space<vmem>> -> memref<8x64xf32, #tpu.memory_space<vmem>>
        %dma_start3A_2360 = arith.constant 0 : i32
        %dma_start3A_2361 = arith.constant 0 : i32
        %dma_start3A_2362 = tpu.memref_slice %arg4[%shift_right_arithmetic3A_2351, %dma_start3A_2360, %dma_start3A_2361] : memref<12500x8x64xf32, #tpu.memory_space<hbm>> -> memref<1x8x64xf32, #tpu.memory_space<hbm>>
        %dma_start3A_2363 = tpu.memref_squeeze %dma_start3A_2362 : memref<1x8x64xf32, #tpu.memory_space<hbm>> -> memref<8x64xf32, #tpu.memory_space<hbm>>
        %dma_start3A_2364 = arith.constant 0 : i32
        %dma_start3A_2365 = arith.constant 0 : i32
        %dma_start3A_2366 = tpu.memref_slice %arg11[%add3A_2355, %dma_start3A_2364, %dma_start3A_2365] : memref<64x8x64xf32, #tpu.memory_space<vmem>> -> memref<1x8x64xf32, #tpu.memory_space<vmem>>
        %dma_start3A_2367 = tpu.memref_squeeze %dma_start3A_2366 : memref<1x8x64xf32, #tpu.memory_space<vmem>> -> memref<8x64xf32, #tpu.memory_space<vmem>>
        %dma_start3A_2368 = arith.constant 0 : i32
        %dma_start3A_2369 = arith.constant 0 : i32
        %dma_start3A_2370 = tpu.memref_slice %arg4[%shift_right_arithmetic3A_2351, %dma_start3A_2368, %dma_start3A_2369] : memref<12500x8x64xf32, #tpu.memory_space<hbm>> -> memref<1x8x64xf32, #tpu.memory_space<hbm>>
        %dma_start3A_2371 = tpu.memref_squeeze %dma_start3A_2370 : memref<1x8x64xf32, #tpu.memory_space<hbm>> -> memref<8x64xf32, #tpu.memory_space<hbm>>
        tpu.enqueue_dma source(%dma_start3A_2371 : memref<8x64xf32, #tpu.memory_space<hbm>>) target(%dma_start3A_2367 : memref<8x64xf32, #tpu.memory_space<vmem>>) target_semaphore(%arg15 : memref<!tpu.dma_semaphore, #tpu.memory_space<semaphore_mem>>)
      } else {
      }
      %and3A = arith.constant 1 : i32
      %and3A_815 = arith.andi %scan3A_809, %and3A : i32
      %mul3A_816 = arith.constant 32 : i32
      %mul3A_817 = arith.muli %and3A_815, %mul3A_816 : i32
      %mul3A_818 = arith.constant 64 : i32
      %mul3A_819 = arith.muli %mul3A_817, %mul3A_818 : i32
      %dma_wait3A = tpu.memref_slice %arg10[%mul3A_819] : memref<4096xf32, #tpu.memory_space<vmem>> -> memref<2048xf32, #tpu.memory_space<vmem>>
      %dma_wait3A_820 = arith.constant 0 : i32
      %dma_wait3A_821 = tpu.memref_slice %arg2[%dma_wait3A_820] : memref<1048576xf32, #tpu.memory_space<hbm>> -> memref<2048xf32, #tpu.memory_space<hbm>>
      %dma_wait3A_822 = tpu.memref_slice %arg10[%mul3A_819] : memref<4096xf32, #tpu.memory_space<vmem>> -> memref<2048xf32, #tpu.memory_space<vmem>>
      %dma_wait3A_823 = arith.constant 0 : i32
      %dma_wait3A_824 = tpu.memref_slice %arg2[%dma_wait3A_823] : memref<1048576xf32, #tpu.memory_space<hbm>> -> memref<2048xf32, #tpu.memory_space<hbm>>
      tpu.wait_dma2 semaphore(%arg16 : memref<!tpu.dma_semaphore, #tpu.memory_space<semaphore_mem>>) src(%dma_wait3A_824 : memref<2048xf32, #tpu.memory_space<hbm>>) dst(%dma_wait3A_822 : memref<2048xf32, #tpu.memory_space<vmem>>)
      %and3A_825 = arith.constant 1 : i32
      %and3A_826 = arith.andi %scan3A_809, %and3A_825 : i32
      %mul3A_827 = arith.constant 32 : i32
      %mul3A_828 = arith.muli %and3A_826, %mul3A_827 : i32
      %add3A_829 = arith.constant 0 : i32
      %add3A_830 = arith.addi %mul3A_828, %add3A_829 : i32
      %dma_wait3A_831 = arith.constant 0 : i32
      %dma_wait3A_832 = arith.constant 0 : i32
      %dma_wait3A_833 = arith.constant 0 : i32
      %dma_wait3A_834 = tpu.memref_slice %arg11[%add3A_830, %dma_wait3A_832, %dma_wait3A_833] : memref<64x8x64xf32, #tpu.memory_space<vmem>> -> memref<1x8x64xf32, #tpu.memory_space<vmem>>
      %dma_wait3A_835 = tpu.memref_squeeze %dma_wait3A_834 : memref<1x8x64xf32, #tpu.memory_space<vmem>> -> memref<8x64xf32, #tpu.memory_space<vmem>>
      %dma_wait3A_836 = arith.constant 0 : i32
      %dma_wait3A_837 = arith.constant 0 : i32
      %dma_wait3A_838 = tpu.memref_slice %arg4[%dma_wait3A_831, %dma_wait3A_836, %dma_wait3A_837] : memref<12500x8x64xf32, #tpu.memory_space<hbm>> -> memref<1x8x64xf32, #tpu.memory_space<hbm>>
      %dma_wait3A_839 = tpu.memref_squeeze %dma_wait3A_838 : memref<1x8x64xf32, #tpu.memory_space<hbm>> -> memref<8x64xf32, #tpu.memory_space<hbm>>
      %dma_wait3A_840 = arith.constant 0 : i32
      %dma_wait3A_841 = arith.constant 0 : i32
      %dma_wait3A_842 = tpu.memref_slice %arg11[%add3A_830, %dma_wait3A_840, %dma_wait3A_841] : memref<64x8x64xf32, #tpu.memory_space<vmem>> -> memref<1x8x64xf32, #tpu.memory_space<vmem>>
      %dma_wait3A_843 = tpu.memref_squeeze %dma_wait3A_842 : memref<1x8x64xf32, #tpu.memory_space<vmem>> -> memref<8x64xf32, #tpu.memory_space<vmem>>
      %dma_wait3A_844 = arith.constant 0 : i32
      %dma_wait3A_845 = arith.constant 0 : i32
      %dma_wait3A_846 = tpu.memref_slice %arg4[%dma_wait3A_831, %dma_wait3A_844, %dma_wait3A_845] : memref<12500x8x64xf32, #tpu.memory_space<hbm>> -> memref<1x8x64xf32, #tpu.memory_space<hbm>>
      %dma_wait3A_847 = tpu.memref_squeeze %dma_wait3A_846 : memref<1x8x64xf32, #tpu.memory_space<hbm>> -> memref<8x64xf32, #tpu.memory_space<hbm>>
      tpu.wait_dma2 semaphore(%arg15 : memref<!tpu.dma_semaphore, #tpu.memory_space<semaphore_mem>>) src(%dma_wait3A_847 : memref<8x64xf32, #tpu.memory_space<hbm>>) dst(%dma_wait3A_843 : memref<8x64xf32, #tpu.memory_space<vmem>>)
      %and3A_848 = arith.constant 1 : i32
      %and3A_849 = arith.andi %scan3A_809, %and3A_848 : i32
      %mul3A_850 = arith.constant 32 : i32
      %mul3A_851 = arith.muli %and3A_849, %mul3A_850 : i32
      %add3A_852 = arith.constant 1 : i32
      %add3A_853 = arith.addi %mul3A_851, %add3A_852 : i32
      %dma_wait3A_854 = arith.constant 0 : i32
      %dma_wait3A_855 = arith.constant 0 : i32
      %dma_wait3A_856 = arith.constant 0 : i32
      %dma_wait3A_857 = tpu.memref_slice %arg11[%add3A_853, %dma_wait3A_855, %dma_wait3A_856] : memref<64x8x64xf32, #tpu.memory_space<vmem>> -> memref<1x8x64xf32, #tpu.memory_space<vmem>>
      %dma_wait3A_858 = tpu.memref_squeeze %dma_wait3A_857 : memref<1x8x64xf32, #tpu.memory_space<vmem>> -> memref<8x64xf32, #tpu.memory_space<vmem>>
      %dma_wait3A_859 = arith.constant 0 : i32
      %dma_wait3A_860 = arith.constant 0 : i32
      %dma_wait3A_861 = tpu.memref_slice %arg4[%dma_wait3A_854, %dma_wait3A_859, %dma_wait3A_860] : memref<12500x8x64xf32, #tpu.memory_space<hbm>> -> memref<1x8x64xf32, #tpu.memory_space<hbm>>
      %dma_wait3A_862 = tpu.memref_squeeze %dma_wait3A_861 : memref<1x8x64xf32, #tpu.memory_space<hbm>> -> memref<8x64xf32, #tpu.memory_space<hbm>>
      %dma_wait3A_863 = arith.constant 0 : i32
      %dma_wait3A_864 = arith.constant 0 : i32
      %dma_wait3A_865 = tpu.memref_slice %arg11[%add3A_853, %dma_wait3A_863, %dma_wait3A_864] : memref<64x8x64xf32, #tpu.memory_space<vmem>> -> memref<1x8x64xf32, #tpu.memory_space<vmem>>
      %dma_wait3A_866 = tpu.memref_squeeze %dma_wait3A_865 : memref<1x8x64xf32, #tpu.memory_space<vmem>> -> memref<8x64xf32, #tpu.memory_space<vmem>>
      %dma_wait3A_867 = arith.constant 0 : i32
      %dma_wait3A_868 = arith.constant 0 : i32
      %dma_wait3A_869 = tpu.memref_slice %arg4[%dma_wait3A_854, %dma_wait3A_867, %dma_wait3A_868] : memref<12500x8x64xf32, #tpu.memory_space<hbm>> -> memref<1x8x64xf32, #tpu.memory_space<hbm>>
      %dma_wait3A_870 = tpu.memref_squeeze %dma_wait3A_869 : memref<1x8x64xf32, #tpu.memory_space<hbm>> -> memref<8x64xf32, #tpu.memory_space<hbm>>
      tpu.wait_dma2 semaphore(%arg15 : memref<!tpu.dma_semaphore, #tpu.memory_space<semaphore_mem>>) src(%dma_wait3A_870 : memref<8x64xf32, #tpu.memory_space<hbm>>) dst(%dma_wait3A_866 : memref<8x64xf32, #tpu.memory_space<vmem>>)
      %and3A_871 = arith.constant 1 : i32
      %and3A_872 = arith.andi %scan3A_809, %and3A_871 : i32
      %mul3A_873 = arith.constant 32 : i32
      %mul3A_874 = arith.muli %and3A_872, %mul3A_873 : i32
      %add3A_875 = arith.constant 2 : i32
      %add3A_876 = arith.addi %mul3A_874, %add3A_875 : i32
      %dma_wait3A_877 = arith.constant 0 : i32
      %dma_wait3A_878 = arith.constant 0 : i32
      %dma_wait3A_879 = arith.constant 0 : i32
      %dma_wait3A_880 = tpu.memref_slice %arg11[%add3A_876, %dma_wait3A_878, %dma_wait3A_879] : memref<64x8x64xf32, #tpu.memory_space<vmem>> -> memref<1x8x64xf32, #tpu.memory_space<vmem>>
      %dma_wait3A_881 = tpu.memref_squeeze %dma_wait3A_880 : memref<1x8x64xf32, #tpu.memory_space<vmem>> -> memref<8x64xf32, #tpu.memory_space<vmem>>
      %dma_wait3A_882 = arith.constant 0 : i32
      %dma_wait3A_883 = arith.constant 0 : i32
      %dma_wait3A_884 = tpu.memref_slice %arg4[%dma_wait3A_877, %dma_wait3A_882, %dma_wait3A_883] : memref<12500x8x64xf32, #tpu.memory_space<hbm>> -> memref<1x8x64xf32, #tpu.memory_space<hbm>>
      %dma_wait3A_885 = tpu.memref_squeeze %dma_wait3A_884 : memref<1x8x64xf32, #tpu.memory_space<hbm>> -> memref<8x64xf32, #tpu.memory_space<hbm>>
      %dma_wait3A_886 = arith.constant 0 : i32
      %dma_wait3A_887 = arith.constant 0 : i32
      %dma_wait3A_888 = tpu.memref_slice %arg11[%add3A_876, %dma_wait3A_886, %dma_wait3A_887] : memref<64x8x64xf32, #tpu.memory_space<vmem>> -> memref<1x8x64xf32, #tpu.memory_space<vmem>>
      %dma_wait3A_889 = tpu.memref_squeeze %dma_wait3A_888 : memref<1x8x64xf32, #tpu.memory_space<vmem>> -> memref<8x64xf32, #tpu.memory_space<vmem>>
      %dma_wait3A_890 = arith.constant 0 : i32
      %dma_wait3A_891 = arith.constant 0 : i32
      %dma_wait3A_892 = tpu.memref_slice %arg4[%dma_wait3A_877, %dma_wait3A_890, %dma_wait3A_891] : memref<12500x8x64xf32, #tpu.memory_space<hbm>> -> memref<1x8x64xf32, #tpu.memory_space<hbm>>
      %dma_wait3A_893 = tpu.memref_squeeze %dma_wait3A_892 : memref<1x8x64xf32, #tpu.memory_space<hbm>> -> memref<8x64xf32, #tpu.memory_space<hbm>>
      tpu.wait_dma2 semaphore(%arg15 : memref<!tpu.dma_semaphore, #tpu.memory_space<semaphore_mem>>) src(%dma_wait3A_893 : memref<8x64xf32, #tpu.memory_space<hbm>>) dst(%dma_wait3A_889 : memref<8x64xf32, #tpu.memory_space<vmem>>)
      %and3A_894 = arith.constant 1 : i32
      %and3A_895 = arith.andi %scan3A_809, %and3A_894 : i32
      %mul3A_896 = arith.constant 32 : i32
      %mul3A_897 = arith.muli %and3A_895, %mul3A_896 : i32
      %add3A_898 = arith.constant 3 : i32
      %add3A_899 = arith.addi %mul3A_897, %add3A_898 : i32
      %dma_wait3A_900 = arith.constant 0 : i32
      %dma_wait3A_901 = arith.constant 0 : i32
      %dma_wait3A_902 = arith.constant 0 : i32
      %dma_wait3A_903 = tpu.memref_slice %arg11[%add3A_899, %dma_wait3A_901, %dma_wait3A_902] : memref<64x8x64xf32, #tpu.memory_space<vmem>> -> memref<1x8x64xf32, #tpu.memory_space<vmem>>
      %dma_wait3A_904 = tpu.memref_squeeze %dma_wait3A_903 : memref<1x8x64xf32, #tpu.memory_space<vmem>> -> memref<8x64xf32, #tpu.memory_space<vmem>>
      %dma_wait3A_905 = arith.constant 0 : i32
      %dma_wait3A_906 = arith.constant 0 : i32
      %dma_wait3A_907 = tpu.memref_slice %arg4[%dma_wait3A_900, %dma_wait3A_905, %dma_wait3A_906] : memref<12500x8x64xf32, #tpu.memory_space<hbm>> -> memref<1x8x64xf32, #tpu.memory_space<hbm>>
      %dma_wait3A_908 = tpu.memref_squeeze %dma_wait3A_907 : memref<1x8x64xf32, #tpu.memory_space<hbm>> -> memref<8x64xf32, #tpu.memory_space<hbm>>
      %dma_wait3A_909 = arith.constant 0 : i32
      %dma_wait3A_910 = arith.constant 0 : i32
      %dma_wait3A_911 = tpu.memref_slice %arg11[%add3A_899, %dma_wait3A_909, %dma_wait3A_910] : memref<64x8x64xf32, #tpu.memory_space<vmem>> -> memref<1x8x64xf32, #tpu.memory_space<vmem>>
      %dma_wait3A_912 = tpu.memref_squeeze %dma_wait3A_911 : memref<1x8x64xf32, #tpu.memory_space<vmem>> -> memref<8x64xf32, #tpu.memory_space<vmem>>
      %dma_wait3A_913 = arith.constant 0 : i32
      %dma_wait3A_914 = arith.constant 0 : i32
      %dma_wait3A_915 = tpu.memref_slice %arg4[%dma_wait3A_900, %dma_wait3A_913, %dma_wait3A_914] : memref<12500x8x64xf32, #tpu.memory_space<hbm>> -> memref<1x8x64xf32, #tpu.memory_space<hbm>>
      %dma_wait3A_916 = tpu.memref_squeeze %dma_wait3A_915 : memref<1x8x64xf32, #tpu.memory_space<hbm>> -> memref<8x64xf32, #tpu.memory_space<hbm>>
      tpu.wait_dma2 semaphore(%arg15 : memref<!tpu.dma_semaphore, #tpu.memory_space<semaphore_mem>>) src(%dma_wait3A_916 : memref<8x64xf32, #tpu.memory_space<hbm>>) dst(%dma_wait3A_912 : memref<8x64xf32, #tpu.memory_space<vmem>>)
      %and3A_917 = arith.constant 1 : i32
      %and3A_918 = arith.andi %scan3A_809, %and3A_917 : i32
      %mul3A_919 = arith.constant 32 : i32
      %mul3A_920 = arith.muli %and3A_918, %mul3A_919 : i32
      %add3A_921 = arith.constant 4 : i32
      %add3A_922 = arith.addi %mul3A_920, %add3A_921 : i32
      %dma_wait3A_923 = arith.constant 0 : i32
      %dma_wait3A_924 = arith.constant 0 : i32
      %dma_wait3A_925 = arith.constant 0 : i32
      %dma_wait3A_926 = tpu.memref_slice %arg11[%add3A_922, %dma_wait3A_924, %dma_wait3A_925] : memref<64x8x64xf32, #tpu.memory_space<vmem>> -> memref<1x8x64xf32, #tpu.memory_space<vmem>>
      %dma_wait3A_927 = tpu.memref_squeeze %dma_wait3A_926 : memref<1x8x64xf32, #tpu.memory_space<vmem>> -> memref<8x64xf32, #tpu.memory_space<vmem>>
      %dma_wait3A_928 = arith.constant 0 : i32
      %dma_wait3A_929 = arith.constant 0 : i32
      %dma_wait3A_930 = tpu.memref_slice %arg4[%dma_wait3A_923, %dma_wait3A_928, %dma_wait3A_929] : memref<12500x8x64xf32, #tpu.memory_space<hbm>> -> memref<1x8x64xf32, #tpu.memory_space<hbm>>
      %dma_wait3A_931 = tpu.memref_squeeze %dma_wait3A_930 : memref<1x8x64xf32, #tpu.memory_space<hbm>> -> memref<8x64xf32, #tpu.memory_space<hbm>>
      %dma_wait3A_932 = arith.constant 0 : i32
      %dma_wait3A_933 = arith.constant 0 : i32
      %dma_wait3A_934 = tpu.memref_slice %arg11[%add3A_922, %dma_wait3A_932, %dma_wait3A_933] : memref<64x8x64xf32, #tpu.memory_space<vmem>> -> memref<1x8x64xf32, #tpu.memory_space<vmem>>
      %dma_wait3A_935 = tpu.memref_squeeze %dma_wait3A_934 : memref<1x8x64xf32, #tpu.memory_space<vmem>> -> memref<8x64xf32, #tpu.memory_space<vmem>>
      %dma_wait3A_936 = arith.constant 0 : i32
      %dma_wait3A_937 = arith.constant 0 : i32
      %dma_wait3A_938 = tpu.memref_slice %arg4[%dma_wait3A_923, %dma_wait3A_936, %dma_wait3A_937] : memref<12500x8x64xf32, #tpu.memory_space<hbm>> -> memref<1x8x64xf32, #tpu.memory_space<hbm>>
      %dma_wait3A_939 = tpu.memref_squeeze %dma_wait3A_938 : memref<1x8x64xf32, #tpu.memory_space<hbm>> -> memref<8x64xf32, #tpu.memory_space<hbm>>
      tpu.wait_dma2 semaphore(%arg15 : memref<!tpu.dma_semaphore, #tpu.memory_space<semaphore_mem>>) src(%dma_wait3A_939 : memref<8x64xf32, #tpu.memory_space<hbm>>) dst(%dma_wait3A_935 : memref<8x64xf32, #tpu.memory_space<vmem>>)
      %and3A_940 = arith.constant 1 : i32
      %and3A_941 = arith.andi %scan3A_809, %and3A_940 : i32
      %mul3A_942 = arith.constant 32 : i32
      %mul3A_943 = arith.muli %and3A_941, %mul3A_942 : i32
      %add3A_944 = arith.constant 5 : i32
      %add3A_945 = arith.addi %mul3A_943, %add3A_944 : i32
      %dma_wait3A_946 = arith.constant 0 : i32
      %dma_wait3A_947 = arith.constant 0 : i32
      %dma_wait3A_948 = arith.constant 0 : i32
      %dma_wait3A_949 = tpu.memref_slice %arg11[%add3A_945, %dma_wait3A_947, %dma_wait3A_948] : memref<64x8x64xf32, #tpu.memory_space<vmem>> -> memref<1x8x64xf32, #tpu.memory_space<vmem>>
      %dma_wait3A_950 = tpu.memref_squeeze %dma_wait3A_949 : memref<1x8x64xf32, #tpu.memory_space<vmem>> -> memref<8x64xf32, #tpu.memory_space<vmem>>
      %dma_wait3A_951 = arith.constant 0 : i32
      %dma_wait3A_952 = arith.constant 0 : i32
      %dma_wait3A_953 = tpu.memref_slice %arg4[%dma_wait3A_946, %dma_wait3A_951, %dma_wait3A_952] : memref<12500x8x64xf32, #tpu.memory_space<hbm>> -> memref<1x8x64xf32, #tpu.memory_space<hbm>>
      %dma_wait3A_954 = tpu.memref_squeeze %dma_wait3A_953 : memref<1x8x64xf32, #tpu.memory_space<hbm>> -> memref<8x64xf32, #tpu.memory_space<hbm>>
      %dma_wait3A_955 = arith.constant 0 : i32
      %dma_wait3A_956 = arith.constant 0 : i32
      %dma_wait3A_957 = tpu.memref_slice %arg11[%add3A_945, %dma_wait3A_955, %dma_wait3A_956] : memref<64x8x64xf32, #tpu.memory_space<vmem>> -> memref<1x8x64xf32, #tpu.memory_space<vmem>>
      %dma_wait3A_958 = tpu.memref_squeeze %dma_wait3A_957 : memref<1x8x64xf32, #tpu.memory_space<vmem>> -> memref<8x64xf32, #tpu.memory_space<vmem>>
      %dma_wait3A_959 = arith.constant 0 : i32
      %dma_wait3A_960 = arith.constant 0 : i32
      %dma_wait3A_961 = tpu.memref_slice %arg4[%dma_wait3A_946, %dma_wait3A_959, %dma_wait3A_960] : memref<12500x8x64xf32, #tpu.memory_space<hbm>> -> memref<1x8x64xf32, #tpu.memory_space<hbm>>
      %dma_wait3A_962 = tpu.memref_squeeze %dma_wait3A_961 : memref<1x8x64xf32, #tpu.memory_space<hbm>> -> memref<8x64xf32, #tpu.memory_space<hbm>>
      tpu.wait_dma2 semaphore(%arg15 : memref<!tpu.dma_semaphore, #tpu.memory_space<semaphore_mem>>) src(%dma_wait3A_962 : memref<8x64xf32, #tpu.memory_space<hbm>>) dst(%dma_wait3A_958 : memref<8x64xf32, #tpu.memory_space<vmem>>)
      %and3A_963 = arith.constant 1 : i32
      %and3A_964 = arith.andi %scan3A_809, %and3A_963 : i32
      %mul3A_965 = arith.constant 32 : i32
      %mul3A_966 = arith.muli %and3A_964, %mul3A_965 : i32
      %add3A_967 = arith.constant 6 : i32
      %add3A_968 = arith.addi %mul3A_966, %add3A_967 : i32
      %dma_wait3A_969 = arith.constant 0 : i32
      %dma_wait3A_970 = arith.constant 0 : i32
      %dma_wait3A_971 = arith.constant 0 : i32
      %dma_wait3A_972 = tpu.memref_slice %arg11[%add3A_968, %dma_wait3A_970, %dma_wait3A_971] : memref<64x8x64xf32, #tpu.memory_space<vmem>> -> memref<1x8x64xf32, #tpu.memory_space<vmem>>
      %dma_wait3A_973 = tpu.memref_squeeze %dma_wait3A_972 : memref<1x8x64xf32, #tpu.memory_space<vmem>> -> memref<8x64xf32, #tpu.memory_space<vmem>>
      %dma_wait3A_974 = arith.constant 0 : i32
      %dma_wait3A_975 = arith.constant 0 : i32
      %dma_wait3A_976 = tpu.memref_slice %arg4[%dma_wait3A_969, %dma_wait3A_974, %dma_wait3A_975] : memref<12500x8x64xf32, #tpu.memory_space<hbm>> -> memref<1x8x64xf32, #tpu.memory_space<hbm>>
      %dma_wait3A_977 = tpu.memref_squeeze %dma_wait3A_976 : memref<1x8x64xf32, #tpu.memory_space<hbm>> -> memref<8x64xf32, #tpu.memory_space<hbm>>
      %dma_wait3A_978 = arith.constant 0 : i32
      %dma_wait3A_979 = arith.constant 0 : i32
      %dma_wait3A_980 = tpu.memref_slice %arg11[%add3A_968, %dma_wait3A_978, %dma_wait3A_979] : memref<64x8x64xf32, #tpu.memory_space<vmem>> -> memref<1x8x64xf32, #tpu.memory_space<vmem>>
      %dma_wait3A_981 = tpu.memref_squeeze %dma_wait3A_980 : memref<1x8x64xf32, #tpu.memory_space<vmem>> -> memref<8x64xf32, #tpu.memory_space<vmem>>
      %dma_wait3A_982 = arith.constant 0 : i32
      %dma_wait3A_983 = arith.constant 0 : i32
      %dma_wait3A_984 = tpu.memref_slice %arg4[%dma_wait3A_969, %dma_wait3A_982, %dma_wait3A_983] : memref<12500x8x64xf32, #tpu.memory_space<hbm>> -> memref<1x8x64xf32, #tpu.memory_space<hbm>>
      %dma_wait3A_985 = tpu.memref_squeeze %dma_wait3A_984 : memref<1x8x64xf32, #tpu.memory_space<hbm>> -> memref<8x64xf32, #tpu.memory_space<hbm>>
      tpu.wait_dma2 semaphore(%arg15 : memref<!tpu.dma_semaphore, #tpu.memory_space<semaphore_mem>>) src(%dma_wait3A_985 : memref<8x64xf32, #tpu.memory_space<hbm>>) dst(%dma_wait3A_981 : memref<8x64xf32, #tpu.memory_space<vmem>>)
      %and3A_986 = arith.constant 1 : i32
      %and3A_987 = arith.andi %scan3A_809, %and3A_986 : i32
      %mul3A_988 = arith.constant 32 : i32
      %mul3A_989 = arith.muli %and3A_987, %mul3A_988 : i32
      %add3A_990 = arith.constant 7 : i32
      %add3A_991 = arith.addi %mul3A_989, %add3A_990 : i32
      %dma_wait3A_992 = arith.constant 0 : i32
      %dma_wait3A_993 = arith.constant 0 : i32
      %dma_wait3A_994 = arith.constant 0 : i32
      %dma_wait3A_995 = tpu.memref_slice %arg11[%add3A_991, %dma_wait3A_993, %dma_wait3A_994] : memref<64x8x64xf32, #tpu.memory_space<vmem>> -> memref<1x8x64xf32, #tpu.memory_space<vmem>>
      %dma_wait3A_996 = tpu.memref_squeeze %dma_wait3A_995 : memref<1x8x64xf32, #tpu.memory_space<vmem>> -> memref<8x64xf32, #tpu.memory_space<vmem>>
      %dma_wait3A_997 = arith.constant 0 : i32
      %dma_wait3A_998 = arith.constant 0 : i32
      %dma_wait3A_999 = tpu.memref_slice %arg4[%dma_wait3A_992, %dma_wait3A_997, %dma_wait3A_998] : memref<12500x8x64xf32, #tpu.memory_space<hbm>> -> memref<1x8x64xf32, #tpu.memory_space<hbm>>
      %dma_wait3A_1000 = tpu.memref_squeeze %dma_wait3A_999 : memref<1x8x64xf32, #tpu.memory_space<hbm>> -> memref<8x64xf32, #tpu.memory_space<hbm>>
      %dma_wait3A_1001 = arith.constant 0 : i32
      %dma_wait3A_1002 = arith.constant 0 : i32
      %dma_wait3A_1003 = tpu.memref_slice %arg11[%add3A_991, %dma_wait3A_1001, %dma_wait3A_1002] : memref<64x8x64xf32, #tpu.memory_space<vmem>> -> memref<1x8x64xf32, #tpu.memory_space<vmem>>
      %dma_wait3A_1004 = tpu.memref_squeeze %dma_wait3A_1003 : memref<1x8x64xf32, #tpu.memory_space<vmem>> -> memref<8x64xf32, #tpu.memory_space<vmem>>
      %dma_wait3A_1005 = arith.constant 0 : i32
      %dma_wait3A_1006 = arith.constant 0 : i32
      %dma_wait3A_1007 = tpu.memref_slice %arg4[%dma_wait3A_992, %dma_wait3A_1005, %dma_wait3A_1006] : memref<12500x8x64xf32, #tpu.memory_space<hbm>> -> memref<1x8x64xf32, #tpu.memory_space<hbm>>
      %dma_wait3A_1008 = tpu.memref_squeeze %dma_wait3A_1007 : memref<1x8x64xf32, #tpu.memory_space<hbm>> -> memref<8x64xf32, #tpu.memory_space<hbm>>
      tpu.wait_dma2 semaphore(%arg15 : memref<!tpu.dma_semaphore, #tpu.memory_space<semaphore_mem>>) src(%dma_wait3A_1008 : memref<8x64xf32, #tpu.memory_space<hbm>>) dst(%dma_wait3A_1004 : memref<8x64xf32, #tpu.memory_space<vmem>>)
      %and3A_1009 = arith.constant 1 : i32
      %and3A_1010 = arith.andi %scan3A_809, %and3A_1009 : i32
      %mul3A_1011 = arith.constant 32 : i32
      %mul3A_1012 = arith.muli %and3A_1010, %mul3A_1011 : i32
      %add3A_1013 = arith.constant 8 : i32
      %add3A_1014 = arith.addi %mul3A_1012, %add3A_1013 : i32
      %dma_wait3A_1015 = arith.constant 0 : i32
      %dma_wait3A_1016 = arith.constant 0 : i32
      %dma_wait3A_1017 = arith.constant 0 : i32
      %dma_wait3A_1018 = tpu.memref_slice %arg11[%add3A_1014, %dma_wait3A_1016, %dma_wait3A_1017] : memref<64x8x64xf32, #tpu.memory_space<vmem>> -> memref<1x8x64xf32, #tpu.memory_space<vmem>>
      %dma_wait3A_1019 = tpu.memref_squeeze %dma_wait3A_1018 : memref<1x8x64xf32, #tpu.memory_space<vmem>> -> memref<8x64xf32, #tpu.memory_space<vmem>>
      %dma_wait3A_1020 = arith.constant 0 : i32
      %dma_wait3A_1021 = arith.constant 0 : i32
      %dma_wait3A_1022 = tpu.memref_slice %arg4[%dma_wait3A_1015, %dma_wait3A_1020, %dma_wait3A_1021] : memref<12500x8x64xf32, #tpu.memory_space<hbm>> -> memref<1x8x64xf32, #tpu.memory_space<hbm>>
      %dma_wait3A_1023 = tpu.memref_squeeze %dma_wait3A_1022 : memref<1x8x64xf32, #tpu.memory_space<hbm>> -> memref<8x64xf32, #tpu.memory_space<hbm>>
      %dma_wait3A_1024 = arith.constant 0 : i32
      %dma_wait3A_1025 = arith.constant 0 : i32
      %dma_wait3A_1026 = tpu.memref_slice %arg11[%add3A_1014, %dma_wait3A_1024, %dma_wait3A_1025] : memref<64x8x64xf32, #tpu.memory_space<vmem>> -> memref<1x8x64xf32, #tpu.memory_space<vmem>>
      %dma_wait3A_1027 = tpu.memref_squeeze %dma_wait3A_1026 : memref<1x8x64xf32, #tpu.memory_space<vmem>> -> memref<8x64xf32, #tpu.memory_space<vmem>>
      %dma_wait3A_1028 = arith.constant 0 : i32
      %dma_wait3A_1029 = arith.constant 0 : i32
      %dma_wait3A_1030 = tpu.memref_slice %arg4[%dma_wait3A_1015, %dma_wait3A_1028, %dma_wait3A_1029] : memref<12500x8x64xf32, #tpu.memory_space<hbm>> -> memref<1x8x64xf32, #tpu.memory_space<hbm>>
      %dma_wait3A_1031 = tpu.memref_squeeze %dma_wait3A_1030 : memref<1x8x64xf32, #tpu.memory_space<hbm>> -> memref<8x64xf32, #tpu.memory_space<hbm>>
      tpu.wait_dma2 semaphore(%arg15 : memref<!tpu.dma_semaphore, #tpu.memory_space<semaphore_mem>>) src(%dma_wait3A_1031 : memref<8x64xf32, #tpu.memory_space<hbm>>) dst(%dma_wait3A_1027 : memref<8x64xf32, #tpu.memory_space<vmem>>)
      %and3A_1032 = arith.constant 1 : i32
      %and3A_1033 = arith.andi %scan3A_809, %and3A_1032 : i32
      %mul3A_1034 = arith.constant 32 : i32
      %mul3A_1035 = arith.muli %and3A_1033, %mul3A_1034 : i32
      %add3A_1036 = arith.constant 9 : i32
      %add3A_1037 = arith.addi %mul3A_1035, %add3A_1036 : i32
      %dma_wait3A_1038 = arith.constant 0 : i32
      %dma_wait3A_1039 = arith.constant 0 : i32
      %dma_wait3A_1040 = arith.constant 0 : i32
      %dma_wait3A_1041 = tpu.memref_slice %arg11[%add3A_1037, %dma_wait3A_1039, %dma_wait3A_1040] : memref<64x8x64xf32, #tpu.memory_space<vmem>> -> memref<1x8x64xf32, #tpu.memory_space<vmem>>
      %dma_wait3A_1042 = tpu.memref_squeeze %dma_wait3A_1041 : memref<1x8x64xf32, #tpu.memory_space<vmem>> -> memref<8x64xf32, #tpu.memory_space<vmem>>
      %dma_wait3A_1043 = arith.constant 0 : i32
      %dma_wait3A_1044 = arith.constant 0 : i32
      %dma_wait3A_1045 = tpu.memref_slice %arg4[%dma_wait3A_1038, %dma_wait3A_1043, %dma_wait3A_1044] : memref<12500x8x64xf32, #tpu.memory_space<hbm>> -> memref<1x8x64xf32, #tpu.memory_space<hbm>>
      %dma_wait3A_1046 = tpu.memref_squeeze %dma_wait3A_1045 : memref<1x8x64xf32, #tpu.memory_space<hbm>> -> memref<8x64xf32, #tpu.memory_space<hbm>>
      %dma_wait3A_1047 = arith.constant 0 : i32
      %dma_wait3A_1048 = arith.constant 0 : i32
      %dma_wait3A_1049 = tpu.memref_slice %arg11[%add3A_1037, %dma_wait3A_1047, %dma_wait3A_1048] : memref<64x8x64xf32, #tpu.memory_space<vmem>> -> memref<1x8x64xf32, #tpu.memory_space<vmem>>
      %dma_wait3A_1050 = tpu.memref_squeeze %dma_wait3A_1049 : memref<1x8x64xf32, #tpu.memory_space<vmem>> -> memref<8x64xf32, #tpu.memory_space<vmem>>
      %dma_wait3A_1051 = arith.constant 0 : i32
      %dma_wait3A_1052 = arith.constant 0 : i32
      %dma_wait3A_1053 = tpu.memref_slice %arg4[%dma_wait3A_1038, %dma_wait3A_1051, %dma_wait3A_1052] : memref<12500x8x64xf32, #tpu.memory_space<hbm>> -> memref<1x8x64xf32, #tpu.memory_space<hbm>>
      %dma_wait3A_1054 = tpu.memref_squeeze %dma_wait3A_1053 : memref<1x8x64xf32, #tpu.memory_space<hbm>> -> memref<8x64xf32, #tpu.memory_space<hbm>>
      tpu.wait_dma2 semaphore(%arg15 : memref<!tpu.dma_semaphore, #tpu.memory_space<semaphore_mem>>) src(%dma_wait3A_1054 : memref<8x64xf32, #tpu.memory_space<hbm>>) dst(%dma_wait3A_1050 : memref<8x64xf32, #tpu.memory_space<vmem>>)
      %and3A_1055 = arith.constant 1 : i32
      %and3A_1056 = arith.andi %scan3A_809, %and3A_1055 : i32
      %mul3A_1057 = arith.constant 32 : i32
      %mul3A_1058 = arith.muli %and3A_1056, %mul3A_1057 : i32
      %add3A_1059 = arith.constant 10 : i32
      %add3A_1060 = arith.addi %mul3A_1058, %add3A_1059 : i32
      %dma_wait3A_1061 = arith.constant 0 : i32
      %dma_wait3A_1062 = arith.constant 0 : i32
      %dma_wait3A_1063 = arith.constant 0 : i32
      %dma_wait3A_1064 = tpu.memref_slice %arg11[%add3A_1060, %dma_wait3A_1062, %dma_wait3A_1063] : memref<64x8x64xf32, #tpu.memory_space<vmem>> -> memref<1x8x64xf32, #tpu.memory_space<vmem>>
      %dma_wait3A_1065 = tpu.memref_squeeze %dma_wait3A_1064 : memref<1x8x64xf32, #tpu.memory_space<vmem>> -> memref<8x64xf32, #tpu.memory_space<vmem>>
      %dma_wait3A_1066 = arith.constant 0 : i32
      %dma_wait3A_1067 = arith.constant 0 : i32
      %dma_wait3A_1068 = tpu.memref_slice %arg4[%dma_wait3A_1061, %dma_wait3A_1066, %dma_wait3A_1067] : memref<12500x8x64xf32, #tpu.memory_space<hbm>> -> memref<1x8x64xf32, #tpu.memory_space<hbm>>
      %dma_wait3A_1069 = tpu.memref_squeeze %dma_wait3A_1068 : memref<1x8x64xf32, #tpu.memory_space<hbm>> -> memref<8x64xf32, #tpu.memory_space<hbm>>
      %dma_wait3A_1070 = arith.constant 0 : i32
      %dma_wait3A_1071 = arith.constant 0 : i32
      %dma_wait3A_1072 = tpu.memref_slice %arg11[%add3A_1060, %dma_wait3A_1070, %dma_wait3A_1071] : memref<64x8x64xf32, #tpu.memory_space<vmem>> -> memref<1x8x64xf32, #tpu.memory_space<vmem>>
      %dma_wait3A_1073 = tpu.memref_squeeze %dma_wait3A_1072 : memref<1x8x64xf32, #tpu.memory_space<vmem>> -> memref<8x64xf32, #tpu.memory_space<vmem>>
      %dma_wait3A_1074 = arith.constant 0 : i32
      %dma_wait3A_1075 = arith.constant 0 : i32
      %dma_wait3A_1076 = tpu.memref_slice %arg4[%dma_wait3A_1061, %dma_wait3A_1074, %dma_wait3A_1075] : memref<12500x8x64xf32, #tpu.memory_space<hbm>> -> memref<1x8x64xf32, #tpu.memory_space<hbm>>
      %dma_wait3A_1077 = tpu.memref_squeeze %dma_wait3A_1076 : memref<1x8x64xf32, #tpu.memory_space<hbm>> -> memref<8x64xf32, #tpu.memory_space<hbm>>
      tpu.wait_dma2 semaphore(%arg15 : memref<!tpu.dma_semaphore, #tpu.memory_space<semaphore_mem>>) src(%dma_wait3A_1077 : memref<8x64xf32, #tpu.memory_space<hbm>>) dst(%dma_wait3A_1073 : memref<8x64xf32, #tpu.memory_space<vmem>>)
      %and3A_1078 = arith.constant 1 : i32
      %and3A_1079 = arith.andi %scan3A_809, %and3A_1078 : i32
      %mul3A_1080 = arith.constant 32 : i32
      %mul3A_1081 = arith.muli %and3A_1079, %mul3A_1080 : i32
      %add3A_1082 = arith.constant 11 : i32
      %add3A_1083 = arith.addi %mul3A_1081, %add3A_1082 : i32
      %dma_wait3A_1084 = arith.constant 0 : i32
      %dma_wait3A_1085 = arith.constant 0 : i32
      %dma_wait3A_1086 = arith.constant 0 : i32
      %dma_wait3A_1087 = tpu.memref_slice %arg11[%add3A_1083, %dma_wait3A_1085, %dma_wait3A_1086] : memref<64x8x64xf32, #tpu.memory_space<vmem>> -> memref<1x8x64xf32, #tpu.memory_space<vmem>>
      %dma_wait3A_1088 = tpu.memref_squeeze %dma_wait3A_1087 : memref<1x8x64xf32, #tpu.memory_space<vmem>> -> memref<8x64xf32, #tpu.memory_space<vmem>>
      %dma_wait3A_1089 = arith.constant 0 : i32
      %dma_wait3A_1090 = arith.constant 0 : i32
      %dma_wait3A_1091 = tpu.memref_slice %arg4[%dma_wait3A_1084, %dma_wait3A_1089, %dma_wait3A_1090] : memref<12500x8x64xf32, #tpu.memory_space<hbm>> -> memref<1x8x64xf32, #tpu.memory_space<hbm>>
      %dma_wait3A_1092 = tpu.memref_squeeze %dma_wait3A_1091 : memref<1x8x64xf32, #tpu.memory_space<hbm>> -> memref<8x64xf32, #tpu.memory_space<hbm>>
      %dma_wait3A_1093 = arith.constant 0 : i32
      %dma_wait3A_1094 = arith.constant 0 : i32
      %dma_wait3A_1095 = tpu.memref_slice %arg11[%add3A_1083, %dma_wait3A_1093, %dma_wait3A_1094] : memref<64x8x64xf32, #tpu.memory_space<vmem>> -> memref<1x8x64xf32, #tpu.memory_space<vmem>>
      %dma_wait3A_1096 = tpu.memref_squeeze %dma_wait3A_1095 : memref<1x8x64xf32, #tpu.memory_space<vmem>> -> memref<8x64xf32, #tpu.memory_space<vmem>>
      %dma_wait3A_1097 = arith.constant 0 : i32
      %dma_wait3A_1098 = arith.constant 0 : i32
      %dma_wait3A_1099 = tpu.memref_slice %arg4[%dma_wait3A_1084, %dma_wait3A_1097, %dma_wait3A_1098] : memref<12500x8x64xf32, #tpu.memory_space<hbm>> -> memref<1x8x64xf32, #tpu.memory_space<hbm>>
      %dma_wait3A_1100 = tpu.memref_squeeze %dma_wait3A_1099 : memref<1x8x64xf32, #tpu.memory_space<hbm>> -> memref<8x64xf32, #tpu.memory_space<hbm>>
      tpu.wait_dma2 semaphore(%arg15 : memref<!tpu.dma_semaphore, #tpu.memory_space<semaphore_mem>>) src(%dma_wait3A_1100 : memref<8x64xf32, #tpu.memory_space<hbm>>) dst(%dma_wait3A_1096 : memref<8x64xf32, #tpu.memory_space<vmem>>)
      %and3A_1101 = arith.constant 1 : i32
      %and3A_1102 = arith.andi %scan3A_809, %and3A_1101 : i32
      %mul3A_1103 = arith.constant 32 : i32
      %mul3A_1104 = arith.muli %and3A_1102, %mul3A_1103 : i32
      %add3A_1105 = arith.constant 12 : i32
      %add3A_1106 = arith.addi %mul3A_1104, %add3A_1105 : i32
      %dma_wait3A_1107 = arith.constant 0 : i32
      %dma_wait3A_1108 = arith.constant 0 : i32
      %dma_wait3A_1109 = arith.constant 0 : i32
      %dma_wait3A_1110 = tpu.memref_slice %arg11[%add3A_1106, %dma_wait3A_1108, %dma_wait3A_1109] : memref<64x8x64xf32, #tpu.memory_space<vmem>> -> memref<1x8x64xf32, #tpu.memory_space<vmem>>
      %dma_wait3A_1111 = tpu.memref_squeeze %dma_wait3A_1110 : memref<1x8x64xf32, #tpu.memory_space<vmem>> -> memref<8x64xf32, #tpu.memory_space<vmem>>
      %dma_wait3A_1112 = arith.constant 0 : i32
      %dma_wait3A_1113 = arith.constant 0 : i32
      %dma_wait3A_1114 = tpu.memref_slice %arg4[%dma_wait3A_1107, %dma_wait3A_1112, %dma_wait3A_1113] : memref<12500x8x64xf32, #tpu.memory_space<hbm>> -> memref<1x8x64xf32, #tpu.memory_space<hbm>>
      %dma_wait3A_1115 = tpu.memref_squeeze %dma_wait3A_1114 : memref<1x8x64xf32, #tpu.memory_space<hbm>> -> memref<8x64xf32, #tpu.memory_space<hbm>>
      %dma_wait3A_1116 = arith.constant 0 : i32
      %dma_wait3A_1117 = arith.constant 0 : i32
      %dma_wait3A_1118 = tpu.memref_slice %arg11[%add3A_1106, %dma_wait3A_1116, %dma_wait3A_1117] : memref<64x8x64xf32, #tpu.memory_space<vmem>> -> memref<1x8x64xf32, #tpu.memory_space<vmem>>
      %dma_wait3A_1119 = tpu.memref_squeeze %dma_wait3A_1118 : memref<1x8x64xf32, #tpu.memory_space<vmem>> -> memref<8x64xf32, #tpu.memory_space<vmem>>
      %dma_wait3A_1120 = arith.constant 0 : i32
      %dma_wait3A_1121 = arith.constant 0 : i32
      %dma_wait3A_1122 = tpu.memref_slice %arg4[%dma_wait3A_1107, %dma_wait3A_1120, %dma_wait3A_1121] : memref<12500x8x64xf32, #tpu.memory_space<hbm>> -> memref<1x8x64xf32, #tpu.memory_space<hbm>>
      %dma_wait3A_1123 = tpu.memref_squeeze %dma_wait3A_1122 : memref<1x8x64xf32, #tpu.memory_space<hbm>> -> memref<8x64xf32, #tpu.memory_space<hbm>>
      tpu.wait_dma2 semaphore(%arg15 : memref<!tpu.dma_semaphore, #tpu.memory_space<semaphore_mem>>) src(%dma_wait3A_1123 : memref<8x64xf32, #tpu.memory_space<hbm>>) dst(%dma_wait3A_1119 : memref<8x64xf32, #tpu.memory_space<vmem>>)
      %and3A_1124 = arith.constant 1 : i32
      %and3A_1125 = arith.andi %scan3A_809, %and3A_1124 : i32
      %mul3A_1126 = arith.constant 32 : i32
      %mul3A_1127 = arith.muli %and3A_1125, %mul3A_1126 : i32
      %add3A_1128 = arith.constant 13 : i32
      %add3A_1129 = arith.addi %mul3A_1127, %add3A_1128 : i32
      %dma_wait3A_1130 = arith.constant 0 : i32
      %dma_wait3A_1131 = arith.constant 0 : i32
      %dma_wait3A_1132 = arith.constant 0 : i32
      %dma_wait3A_1133 = tpu.memref_slice %arg11[%add3A_1129, %dma_wait3A_1131, %dma_wait3A_1132] : memref<64x8x64xf32, #tpu.memory_space<vmem>> -> memref<1x8x64xf32, #tpu.memory_space<vmem>>
      %dma_wait3A_1134 = tpu.memref_squeeze %dma_wait3A_1133 : memref<1x8x64xf32, #tpu.memory_space<vmem>> -> memref<8x64xf32, #tpu.memory_space<vmem>>
      %dma_wait3A_1135 = arith.constant 0 : i32
      %dma_wait3A_1136 = arith.constant 0 : i32
      %dma_wait3A_1137 = tpu.memref_slice %arg4[%dma_wait3A_1130, %dma_wait3A_1135, %dma_wait3A_1136] : memref<12500x8x64xf32, #tpu.memory_space<hbm>> -> memref<1x8x64xf32, #tpu.memory_space<hbm>>
      %dma_wait3A_1138 = tpu.memref_squeeze %dma_wait3A_1137 : memref<1x8x64xf32, #tpu.memory_space<hbm>> -> memref<8x64xf32, #tpu.memory_space<hbm>>
      %dma_wait3A_1139 = arith.constant 0 : i32
      %dma_wait3A_1140 = arith.constant 0 : i32
      %dma_wait3A_1141 = tpu.memref_slice %arg11[%add3A_1129, %dma_wait3A_1139, %dma_wait3A_1140] : memref<64x8x64xf32, #tpu.memory_space<vmem>> -> memref<1x8x64xf32, #tpu.memory_space<vmem>>
      %dma_wait3A_1142 = tpu.memref_squeeze %dma_wait3A_1141 : memref<1x8x64xf32, #tpu.memory_space<vmem>> -> memref<8x64xf32, #tpu.memory_space<vmem>>
      %dma_wait3A_1143 = arith.constant 0 : i32
      %dma_wait3A_1144 = arith.constant 0 : i32
      %dma_wait3A_1145 = tpu.memref_slice %arg4[%dma_wait3A_1130, %dma_wait3A_1143, %dma_wait3A_1144] : memref<12500x8x64xf32, #tpu.memory_space<hbm>> -> memref<1x8x64xf32, #tpu.memory_space<hbm>>
      %dma_wait3A_1146 = tpu.memref_squeeze %dma_wait3A_1145 : memref<1x8x64xf32, #tpu.memory_space<hbm>> -> memref<8x64xf32, #tpu.memory_space<hbm>>
      tpu.wait_dma2 semaphore(%arg15 : memref<!tpu.dma_semaphore, #tpu.memory_space<semaphore_mem>>) src(%dma_wait3A_1146 : memref<8x64xf32, #tpu.memory_space<hbm>>) dst(%dma_wait3A_1142 : memref<8x64xf32, #tpu.memory_space<vmem>>)
      %and3A_1147 = arith.constant 1 : i32
      %and3A_1148 = arith.andi %scan3A_809, %and3A_1147 : i32
      %mul3A_1149 = arith.constant 32 : i32
      %mul3A_1150 = arith.muli %and3A_1148, %mul3A_1149 : i32
      %add3A_1151 = arith.constant 14 : i32
      %add3A_1152 = arith.addi %mul3A_1150, %add3A_1151 : i32
      %dma_wait3A_1153 = arith.constant 0 : i32
      %dma_wait3A_1154 = arith.constant 0 : i32
      %dma_wait3A_1155 = arith.constant 0 : i32
      %dma_wait3A_1156 = tpu.memref_slice %arg11[%add3A_1152, %dma_wait3A_1154, %dma_wait3A_1155] : memref<64x8x64xf32, #tpu.memory_space<vmem>> -> memref<1x8x64xf32, #tpu.memory_space<vmem>>
      %dma_wait3A_1157 = tpu.memref_squeeze %dma_wait3A_1156 : memref<1x8x64xf32, #tpu.memory_space<vmem>> -> memref<8x64xf32, #tpu.memory_space<vmem>>
      %dma_wait3A_1158 = arith.constant 0 : i32
      %dma_wait3A_1159 = arith.constant 0 : i32
      %dma_wait3A_1160 = tpu.memref_slice %arg4[%dma_wait3A_1153, %dma_wait3A_1158, %dma_wait3A_1159] : memref<12500x8x64xf32, #tpu.memory_space<hbm>> -> memref<1x8x64xf32, #tpu.memory_space<hbm>>
      %dma_wait3A_1161 = tpu.memref_squeeze %dma_wait3A_1160 : memref<1x8x64xf32, #tpu.memory_space<hbm>> -> memref<8x64xf32, #tpu.memory_space<hbm>>
      %dma_wait3A_1162 = arith.constant 0 : i32
      %dma_wait3A_1163 = arith.constant 0 : i32
      %dma_wait3A_1164 = tpu.memref_slice %arg11[%add3A_1152, %dma_wait3A_1162, %dma_wait3A_1163] : memref<64x8x64xf32, #tpu.memory_space<vmem>> -> memref<1x8x64xf32, #tpu.memory_space<vmem>>
      %dma_wait3A_1165 = tpu.memref_squeeze %dma_wait3A_1164 : memref<1x8x64xf32, #tpu.memory_space<vmem>> -> memref<8x64xf32, #tpu.memory_space<vmem>>
      %dma_wait3A_1166 = arith.constant 0 : i32
      %dma_wait3A_1167 = arith.constant 0 : i32
      %dma_wait3A_1168 = tpu.memref_slice %arg4[%dma_wait3A_1153, %dma_wait3A_1166, %dma_wait3A_1167] : memref<12500x8x64xf32, #tpu.memory_space<hbm>> -> memref<1x8x64xf32, #tpu.memory_space<hbm>>
      %dma_wait3A_1169 = tpu.memref_squeeze %dma_wait3A_1168 : memref<1x8x64xf32, #tpu.memory_space<hbm>> -> memref<8x64xf32, #tpu.memory_space<hbm>>
      tpu.wait_dma2 semaphore(%arg15 : memref<!tpu.dma_semaphore, #tpu.memory_space<semaphore_mem>>) src(%dma_wait3A_1169 : memref<8x64xf32, #tpu.memory_space<hbm>>) dst(%dma_wait3A_1165 : memref<8x64xf32, #tpu.memory_space<vmem>>)
      %and3A_1170 = arith.constant 1 : i32
      %and3A_1171 = arith.andi %scan3A_809, %and3A_1170 : i32
      %mul3A_1172 = arith.constant 32 : i32
      %mul3A_1173 = arith.muli %and3A_1171, %mul3A_1172 : i32
      %add3A_1174 = arith.constant 15 : i32
      %add3A_1175 = arith.addi %mul3A_1173, %add3A_1174 : i32
      %dma_wait3A_1176 = arith.constant 0 : i32
      %dma_wait3A_1177 = arith.constant 0 : i32
      %dma_wait3A_1178 = arith.constant 0 : i32
      %dma_wait3A_1179 = tpu.memref_slice %arg11[%add3A_1175, %dma_wait3A_1177, %dma_wait3A_1178] : memref<64x8x64xf32, #tpu.memory_space<vmem>> -> memref<1x8x64xf32, #tpu.memory_space<vmem>>
      %dma_wait3A_1180 = tpu.memref_squeeze %dma_wait3A_1179 : memref<1x8x64xf32, #tpu.memory_space<vmem>> -> memref<8x64xf32, #tpu.memory_space<vmem>>
      %dma_wait3A_1181 = arith.constant 0 : i32
      %dma_wait3A_1182 = arith.constant 0 : i32
      %dma_wait3A_1183 = tpu.memref_slice %arg4[%dma_wait3A_1176, %dma_wait3A_1181, %dma_wait3A_1182] : memref<12500x8x64xf32, #tpu.memory_space<hbm>> -> memref<1x8x64xf32, #tpu.memory_space<hbm>>
      %dma_wait3A_1184 = tpu.memref_squeeze %dma_wait3A_1183 : memref<1x8x64xf32, #tpu.memory_space<hbm>> -> memref<8x64xf32, #tpu.memory_space<hbm>>
      %dma_wait3A_1185 = arith.constant 0 : i32
      %dma_wait3A_1186 = arith.constant 0 : i32
      %dma_wait3A_1187 = tpu.memref_slice %arg11[%add3A_1175, %dma_wait3A_1185, %dma_wait3A_1186] : memref<64x8x64xf32, #tpu.memory_space<vmem>> -> memref<1x8x64xf32, #tpu.memory_space<vmem>>
      %dma_wait3A_1188 = tpu.memref_squeeze %dma_wait3A_1187 : memref<1x8x64xf32, #tpu.memory_space<vmem>> -> memref<8x64xf32, #tpu.memory_space<vmem>>
      %dma_wait3A_1189 = arith.constant 0 : i32
      %dma_wait3A_1190 = arith.constant 0 : i32
      %dma_wait3A_1191 = tpu.memref_slice %arg4[%dma_wait3A_1176, %dma_wait3A_1189, %dma_wait3A_1190] : memref<12500x8x64xf32, #tpu.memory_space<hbm>> -> memref<1x8x64xf32, #tpu.memory_space<hbm>>
      %dma_wait3A_1192 = tpu.memref_squeeze %dma_wait3A_1191 : memref<1x8x64xf32, #tpu.memory_space<hbm>> -> memref<8x64xf32, #tpu.memory_space<hbm>>
      tpu.wait_dma2 semaphore(%arg15 : memref<!tpu.dma_semaphore, #tpu.memory_space<semaphore_mem>>) src(%dma_wait3A_1192 : memref<8x64xf32, #tpu.memory_space<hbm>>) dst(%dma_wait3A_1188 : memref<8x64xf32, #tpu.memory_space<vmem>>)
      %and3A_1193 = arith.constant 1 : i32
      %and3A_1194 = arith.andi %scan3A_809, %and3A_1193 : i32
      %mul3A_1195 = arith.constant 32 : i32
      %mul3A_1196 = arith.muli %and3A_1194, %mul3A_1195 : i32
      %add3A_1197 = arith.constant 16 : i32
      %add3A_1198 = arith.addi %mul3A_1196, %add3A_1197 : i32
      %dma_wait3A_1199 = arith.constant 0 : i32
      %dma_wait3A_1200 = arith.constant 0 : i32
      %dma_wait3A_1201 = arith.constant 0 : i32
      %dma_wait3A_1202 = tpu.memref_slice %arg11[%add3A_1198, %dma_wait3A_1200, %dma_wait3A_1201] : memref<64x8x64xf32, #tpu.memory_space<vmem>> -> memref<1x8x64xf32, #tpu.memory_space<vmem>>
      %dma_wait3A_1203 = tpu.memref_squeeze %dma_wait3A_1202 : memref<1x8x64xf32, #tpu.memory_space<vmem>> -> memref<8x64xf32, #tpu.memory_space<vmem>>
      %dma_wait3A_1204 = arith.constant 0 : i32
      %dma_wait3A_1205 = arith.constant 0 : i32
      %dma_wait3A_1206 = tpu.memref_slice %arg4[%dma_wait3A_1199, %dma_wait3A_1204, %dma_wait3A_1205] : memref<12500x8x64xf32, #tpu.memory_space<hbm>> -> memref<1x8x64xf32, #tpu.memory_space<hbm>>
      %dma_wait3A_1207 = tpu.memref_squeeze %dma_wait3A_1206 : memref<1x8x64xf32, #tpu.memory_space<hbm>> -> memref<8x64xf32, #tpu.memory_space<hbm>>
      %dma_wait3A_1208 = arith.constant 0 : i32
      %dma_wait3A_1209 = arith.constant 0 : i32
      %dma_wait3A_1210 = tpu.memref_slice %arg11[%add3A_1198, %dma_wait3A_1208, %dma_wait3A_1209] : memref<64x8x64xf32, #tpu.memory_space<vmem>> -> memref<1x8x64xf32, #tpu.memory_space<vmem>>
      %dma_wait3A_1211 = tpu.memref_squeeze %dma_wait3A_1210 : memref<1x8x64xf32, #tpu.memory_space<vmem>> -> memref<8x64xf32, #tpu.memory_space<vmem>>
      %dma_wait3A_1212 = arith.constant 0 : i32
      %dma_wait3A_1213 = arith.constant 0 : i32
      %dma_wait3A_1214 = tpu.memref_slice %arg4[%dma_wait3A_1199, %dma_wait3A_1212, %dma_wait3A_1213] : memref<12500x8x64xf32, #tpu.memory_space<hbm>> -> memref<1x8x64xf32, #tpu.memory_space<hbm>>
      %dma_wait3A_1215 = tpu.memref_squeeze %dma_wait3A_1214 : memref<1x8x64xf32, #tpu.memory_space<hbm>> -> memref<8x64xf32, #tpu.memory_space<hbm>>
      tpu.wait_dma2 semaphore(%arg15 : memref<!tpu.dma_semaphore, #tpu.memory_space<semaphore_mem>>) src(%dma_wait3A_1215 : memref<8x64xf32, #tpu.memory_space<hbm>>) dst(%dma_wait3A_1211 : memref<8x64xf32, #tpu.memory_space<vmem>>)
      %and3A_1216 = arith.constant 1 : i32
      %and3A_1217 = arith.andi %scan3A_809, %and3A_1216 : i32
      %mul3A_1218 = arith.constant 32 : i32
      %mul3A_1219 = arith.muli %and3A_1217, %mul3A_1218 : i32
      %add3A_1220 = arith.constant 17 : i32
      %add3A_1221 = arith.addi %mul3A_1219, %add3A_1220 : i32
      %dma_wait3A_1222 = arith.constant 0 : i32
      %dma_wait3A_1223 = arith.constant 0 : i32
      %dma_wait3A_1224 = arith.constant 0 : i32
      %dma_wait3A_1225 = tpu.memref_slice %arg11[%add3A_1221, %dma_wait3A_1223, %dma_wait3A_1224] : memref<64x8x64xf32, #tpu.memory_space<vmem>> -> memref<1x8x64xf32, #tpu.memory_space<vmem>>
      %dma_wait3A_1226 = tpu.memref_squeeze %dma_wait3A_1225 : memref<1x8x64xf32, #tpu.memory_space<vmem>> -> memref<8x64xf32, #tpu.memory_space<vmem>>
      %dma_wait3A_1227 = arith.constant 0 : i32
      %dma_wait3A_1228 = arith.constant 0 : i32
      %dma_wait3A_1229 = tpu.memref_slice %arg4[%dma_wait3A_1222, %dma_wait3A_1227, %dma_wait3A_1228] : memref<12500x8x64xf32, #tpu.memory_space<hbm>> -> memref<1x8x64xf32, #tpu.memory_space<hbm>>
      %dma_wait3A_1230 = tpu.memref_squeeze %dma_wait3A_1229 : memref<1x8x64xf32, #tpu.memory_space<hbm>> -> memref<8x64xf32, #tpu.memory_space<hbm>>
      %dma_wait3A_1231 = arith.constant 0 : i32
      %dma_wait3A_1232 = arith.constant 0 : i32
      %dma_wait3A_1233 = tpu.memref_slice %arg11[%add3A_1221, %dma_wait3A_1231, %dma_wait3A_1232] : memref<64x8x64xf32, #tpu.memory_space<vmem>> -> memref<1x8x64xf32, #tpu.memory_space<vmem>>
      %dma_wait3A_1234 = tpu.memref_squeeze %dma_wait3A_1233 : memref<1x8x64xf32, #tpu.memory_space<vmem>> -> memref<8x64xf32, #tpu.memory_space<vmem>>
      %dma_wait3A_1235 = arith.constant 0 : i32
      %dma_wait3A_1236 = arith.constant 0 : i32
      %dma_wait3A_1237 = tpu.memref_slice %arg4[%dma_wait3A_1222, %dma_wait3A_1235, %dma_wait3A_1236] : memref<12500x8x64xf32, #tpu.memory_space<hbm>> -> memref<1x8x64xf32, #tpu.memory_space<hbm>>
      %dma_wait3A_1238 = tpu.memref_squeeze %dma_wait3A_1237 : memref<1x8x64xf32, #tpu.memory_space<hbm>> -> memref<8x64xf32, #tpu.memory_space<hbm>>
      tpu.wait_dma2 semaphore(%arg15 : memref<!tpu.dma_semaphore, #tpu.memory_space<semaphore_mem>>) src(%dma_wait3A_1238 : memref<8x64xf32, #tpu.memory_space<hbm>>) dst(%dma_wait3A_1234 : memref<8x64xf32, #tpu.memory_space<vmem>>)
      %and3A_1239 = arith.constant 1 : i32
      %and3A_1240 = arith.andi %scan3A_809, %and3A_1239 : i32
      %mul3A_1241 = arith.constant 32 : i32
      %mul3A_1242 = arith.muli %and3A_1240, %mul3A_1241 : i32
      %add3A_1243 = arith.constant 18 : i32
      %add3A_1244 = arith.addi %mul3A_1242, %add3A_1243 : i32
      %dma_wait3A_1245 = arith.constant 0 : i32
      %dma_wait3A_1246 = arith.constant 0 : i32
      %dma_wait3A_1247 = arith.constant 0 : i32
      %dma_wait3A_1248 = tpu.memref_slice %arg11[%add3A_1244, %dma_wait3A_1246, %dma_wait3A_1247] : memref<64x8x64xf32, #tpu.memory_space<vmem>> -> memref<1x8x64xf32, #tpu.memory_space<vmem>>
      %dma_wait3A_1249 = tpu.memref_squeeze %dma_wait3A_1248 : memref<1x8x64xf32, #tpu.memory_space<vmem>> -> memref<8x64xf32, #tpu.memory_space<vmem>>
      %dma_wait3A_1250 = arith.constant 0 : i32
      %dma_wait3A_1251 = arith.constant 0 : i32
      %dma_wait3A_1252 = tpu.memref_slice %arg4[%dma_wait3A_1245, %dma_wait3A_1250, %dma_wait3A_1251] : memref<12500x8x64xf32, #tpu.memory_space<hbm>> -> memref<1x8x64xf32, #tpu.memory_space<hbm>>
      %dma_wait3A_1253 = tpu.memref_squeeze %dma_wait3A_1252 : memref<1x8x64xf32, #tpu.memory_space<hbm>> -> memref<8x64xf32, #tpu.memory_space<hbm>>
      %dma_wait3A_1254 = arith.constant 0 : i32
      %dma_wait3A_1255 = arith.constant 0 : i32
      %dma_wait3A_1256 = tpu.memref_slice %arg11[%add3A_1244, %dma_wait3A_1254, %dma_wait3A_1255] : memref<64x8x64xf32, #tpu.memory_space<vmem>> -> memref<1x8x64xf32, #tpu.memory_space<vmem>>
      %dma_wait3A_1257 = tpu.memref_squeeze %dma_wait3A_1256 : memref<1x8x64xf32, #tpu.memory_space<vmem>> -> memref<8x64xf32, #tpu.memory_space<vmem>>
      %dma_wait3A_1258 = arith.constant 0 : i32
      %dma_wait3A_1259 = arith.constant 0 : i32
      %dma_wait3A_1260 = tpu.memref_slice %arg4[%dma_wait3A_1245, %dma_wait3A_1258, %dma_wait3A_1259] : memref<12500x8x64xf32, #tpu.memory_space<hbm>> -> memref<1x8x64xf32, #tpu.memory_space<hbm>>
      %dma_wait3A_1261 = tpu.memref_squeeze %dma_wait3A_1260 : memref<1x8x64xf32, #tpu.memory_space<hbm>> -> memref<8x64xf32, #tpu.memory_space<hbm>>
      tpu.wait_dma2 semaphore(%arg15 : memref<!tpu.dma_semaphore, #tpu.memory_space<semaphore_mem>>) src(%dma_wait3A_1261 : memref<8x64xf32, #tpu.memory_space<hbm>>) dst(%dma_wait3A_1257 : memref<8x64xf32, #tpu.memory_space<vmem>>)
      %and3A_1262 = arith.constant 1 : i32
      %and3A_1263 = arith.andi %scan3A_809, %and3A_1262 : i32
      %mul3A_1264 = arith.constant 32 : i32
      %mul3A_1265 = arith.muli %and3A_1263, %mul3A_1264 : i32
      %add3A_1266 = arith.constant 19 : i32
      %add3A_1267 = arith.addi %mul3A_1265, %add3A_1266 : i32
      %dma_wait3A_1268 = arith.constant 0 : i32
      %dma_wait3A_1269 = arith.constant 0 : i32
      %dma_wait3A_1270 = arith.constant 0 : i32
      %dma_wait3A_1271 = tpu.memref_slice %arg11[%add3A_1267, %dma_wait3A_1269, %dma_wait3A_1270] : memref<64x8x64xf32, #tpu.memory_space<vmem>> -> memref<1x8x64xf32, #tpu.memory_space<vmem>>
      %dma_wait3A_1272 = tpu.memref_squeeze %dma_wait3A_1271 : memref<1x8x64xf32, #tpu.memory_space<vmem>> -> memref<8x64xf32, #tpu.memory_space<vmem>>
      %dma_wait3A_1273 = arith.constant 0 : i32
      %dma_wait3A_1274 = arith.constant 0 : i32
      %dma_wait3A_1275 = tpu.memref_slice %arg4[%dma_wait3A_1268, %dma_wait3A_1273, %dma_wait3A_1274] : memref<12500x8x64xf32, #tpu.memory_space<hbm>> -> memref<1x8x64xf32, #tpu.memory_space<hbm>>
      %dma_wait3A_1276 = tpu.memref_squeeze %dma_wait3A_1275 : memref<1x8x64xf32, #tpu.memory_space<hbm>> -> memref<8x64xf32, #tpu.memory_space<hbm>>
      %dma_wait3A_1277 = arith.constant 0 : i32
      %dma_wait3A_1278 = arith.constant 0 : i32
      %dma_wait3A_1279 = tpu.memref_slice %arg11[%add3A_1267, %dma_wait3A_1277, %dma_wait3A_1278] : memref<64x8x64xf32, #tpu.memory_space<vmem>> -> memref<1x8x64xf32, #tpu.memory_space<vmem>>
      %dma_wait3A_1280 = tpu.memref_squeeze %dma_wait3A_1279 : memref<1x8x64xf32, #tpu.memory_space<vmem>> -> memref<8x64xf32, #tpu.memory_space<vmem>>
      %dma_wait3A_1281 = arith.constant 0 : i32
      %dma_wait3A_1282 = arith.constant 0 : i32
      %dma_wait3A_1283 = tpu.memref_slice %arg4[%dma_wait3A_1268, %dma_wait3A_1281, %dma_wait3A_1282] : memref<12500x8x64xf32, #tpu.memory_space<hbm>> -> memref<1x8x64xf32, #tpu.memory_space<hbm>>
      %dma_wait3A_1284 = tpu.memref_squeeze %dma_wait3A_1283 : memref<1x8x64xf32, #tpu.memory_space<hbm>> -> memref<8x64xf32, #tpu.memory_space<hbm>>
      tpu.wait_dma2 semaphore(%arg15 : memref<!tpu.dma_semaphore, #tpu.memory_space<semaphore_mem>>) src(%dma_wait3A_1284 : memref<8x64xf32, #tpu.memory_space<hbm>>) dst(%dma_wait3A_1280 : memref<8x64xf32, #tpu.memory_space<vmem>>)
      %and3A_1285 = arith.constant 1 : i32
      %and3A_1286 = arith.andi %scan3A_809, %and3A_1285 : i32
      %mul3A_1287 = arith.constant 32 : i32
      %mul3A_1288 = arith.muli %and3A_1286, %mul3A_1287 : i32
      %add3A_1289 = arith.constant 20 : i32
      %add3A_1290 = arith.addi %mul3A_1288, %add3A_1289 : i32
      %dma_wait3A_1291 = arith.constant 0 : i32
      %dma_wait3A_1292 = arith.constant 0 : i32
      %dma_wait3A_1293 = arith.constant 0 : i32
      %dma_wait3A_1294 = tpu.memref_slice %arg11[%add3A_1290, %dma_wait3A_1292, %dma_wait3A_1293] : memref<64x8x64xf32, #tpu.memory_space<vmem>> -> memref<1x8x64xf32, #tpu.memory_space<vmem>>
      %dma_wait3A_1295 = tpu.memref_squeeze %dma_wait3A_1294 : memref<1x8x64xf32, #tpu.memory_space<vmem>> -> memref<8x64xf32, #tpu.memory_space<vmem>>
      %dma_wait3A_1296 = arith.constant 0 : i32
      %dma_wait3A_1297 = arith.constant 0 : i32
      %dma_wait3A_1298 = tpu.memref_slice %arg4[%dma_wait3A_1291, %dma_wait3A_1296, %dma_wait3A_1297] : memref<12500x8x64xf32, #tpu.memory_space<hbm>> -> memref<1x8x64xf32, #tpu.memory_space<hbm>>
      %dma_wait3A_1299 = tpu.memref_squeeze %dma_wait3A_1298 : memref<1x8x64xf32, #tpu.memory_space<hbm>> -> memref<8x64xf32, #tpu.memory_space<hbm>>
      %dma_wait3A_1300 = arith.constant 0 : i32
      %dma_wait3A_1301 = arith.constant 0 : i32
      %dma_wait3A_1302 = tpu.memref_slice %arg11[%add3A_1290, %dma_wait3A_1300, %dma_wait3A_1301] : memref<64x8x64xf32, #tpu.memory_space<vmem>> -> memref<1x8x64xf32, #tpu.memory_space<vmem>>
      %dma_wait3A_1303 = tpu.memref_squeeze %dma_wait3A_1302 : memref<1x8x64xf32, #tpu.memory_space<vmem>> -> memref<8x64xf32, #tpu.memory_space<vmem>>
      %dma_wait3A_1304 = arith.constant 0 : i32
      %dma_wait3A_1305 = arith.constant 0 : i32
      %dma_wait3A_1306 = tpu.memref_slice %arg4[%dma_wait3A_1291, %dma_wait3A_1304, %dma_wait3A_1305] : memref<12500x8x64xf32, #tpu.memory_space<hbm>> -> memref<1x8x64xf32, #tpu.memory_space<hbm>>
      %dma_wait3A_1307 = tpu.memref_squeeze %dma_wait3A_1306 : memref<1x8x64xf32, #tpu.memory_space<hbm>> -> memref<8x64xf32, #tpu.memory_space<hbm>>
      tpu.wait_dma2 semaphore(%arg15 : memref<!tpu.dma_semaphore, #tpu.memory_space<semaphore_mem>>) src(%dma_wait3A_1307 : memref<8x64xf32, #tpu.memory_space<hbm>>) dst(%dma_wait3A_1303 : memref<8x64xf32, #tpu.memory_space<vmem>>)
      %and3A_1308 = arith.constant 1 : i32
      %and3A_1309 = arith.andi %scan3A_809, %and3A_1308 : i32
      %mul3A_1310 = arith.constant 32 : i32
      %mul3A_1311 = arith.muli %and3A_1309, %mul3A_1310 : i32
      %add3A_1312 = arith.constant 21 : i32
      %add3A_1313 = arith.addi %mul3A_1311, %add3A_1312 : i32
      %dma_wait3A_1314 = arith.constant 0 : i32
      %dma_wait3A_1315 = arith.constant 0 : i32
      %dma_wait3A_1316 = arith.constant 0 : i32
      %dma_wait3A_1317 = tpu.memref_slice %arg11[%add3A_1313, %dma_wait3A_1315, %dma_wait3A_1316] : memref<64x8x64xf32, #tpu.memory_space<vmem>> -> memref<1x8x64xf32, #tpu.memory_space<vmem>>
      %dma_wait3A_1318 = tpu.memref_squeeze %dma_wait3A_1317 : memref<1x8x64xf32, #tpu.memory_space<vmem>> -> memref<8x64xf32, #tpu.memory_space<vmem>>
      %dma_wait3A_1319 = arith.constant 0 : i32
      %dma_wait3A_1320 = arith.constant 0 : i32
      %dma_wait3A_1321 = tpu.memref_slice %arg4[%dma_wait3A_1314, %dma_wait3A_1319, %dma_wait3A_1320] : memref<12500x8x64xf32, #tpu.memory_space<hbm>> -> memref<1x8x64xf32, #tpu.memory_space<hbm>>
      %dma_wait3A_1322 = tpu.memref_squeeze %dma_wait3A_1321 : memref<1x8x64xf32, #tpu.memory_space<hbm>> -> memref<8x64xf32, #tpu.memory_space<hbm>>
      %dma_wait3A_1323 = arith.constant 0 : i32
      %dma_wait3A_1324 = arith.constant 0 : i32
      %dma_wait3A_1325 = tpu.memref_slice %arg11[%add3A_1313, %dma_wait3A_1323, %dma_wait3A_1324] : memref<64x8x64xf32, #tpu.memory_space<vmem>> -> memref<1x8x64xf32, #tpu.memory_space<vmem>>
      %dma_wait3A_1326 = tpu.memref_squeeze %dma_wait3A_1325 : memref<1x8x64xf32, #tpu.memory_space<vmem>> -> memref<8x64xf32, #tpu.memory_space<vmem>>
      %dma_wait3A_1327 = arith.constant 0 : i32
      %dma_wait3A_1328 = arith.constant 0 : i32
      %dma_wait3A_1329 = tpu.memref_slice %arg4[%dma_wait3A_1314, %dma_wait3A_1327, %dma_wait3A_1328] : memref<12500x8x64xf32, #tpu.memory_space<hbm>> -> memref<1x8x64xf32, #tpu.memory_space<hbm>>
      %dma_wait3A_1330 = tpu.memref_squeeze %dma_wait3A_1329 : memref<1x8x64xf32, #tpu.memory_space<hbm>> -> memref<8x64xf32, #tpu.memory_space<hbm>>
      tpu.wait_dma2 semaphore(%arg15 : memref<!tpu.dma_semaphore, #tpu.memory_space<semaphore_mem>>) src(%dma_wait3A_1330 : memref<8x64xf32, #tpu.memory_space<hbm>>) dst(%dma_wait3A_1326 : memref<8x64xf32, #tpu.memory_space<vmem>>)
      %and3A_1331 = arith.constant 1 : i32
      %and3A_1332 = arith.andi %scan3A_809, %and3A_1331 : i32
      %mul3A_1333 = arith.constant 32 : i32
      %mul3A_1334 = arith.muli %and3A_1332, %mul3A_1333 : i32
      %add3A_1335 = arith.constant 22 : i32
      %add3A_1336 = arith.addi %mul3A_1334, %add3A_1335 : i32
      %dma_wait3A_1337 = arith.constant 0 : i32
      %dma_wait3A_1338 = arith.constant 0 : i32
      %dma_wait3A_1339 = arith.constant 0 : i32
      %dma_wait3A_1340 = tpu.memref_slice %arg11[%add3A_1336, %dma_wait3A_1338, %dma_wait3A_1339] : memref<64x8x64xf32, #tpu.memory_space<vmem>> -> memref<1x8x64xf32, #tpu.memory_space<vmem>>
      %dma_wait3A_1341 = tpu.memref_squeeze %dma_wait3A_1340 : memref<1x8x64xf32, #tpu.memory_space<vmem>> -> memref<8x64xf32, #tpu.memory_space<vmem>>
      %dma_wait3A_1342 = arith.constant 0 : i32
      %dma_wait3A_1343 = arith.constant 0 : i32
      %dma_wait3A_1344 = tpu.memref_slice %arg4[%dma_wait3A_1337, %dma_wait3A_1342, %dma_wait3A_1343] : memref<12500x8x64xf32, #tpu.memory_space<hbm>> -> memref<1x8x64xf32, #tpu.memory_space<hbm>>
      %dma_wait3A_1345 = tpu.memref_squeeze %dma_wait3A_1344 : memref<1x8x64xf32, #tpu.memory_space<hbm>> -> memref<8x64xf32, #tpu.memory_space<hbm>>
      %dma_wait3A_1346 = arith.constant 0 : i32
      %dma_wait3A_1347 = arith.constant 0 : i32
      %dma_wait3A_1348 = tpu.memref_slice %arg11[%add3A_1336, %dma_wait3A_1346, %dma_wait3A_1347] : memref<64x8x64xf32, #tpu.memory_space<vmem>> -> memref<1x8x64xf32, #tpu.memory_space<vmem>>
      %dma_wait3A_1349 = tpu.memref_squeeze %dma_wait3A_1348 : memref<1x8x64xf32, #tpu.memory_space<vmem>> -> memref<8x64xf32, #tpu.memory_space<vmem>>
      %dma_wait3A_1350 = arith.constant 0 : i32
      %dma_wait3A_1351 = arith.constant 0 : i32
      %dma_wait3A_1352 = tpu.memref_slice %arg4[%dma_wait3A_1337, %dma_wait3A_1350, %dma_wait3A_1351] : memref<12500x8x64xf32, #tpu.memory_space<hbm>> -> memref<1x8x64xf32, #tpu.memory_space<hbm>>
      %dma_wait3A_1353 = tpu.memref_squeeze %dma_wait3A_1352 : memref<1x8x64xf32, #tpu.memory_space<hbm>> -> memref<8x64xf32, #tpu.memory_space<hbm>>
      tpu.wait_dma2 semaphore(%arg15 : memref<!tpu.dma_semaphore, #tpu.memory_space<semaphore_mem>>) src(%dma_wait3A_1353 : memref<8x64xf32, #tpu.memory_space<hbm>>) dst(%dma_wait3A_1349 : memref<8x64xf32, #tpu.memory_space<vmem>>)
      %and3A_1354 = arith.constant 1 : i32
      %and3A_1355 = arith.andi %scan3A_809, %and3A_1354 : i32
      %mul3A_1356 = arith.constant 32 : i32
      %mul3A_1357 = arith.muli %and3A_1355, %mul3A_1356 : i32
      %add3A_1358 = arith.constant 23 : i32
      %add3A_1359 = arith.addi %mul3A_1357, %add3A_1358 : i32
      %dma_wait3A_1360 = arith.constant 0 : i32
      %dma_wait3A_1361 = arith.constant 0 : i32
      %dma_wait3A_1362 = arith.constant 0 : i32
      %dma_wait3A_1363 = tpu.memref_slice %arg11[%add3A_1359, %dma_wait3A_1361, %dma_wait3A_1362] : memref<64x8x64xf32, #tpu.memory_space<vmem>> -> memref<1x8x64xf32, #tpu.memory_space<vmem>>
      %dma_wait3A_1364 = tpu.memref_squeeze %dma_wait3A_1363 : memref<1x8x64xf32, #tpu.memory_space<vmem>> -> memref<8x64xf32, #tpu.memory_space<vmem>>
      %dma_wait3A_1365 = arith.constant 0 : i32
      %dma_wait3A_1366 = arith.constant 0 : i32
      %dma_wait3A_1367 = tpu.memref_slice %arg4[%dma_wait3A_1360, %dma_wait3A_1365, %dma_wait3A_1366] : memref<12500x8x64xf32, #tpu.memory_space<hbm>> -> memref<1x8x64xf32, #tpu.memory_space<hbm>>
      %dma_wait3A_1368 = tpu.memref_squeeze %dma_wait3A_1367 : memref<1x8x64xf32, #tpu.memory_space<hbm>> -> memref<8x64xf32, #tpu.memory_space<hbm>>
      %dma_wait3A_1369 = arith.constant 0 : i32
      %dma_wait3A_1370 = arith.constant 0 : i32
      %dma_wait3A_1371 = tpu.memref_slice %arg11[%add3A_1359, %dma_wait3A_1369, %dma_wait3A_1370] : memref<64x8x64xf32, #tpu.memory_space<vmem>> -> memref<1x8x64xf32, #tpu.memory_space<vmem>>
      %dma_wait3A_1372 = tpu.memref_squeeze %dma_wait3A_1371 : memref<1x8x64xf32, #tpu.memory_space<vmem>> -> memref<8x64xf32, #tpu.memory_space<vmem>>
      %dma_wait3A_1373 = arith.constant 0 : i32
      %dma_wait3A_1374 = arith.constant 0 : i32
      %dma_wait3A_1375 = tpu.memref_slice %arg4[%dma_wait3A_1360, %dma_wait3A_1373, %dma_wait3A_1374] : memref<12500x8x64xf32, #tpu.memory_space<hbm>> -> memref<1x8x64xf32, #tpu.memory_space<hbm>>
      %dma_wait3A_1376 = tpu.memref_squeeze %dma_wait3A_1375 : memref<1x8x64xf32, #tpu.memory_space<hbm>> -> memref<8x64xf32, #tpu.memory_space<hbm>>
      tpu.wait_dma2 semaphore(%arg15 : memref<!tpu.dma_semaphore, #tpu.memory_space<semaphore_mem>>) src(%dma_wait3A_1376 : memref<8x64xf32, #tpu.memory_space<hbm>>) dst(%dma_wait3A_1372 : memref<8x64xf32, #tpu.memory_space<vmem>>)
      %and3A_1377 = arith.constant 1 : i32
      %and3A_1378 = arith.andi %scan3A_809, %and3A_1377 : i32
      %mul3A_1379 = arith.constant 32 : i32
      %mul3A_1380 = arith.muli %and3A_1378, %mul3A_1379 : i32
      %add3A_1381 = arith.constant 24 : i32
      %add3A_1382 = arith.addi %mul3A_1380, %add3A_1381 : i32
      %dma_wait3A_1383 = arith.constant 0 : i32
      %dma_wait3A_1384 = arith.constant 0 : i32
      %dma_wait3A_1385 = arith.constant 0 : i32
      %dma_wait3A_1386 = tpu.memref_slice %arg11[%add3A_1382, %dma_wait3A_1384, %dma_wait3A_1385] : memref<64x8x64xf32, #tpu.memory_space<vmem>> -> memref<1x8x64xf32, #tpu.memory_space<vmem>>
      %dma_wait3A_1387 = tpu.memref_squeeze %dma_wait3A_1386 : memref<1x8x64xf32, #tpu.memory_space<vmem>> -> memref<8x64xf32, #tpu.memory_space<vmem>>
      %dma_wait3A_1388 = arith.constant 0 : i32
      %dma_wait3A_1389 = arith.constant 0 : i32
      %dma_wait3A_1390 = tpu.memref_slice %arg4[%dma_wait3A_1383, %dma_wait3A_1388, %dma_wait3A_1389] : memref<12500x8x64xf32, #tpu.memory_space<hbm>> -> memref<1x8x64xf32, #tpu.memory_space<hbm>>
      %dma_wait3A_1391 = tpu.memref_squeeze %dma_wait3A_1390 : memref<1x8x64xf32, #tpu.memory_space<hbm>> -> memref<8x64xf32, #tpu.memory_space<hbm>>
      %dma_wait3A_1392 = arith.constant 0 : i32
      %dma_wait3A_1393 = arith.constant 0 : i32
      %dma_wait3A_1394 = tpu.memref_slice %arg11[%add3A_1382, %dma_wait3A_1392, %dma_wait3A_1393] : memref<64x8x64xf32, #tpu.memory_space<vmem>> -> memref<1x8x64xf32, #tpu.memory_space<vmem>>
      %dma_wait3A_1395 = tpu.memref_squeeze %dma_wait3A_1394 : memref<1x8x64xf32, #tpu.memory_space<vmem>> -> memref<8x64xf32, #tpu.memory_space<vmem>>
      %dma_wait3A_1396 = arith.constant 0 : i32
      %dma_wait3A_1397 = arith.constant 0 : i32
      %dma_wait3A_1398 = tpu.memref_slice %arg4[%dma_wait3A_1383, %dma_wait3A_1396, %dma_wait3A_1397] : memref<12500x8x64xf32, #tpu.memory_space<hbm>> -> memref<1x8x64xf32, #tpu.memory_space<hbm>>
      %dma_wait3A_1399 = tpu.memref_squeeze %dma_wait3A_1398 : memref<1x8x64xf32, #tpu.memory_space<hbm>> -> memref<8x64xf32, #tpu.memory_space<hbm>>
      tpu.wait_dma2 semaphore(%arg15 : memref<!tpu.dma_semaphore, #tpu.memory_space<semaphore_mem>>) src(%dma_wait3A_1399 : memref<8x64xf32, #tpu.memory_space<hbm>>) dst(%dma_wait3A_1395 : memref<8x64xf32, #tpu.memory_space<vmem>>)
      %and3A_1400 = arith.constant 1 : i32
      %and3A_1401 = arith.andi %scan3A_809, %and3A_1400 : i32
      %mul3A_1402 = arith.constant 32 : i32
      %mul3A_1403 = arith.muli %and3A_1401, %mul3A_1402 : i32
      %add3A_1404 = arith.constant 25 : i32
      %add3A_1405 = arith.addi %mul3A_1403, %add3A_1404 : i32
      %dma_wait3A_1406 = arith.constant 0 : i32
      %dma_wait3A_1407 = arith.constant 0 : i32
      %dma_wait3A_1408 = arith.constant 0 : i32
      %dma_wait3A_1409 = tpu.memref_slice %arg11[%add3A_1405, %dma_wait3A_1407, %dma_wait3A_1408] : memref<64x8x64xf32, #tpu.memory_space<vmem>> -> memref<1x8x64xf32, #tpu.memory_space<vmem>>
      %dma_wait3A_1410 = tpu.memref_squeeze %dma_wait3A_1409 : memref<1x8x64xf32, #tpu.memory_space<vmem>> -> memref<8x64xf32, #tpu.memory_space<vmem>>
      %dma_wait3A_1411 = arith.constant 0 : i32
      %dma_wait3A_1412 = arith.constant 0 : i32
      %dma_wait3A_1413 = tpu.memref_slice %arg4[%dma_wait3A_1406, %dma_wait3A_1411, %dma_wait3A_1412] : memref<12500x8x64xf32, #tpu.memory_space<hbm>> -> memref<1x8x64xf32, #tpu.memory_space<hbm>>
      %dma_wait3A_1414 = tpu.memref_squeeze %dma_wait3A_1413 : memref<1x8x64xf32, #tpu.memory_space<hbm>> -> memref<8x64xf32, #tpu.memory_space<hbm>>
      %dma_wait3A_1415 = arith.constant 0 : i32
      %dma_wait3A_1416 = arith.constant 0 : i32
      %dma_wait3A_1417 = tpu.memref_slice %arg11[%add3A_1405, %dma_wait3A_1415, %dma_wait3A_1416] : memref<64x8x64xf32, #tpu.memory_space<vmem>> -> memref<1x8x64xf32, #tpu.memory_space<vmem>>
      %dma_wait3A_1418 = tpu.memref_squeeze %dma_wait3A_1417 : memref<1x8x64xf32, #tpu.memory_space<vmem>> -> memref<8x64xf32, #tpu.memory_space<vmem>>
      %dma_wait3A_1419 = arith.constant 0 : i32
      %dma_wait3A_1420 = arith.constant 0 : i32
      %dma_wait3A_1421 = tpu.memref_slice %arg4[%dma_wait3A_1406, %dma_wait3A_1419, %dma_wait3A_1420] : memref<12500x8x64xf32, #tpu.memory_space<hbm>> -> memref<1x8x64xf32, #tpu.memory_space<hbm>>
      %dma_wait3A_1422 = tpu.memref_squeeze %dma_wait3A_1421 : memref<1x8x64xf32, #tpu.memory_space<hbm>> -> memref<8x64xf32, #tpu.memory_space<hbm>>
      tpu.wait_dma2 semaphore(%arg15 : memref<!tpu.dma_semaphore, #tpu.memory_space<semaphore_mem>>) src(%dma_wait3A_1422 : memref<8x64xf32, #tpu.memory_space<hbm>>) dst(%dma_wait3A_1418 : memref<8x64xf32, #tpu.memory_space<vmem>>)
      %and3A_1423 = arith.constant 1 : i32
      %and3A_1424 = arith.andi %scan3A_809, %and3A_1423 : i32
      %mul3A_1425 = arith.constant 32 : i32
      %mul3A_1426 = arith.muli %and3A_1424, %mul3A_1425 : i32
      %add3A_1427 = arith.constant 26 : i32
      %add3A_1428 = arith.addi %mul3A_1426, %add3A_1427 : i32
      %dma_wait3A_1429 = arith.constant 0 : i32
      %dma_wait3A_1430 = arith.constant 0 : i32
      %dma_wait3A_1431 = arith.constant 0 : i32
      %dma_wait3A_1432 = tpu.memref_slice %arg11[%add3A_1428, %dma_wait3A_1430, %dma_wait3A_1431] : memref<64x8x64xf32, #tpu.memory_space<vmem>> -> memref<1x8x64xf32, #tpu.memory_space<vmem>>
      %dma_wait3A_1433 = tpu.memref_squeeze %dma_wait3A_1432 : memref<1x8x64xf32, #tpu.memory_space<vmem>> -> memref<8x64xf32, #tpu.memory_space<vmem>>
      %dma_wait3A_1434 = arith.constant 0 : i32
      %dma_wait3A_1435 = arith.constant 0 : i32
      %dma_wait3A_1436 = tpu.memref_slice %arg4[%dma_wait3A_1429, %dma_wait3A_1434, %dma_wait3A_1435] : memref<12500x8x64xf32, #tpu.memory_space<hbm>> -> memref<1x8x64xf32, #tpu.memory_space<hbm>>
      %dma_wait3A_1437 = tpu.memref_squeeze %dma_wait3A_1436 : memref<1x8x64xf32, #tpu.memory_space<hbm>> -> memref<8x64xf32, #tpu.memory_space<hbm>>
      %dma_wait3A_1438 = arith.constant 0 : i32
      %dma_wait3A_1439 = arith.constant 0 : i32
      %dma_wait3A_1440 = tpu.memref_slice %arg11[%add3A_1428, %dma_wait3A_1438, %dma_wait3A_1439] : memref<64x8x64xf32, #tpu.memory_space<vmem>> -> memref<1x8x64xf32, #tpu.memory_space<vmem>>
      %dma_wait3A_1441 = tpu.memref_squeeze %dma_wait3A_1440 : memref<1x8x64xf32, #tpu.memory_space<vmem>> -> memref<8x64xf32, #tpu.memory_space<vmem>>
      %dma_wait3A_1442 = arith.constant 0 : i32
      %dma_wait3A_1443 = arith.constant 0 : i32
      %dma_wait3A_1444 = tpu.memref_slice %arg4[%dma_wait3A_1429, %dma_wait3A_1442, %dma_wait3A_1443] : memref<12500x8x64xf32, #tpu.memory_space<hbm>> -> memref<1x8x64xf32, #tpu.memory_space<hbm>>
      %dma_wait3A_1445 = tpu.memref_squeeze %dma_wait3A_1444 : memref<1x8x64xf32, #tpu.memory_space<hbm>> -> memref<8x64xf32, #tpu.memory_space<hbm>>
      tpu.wait_dma2 semaphore(%arg15 : memref<!tpu.dma_semaphore, #tpu.memory_space<semaphore_mem>>) src(%dma_wait3A_1445 : memref<8x64xf32, #tpu.memory_space<hbm>>) dst(%dma_wait3A_1441 : memref<8x64xf32, #tpu.memory_space<vmem>>)
      %and3A_1446 = arith.constant 1 : i32
      %and3A_1447 = arith.andi %scan3A_809, %and3A_1446 : i32
      %mul3A_1448 = arith.constant 32 : i32
      %mul3A_1449 = arith.muli %and3A_1447, %mul3A_1448 : i32
      %add3A_1450 = arith.constant 27 : i32
      %add3A_1451 = arith.addi %mul3A_1449, %add3A_1450 : i32
      %dma_wait3A_1452 = arith.constant 0 : i32
      %dma_wait3A_1453 = arith.constant 0 : i32
      %dma_wait3A_1454 = arith.constant 0 : i32
      %dma_wait3A_1455 = tpu.memref_slice %arg11[%add3A_1451, %dma_wait3A_1453, %dma_wait3A_1454] : memref<64x8x64xf32, #tpu.memory_space<vmem>> -> memref<1x8x64xf32, #tpu.memory_space<vmem>>
      %dma_wait3A_1456 = tpu.memref_squeeze %dma_wait3A_1455 : memref<1x8x64xf32, #tpu.memory_space<vmem>> -> memref<8x64xf32, #tpu.memory_space<vmem>>
      %dma_wait3A_1457 = arith.constant 0 : i32
      %dma_wait3A_1458 = arith.constant 0 : i32
      %dma_wait3A_1459 = tpu.memref_slice %arg4[%dma_wait3A_1452, %dma_wait3A_1457, %dma_wait3A_1458] : memref<12500x8x64xf32, #tpu.memory_space<hbm>> -> memref<1x8x64xf32, #tpu.memory_space<hbm>>
      %dma_wait3A_1460 = tpu.memref_squeeze %dma_wait3A_1459 : memref<1x8x64xf32, #tpu.memory_space<hbm>> -> memref<8x64xf32, #tpu.memory_space<hbm>>
      %dma_wait3A_1461 = arith.constant 0 : i32
      %dma_wait3A_1462 = arith.constant 0 : i32
      %dma_wait3A_1463 = tpu.memref_slice %arg11[%add3A_1451, %dma_wait3A_1461, %dma_wait3A_1462] : memref<64x8x64xf32, #tpu.memory_space<vmem>> -> memref<1x8x64xf32, #tpu.memory_space<vmem>>
      %dma_wait3A_1464 = tpu.memref_squeeze %dma_wait3A_1463 : memref<1x8x64xf32, #tpu.memory_space<vmem>> -> memref<8x64xf32, #tpu.memory_space<vmem>>
      %dma_wait3A_1465 = arith.constant 0 : i32
      %dma_wait3A_1466 = arith.constant 0 : i32
      %dma_wait3A_1467 = tpu.memref_slice %arg4[%dma_wait3A_1452, %dma_wait3A_1465, %dma_wait3A_1466] : memref<12500x8x64xf32, #tpu.memory_space<hbm>> -> memref<1x8x64xf32, #tpu.memory_space<hbm>>
      %dma_wait3A_1468 = tpu.memref_squeeze %dma_wait3A_1467 : memref<1x8x64xf32, #tpu.memory_space<hbm>> -> memref<8x64xf32, #tpu.memory_space<hbm>>
      tpu.wait_dma2 semaphore(%arg15 : memref<!tpu.dma_semaphore, #tpu.memory_space<semaphore_mem>>) src(%dma_wait3A_1468 : memref<8x64xf32, #tpu.memory_space<hbm>>) dst(%dma_wait3A_1464 : memref<8x64xf32, #tpu.memory_space<vmem>>)
      %and3A_1469 = arith.constant 1 : i32
      %and3A_1470 = arith.andi %scan3A_809, %and3A_1469 : i32
      %mul3A_1471 = arith.constant 32 : i32
      %mul3A_1472 = arith.muli %and3A_1470, %mul3A_1471 : i32
      %add3A_1473 = arith.constant 28 : i32
      %add3A_1474 = arith.addi %mul3A_1472, %add3A_1473 : i32
      %dma_wait3A_1475 = arith.constant 0 : i32
      %dma_wait3A_1476 = arith.constant 0 : i32
      %dma_wait3A_1477 = arith.constant 0 : i32
      %dma_wait3A_1478 = tpu.memref_slice %arg11[%add3A_1474, %dma_wait3A_1476, %dma_wait3A_1477] : memref<64x8x64xf32, #tpu.memory_space<vmem>> -> memref<1x8x64xf32, #tpu.memory_space<vmem>>
      %dma_wait3A_1479 = tpu.memref_squeeze %dma_wait3A_1478 : memref<1x8x64xf32, #tpu.memory_space<vmem>> -> memref<8x64xf32, #tpu.memory_space<vmem>>
      %dma_wait3A_1480 = arith.constant 0 : i32
      %dma_wait3A_1481 = arith.constant 0 : i32
      %dma_wait3A_1482 = tpu.memref_slice %arg4[%dma_wait3A_1475, %dma_wait3A_1480, %dma_wait3A_1481] : memref<12500x8x64xf32, #tpu.memory_space<hbm>> -> memref<1x8x64xf32, #tpu.memory_space<hbm>>
      %dma_wait3A_1483 = tpu.memref_squeeze %dma_wait3A_1482 : memref<1x8x64xf32, #tpu.memory_space<hbm>> -> memref<8x64xf32, #tpu.memory_space<hbm>>
      %dma_wait3A_1484 = arith.constant 0 : i32
      %dma_wait3A_1485 = arith.constant 0 : i32
      %dma_wait3A_1486 = tpu.memref_slice %arg11[%add3A_1474, %dma_wait3A_1484, %dma_wait3A_1485] : memref<64x8x64xf32, #tpu.memory_space<vmem>> -> memref<1x8x64xf32, #tpu.memory_space<vmem>>
      %dma_wait3A_1487 = tpu.memref_squeeze %dma_wait3A_1486 : memref<1x8x64xf32, #tpu.memory_space<vmem>> -> memref<8x64xf32, #tpu.memory_space<vmem>>
      %dma_wait3A_1488 = arith.constant 0 : i32
      %dma_wait3A_1489 = arith.constant 0 : i32
      %dma_wait3A_1490 = tpu.memref_slice %arg4[%dma_wait3A_1475, %dma_wait3A_1488, %dma_wait3A_1489] : memref<12500x8x64xf32, #tpu.memory_space<hbm>> -> memref<1x8x64xf32, #tpu.memory_space<hbm>>
      %dma_wait3A_1491 = tpu.memref_squeeze %dma_wait3A_1490 : memref<1x8x64xf32, #tpu.memory_space<hbm>> -> memref<8x64xf32, #tpu.memory_space<hbm>>
      tpu.wait_dma2 semaphore(%arg15 : memref<!tpu.dma_semaphore, #tpu.memory_space<semaphore_mem>>) src(%dma_wait3A_1491 : memref<8x64xf32, #tpu.memory_space<hbm>>) dst(%dma_wait3A_1487 : memref<8x64xf32, #tpu.memory_space<vmem>>)
      %and3A_1492 = arith.constant 1 : i32
      %and3A_1493 = arith.andi %scan3A_809, %and3A_1492 : i32
      %mul3A_1494 = arith.constant 32 : i32
      %mul3A_1495 = arith.muli %and3A_1493, %mul3A_1494 : i32
      %add3A_1496 = arith.constant 29 : i32
      %add3A_1497 = arith.addi %mul3A_1495, %add3A_1496 : i32
      %dma_wait3A_1498 = arith.constant 0 : i32
      %dma_wait3A_1499 = arith.constant 0 : i32
      %dma_wait3A_1500 = arith.constant 0 : i32
      %dma_wait3A_1501 = tpu.memref_slice %arg11[%add3A_1497, %dma_wait3A_1499, %dma_wait3A_1500] : memref<64x8x64xf32, #tpu.memory_space<vmem>> -> memref<1x8x64xf32, #tpu.memory_space<vmem>>
      %dma_wait3A_1502 = tpu.memref_squeeze %dma_wait3A_1501 : memref<1x8x64xf32, #tpu.memory_space<vmem>> -> memref<8x64xf32, #tpu.memory_space<vmem>>
      %dma_wait3A_1503 = arith.constant 0 : i32
      %dma_wait3A_1504 = arith.constant 0 : i32
      %dma_wait3A_1505 = tpu.memref_slice %arg4[%dma_wait3A_1498, %dma_wait3A_1503, %dma_wait3A_1504] : memref<12500x8x64xf32, #tpu.memory_space<hbm>> -> memref<1x8x64xf32, #tpu.memory_space<hbm>>
      %dma_wait3A_1506 = tpu.memref_squeeze %dma_wait3A_1505 : memref<1x8x64xf32, #tpu.memory_space<hbm>> -> memref<8x64xf32, #tpu.memory_space<hbm>>
      %dma_wait3A_1507 = arith.constant 0 : i32
      %dma_wait3A_1508 = arith.constant 0 : i32
      %dma_wait3A_1509 = tpu.memref_slice %arg11[%add3A_1497, %dma_wait3A_1507, %dma_wait3A_1508] : memref<64x8x64xf32, #tpu.memory_space<vmem>> -> memref<1x8x64xf32, #tpu.memory_space<vmem>>
      %dma_wait3A_1510 = tpu.memref_squeeze %dma_wait3A_1509 : memref<1x8x64xf32, #tpu.memory_space<vmem>> -> memref<8x64xf32, #tpu.memory_space<vmem>>
      %dma_wait3A_1511 = arith.constant 0 : i32
      %dma_wait3A_1512 = arith.constant 0 : i32
      %dma_wait3A_1513 = tpu.memref_slice %arg4[%dma_wait3A_1498, %dma_wait3A_1511, %dma_wait3A_1512] : memref<12500x8x64xf32, #tpu.memory_space<hbm>> -> memref<1x8x64xf32, #tpu.memory_space<hbm>>
      %dma_wait3A_1514 = tpu.memref_squeeze %dma_wait3A_1513 : memref<1x8x64xf32, #tpu.memory_space<hbm>> -> memref<8x64xf32, #tpu.memory_space<hbm>>
      tpu.wait_dma2 semaphore(%arg15 : memref<!tpu.dma_semaphore, #tpu.memory_space<semaphore_mem>>) src(%dma_wait3A_1514 : memref<8x64xf32, #tpu.memory_space<hbm>>) dst(%dma_wait3A_1510 : memref<8x64xf32, #tpu.memory_space<vmem>>)
      %and3A_1515 = arith.constant 1 : i32
      %and3A_1516 = arith.andi %scan3A_809, %and3A_1515 : i32
      %mul3A_1517 = arith.constant 32 : i32
      %mul3A_1518 = arith.muli %and3A_1516, %mul3A_1517 : i32
      %add3A_1519 = arith.constant 30 : i32
      %add3A_1520 = arith.addi %mul3A_1518, %add3A_1519 : i32
      %dma_wait3A_1521 = arith.constant 0 : i32
      %dma_wait3A_1522 = arith.constant 0 : i32
      %dma_wait3A_1523 = arith.constant 0 : i32
      %dma_wait3A_1524 = tpu.memref_slice %arg11[%add3A_1520, %dma_wait3A_1522, %dma_wait3A_1523] : memref<64x8x64xf32, #tpu.memory_space<vmem>> -> memref<1x8x64xf32, #tpu.memory_space<vmem>>
      %dma_wait3A_1525 = tpu.memref_squeeze %dma_wait3A_1524 : memref<1x8x64xf32, #tpu.memory_space<vmem>> -> memref<8x64xf32, #tpu.memory_space<vmem>>
      %dma_wait3A_1526 = arith.constant 0 : i32
      %dma_wait3A_1527 = arith.constant 0 : i32
      %dma_wait3A_1528 = tpu.memref_slice %arg4[%dma_wait3A_1521, %dma_wait3A_1526, %dma_wait3A_1527] : memref<12500x8x64xf32, #tpu.memory_space<hbm>> -> memref<1x8x64xf32, #tpu.memory_space<hbm>>
      %dma_wait3A_1529 = tpu.memref_squeeze %dma_wait3A_1528 : memref<1x8x64xf32, #tpu.memory_space<hbm>> -> memref<8x64xf32, #tpu.memory_space<hbm>>
      %dma_wait3A_1530 = arith.constant 0 : i32
      %dma_wait3A_1531 = arith.constant 0 : i32
      %dma_wait3A_1532 = tpu.memref_slice %arg11[%add3A_1520, %dma_wait3A_1530, %dma_wait3A_1531] : memref<64x8x64xf32, #tpu.memory_space<vmem>> -> memref<1x8x64xf32, #tpu.memory_space<vmem>>
      %dma_wait3A_1533 = tpu.memref_squeeze %dma_wait3A_1532 : memref<1x8x64xf32, #tpu.memory_space<vmem>> -> memref<8x64xf32, #tpu.memory_space<vmem>>
      %dma_wait3A_1534 = arith.constant 0 : i32
      %dma_wait3A_1535 = arith.constant 0 : i32
      %dma_wait3A_1536 = tpu.memref_slice %arg4[%dma_wait3A_1521, %dma_wait3A_1534, %dma_wait3A_1535] : memref<12500x8x64xf32, #tpu.memory_space<hbm>> -> memref<1x8x64xf32, #tpu.memory_space<hbm>>
      %dma_wait3A_1537 = tpu.memref_squeeze %dma_wait3A_1536 : memref<1x8x64xf32, #tpu.memory_space<hbm>> -> memref<8x64xf32, #tpu.memory_space<hbm>>
      tpu.wait_dma2 semaphore(%arg15 : memref<!tpu.dma_semaphore, #tpu.memory_space<semaphore_mem>>) src(%dma_wait3A_1537 : memref<8x64xf32, #tpu.memory_space<hbm>>) dst(%dma_wait3A_1533 : memref<8x64xf32, #tpu.memory_space<vmem>>)
      %and3A_1538 = arith.constant 1 : i32
      %and3A_1539 = arith.andi %scan3A_809, %and3A_1538 : i32
      %mul3A_1540 = arith.constant 32 : i32
      %mul3A_1541 = arith.muli %and3A_1539, %mul3A_1540 : i32
      %add3A_1542 = arith.constant 31 : i32
      %add3A_1543 = arith.addi %mul3A_1541, %add3A_1542 : i32
      %dma_wait3A_1544 = arith.constant 0 : i32
      %dma_wait3A_1545 = arith.constant 0 : i32
      %dma_wait3A_1546 = arith.constant 0 : i32
      %dma_wait3A_1547 = tpu.memref_slice %arg11[%add3A_1543, %dma_wait3A_1545, %dma_wait3A_1546] : memref<64x8x64xf32, #tpu.memory_space<vmem>> -> memref<1x8x64xf32, #tpu.memory_space<vmem>>
      %dma_wait3A_1548 = tpu.memref_squeeze %dma_wait3A_1547 : memref<1x8x64xf32, #tpu.memory_space<vmem>> -> memref<8x64xf32, #tpu.memory_space<vmem>>
      %dma_wait3A_1549 = arith.constant 0 : i32
      %dma_wait3A_1550 = arith.constant 0 : i32
      %dma_wait3A_1551 = tpu.memref_slice %arg4[%dma_wait3A_1544, %dma_wait3A_1549, %dma_wait3A_1550] : memref<12500x8x64xf32, #tpu.memory_space<hbm>> -> memref<1x8x64xf32, #tpu.memory_space<hbm>>
      %dma_wait3A_1552 = tpu.memref_squeeze %dma_wait3A_1551 : memref<1x8x64xf32, #tpu.memory_space<hbm>> -> memref<8x64xf32, #tpu.memory_space<hbm>>
      %dma_wait3A_1553 = arith.constant 0 : i32
      %dma_wait3A_1554 = arith.constant 0 : i32
      %dma_wait3A_1555 = tpu.memref_slice %arg11[%add3A_1543, %dma_wait3A_1553, %dma_wait3A_1554] : memref<64x8x64xf32, #tpu.memory_space<vmem>> -> memref<1x8x64xf32, #tpu.memory_space<vmem>>
      %dma_wait3A_1556 = tpu.memref_squeeze %dma_wait3A_1555 : memref<1x8x64xf32, #tpu.memory_space<vmem>> -> memref<8x64xf32, #tpu.memory_space<vmem>>
      %dma_wait3A_1557 = arith.constant 0 : i32
      %dma_wait3A_1558 = arith.constant 0 : i32
      %dma_wait3A_1559 = tpu.memref_slice %arg4[%dma_wait3A_1544, %dma_wait3A_1557, %dma_wait3A_1558] : memref<12500x8x64xf32, #tpu.memory_space<hbm>> -> memref<1x8x64xf32, #tpu.memory_space<hbm>>
      %dma_wait3A_1560 = tpu.memref_squeeze %dma_wait3A_1559 : memref<1x8x64xf32, #tpu.memory_space<hbm>> -> memref<8x64xf32, #tpu.memory_space<hbm>>
      tpu.wait_dma2 semaphore(%arg15 : memref<!tpu.dma_semaphore, #tpu.memory_space<semaphore_mem>>) src(%dma_wait3A_1560 : memref<8x64xf32, #tpu.memory_space<hbm>>) dst(%dma_wait3A_1556 : memref<8x64xf32, #tpu.memory_space<vmem>>)
      %and3A_1561 = arith.constant 1 : i32
      %and3A_1562 = arith.andi %scan3A_809, %and3A_1561 : i32
      %mul3A_1563 = arith.constant 32 : i32
      %mul3A_1564 = arith.muli %and3A_1562, %mul3A_1563 : i32
      %scan3A_1565 = arith.constant 0 : i32
      %scan3A_1566 = arith.constant 0 : i32
      %scan3A_1567 = arith.constant 2 : i32
      %scan3A_1568 = arith.addi %scan3A_1566, %scan3A_1567 : i32
      %scan3A_1569 = arith.constant 1 : i32
      %scan3A_1570 = scf.for %scan3A_1575 = %scan3A_1566 to %scan3A_1568 step %scan3A_1569 iter_args(%scan3A_1576 = %scan3A_1565) -> (i32)  : i32 {
        %mul3A_1577 = arith.constant 16 : i32
        %mul3A_1578 = arith.muli %scan3A_1575, %mul3A_1577 : i32
        %get3A_1579 = arith.index_cast %scan3A_809 : i32 to index
        %get3A_1580 = arith.index_cast %mul3A_1578 : i32 to index
        %get3A_1581 = tpu.vector_load %arg9[%get3A_1579, %get3A_1580] {strides = array<i32>} : memref<16x32xi32, #tpu.memory_space<vmem>>, vector<16xi32>,
        %mul3A_1582 = arith.constant 16 : i32
        %mul3A_1583 = arith.muli %scan3A_1575, %mul3A_1582 : i32
        %add3A_1584 = arith.addi %mul3A_1564, %mul3A_1583 : i32
        %add3A_1585 = vector.broadcast %add3A_1584 : i32 to vector<16xi32>
        %add3A_1586 = arith.addi %add3A_1585, %iota3A : vector<16xi32>
        %and3A_1587 = arith.constant 7 : i32
        %and3A_1588 = vector.broadcast %and3A_1587 : i32 to vector<16xi32>
        %and3A_1589 = arith.andi %get3A_1581, %and3A_1588 : vector<16xi32>
        %and3A_1590 = arith.constant 1 : i32
        %and3A_1591 = arith.andi %scan3A_809, %and3A_1590 : i32
        %mul3A_1592 = arith.constant 32 : i32
        %mul3A_1593 = arith.muli %and3A_1591, %mul3A_1592 : i32
        %mul3A_1594 = arith.constant 16 : i32
        %mul3A_1595 = arith.muli %scan3A_1575, %mul3A_1594 : i32
        %add3A_1596 = arith.addi %mul3A_1593, %mul3A_1595 : i32
        %add3A_1597 = vector.broadcast %add3A_1596 : i32 to vector<16xi32>
        %add3A_1598 = arith.addi %add3A_1597, %iota3A : vector<16xi32>
        %mul3A_1599 = arith.constant 64 : i32
        %mul3A_1600 = vector.broadcast %mul3A_1599 : i32 to vector<16xi32>
        %mul3A_1601 = arith.muli %add3A_1598, %mul3A_1600 : vector<16xi32>
        %broadcast_in_dim3A_1602 = arith.constant 0.000000e+00 : f32
        %broadcast_in_dim3A_1603 = vector.broadcast %broadcast_in_dim3A_1602 : f32 to vector<16xf32>
        %add3A_1604 = arith.constant 0 : i32
        %add3A_1605 = vector.broadcast %add3A_1604 : i32 to vector<16xi32>
        %add3A_1606 = arith.addi %iota3A, %add3A_1605 : vector<16xi32>
        %and3A_1607 = arith.constant 63 : i32
        %and3A_1608 = vector.broadcast %and3A_1607 : i32 to vector<16xi32>
        %and3A_1609 = arith.andi %add3A_1606, %and3A_1608 : vector<16xi32>
        %add3A_1610 = arith.addi %mul3A_1601, %and3A_1609 : vector<16xi32>
        %gather3A = tpu.vector_load_idx %arg10[%add3A_1610] : memref<4096xf32, #tpu.memory_space<vmem>>[vector<16xi32>], vector<16xf32>,
        %gather3A_1611 = tpu.vector_load_idx %arg11[%add3A_1586, %and3A_1589, %and3A_1609] : memref<64x8x64xf32, #tpu.memory_space<vmem>>[vector<16xi32>, vector<16xi32>, vector<16xi32>], vector<16xf32>,
        %sub3A = arith.subf %gather3A, %gather3A_1611 : vector<16xf32>
        %mul3A_1612 = arith.mulf %sub3A, %sub3A : vector<16xf32>
        %add3A_1613 = arith.addf %broadcast_in_dim3A_1603, %mul3A_1612 : vector<16xf32>
        %add3A_1614 = arith.constant 1 : i32
        %add3A_1615 = vector.broadcast %add3A_1614 : i32 to vector<16xi32>
        %add3A_1616 = arith.addi %iota3A, %add3A_1615 : vector<16xi32>
        %and3A_1617 = arith.constant 63 : i32
        %and3A_1618 = vector.broadcast %and3A_1617 : i32 to vector<16xi32>
        %and3A_1619 = arith.andi %add3A_1616, %and3A_1618 : vector<16xi32>
        %add3A_1620 = arith.addi %mul3A_1601, %and3A_1619 : vector<16xi32>
        %gather3A_1621 = tpu.vector_load_idx %arg10[%add3A_1620] : memref<4096xf32, #tpu.memory_space<vmem>>[vector<16xi32>], vector<16xf32>,
        %gather3A_1622 = tpu.vector_load_idx %arg11[%add3A_1586, %and3A_1589, %and3A_1619] : memref<64x8x64xf32, #tpu.memory_space<vmem>>[vector<16xi32>, vector<16xi32>, vector<16xi32>], vector<16xf32>,
        %sub3A_1623 = arith.subf %gather3A_1621, %gather3A_1622 : vector<16xf32>
        %mul3A_1624 = arith.mulf %sub3A_1623, %sub3A_1623 : vector<16xf32>
        %add3A_1625 = arith.addf %add3A_1613, %mul3A_1624 : vector<16xf32>
        %add3A_1626 = arith.constant 2 : i32
        %add3A_1627 = vector.broadcast %add3A_1626 : i32 to vector<16xi32>
        %add3A_1628 = arith.addi %iota3A, %add3A_1627 : vector<16xi32>
        %and3A_1629 = arith.constant 63 : i32
        %and3A_1630 = vector.broadcast %and3A_1629 : i32 to vector<16xi32>
        %and3A_1631 = arith.andi %add3A_1628, %and3A_1630 : vector<16xi32>
        %add3A_1632 = arith.addi %mul3A_1601, %and3A_1631 : vector<16xi32>
        %gather3A_1633 = tpu.vector_load_idx %arg10[%add3A_1632] : memref<4096xf32, #tpu.memory_space<vmem>>[vector<16xi32>], vector<16xf32>,
        %gather3A_1634 = tpu.vector_load_idx %arg11[%add3A_1586, %and3A_1589, %and3A_1631] : memref<64x8x64xf32, #tpu.memory_space<vmem>>[vector<16xi32>, vector<16xi32>, vector<16xi32>], vector<16xf32>,
        %sub3A_1635 = arith.subf %gather3A_1633, %gather3A_1634 : vector<16xf32>
        %mul3A_1636 = arith.mulf %sub3A_1635, %sub3A_1635 : vector<16xf32>
        %add3A_1637 = arith.addf %add3A_1625, %mul3A_1636 : vector<16xf32>
        %add3A_1638 = arith.constant 3 : i32
        %add3A_1639 = vector.broadcast %add3A_1638 : i32 to vector<16xi32>
        %add3A_1640 = arith.addi %iota3A, %add3A_1639 : vector<16xi32>
        %and3A_1641 = arith.constant 63 : i32
        %and3A_1642 = vector.broadcast %and3A_1641 : i32 to vector<16xi32>
        %and3A_1643 = arith.andi %add3A_1640, %and3A_1642 : vector<16xi32>
        %add3A_1644 = arith.addi %mul3A_1601, %and3A_1643 : vector<16xi32>
        %gather3A_1645 = tpu.vector_load_idx %arg10[%add3A_1644] : memref<4096xf32, #tpu.memory_space<vmem>>[vector<16xi32>], vector<16xf32>,
        %gather3A_1646 = tpu.vector_load_idx %arg11[%add3A_1586, %and3A_1589, %and3A_1643] : memref<64x8x64xf32, #tpu.memory_space<vmem>>[vector<16xi32>, vector<16xi32>, vector<16xi32>], vector<16xf32>,
        %sub3A_1647 = arith.subf %gather3A_1645, %gather3A_1646 : vector<16xf32>
        %mul3A_1648 = arith.mulf %sub3A_1647, %sub3A_1647 : vector<16xf32>
        %add3A_1649 = arith.addf %add3A_1637, %mul3A_1648 : vector<16xf32>
        %add3A_1650 = arith.constant 4 : i32
        %add3A_1651 = vector.broadcast %add3A_1650 : i32 to vector<16xi32>
        %add3A_1652 = arith.addi %iota3A, %add3A_1651 : vector<16xi32>
        %and3A_1653 = arith.constant 63 : i32
        %and3A_1654 = vector.broadcast %and3A_1653 : i32 to vector<16xi32>
        %and3A_1655 = arith.andi %add3A_1652, %and3A_1654 : vector<16xi32>
        %add3A_1656 = arith.addi %mul3A_1601, %and3A_1655 : vector<16xi32>
        %gather3A_1657 = tpu.vector_load_idx %arg10[%add3A_1656] : memref<4096xf32, #tpu.memory_space<vmem>>[vector<16xi32>], vector<16xf32>,
        %gather3A_1658 = tpu.vector_load_idx %arg11[%add3A_1586, %and3A_1589, %and3A_1655] : memref<64x8x64xf32, #tpu.memory_space<vmem>>[vector<16xi32>, vector<16xi32>, vector<16xi32>], vector<16xf32>,
        %sub3A_1659 = arith.subf %gather3A_1657, %gather3A_1658 : vector<16xf32>
        %mul3A_1660 = arith.mulf %sub3A_1659, %sub3A_1659 : vector<16xf32>
        %add3A_1661 = arith.addf %add3A_1649, %mul3A_1660 : vector<16xf32>
        %add3A_1662 = arith.constant 5 : i32
        %add3A_1663 = vector.broadcast %add3A_1662 : i32 to vector<16xi32>
        %add3A_1664 = arith.addi %iota3A, %add3A_1663 : vector<16xi32>
        %and3A_1665 = arith.constant 63 : i32
        %and3A_1666 = vector.broadcast %and3A_1665 : i32 to vector<16xi32>
        %and3A_1667 = arith.andi %add3A_1664, %and3A_1666 : vector<16xi32>
        %add3A_1668 = arith.addi %mul3A_1601, %and3A_1667 : vector<16xi32>
        %gather3A_1669 = tpu.vector_load_idx %arg10[%add3A_1668] : memref<4096xf32, #tpu.memory_space<vmem>>[vector<16xi32>], vector<16xf32>,
        %gather3A_1670 = tpu.vector_load_idx %arg11[%add3A_1586, %and3A_1589, %and3A_1667] : memref<64x8x64xf32, #tpu.memory_space<vmem>>[vector<16xi32>, vector<16xi32>, vector<16xi32>], vector<16xf32>,
        %sub3A_1671 = arith.subf %gather3A_1669, %gather3A_1670 : vector<16xf32>
        %mul3A_1672 = arith.mulf %sub3A_1671, %sub3A_1671 : vector<16xf32>
        %add3A_1673 = arith.addf %add3A_1661, %mul3A_1672 : vector<16xf32>
        %add3A_1674 = arith.constant 6 : i32
        %add3A_1675 = vector.broadcast %add3A_1674 : i32 to vector<16xi32>
        %add3A_1676 = arith.addi %iota3A, %add3A_1675 : vector<16xi32>
        %and3A_1677 = arith.constant 63 : i32
        %and3A_1678 = vector.broadcast %and3A_1677 : i32 to vector<16xi32>
        %and3A_1679 = arith.andi %add3A_1676, %and3A_1678 : vector<16xi32>
        %add3A_1680 = arith.addi %mul3A_1601, %and3A_1679 : vector<16xi32>
        %gather3A_1681 = tpu.vector_load_idx %arg10[%add3A_1680] : memref<4096xf32, #tpu.memory_space<vmem>>[vector<16xi32>], vector<16xf32>,
        %gather3A_1682 = tpu.vector_load_idx %arg11[%add3A_1586, %and3A_1589, %and3A_1679] : memref<64x8x64xf32, #tpu.memory_space<vmem>>[vector<16xi32>, vector<16xi32>, vector<16xi32>], vector<16xf32>,
        %sub3A_1683 = arith.subf %gather3A_1681, %gather3A_1682 : vector<16xf32>
        %mul3A_1684 = arith.mulf %sub3A_1683, %sub3A_1683 : vector<16xf32>
        %add3A_1685 = arith.addf %add3A_1673, %mul3A_1684 : vector<16xf32>
        %add3A_1686 = arith.constant 7 : i32
        %add3A_1687 = vector.broadcast %add3A_1686 : i32 to vector<16xi32>
        %add3A_1688 = arith.addi %iota3A, %add3A_1687 : vector<16xi32>
        %and3A_1689 = arith.constant 63 : i32
        %and3A_1690 = vector.broadcast %and3A_1689 : i32 to vector<16xi32>
        %and3A_1691 = arith.andi %add3A_1688, %and3A_1690 : vector<16xi32>
        %add3A_1692 = arith.addi %mul3A_1601, %and3A_1691 : vector<16xi32>
        %gather3A_1693 = tpu.vector_load_idx %arg10[%add3A_1692] : memref<4096xf32, #tpu.memory_space<vmem>>[vector<16xi32>], vector<16xf32>,
        %gather3A_1694 = tpu.vector_load_idx %arg11[%add3A_1586, %and3A_1589, %and3A_1691] : memref<64x8x64xf32, #tpu.memory_space<vmem>>[vector<16xi32>, vector<16xi32>, vector<16xi32>], vector<16xf32>,
        %sub3A_1695 = arith.subf %gather3A_1693, %gather3A_1694 : vector<16xf32>
        %mul3A_1696 = arith.mulf %sub3A_1695, %sub3A_1695 : vector<16xf32>
        %add3A_1697 = arith.addf %add3A_1685, %mul3A_1696 : vector<16xf32>
        %add3A_1698 = arith.constant 8 : i32
        %add3A_1699 = vector.broadcast %add3A_1698 : i32 to vector<16xi32>
        %add3A_1700 = arith.addi %iota3A, %add3A_1699 : vector<16xi32>
        %and3A_1701 = arith.constant 63 : i32
        %and3A_1702 = vector.broadcast %and3A_1701 : i32 to vector<16xi32>
        %and3A_1703 = arith.andi %add3A_1700, %and3A_1702 : vector<16xi32>
        %add3A_1704 = arith.addi %mul3A_1601, %and3A_1703 : vector<16xi32>
        %gather3A_1705 = tpu.vector_load_idx %arg10[%add3A_1704] : memref<4096xf32, #tpu.memory_space<vmem>>[vector<16xi32>], vector<16xf32>,
        %gather3A_1706 = tpu.vector_load_idx %arg11[%add3A_1586, %and3A_1589, %and3A_1703] : memref<64x8x64xf32, #tpu.memory_space<vmem>>[vector<16xi32>, vector<16xi32>, vector<16xi32>], vector<16xf32>,
        %sub3A_1707 = arith.subf %gather3A_1705, %gather3A_1706 : vector<16xf32>
        %mul3A_1708 = arith.mulf %sub3A_1707, %sub3A_1707 : vector<16xf32>
        %add3A_1709 = arith.addf %add3A_1697, %mul3A_1708 : vector<16xf32>
        %add3A_1710 = arith.constant 9 : i32
        %add3A_1711 = vector.broadcast %add3A_1710 : i32 to vector<16xi32>
        %add3A_1712 = arith.addi %iota3A, %add3A_1711 : vector<16xi32>
        %and3A_1713 = arith.constant 63 : i32
        %and3A_1714 = vector.broadcast %and3A_1713 : i32 to vector<16xi32>
        %and3A_1715 = arith.andi %add3A_1712, %and3A_1714 : vector<16xi32>
        %add3A_1716 = arith.addi %mul3A_1601, %and3A_1715 : vector<16xi32>
        %gather3A_1717 = tpu.vector_load_idx %arg10[%add3A_1716] : memref<4096xf32, #tpu.memory_space<vmem>>[vector<16xi32>], vector<16xf32>,
        %gather3A_1718 = tpu.vector_load_idx %arg11[%add3A_1586, %and3A_1589, %and3A_1715] : memref<64x8x64xf32, #tpu.memory_space<vmem>>[vector<16xi32>, vector<16xi32>, vector<16xi32>], vector<16xf32>,
        %sub3A_1719 = arith.subf %gather3A_1717, %gather3A_1718 : vector<16xf32>
        %mul3A_1720 = arith.mulf %sub3A_1719, %sub3A_1719 : vector<16xf32>
        %add3A_1721 = arith.addf %add3A_1709, %mul3A_1720 : vector<16xf32>
        %add3A_1722 = arith.constant 10 : i32
        %add3A_1723 = vector.broadcast %add3A_1722 : i32 to vector<16xi32>
        %add3A_1724 = arith.addi %iota3A, %add3A_1723 : vector<16xi32>
        %and3A_1725 = arith.constant 63 : i32
        %and3A_1726 = vector.broadcast %and3A_1725 : i32 to vector<16xi32>
        %and3A_1727 = arith.andi %add3A_1724, %and3A_1726 : vector<16xi32>
        %add3A_1728 = arith.addi %mul3A_1601, %and3A_1727 : vector<16xi32>
        %gather3A_1729 = tpu.vector_load_idx %arg10[%add3A_1728] : memref<4096xf32, #tpu.memory_space<vmem>>[vector<16xi32>], vector<16xf32>,
        %gather3A_1730 = tpu.vector_load_idx %arg11[%add3A_1586, %and3A_1589, %and3A_1727] : memref<64x8x64xf32, #tpu.memory_space<vmem>>[vector<16xi32>, vector<16xi32>, vector<16xi32>], vector<16xf32>,
        %sub3A_1731 = arith.subf %gather3A_1729, %gather3A_1730 : vector<16xf32>
        %mul3A_1732 = arith.mulf %sub3A_1731, %sub3A_1731 : vector<16xf32>
        %add3A_1733 = arith.addf %add3A_1721, %mul3A_1732 : vector<16xf32>
        %add3A_1734 = arith.constant 11 : i32
        %add3A_1735 = vector.broadcast %add3A_1734 : i32 to vector<16xi32>
        %add3A_1736 = arith.addi %iota3A, %add3A_1735 : vector<16xi32>
        %and3A_1737 = arith.constant 63 : i32
        %and3A_1738 = vector.broadcast %and3A_1737 : i32 to vector<16xi32>
        %and3A_1739 = arith.andi %add3A_1736, %and3A_1738 : vector<16xi32>
        %add3A_1740 = arith.addi %mul3A_1601, %and3A_1739 : vector<16xi32>
        %gather3A_1741 = tpu.vector_load_idx %arg10[%add3A_1740] : memref<4096xf32, #tpu.memory_space<vmem>>[vector<16xi32>], vector<16xf32>,
        %gather3A_1742 = tpu.vector_load_idx %arg11[%add3A_1586, %and3A_1589, %and3A_1739] : memref<64x8x64xf32, #tpu.memory_space<vmem>>[vector<16xi32>, vector<16xi32>, vector<16xi32>], vector<16xf32>,
        %sub3A_1743 = arith.subf %gather3A_1741, %gather3A_1742 : vector<16xf32>
        %mul3A_1744 = arith.mulf %sub3A_1743, %sub3A_1743 : vector<16xf32>
        %add3A_1745 = arith.addf %add3A_1733, %mul3A_1744 : vector<16xf32>
        %add3A_1746 = arith.constant 12 : i32
        %add3A_1747 = vector.broadcast %add3A_1746 : i32 to vector<16xi32>
        %add3A_1748 = arith.addi %iota3A, %add3A_1747 : vector<16xi32>
        %and3A_1749 = arith.constant 63 : i32
        %and3A_1750 = vector.broadcast %and3A_1749 : i32 to vector<16xi32>
        %and3A_1751 = arith.andi %add3A_1748, %and3A_1750 : vector<16xi32>
        %add3A_1752 = arith.addi %mul3A_1601, %and3A_1751 : vector<16xi32>
        %gather3A_1753 = tpu.vector_load_idx %arg10[%add3A_1752] : memref<4096xf32, #tpu.memory_space<vmem>>[vector<16xi32>], vector<16xf32>,
        %gather3A_1754 = tpu.vector_load_idx %arg11[%add3A_1586, %and3A_1589, %and3A_1751] : memref<64x8x64xf32, #tpu.memory_space<vmem>>[vector<16xi32>, vector<16xi32>, vector<16xi32>], vector<16xf32>,
        %sub3A_1755 = arith.subf %gather3A_1753, %gather3A_1754 : vector<16xf32>
        %mul3A_1756 = arith.mulf %sub3A_1755, %sub3A_1755 : vector<16xf32>
        %add3A_1757 = arith.addf %add3A_1745, %mul3A_1756 : vector<16xf32>
        %add3A_1758 = arith.constant 13 : i32
        %add3A_1759 = vector.broadcast %add3A_1758 : i32 to vector<16xi32>
        %add3A_1760 = arith.addi %iota3A, %add3A_1759 : vector<16xi32>
        %and3A_1761 = arith.constant 63 : i32
        %and3A_1762 = vector.broadcast %and3A_1761 : i32 to vector<16xi32>
        %and3A_1763 = arith.andi %add3A_1760, %and3A_1762 : vector<16xi32>
        %add3A_1764 = arith.addi %mul3A_1601, %and3A_1763 : vector<16xi32>
        %gather3A_1765 = tpu.vector_load_idx %arg10[%add3A_1764] : memref<4096xf32, #tpu.memory_space<vmem>>[vector<16xi32>], vector<16xf32>,
        %gather3A_1766 = tpu.vector_load_idx %arg11[%add3A_1586, %and3A_1589, %and3A_1763] : memref<64x8x64xf32, #tpu.memory_space<vmem>>[vector<16xi32>, vector<16xi32>, vector<16xi32>], vector<16xf32>,
        %sub3A_1767 = arith.subf %gather3A_1765, %gather3A_1766 : vector<16xf32>
        %mul3A_1768 = arith.mulf %sub3A_1767, %sub3A_1767 : vector<16xf32>
        %add3A_1769 = arith.addf %add3A_1757, %mul3A_1768 : vector<16xf32>
        %add3A_1770 = arith.constant 14 : i32
        %add3A_1771 = vector.broadcast %add3A_1770 : i32 to vector<16xi32>
        %add3A_1772 = arith.addi %iota3A, %add3A_1771 : vector<16xi32>
        %and3A_1773 = arith.constant 63 : i32
        %and3A_1774 = vector.broadcast %and3A_1773 : i32 to vector<16xi32>
        %and3A_1775 = arith.andi %add3A_1772, %and3A_1774 : vector<16xi32>
        %add3A_1776 = arith.addi %mul3A_1601, %and3A_1775 : vector<16xi32>
        %gather3A_1777 = tpu.vector_load_idx %arg10[%add3A_1776] : memref<4096xf32, #tpu.memory_space<vmem>>[vector<16xi32>], vector<16xf32>,
        %gather3A_1778 = tpu.vector_load_idx %arg11[%add3A_1586, %and3A_1589, %and3A_1775] : memref<64x8x64xf32, #tpu.memory_space<vmem>>[vector<16xi32>, vector<16xi32>, vector<16xi32>], vector<16xf32>,
        %sub3A_1779 = arith.subf %gather3A_1777, %gather3A_1778 : vector<16xf32>
        %mul3A_1780 = arith.mulf %sub3A_1779, %sub3A_1779 : vector<16xf32>
        %add3A_1781 = arith.addf %add3A_1769, %mul3A_1780 : vector<16xf32>
        %add3A_1782 = arith.constant 15 : i32
        %add3A_1783 = vector.broadcast %add3A_1782 : i32 to vector<16xi32>
        %add3A_1784 = arith.addi %iota3A, %add3A_1783 : vector<16xi32>
        %and3A_1785 = arith.constant 63 : i32
        %and3A_1786 = vector.broadcast %and3A_1785 : i32 to vector<16xi32>
        %and3A_1787 = arith.andi %add3A_1784, %and3A_1786 : vector<16xi32>
        %add3A_1788 = arith.addi %mul3A_1601, %and3A_1787 : vector<16xi32>
        %gather3A_1789 = tpu.vector_load_idx %arg10[%add3A_1788] : memref<4096xf32, #tpu.memory_space<vmem>>[vector<16xi32>], vector<16xf32>,
        %gather3A_1790 = tpu.vector_load_idx %arg11[%add3A_1586, %and3A_1589, %and3A_1787] : memref<64x8x64xf32, #tpu.memory_space<vmem>>[vector<16xi32>, vector<16xi32>, vector<16xi32>], vector<16xf32>,
        %sub3A_1791 = arith.subf %gather3A_1789, %gather3A_1790 : vector<16xf32>
        %mul3A_1792 = arith.mulf %sub3A_1791, %sub3A_1791 : vector<16xf32>
        %add3A_1793 = arith.addf %add3A_1781, %mul3A_1792 : vector<16xf32>
        %add3A_1794 = arith.constant 16 : i32
        %add3A_1795 = vector.broadcast %add3A_1794 : i32 to vector<16xi32>
        %add3A_1796 = arith.addi %iota3A, %add3A_1795 : vector<16xi32>
        %and3A_1797 = arith.constant 63 : i32
        %and3A_1798 = vector.broadcast %and3A_1797 : i32 to vector<16xi32>
        %and3A_1799 = arith.andi %add3A_1796, %and3A_1798 : vector<16xi32>
        %add3A_1800 = arith.addi %mul3A_1601, %and3A_1799 : vector<16xi32>
        %gather3A_1801 = tpu.vector_load_idx %arg10[%add3A_1800] : memref<4096xf32, #tpu.memory_space<vmem>>[vector<16xi32>], vector<16xf32>,
        %gather3A_1802 = tpu.vector_load_idx %arg11[%add3A_1586, %and3A_1589, %and3A_1799] : memref<64x8x64xf32, #tpu.memory_space<vmem>>[vector<16xi32>, vector<16xi32>, vector<16xi32>], vector<16xf32>,
        %sub3A_1803 = arith.subf %gather3A_1801, %gather3A_1802 : vector<16xf32>
        %mul3A_1804 = arith.mulf %sub3A_1803, %sub3A_1803 : vector<16xf32>
        %add3A_1805 = arith.addf %add3A_1793, %mul3A_1804 : vector<16xf32>
        %add3A_1806 = arith.constant 17 : i32
        %add3A_1807 = vector.broadcast %add3A_1806 : i32 to vector<16xi32>
        %add3A_1808 = arith.addi %iota3A, %add3A_1807 : vector<16xi32>
        %and3A_1809 = arith.constant 63 : i32
        %and3A_1810 = vector.broadcast %and3A_1809 : i32 to vector<16xi32>
        %and3A_1811 = arith.andi %add3A_1808, %and3A_1810 : vector<16xi32>
        %add3A_1812 = arith.addi %mul3A_1601, %and3A_1811 : vector<16xi32>
        %gather3A_1813 = tpu.vector_load_idx %arg10[%add3A_1812] : memref<4096xf32, #tpu.memory_space<vmem>>[vector<16xi32>], vector<16xf32>,
        %gather3A_1814 = tpu.vector_load_idx %arg11[%add3A_1586, %and3A_1589, %and3A_1811] : memref<64x8x64xf32, #tpu.memory_space<vmem>>[vector<16xi32>, vector<16xi32>, vector<16xi32>], vector<16xf32>,
        %sub3A_1815 = arith.subf %gather3A_1813, %gather3A_1814 : vector<16xf32>
        %mul3A_1816 = arith.mulf %sub3A_1815, %sub3A_1815 : vector<16xf32>
        %add3A_1817 = arith.addf %add3A_1805, %mul3A_1816 : vector<16xf32>
        %add3A_1818 = arith.constant 18 : i32
        %add3A_1819 = vector.broadcast %add3A_1818 : i32 to vector<16xi32>
        %add3A_1820 = arith.addi %iota3A, %add3A_1819 : vector<16xi32>
        %and3A_1821 = arith.constant 63 : i32
        %and3A_1822 = vector.broadcast %and3A_1821 : i32 to vector<16xi32>
        %and3A_1823 = arith.andi %add3A_1820, %and3A_1822 : vector<16xi32>
        %add3A_1824 = arith.addi %mul3A_1601, %and3A_1823 : vector<16xi32>
        %gather3A_1825 = tpu.vector_load_idx %arg10[%add3A_1824] : memref<4096xf32, #tpu.memory_space<vmem>>[vector<16xi32>], vector<16xf32>,
        %gather3A_1826 = tpu.vector_load_idx %arg11[%add3A_1586, %and3A_1589, %and3A_1823] : memref<64x8x64xf32, #tpu.memory_space<vmem>>[vector<16xi32>, vector<16xi32>, vector<16xi32>], vector<16xf32>,
        %sub3A_1827 = arith.subf %gather3A_1825, %gather3A_1826 : vector<16xf32>
        %mul3A_1828 = arith.mulf %sub3A_1827, %sub3A_1827 : vector<16xf32>
        %add3A_1829 = arith.addf %add3A_1817, %mul3A_1828 : vector<16xf32>
        %add3A_1830 = arith.constant 19 : i32
        %add3A_1831 = vector.broadcast %add3A_1830 : i32 to vector<16xi32>
        %add3A_1832 = arith.addi %iota3A, %add3A_1831 : vector<16xi32>
        %and3A_1833 = arith.constant 63 : i32
        %and3A_1834 = vector.broadcast %and3A_1833 : i32 to vector<16xi32>
        %and3A_1835 = arith.andi %add3A_1832, %and3A_1834 : vector<16xi32>
        %add3A_1836 = arith.addi %mul3A_1601, %and3A_1835 : vector<16xi32>
        %gather3A_1837 = tpu.vector_load_idx %arg10[%add3A_1836] : memref<4096xf32, #tpu.memory_space<vmem>>[vector<16xi32>], vector<16xf32>,
        %gather3A_1838 = tpu.vector_load_idx %arg11[%add3A_1586, %and3A_1589, %and3A_1835] : memref<64x8x64xf32, #tpu.memory_space<vmem>>[vector<16xi32>, vector<16xi32>, vector<16xi32>], vector<16xf32>,
        %sub3A_1839 = arith.subf %gather3A_1837, %gather3A_1838 : vector<16xf32>
        %mul3A_1840 = arith.mulf %sub3A_1839, %sub3A_1839 : vector<16xf32>
        %add3A_1841 = arith.addf %add3A_1829, %mul3A_1840 : vector<16xf32>
        %add3A_1842 = arith.constant 20 : i32
        %add3A_1843 = vector.broadcast %add3A_1842 : i32 to vector<16xi32>
        %add3A_1844 = arith.addi %iota3A, %add3A_1843 : vector<16xi32>
        %and3A_1845 = arith.constant 63 : i32
        %and3A_1846 = vector.broadcast %and3A_1845 : i32 to vector<16xi32>
        %and3A_1847 = arith.andi %add3A_1844, %and3A_1846 : vector<16xi32>
        %add3A_1848 = arith.addi %mul3A_1601, %and3A_1847 : vector<16xi32>
        %gather3A_1849 = tpu.vector_load_idx %arg10[%add3A_1848] : memref<4096xf32, #tpu.memory_space<vmem>>[vector<16xi32>], vector<16xf32>,
        %gather3A_1850 = tpu.vector_load_idx %arg11[%add3A_1586, %and3A_1589, %and3A_1847] : memref<64x8x64xf32, #tpu.memory_space<vmem>>[vector<16xi32>, vector<16xi32>, vector<16xi32>], vector<16xf32>,
        %sub3A_1851 = arith.subf %gather3A_1849, %gather3A_1850 : vector<16xf32>
        %mul3A_1852 = arith.mulf %sub3A_1851, %sub3A_1851 : vector<16xf32>
        %add3A_1853 = arith.addf %add3A_1841, %mul3A_1852 : vector<16xf32>
        %add3A_1854 = arith.constant 21 : i32
        %add3A_1855 = vector.broadcast %add3A_1854 : i32 to vector<16xi32>
        %add3A_1856 = arith.addi %iota3A, %add3A_1855 : vector<16xi32>
        %and3A_1857 = arith.constant 63 : i32
        %and3A_1858 = vector.broadcast %and3A_1857 : i32 to vector<16xi32>
        %and3A_1859 = arith.andi %add3A_1856, %and3A_1858 : vector<16xi32>
        %add3A_1860 = arith.addi %mul3A_1601, %and3A_1859 : vector<16xi32>
        %gather3A_1861 = tpu.vector_load_idx %arg10[%add3A_1860] : memref<4096xf32, #tpu.memory_space<vmem>>[vector<16xi32>], vector<16xf32>,
        %gather3A_1862 = tpu.vector_load_idx %arg11[%add3A_1586, %and3A_1589, %and3A_1859] : memref<64x8x64xf32, #tpu.memory_space<vmem>>[vector<16xi32>, vector<16xi32>, vector<16xi32>], vector<16xf32>,
        %sub3A_1863 = arith.subf %gather3A_1861, %gather3A_1862 : vector<16xf32>
        %mul3A_1864 = arith.mulf %sub3A_1863, %sub3A_1863 : vector<16xf32>
        %add3A_1865 = arith.addf %add3A_1853, %mul3A_1864 : vector<16xf32>
        %add3A_1866 = arith.constant 22 : i32
        %add3A_1867 = vector.broadcast %add3A_1866 : i32 to vector<16xi32>
        %add3A_1868 = arith.addi %iota3A, %add3A_1867 : vector<16xi32>
        %and3A_1869 = arith.constant 63 : i32
        %and3A_1870 = vector.broadcast %and3A_1869 : i32 to vector<16xi32>
        %and3A_1871 = arith.andi %add3A_1868, %and3A_1870 : vector<16xi32>
        %add3A_1872 = arith.addi %mul3A_1601, %and3A_1871 : vector<16xi32>
        %gather3A_1873 = tpu.vector_load_idx %arg10[%add3A_1872] : memref<4096xf32, #tpu.memory_space<vmem>>[vector<16xi32>], vector<16xf32>,
        %gather3A_1874 = tpu.vector_load_idx %arg11[%add3A_1586, %and3A_1589, %and3A_1871] : memref<64x8x64xf32, #tpu.memory_space<vmem>>[vector<16xi32>, vector<16xi32>, vector<16xi32>], vector<16xf32>,
        %sub3A_1875 = arith.subf %gather3A_1873, %gather3A_1874 : vector<16xf32>
        %mul3A_1876 = arith.mulf %sub3A_1875, %sub3A_1875 : vector<16xf32>
        %add3A_1877 = arith.addf %add3A_1865, %mul3A_1876 : vector<16xf32>
        %add3A_1878 = arith.constant 23 : i32
        %add3A_1879 = vector.broadcast %add3A_1878 : i32 to vector<16xi32>
        %add3A_1880 = arith.addi %iota3A, %add3A_1879 : vector<16xi32>
        %and3A_1881 = arith.constant 63 : i32
        %and3A_1882 = vector.broadcast %and3A_1881 : i32 to vector<16xi32>
        %and3A_1883 = arith.andi %add3A_1880, %and3A_1882 : vector<16xi32>
        %add3A_1884 = arith.addi %mul3A_1601, %and3A_1883 : vector<16xi32>
        %gather3A_1885 = tpu.vector_load_idx %arg10[%add3A_1884] : memref<4096xf32, #tpu.memory_space<vmem>>[vector<16xi32>], vector<16xf32>,
        %gather3A_1886 = tpu.vector_load_idx %arg11[%add3A_1586, %and3A_1589, %and3A_1883] : memref<64x8x64xf32, #tpu.memory_space<vmem>>[vector<16xi32>, vector<16xi32>, vector<16xi32>], vector<16xf32>,
        %sub3A_1887 = arith.subf %gather3A_1885, %gather3A_1886 : vector<16xf32>
        %mul3A_1888 = arith.mulf %sub3A_1887, %sub3A_1887 : vector<16xf32>
        %add3A_1889 = arith.addf %add3A_1877, %mul3A_1888 : vector<16xf32>
        %add3A_1890 = arith.constant 24 : i32
        %add3A_1891 = vector.broadcast %add3A_1890 : i32 to vector<16xi32>
        %add3A_1892 = arith.addi %iota3A, %add3A_1891 : vector<16xi32>
        %and3A_1893 = arith.constant 63 : i32
        %and3A_1894 = vector.broadcast %and3A_1893 : i32 to vector<16xi32>
        %and3A_1895 = arith.andi %add3A_1892, %and3A_1894 : vector<16xi32>
        %add3A_1896 = arith.addi %mul3A_1601, %and3A_1895 : vector<16xi32>
        %gather3A_1897 = tpu.vector_load_idx %arg10[%add3A_1896] : memref<4096xf32, #tpu.memory_space<vmem>>[vector<16xi32>], vector<16xf32>,
        %gather3A_1898 = tpu.vector_load_idx %arg11[%add3A_1586, %and3A_1589, %and3A_1895] : memref<64x8x64xf32, #tpu.memory_space<vmem>>[vector<16xi32>, vector<16xi32>, vector<16xi32>], vector<16xf32>,
        %sub3A_1899 = arith.subf %gather3A_1897, %gather3A_1898 : vector<16xf32>
        %mul3A_1900 = arith.mulf %sub3A_1899, %sub3A_1899 : vector<16xf32>
        %add3A_1901 = arith.addf %add3A_1889, %mul3A_1900 : vector<16xf32>
        %add3A_1902 = arith.constant 25 : i32
        %add3A_1903 = vector.broadcast %add3A_1902 : i32 to vector<16xi32>
        %add3A_1904 = arith.addi %iota3A, %add3A_1903 : vector<16xi32>
        %and3A_1905 = arith.constant 63 : i32
        %and3A_1906 = vector.broadcast %and3A_1905 : i32 to vector<16xi32>
        %and3A_1907 = arith.andi %add3A_1904, %and3A_1906 : vector<16xi32>
        %add3A_1908 = arith.addi %mul3A_1601, %and3A_1907 : vector<16xi32>
        %gather3A_1909 = tpu.vector_load_idx %arg10[%add3A_1908] : memref<4096xf32, #tpu.memory_space<vmem>>[vector<16xi32>], vector<16xf32>,
        %gather3A_1910 = tpu.vector_load_idx %arg11[%add3A_1586, %and3A_1589, %and3A_1907] : memref<64x8x64xf32, #tpu.memory_space<vmem>>[vector<16xi32>, vector<16xi32>, vector<16xi32>], vector<16xf32>,
        %sub3A_1911 = arith.subf %gather3A_1909, %gather3A_1910 : vector<16xf32>
        %mul3A_1912 = arith.mulf %sub3A_1911, %sub3A_1911 : vector<16xf32>
        %add3A_1913 = arith.addf %add3A_1901, %mul3A_1912 : vector<16xf32>
        %add3A_1914 = arith.constant 26 : i32
        %add3A_1915 = vector.broadcast %add3A_1914 : i32 to vector<16xi32>
        %add3A_1916 = arith.addi %iota3A, %add3A_1915 : vector<16xi32>
        %and3A_1917 = arith.constant 63 : i32
        %and3A_1918 = vector.broadcast %and3A_1917 : i32 to vector<16xi32>
        %and3A_1919 = arith.andi %add3A_1916, %and3A_1918 : vector<16xi32>
        %add3A_1920 = arith.addi %mul3A_1601, %and3A_1919 : vector<16xi32>
        %gather3A_1921 = tpu.vector_load_idx %arg10[%add3A_1920] : memref<4096xf32, #tpu.memory_space<vmem>>[vector<16xi32>], vector<16xf32>,
        %gather3A_1922 = tpu.vector_load_idx %arg11[%add3A_1586, %and3A_1589, %and3A_1919] : memref<64x8x64xf32, #tpu.memory_space<vmem>>[vector<16xi32>, vector<16xi32>, vector<16xi32>], vector<16xf32>,
        %sub3A_1923 = arith.subf %gather3A_1921, %gather3A_1922 : vector<16xf32>
        %mul3A_1924 = arith.mulf %sub3A_1923, %sub3A_1923 : vector<16xf32>
        %add3A_1925 = arith.addf %add3A_1913, %mul3A_1924 : vector<16xf32>
        %add3A_1926 = arith.constant 27 : i32
        %add3A_1927 = vector.broadcast %add3A_1926 : i32 to vector<16xi32>
        %add3A_1928 = arith.addi %iota3A, %add3A_1927 : vector<16xi32>
        %and3A_1929 = arith.constant 63 : i32
        %and3A_1930 = vector.broadcast %and3A_1929 : i32 to vector<16xi32>
        %and3A_1931 = arith.andi %add3A_1928, %and3A_1930 : vector<16xi32>
        %add3A_1932 = arith.addi %mul3A_1601, %and3A_1931 : vector<16xi32>
        %gather3A_1933 = tpu.vector_load_idx %arg10[%add3A_1932] : memref<4096xf32, #tpu.memory_space<vmem>>[vector<16xi32>], vector<16xf32>,
        %gather3A_1934 = tpu.vector_load_idx %arg11[%add3A_1586, %and3A_1589, %and3A_1931] : memref<64x8x64xf32, #tpu.memory_space<vmem>>[vector<16xi32>, vector<16xi32>, vector<16xi32>], vector<16xf32>,
        %sub3A_1935 = arith.subf %gather3A_1933, %gather3A_1934 : vector<16xf32>
        %mul3A_1936 = arith.mulf %sub3A_1935, %sub3A_1935 : vector<16xf32>
        %add3A_1937 = arith.addf %add3A_1925, %mul3A_1936 : vector<16xf32>
        %add3A_1938 = arith.constant 28 : i32
        %add3A_1939 = vector.broadcast %add3A_1938 : i32 to vector<16xi32>
        %add3A_1940 = arith.addi %iota3A, %add3A_1939 : vector<16xi32>
        %and3A_1941 = arith.constant 63 : i32
        %and3A_1942 = vector.broadcast %and3A_1941 : i32 to vector<16xi32>
        %and3A_1943 = arith.andi %add3A_1940, %and3A_1942 : vector<16xi32>
        %add3A_1944 = arith.addi %mul3A_1601, %and3A_1943 : vector<16xi32>
        %gather3A_1945 = tpu.vector_load_idx %arg10[%add3A_1944] : memref<4096xf32, #tpu.memory_space<vmem>>[vector<16xi32>], vector<16xf32>,
        %gather3A_1946 = tpu.vector_load_idx %arg11[%add3A_1586, %and3A_1589, %and3A_1943] : memref<64x8x64xf32, #tpu.memory_space<vmem>>[vector<16xi32>, vector<16xi32>, vector<16xi32>], vector<16xf32>,
        %sub3A_1947 = arith.subf %gather3A_1945, %gather3A_1946 : vector<16xf32>
        %mul3A_1948 = arith.mulf %sub3A_1947, %sub3A_1947 : vector<16xf32>
        %add3A_1949 = arith.addf %add3A_1937, %mul3A_1948 : vector<16xf32>
        %add3A_1950 = arith.constant 29 : i32
        %add3A_1951 = vector.broadcast %add3A_1950 : i32 to vector<16xi32>
        %add3A_1952 = arith.addi %iota3A, %add3A_1951 : vector<16xi32>
        %and3A_1953 = arith.constant 63 : i32
        %and3A_1954 = vector.broadcast %and3A_1953 : i32 to vector<16xi32>
        %and3A_1955 = arith.andi %add3A_1952, %and3A_1954 : vector<16xi32>
        %add3A_1956 = arith.addi %mul3A_1601, %and3A_1955 : vector<16xi32>
        %gather3A_1957 = tpu.vector_load_idx %arg10[%add3A_1956] : memref<4096xf32, #tpu.memory_space<vmem>>[vector<16xi32>], vector<16xf32>,
        %gather3A_1958 = tpu.vector_load_idx %arg11[%add3A_1586, %and3A_1589, %and3A_1955] : memref<64x8x64xf32, #tpu.memory_space<vmem>>[vector<16xi32>, vector<16xi32>, vector<16xi32>], vector<16xf32>,
        %sub3A_1959 = arith.subf %gather3A_1957, %gather3A_1958 : vector<16xf32>
        %mul3A_1960 = arith.mulf %sub3A_1959, %sub3A_1959 : vector<16xf32>
        %add3A_1961 = arith.addf %add3A_1949, %mul3A_1960 : vector<16xf32>
        %add3A_1962 = arith.constant 30 : i32
        %add3A_1963 = vector.broadcast %add3A_1962 : i32 to vector<16xi32>
        %add3A_1964 = arith.addi %iota3A, %add3A_1963 : vector<16xi32>
        %and3A_1965 = arith.constant 63 : i32
        %and3A_1966 = vector.broadcast %and3A_1965 : i32 to vector<16xi32>
        %and3A_1967 = arith.andi %add3A_1964, %and3A_1966 : vector<16xi32>
        %add3A_1968 = arith.addi %mul3A_1601, %and3A_1967 : vector<16xi32>
        %gather3A_1969 = tpu.vector_load_idx %arg10[%add3A_1968] : memref<4096xf32, #tpu.memory_space<vmem>>[vector<16xi32>], vector<16xf32>,
        %gather3A_1970 = tpu.vector_load_idx %arg11[%add3A_1586, %and3A_1589, %and3A_1967] : memref<64x8x64xf32, #tpu.memory_space<vmem>>[vector<16xi32>, vector<16xi32>, vector<16xi32>], vector<16xf32>,
        %sub3A_1971 = arith.subf %gather3A_1969, %gather3A_1970 : vector<16xf32>
        %mul3A_1972 = arith.mulf %sub3A_1971, %sub3A_1971 : vector<16xf32>
        %add3A_1973 = arith.addf %add3A_1961, %mul3A_1972 : vector<16xf32>
        %add3A_1974 = arith.constant 31 : i32
        %add3A_1975 = vector.broadcast %add3A_1974 : i32 to vector<16xi32>
        %add3A_1976 = arith.addi %iota3A, %add3A_1975 : vector<16xi32>
        %and3A_1977 = arith.constant 63 : i32
        %and3A_1978 = vector.broadcast %and3A_1977 : i32 to vector<16xi32>
        %and3A_1979 = arith.andi %add3A_1976, %and3A_1978 : vector<16xi32>
        %add3A_1980 = arith.addi %mul3A_1601, %and3A_1979 : vector<16xi32>
        %gather3A_1981 = tpu.vector_load_idx %arg10[%add3A_1980] : memref<4096xf32, #tpu.memory_space<vmem>>[vector<16xi32>], vector<16xf32>,
        %gather3A_1982 = tpu.vector_load_idx %arg11[%add3A_1586, %and3A_1589, %and3A_1979] : memref<64x8x64xf32, #tpu.memory_space<vmem>>[vector<16xi32>, vector<16xi32>, vector<16xi32>], vector<16xf32>,
        %sub3A_1983 = arith.subf %gather3A_1981, %gather3A_1982 : vector<16xf32>
        %mul3A_1984 = arith.mulf %sub3A_1983, %sub3A_1983 : vector<16xf32>
        %add3A_1985 = arith.addf %add3A_1973, %mul3A_1984 : vector<16xf32>
        %add3A_1986 = arith.constant 32 : i32
        %add3A_1987 = vector.broadcast %add3A_1986 : i32 to vector<16xi32>
        %add3A_1988 = arith.addi %iota3A, %add3A_1987 : vector<16xi32>
        %and3A_1989 = arith.constant 63 : i32
        %and3A_1990 = vector.broadcast %and3A_1989 : i32 to vector<16xi32>
        %and3A_1991 = arith.andi %add3A_1988, %and3A_1990 : vector<16xi32>
        %add3A_1992 = arith.addi %mul3A_1601, %and3A_1991 : vector<16xi32>
        %gather3A_1993 = tpu.vector_load_idx %arg10[%add3A_1992] : memref<4096xf32, #tpu.memory_space<vmem>>[vector<16xi32>], vector<16xf32>,
        %gather3A_1994 = tpu.vector_load_idx %arg11[%add3A_1586, %and3A_1589, %and3A_1991] : memref<64x8x64xf32, #tpu.memory_space<vmem>>[vector<16xi32>, vector<16xi32>, vector<16xi32>], vector<16xf32>,
        %sub3A_1995 = arith.subf %gather3A_1993, %gather3A_1994 : vector<16xf32>
        %mul3A_1996 = arith.mulf %sub3A_1995, %sub3A_1995 : vector<16xf32>
        %add3A_1997 = arith.addf %add3A_1985, %mul3A_1996 : vector<16xf32>
        %add3A_1998 = arith.constant 33 : i32
        %add3A_1999 = vector.broadcast %add3A_1998 : i32 to vector<16xi32>
        %add3A_2000 = arith.addi %iota3A, %add3A_1999 : vector<16xi32>
        %and3A_2001 = arith.constant 63 : i32
        %and3A_2002 = vector.broadcast %and3A_2001 : i32 to vector<16xi32>
        %and3A_2003 = arith.andi %add3A_2000, %and3A_2002 : vector<16xi32>
        %add3A_2004 = arith.addi %mul3A_1601, %and3A_2003 : vector<16xi32>
        %gather3A_2005 = tpu.vector_load_idx %arg10[%add3A_2004] : memref<4096xf32, #tpu.memory_space<vmem>>[vector<16xi32>], vector<16xf32>,
        %gather3A_2006 = tpu.vector_load_idx %arg11[%add3A_1586, %and3A_1589, %and3A_2003] : memref<64x8x64xf32, #tpu.memory_space<vmem>>[vector<16xi32>, vector<16xi32>, vector<16xi32>], vector<16xf32>,
        %sub3A_2007 = arith.subf %gather3A_2005, %gather3A_2006 : vector<16xf32>
        %mul3A_2008 = arith.mulf %sub3A_2007, %sub3A_2007 : vector<16xf32>
        %add3A_2009 = arith.addf %add3A_1997, %mul3A_2008 : vector<16xf32>
        %add3A_2010 = arith.constant 34 : i32
        %add3A_2011 = vector.broadcast %add3A_2010 : i32 to vector<16xi32>
        %add3A_2012 = arith.addi %iota3A, %add3A_2011 : vector<16xi32>
        %and3A_2013 = arith.constant 63 : i32
        %and3A_2014 = vector.broadcast %and3A_2013 : i32 to vector<16xi32>
        %and3A_2015 = arith.andi %add3A_2012, %and3A_2014 : vector<16xi32>
        %add3A_2016 = arith.addi %mul3A_1601, %and3A_2015 : vector<16xi32>
        %gather3A_2017 = tpu.vector_load_idx %arg10[%add3A_2016] : memref<4096xf32, #tpu.memory_space<vmem>>[vector<16xi32>], vector<16xf32>,
        %gather3A_2018 = tpu.vector_load_idx %arg11[%add3A_1586, %and3A_1589, %and3A_2015] : memref<64x8x64xf32, #tpu.memory_space<vmem>>[vector<16xi32>, vector<16xi32>, vector<16xi32>], vector<16xf32>,
        %sub3A_2019 = arith.subf %gather3A_2017, %gather3A_2018 : vector<16xf32>
        %mul3A_2020 = arith.mulf %sub3A_2019, %sub3A_2019 : vector<16xf32>
        %add3A_2021 = arith.addf %add3A_2009, %mul3A_2020 : vector<16xf32>
        %add3A_2022 = arith.constant 35 : i32
        %add3A_2023 = vector.broadcast %add3A_2022 : i32 to vector<16xi32>
        %add3A_2024 = arith.addi %iota3A, %add3A_2023 : vector<16xi32>
        %and3A_2025 = arith.constant 63 : i32
        %and3A_2026 = vector.broadcast %and3A_2025 : i32 to vector<16xi32>
        %and3A_2027 = arith.andi %add3A_2024, %and3A_2026 : vector<16xi32>
        %add3A_2028 = arith.addi %mul3A_1601, %and3A_2027 : vector<16xi32>
        %gather3A_2029 = tpu.vector_load_idx %arg10[%add3A_2028] : memref<4096xf32, #tpu.memory_space<vmem>>[vector<16xi32>], vector<16xf32>,
        %gather3A_2030 = tpu.vector_load_idx %arg11[%add3A_1586, %and3A_1589, %and3A_2027] : memref<64x8x64xf32, #tpu.memory_space<vmem>>[vector<16xi32>, vector<16xi32>, vector<16xi32>], vector<16xf32>,
        %sub3A_2031 = arith.subf %gather3A_2029, %gather3A_2030 : vector<16xf32>
        %mul3A_2032 = arith.mulf %sub3A_2031, %sub3A_2031 : vector<16xf32>
        %add3A_2033 = arith.addf %add3A_2021, %mul3A_2032 : vector<16xf32>
        %add3A_2034 = arith.constant 36 : i32
        %add3A_2035 = vector.broadcast %add3A_2034 : i32 to vector<16xi32>
        %add3A_2036 = arith.addi %iota3A, %add3A_2035 : vector<16xi32>
        %and3A_2037 = arith.constant 63 : i32
        %and3A_2038 = vector.broadcast %and3A_2037 : i32 to vector<16xi32>
        %and3A_2039 = arith.andi %add3A_2036, %and3A_2038 : vector<16xi32>
        %add3A_2040 = arith.addi %mul3A_1601, %and3A_2039 : vector<16xi32>
        %gather3A_2041 = tpu.vector_load_idx %arg10[%add3A_2040] : memref<4096xf32, #tpu.memory_space<vmem>>[vector<16xi32>], vector<16xf32>,
        %gather3A_2042 = tpu.vector_load_idx %arg11[%add3A_1586, %and3A_1589, %and3A_2039] : memref<64x8x64xf32, #tpu.memory_space<vmem>>[vector<16xi32>, vector<16xi32>, vector<16xi32>], vector<16xf32>,
        %sub3A_2043 = arith.subf %gather3A_2041, %gather3A_2042 : vector<16xf32>
        %mul3A_2044 = arith.mulf %sub3A_2043, %sub3A_2043 : vector<16xf32>
        %add3A_2045 = arith.addf %add3A_2033, %mul3A_2044 : vector<16xf32>
        %add3A_2046 = arith.constant 37 : i32
        %add3A_2047 = vector.broadcast %add3A_2046 : i32 to vector<16xi32>
        %add3A_2048 = arith.addi %iota3A, %add3A_2047 : vector<16xi32>
        %and3A_2049 = arith.constant 63 : i32
        %and3A_2050 = vector.broadcast %and3A_2049 : i32 to vector<16xi32>
        %and3A_2051 = arith.andi %add3A_2048, %and3A_2050 : vector<16xi32>
        %add3A_2052 = arith.addi %mul3A_1601, %and3A_2051 : vector<16xi32>
        %gather3A_2053 = tpu.vector_load_idx %arg10[%add3A_2052] : memref<4096xf32, #tpu.memory_space<vmem>>[vector<16xi32>], vector<16xf32>,
        %gather3A_2054 = tpu.vector_load_idx %arg11[%add3A_1586, %and3A_1589, %and3A_2051] : memref<64x8x64xf32, #tpu.memory_space<vmem>>[vector<16xi32>, vector<16xi32>, vector<16xi32>], vector<16xf32>,
        %sub3A_2055 = arith.subf %gather3A_2053, %gather3A_2054 : vector<16xf32>
        %mul3A_2056 = arith.mulf %sub3A_2055, %sub3A_2055 : vector<16xf32>
        %add3A_2057 = arith.addf %add3A_2045, %mul3A_2056 : vector<16xf32>
        %add3A_2058 = arith.constant 38 : i32
        %add3A_2059 = vector.broadcast %add3A_2058 : i32 to vector<16xi32>
        %add3A_2060 = arith.addi %iota3A, %add3A_2059 : vector<16xi32>
        %and3A_2061 = arith.constant 63 : i32
        %and3A_2062 = vector.broadcast %and3A_2061 : i32 to vector<16xi32>
        %and3A_2063 = arith.andi %add3A_2060, %and3A_2062 : vector<16xi32>
        %add3A_2064 = arith.addi %mul3A_1601, %and3A_2063 : vector<16xi32>
        %gather3A_2065 = tpu.vector_load_idx %arg10[%add3A_2064] : memref<4096xf32, #tpu.memory_space<vmem>>[vector<16xi32>], vector<16xf32>,
        %gather3A_2066 = tpu.vector_load_idx %arg11[%add3A_1586, %and3A_1589, %and3A_2063] : memref<64x8x64xf32, #tpu.memory_space<vmem>>[vector<16xi32>, vector<16xi32>, vector<16xi32>], vector<16xf32>,
        %sub3A_2067 = arith.subf %gather3A_2065, %gather3A_2066 : vector<16xf32>
        %mul3A_2068 = arith.mulf %sub3A_2067, %sub3A_2067 : vector<16xf32>
        %add3A_2069 = arith.addf %add3A_2057, %mul3A_2068 : vector<16xf32>
        %add3A_2070 = arith.constant 39 : i32
        %add3A_2071 = vector.broadcast %add3A_2070 : i32 to vector<16xi32>
        %add3A_2072 = arith.addi %iota3A, %add3A_2071 : vector<16xi32>
        %and3A_2073 = arith.constant 63 : i32
        %and3A_2074 = vector.broadcast %and3A_2073 : i32 to vector<16xi32>
        %and3A_2075 = arith.andi %add3A_2072, %and3A_2074 : vector<16xi32>
        %add3A_2076 = arith.addi %mul3A_1601, %and3A_2075 : vector<16xi32>
        %gather3A_2077 = tpu.vector_load_idx %arg10[%add3A_2076] : memref<4096xf32, #tpu.memory_space<vmem>>[vector<16xi32>], vector<16xf32>,
        %gather3A_2078 = tpu.vector_load_idx %arg11[%add3A_1586, %and3A_1589, %and3A_2075] : memref<64x8x64xf32, #tpu.memory_space<vmem>>[vector<16xi32>, vector<16xi32>, vector<16xi32>], vector<16xf32>,
        %sub3A_2079 = arith.subf %gather3A_2077, %gather3A_2078 : vector<16xf32>
        %mul3A_2080 = arith.mulf %sub3A_2079, %sub3A_2079 : vector<16xf32>
        %add3A_2081 = arith.addf %add3A_2069, %mul3A_2080 : vector<16xf32>
        %add3A_2082 = arith.constant 40 : i32
        %add3A_2083 = vector.broadcast %add3A_2082 : i32 to vector<16xi32>
        %add3A_2084 = arith.addi %iota3A, %add3A_2083 : vector<16xi32>
        %and3A_2085 = arith.constant 63 : i32
        %and3A_2086 = vector.broadcast %and3A_2085 : i32 to vector<16xi32>
        %and3A_2087 = arith.andi %add3A_2084, %and3A_2086 : vector<16xi32>
        %add3A_2088 = arith.addi %mul3A_1601, %and3A_2087 : vector<16xi32>
        %gather3A_2089 = tpu.vector_load_idx %arg10[%add3A_2088] : memref<4096xf32, #tpu.memory_space<vmem>>[vector<16xi32>], vector<16xf32>,
        %gather3A_2090 = tpu.vector_load_idx %arg11[%add3A_1586, %and3A_1589, %and3A_2087] : memref<64x8x64xf32, #tpu.memory_space<vmem>>[vector<16xi32>, vector<16xi32>, vector<16xi32>], vector<16xf32>,
        %sub3A_2091 = arith.subf %gather3A_2089, %gather3A_2090 : vector<16xf32>
        %mul3A_2092 = arith.mulf %sub3A_2091, %sub3A_2091 : vector<16xf32>
        %add3A_2093 = arith.addf %add3A_2081, %mul3A_2092 : vector<16xf32>
        %add3A_2094 = arith.constant 41 : i32
        %add3A_2095 = vector.broadcast %add3A_2094 : i32 to vector<16xi32>
        %add3A_2096 = arith.addi %iota3A, %add3A_2095 : vector<16xi32>
        %and3A_2097 = arith.constant 63 : i32
        %and3A_2098 = vector.broadcast %and3A_2097 : i32 to vector<16xi32>
        %and3A_2099 = arith.andi %add3A_2096, %and3A_2098 : vector<16xi32>
        %add3A_2100 = arith.addi %mul3A_1601, %and3A_2099 : vector<16xi32>
        %gather3A_2101 = tpu.vector_load_idx %arg10[%add3A_2100] : memref<4096xf32, #tpu.memory_space<vmem>>[vector<16xi32>], vector<16xf32>,
        %gather3A_2102 = tpu.vector_load_idx %arg11[%add3A_1586, %and3A_1589, %and3A_2099] : memref<64x8x64xf32, #tpu.memory_space<vmem>>[vector<16xi32>, vector<16xi32>, vector<16xi32>], vector<16xf32>,
        %sub3A_2103 = arith.subf %gather3A_2101, %gather3A_2102 : vector<16xf32>
        %mul3A_2104 = arith.mulf %sub3A_2103, %sub3A_2103 : vector<16xf32>
        %add3A_2105 = arith.addf %add3A_2093, %mul3A_2104 : vector<16xf32>
        %add3A_2106 = arith.constant 42 : i32
        %add3A_2107 = vector.broadcast %add3A_2106 : i32 to vector<16xi32>
        %add3A_2108 = arith.addi %iota3A, %add3A_2107 : vector<16xi32>
        %and3A_2109 = arith.constant 63 : i32
        %and3A_2110 = vector.broadcast %and3A_2109 : i32 to vector<16xi32>
        %and3A_2111 = arith.andi %add3A_2108, %and3A_2110 : vector<16xi32>
        %add3A_2112 = arith.addi %mul3A_1601, %and3A_2111 : vector<16xi32>
        %gather3A_2113 = tpu.vector_load_idx %arg10[%add3A_2112] : memref<4096xf32, #tpu.memory_space<vmem>>[vector<16xi32>], vector<16xf32>,
        %gather3A_2114 = tpu.vector_load_idx %arg11[%add3A_1586, %and3A_1589, %and3A_2111] : memref<64x8x64xf32, #tpu.memory_space<vmem>>[vector<16xi32>, vector<16xi32>, vector<16xi32>], vector<16xf32>,
        %sub3A_2115 = arith.subf %gather3A_2113, %gather3A_2114 : vector<16xf32>
        %mul3A_2116 = arith.mulf %sub3A_2115, %sub3A_2115 : vector<16xf32>
        %add3A_2117 = arith.addf %add3A_2105, %mul3A_2116 : vector<16xf32>
        %add3A_2118 = arith.constant 43 : i32
        %add3A_2119 = vector.broadcast %add3A_2118 : i32 to vector<16xi32>
        %add3A_2120 = arith.addi %iota3A, %add3A_2119 : vector<16xi32>
        %and3A_2121 = arith.constant 63 : i32
        %and3A_2122 = vector.broadcast %and3A_2121 : i32 to vector<16xi32>
        %and3A_2123 = arith.andi %add3A_2120, %and3A_2122 : vector<16xi32>
        %add3A_2124 = arith.addi %mul3A_1601, %and3A_2123 : vector<16xi32>
        %gather3A_2125 = tpu.vector_load_idx %arg10[%add3A_2124] : memref<4096xf32, #tpu.memory_space<vmem>>[vector<16xi32>], vector<16xf32>,
        %gather3A_2126 = tpu.vector_load_idx %arg11[%add3A_1586, %and3A_1589, %and3A_2123] : memref<64x8x64xf32, #tpu.memory_space<vmem>>[vector<16xi32>, vector<16xi32>, vector<16xi32>], vector<16xf32>,
        %sub3A_2127 = arith.subf %gather3A_2125, %gather3A_2126 : vector<16xf32>
        %mul3A_2128 = arith.mulf %sub3A_2127, %sub3A_2127 : vector<16xf32>
        %add3A_2129 = arith.addf %add3A_2117, %mul3A_2128 : vector<16xf32>
        %add3A_2130 = arith.constant 44 : i32
        %add3A_2131 = vector.broadcast %add3A_2130 : i32 to vector<16xi32>
        %add3A_2132 = arith.addi %iota3A, %add3A_2131 : vector<16xi32>
        %and3A_2133 = arith.constant 63 : i32
        %and3A_2134 = vector.broadcast %and3A_2133 : i32 to vector<16xi32>
        %and3A_2135 = arith.andi %add3A_2132, %and3A_2134 : vector<16xi32>
        %add3A_2136 = arith.addi %mul3A_1601, %and3A_2135 : vector<16xi32>
        %gather3A_2137 = tpu.vector_load_idx %arg10[%add3A_2136] : memref<4096xf32, #tpu.memory_space<vmem>>[vector<16xi32>], vector<16xf32>,
        %gather3A_2138 = tpu.vector_load_idx %arg11[%add3A_1586, %and3A_1589, %and3A_2135] : memref<64x8x64xf32, #tpu.memory_space<vmem>>[vector<16xi32>, vector<16xi32>, vector<16xi32>], vector<16xf32>,
        %sub3A_2139 = arith.subf %gather3A_2137, %gather3A_2138 : vector<16xf32>
        %mul3A_2140 = arith.mulf %sub3A_2139, %sub3A_2139 : vector<16xf32>
        %add3A_2141 = arith.addf %add3A_2129, %mul3A_2140 : vector<16xf32>
        %add3A_2142 = arith.constant 45 : i32
        %add3A_2143 = vector.broadcast %add3A_2142 : i32 to vector<16xi32>
        %add3A_2144 = arith.addi %iota3A, %add3A_2143 : vector<16xi32>
        %and3A_2145 = arith.constant 63 : i32
        %and3A_2146 = vector.broadcast %and3A_2145 : i32 to vector<16xi32>
        %and3A_2147 = arith.andi %add3A_2144, %and3A_2146 : vector<16xi32>
        %add3A_2148 = arith.addi %mul3A_1601, %and3A_2147 : vector<16xi32>
        %gather3A_2149 = tpu.vector_load_idx %arg10[%add3A_2148] : memref<4096xf32, #tpu.memory_space<vmem>>[vector<16xi32>], vector<16xf32>,
        %gather3A_2150 = tpu.vector_load_idx %arg11[%add3A_1586, %and3A_1589, %and3A_2147] : memref<64x8x64xf32, #tpu.memory_space<vmem>>[vector<16xi32>, vector<16xi32>, vector<16xi32>], vector<16xf32>,
        %sub3A_2151 = arith.subf %gather3A_2149, %gather3A_2150 : vector<16xf32>
        %mul3A_2152 = arith.mulf %sub3A_2151, %sub3A_2151 : vector<16xf32>
        %add3A_2153 = arith.addf %add3A_2141, %mul3A_2152 : vector<16xf32>
        %add3A_2154 = arith.constant 46 : i32
        %add3A_2155 = vector.broadcast %add3A_2154 : i32 to vector<16xi32>
        %add3A_2156 = arith.addi %iota3A, %add3A_2155 : vector<16xi32>
        %and3A_2157 = arith.constant 63 : i32
        %and3A_2158 = vector.broadcast %and3A_2157 : i32 to vector<16xi32>
        %and3A_2159 = arith.andi %add3A_2156, %and3A_2158 : vector<16xi32>
        %add3A_2160 = arith.addi %mul3A_1601, %and3A_2159 : vector<16xi32>
        %gather3A_2161 = tpu.vector_load_idx %arg10[%add3A_2160] : memref<4096xf32, #tpu.memory_space<vmem>>[vector<16xi32>], vector<16xf32>,
        %gather3A_2162 = tpu.vector_load_idx %arg11[%add3A_1586, %and3A_1589, %and3A_2159] : memref<64x8x64xf32, #tpu.memory_space<vmem>>[vector<16xi32>, vector<16xi32>, vector<16xi32>], vector<16xf32>,
        %sub3A_2163 = arith.subf %gather3A_2161, %gather3A_2162 : vector<16xf32>
        %mul3A_2164 = arith.mulf %sub3A_2163, %sub3A_2163 : vector<16xf32>
        %add3A_2165 = arith.addf %add3A_2153, %mul3A_2164 : vector<16xf32>
        %add3A_2166 = arith.constant 47 : i32
        %add3A_2167 = vector.broadcast %add3A_2166 : i32 to vector<16xi32>
        %add3A_2168 = arith.addi %iota3A, %add3A_2167 : vector<16xi32>
        %and3A_2169 = arith.constant 63 : i32
        %and3A_2170 = vector.broadcast %and3A_2169 : i32 to vector<16xi32>
        %and3A_2171 = arith.andi %add3A_2168, %and3A_2170 : vector<16xi32>
        %add3A_2172 = arith.addi %mul3A_1601, %and3A_2171 : vector<16xi32>
        %gather3A_2173 = tpu.vector_load_idx %arg10[%add3A_2172] : memref<4096xf32, #tpu.memory_space<vmem>>[vector<16xi32>], vector<16xf32>,
        %gather3A_2174 = tpu.vector_load_idx %arg11[%add3A_1586, %and3A_1589, %and3A_2171] : memref<64x8x64xf32, #tpu.memory_space<vmem>>[vector<16xi32>, vector<16xi32>, vector<16xi32>], vector<16xf32>,
        %sub3A_2175 = arith.subf %gather3A_2173, %gather3A_2174 : vector<16xf32>
        %mul3A_2176 = arith.mulf %sub3A_2175, %sub3A_2175 : vector<16xf32>
        %add3A_2177 = arith.addf %add3A_2165, %mul3A_2176 : vector<16xf32>
        %add3A_2178 = arith.constant 48 : i32
        %add3A_2179 = vector.broadcast %add3A_2178 : i32 to vector<16xi32>
        %add3A_2180 = arith.addi %iota3A, %add3A_2179 : vector<16xi32>
        %and3A_2181 = arith.constant 63 : i32
        %and3A_2182 = vector.broadcast %and3A_2181 : i32 to vector<16xi32>
        %and3A_2183 = arith.andi %add3A_2180, %and3A_2182 : vector<16xi32>
        %add3A_2184 = arith.addi %mul3A_1601, %and3A_2183 : vector<16xi32>
        %gather3A_2185 = tpu.vector_load_idx %arg10[%add3A_2184] : memref<4096xf32, #tpu.memory_space<vmem>>[vector<16xi32>], vector<16xf32>,
        %gather3A_2186 = tpu.vector_load_idx %arg11[%add3A_1586, %and3A_1589, %and3A_2183] : memref<64x8x64xf32, #tpu.memory_space<vmem>>[vector<16xi32>, vector<16xi32>, vector<16xi32>], vector<16xf32>,
        %sub3A_2187 = arith.subf %gather3A_2185, %gather3A_2186 : vector<16xf32>
        %mul3A_2188 = arith.mulf %sub3A_2187, %sub3A_2187 : vector<16xf32>
        %add3A_2189 = arith.addf %add3A_2177, %mul3A_2188 : vector<16xf32>
        %add3A_2190 = arith.constant 49 : i32
        %add3A_2191 = vector.broadcast %add3A_2190 : i32 to vector<16xi32>
        %add3A_2192 = arith.addi %iota3A, %add3A_2191 : vector<16xi32>
        %and3A_2193 = arith.constant 63 : i32
        %and3A_2194 = vector.broadcast %and3A_2193 : i32 to vector<16xi32>
        %and3A_2195 = arith.andi %add3A_2192, %and3A_2194 : vector<16xi32>
        %add3A_2196 = arith.addi %mul3A_1601, %and3A_2195 : vector<16xi32>
        %gather3A_2197 = tpu.vector_load_idx %arg10[%add3A_2196] : memref<4096xf32, #tpu.memory_space<vmem>>[vector<16xi32>], vector<16xf32>,
        %gather3A_2198 = tpu.vector_load_idx %arg11[%add3A_1586, %and3A_1589, %and3A_2195] : memref<64x8x64xf32, #tpu.memory_space<vmem>>[vector<16xi32>, vector<16xi32>, vector<16xi32>], vector<16xf32>,
        %sub3A_2199 = arith.subf %gather3A_2197, %gather3A_2198 : vector<16xf32>
        %mul3A_2200 = arith.mulf %sub3A_2199, %sub3A_2199 : vector<16xf32>
        %add3A_2201 = arith.addf %add3A_2189, %mul3A_2200 : vector<16xf32>
        %add3A_2202 = arith.constant 50 : i32
        %add3A_2203 = vector.broadcast %add3A_2202 : i32 to vector<16xi32>
        %add3A_2204 = arith.addi %iota3A, %add3A_2203 : vector<16xi32>
        %and3A_2205 = arith.constant 63 : i32
        %and3A_2206 = vector.broadcast %and3A_2205 : i32 to vector<16xi32>
        %and3A_2207 = arith.andi %add3A_2204, %and3A_2206 : vector<16xi32>
        %add3A_2208 = arith.addi %mul3A_1601, %and3A_2207 : vector<16xi32>
        %gather3A_2209 = tpu.vector_load_idx %arg10[%add3A_2208] : memref<4096xf32, #tpu.memory_space<vmem>>[vector<16xi32>], vector<16xf32>,
        %gather3A_2210 = tpu.vector_load_idx %arg11[%add3A_1586, %and3A_1589, %and3A_2207] : memref<64x8x64xf32, #tpu.memory_space<vmem>>[vector<16xi32>, vector<16xi32>, vector<16xi32>], vector<16xf32>,
        %sub3A_2211 = arith.subf %gather3A_2209, %gather3A_2210 : vector<16xf32>
        %mul3A_2212 = arith.mulf %sub3A_2211, %sub3A_2211 : vector<16xf32>
        %add3A_2213 = arith.addf %add3A_2201, %mul3A_2212 : vector<16xf32>
        %add3A_2214 = arith.constant 51 : i32
        %add3A_2215 = vector.broadcast %add3A_2214 : i32 to vector<16xi32>
        %add3A_2216 = arith.addi %iota3A, %add3A_2215 : vector<16xi32>
        %and3A_2217 = arith.constant 63 : i32
        %and3A_2218 = vector.broadcast %and3A_2217 : i32 to vector<16xi32>
        %and3A_2219 = arith.andi %add3A_2216, %and3A_2218 : vector<16xi32>
        %add3A_2220 = arith.addi %mul3A_1601, %and3A_2219 : vector<16xi32>
        %gather3A_2221 = tpu.vector_load_idx %arg10[%add3A_2220] : memref<4096xf32, #tpu.memory_space<vmem>>[vector<16xi32>], vector<16xf32>,
        %gather3A_2222 = tpu.vector_load_idx %arg11[%add3A_1586, %and3A_1589, %and3A_2219] : memref<64x8x64xf32, #tpu.memory_space<vmem>>[vector<16xi32>, vector<16xi32>, vector<16xi32>], vector<16xf32>,
        %sub3A_2223 = arith.subf %gather3A_2221, %gather3A_2222 : vector<16xf32>
        %mul3A_2224 = arith.mulf %sub3A_2223, %sub3A_2223 : vector<16xf32>
        %add3A_2225 = arith.addf %add3A_2213, %mul3A_2224 : vector<16xf32>
        %add3A_2226 = arith.constant 52 : i32
        %add3A_2227 = vector.broadcast %add3A_2226 : i32 to vector<16xi32>
        %add3A_2228 = arith.addi %iota3A, %add3A_2227 : vector<16xi32>
        %and3A_2229 = arith.constant 63 : i32
        %and3A_2230 = vector.broadcast %and3A_2229 : i32 to vector<16xi32>
        %and3A_2231 = arith.andi %add3A_2228, %and3A_2230 : vector<16xi32>
        %add3A_2232 = arith.addi %mul3A_1601, %and3A_2231 : vector<16xi32>
        %gather3A_2233 = tpu.vector_load_idx %arg10[%add3A_2232] : memref<4096xf32, #tpu.memory_space<vmem>>[vector<16xi32>], vector<16xf32>,
        %gather3A_2234 = tpu.vector_load_idx %arg11[%add3A_1586, %and3A_1589, %and3A_2231] : memref<64x8x64xf32, #tpu.memory_space<vmem>>[vector<16xi32>, vector<16xi32>, vector<16xi32>], vector<16xf32>,
        %sub3A_2235 = arith.subf %gather3A_2233, %gather3A_2234 : vector<16xf32>
        %mul3A_2236 = arith.mulf %sub3A_2235, %sub3A_2235 : vector<16xf32>
        %add3A_2237 = arith.addf %add3A_2225, %mul3A_2236 : vector<16xf32>
        %add3A_2238 = arith.constant 53 : i32
        %add3A_2239 = vector.broadcast %add3A_2238 : i32 to vector<16xi32>
        %add3A_2240 = arith.addi %iota3A, %add3A_2239 : vector<16xi32>
        %and3A_2241 = arith.constant 63 : i32
        %and3A_2242 = vector.broadcast %and3A_2241 : i32 to vector<16xi32>
        %and3A_2243 = arith.andi %add3A_2240, %and3A_2242 : vector<16xi32>
        %add3A_2244 = arith.addi %mul3A_1601, %and3A_2243 : vector<16xi32>
        %gather3A_2245 = tpu.vector_load_idx %arg10[%add3A_2244] : memref<4096xf32, #tpu.memory_space<vmem>>[vector<16xi32>], vector<16xf32>,
        %gather3A_2246 = tpu.vector_load_idx %arg11[%add3A_1586, %and3A_1589, %and3A_2243] : memref<64x8x64xf32, #tpu.memory_space<vmem>>[vector<16xi32>, vector<16xi32>, vector<16xi32>], vector<16xf32>,
        %sub3A_2247 = arith.subf %gather3A_2245, %gather3A_2246 : vector<16xf32>
        %mul3A_2248 = arith.mulf %sub3A_2247, %sub3A_2247 : vector<16xf32>
        %add3A_2249 = arith.addf %add3A_2237, %mul3A_2248 : vector<16xf32>
        %add3A_2250 = arith.constant 54 : i32
        %add3A_2251 = vector.broadcast %add3A_2250 : i32 to vector<16xi32>
        %add3A_2252 = arith.addi %iota3A, %add3A_2251 : vector<16xi32>
        %and3A_2253 = arith.constant 63 : i32
        %and3A_2254 = vector.broadcast %and3A_2253 : i32 to vector<16xi32>
        %and3A_2255 = arith.andi %add3A_2252, %and3A_2254 : vector<16xi32>
        %add3A_2256 = arith.addi %mul3A_1601, %and3A_2255 : vector<16xi32>
        %gather3A_2257 = tpu.vector_load_idx %arg10[%add3A_2256] : memref<4096xf32, #tpu.memory_space<vmem>>[vector<16xi32>], vector<16xf32>,
        %gather3A_2258 = tpu.vector_load_idx %arg11[%add3A_1586, %and3A_1589, %and3A_2255] : memref<64x8x64xf32, #tpu.memory_space<vmem>>[vector<16xi32>, vector<16xi32>, vector<16xi32>], vector<16xf32>,
        %sub3A_2259 = arith.subf %gather3A_2257, %gather3A_2258 : vector<16xf32>
        %mul3A_2260 = arith.mulf %sub3A_2259, %sub3A_2259 : vector<16xf32>
        %add3A_2261 = arith.addf %add3A_2249, %mul3A_2260 : vector<16xf32>
        %add3A_2262 = arith.constant 55 : i32
        %add3A_2263 = vector.broadcast %add3A_2262 : i32 to vector<16xi32>
        %add3A_2264 = arith.addi %iota3A, %add3A_2263 : vector<16xi32>
        %and3A_2265 = arith.constant 63 : i32
        %and3A_2266 = vector.broadcast %and3A_2265 : i32 to vector<16xi32>
        %and3A_2267 = arith.andi %add3A_2264, %and3A_2266 : vector<16xi32>
        %add3A_2268 = arith.addi %mul3A_1601, %and3A_2267 : vector<16xi32>
        %gather3A_2269 = tpu.vector_load_idx %arg10[%add3A_2268] : memref<4096xf32, #tpu.memory_space<vmem>>[vector<16xi32>], vector<16xf32>,
        %gather3A_2270 = tpu.vector_load_idx %arg11[%add3A_1586, %and3A_1589, %and3A_2267] : memref<64x8x64xf32, #tpu.memory_space<vmem>>[vector<16xi32>, vector<16xi32>, vector<16xi32>], vector<16xf32>,
        %sub3A_2271 = arith.subf %gather3A_2269, %gather3A_2270 : vector<16xf32>
        %mul3A_2272 = arith.mulf %sub3A_2271, %sub3A_2271 : vector<16xf32>
        %add3A_2273 = arith.addf %add3A_2261, %mul3A_2272 : vector<16xf32>
        %add3A_2274 = arith.constant 56 : i32
        %add3A_2275 = vector.broadcast %add3A_2274 : i32 to vector<16xi32>
        %add3A_2276 = arith.addi %iota3A, %add3A_2275 : vector<16xi32>
        %and3A_2277 = arith.constant 63 : i32
        %and3A_2278 = vector.broadcast %and3A_2277 : i32 to vector<16xi32>
        %and3A_2279 = arith.andi %add3A_2276, %and3A_2278 : vector<16xi32>
        %add3A_2280 = arith.addi %mul3A_1601, %and3A_2279 : vector<16xi32>
        %gather3A_2281 = tpu.vector_load_idx %arg10[%add3A_2280] : memref<4096xf32, #tpu.memory_space<vmem>>[vector<16xi32>], vector<16xf32>,
        %gather3A_2282 = tpu.vector_load_idx %arg11[%add3A_1586, %and3A_1589, %and3A_2279] : memref<64x8x64xf32, #tpu.memory_space<vmem>>[vector<16xi32>, vector<16xi32>, vector<16xi32>], vector<16xf32>,
        %sub3A_2283 = arith.subf %gather3A_2281, %gather3A_2282 : vector<16xf32>
        %mul3A_2284 = arith.mulf %sub3A_2283, %sub3A_2283 : vector<16xf32>
        %add3A_2285 = arith.addf %add3A_2273, %mul3A_2284 : vector<16xf32>
        %add3A_2286 = arith.constant 57 : i32
        %add3A_2287 = vector.broadcast %add3A_2286 : i32 to vector<16xi32>
        %add3A_2288 = arith.addi %iota3A, %add3A_2287 : vector<16xi32>
        %and3A_2289 = arith.constant 63 : i32
        %and3A_2290 = vector.broadcast %and3A_2289 : i32 to vector<16xi32>
        %and3A_2291 = arith.andi %add3A_2288, %and3A_2290 : vector<16xi32>
        %add3A_2292 = arith.addi %mul3A_1601, %and3A_2291 : vector<16xi32>
        %gather3A_2293 = tpu.vector_load_idx %arg10[%add3A_2292] : memref<4096xf32, #tpu.memory_space<vmem>>[vector<16xi32>], vector<16xf32>,
        %gather3A_2294 = tpu.vector_load_idx %arg11[%add3A_1586, %and3A_1589, %and3A_2291] : memref<64x8x64xf32, #tpu.memory_space<vmem>>[vector<16xi32>, vector<16xi32>, vector<16xi32>], vector<16xf32>,
        %sub3A_2295 = arith.subf %gather3A_2293, %gather3A_2294 : vector<16xf32>
        %mul3A_2296 = arith.mulf %sub3A_2295, %sub3A_2295 : vector<16xf32>
        %add3A_2297 = arith.addf %add3A_2285, %mul3A_2296 : vector<16xf32>
        %add3A_2298 = arith.constant 58 : i32
        %add3A_2299 = vector.broadcast %add3A_2298 : i32 to vector<16xi32>
        %add3A_2300 = arith.addi %iota3A, %add3A_2299 : vector<16xi32>
        %and3A_2301 = arith.constant 63 : i32
        %and3A_2302 = vector.broadcast %and3A_2301 : i32 to vector<16xi32>
        %and3A_2303 = arith.andi %add3A_2300, %and3A_2302 : vector<16xi32>
        %add3A_2304 = arith.addi %mul3A_1601, %and3A_2303 : vector<16xi32>
        %gather3A_2305 = tpu.vector_load_idx %arg10[%add3A_2304] : memref<4096xf32, #tpu.memory_space<vmem>>[vector<16xi32>], vector<16xf32>,
        %gather3A_2306 = tpu.vector_load_idx %arg11[%add3A_1586, %and3A_1589, %and3A_2303] : memref<64x8x64xf32, #tpu.memory_space<vmem>>[vector<16xi32>, vector<16xi32>, vector<16xi32>], vector<16xf32>,
        %sub3A_2307 = arith.subf %gather3A_2305, %gather3A_2306 : vector<16xf32>
        %mul3A_2308 = arith.mulf %sub3A_2307, %sub3A_2307 : vector<16xf32>
        %add3A_2309 = arith.addf %add3A_2297, %mul3A_2308 : vector<16xf32>
        %add3A_2310 = arith.constant 59 : i32
        %add3A_2311 = vector.broadcast %add3A_2310 : i32 to vector<16xi32>
        %add3A_2312 = arith.addi %iota3A, %add3A_2311 : vector<16xi32>
        %and3A_2313 = arith.constant 63 : i32
        %and3A_2314 = vector.broadcast %and3A_2313 : i32 to vector<16xi32>
        %and3A_2315 = arith.andi %add3A_2312, %and3A_2314 : vector<16xi32>
        %add3A_2316 = arith.addi %mul3A_1601, %and3A_2315 : vector<16xi32>
        %gather3A_2317 = tpu.vector_load_idx %arg10[%add3A_2316] : memref<4096xf32, #tpu.memory_space<vmem>>[vector<16xi32>], vector<16xf32>,
        %gather3A_2318 = tpu.vector_load_idx %arg11[%add3A_1586, %and3A_1589, %and3A_2315] : memref<64x8x64xf32, #tpu.memory_space<vmem>>[vector<16xi32>, vector<16xi32>, vector<16xi32>], vector<16xf32>,
        %sub3A_2319 = arith.subf %gather3A_2317, %gather3A_2318 : vector<16xf32>
        %mul3A_2320 = arith.mulf %sub3A_2319, %sub3A_2319 : vector<16xf32>
        %add3A_2321 = arith.addf %add3A_2309, %mul3A_2320 : vector<16xf32>
        %add3A_2322 = arith.constant 60 : i32
        %add3A_2323 = vector.broadcast %add3A_2322 : i32 to vector<16xi32>
        %add3A_2324 = arith.addi %iota3A, %add3A_2323 : vector<16xi32>
        %and3A_2325 = arith.constant 63 : i32
        %and3A_2326 = vector.broadcast %and3A_2325 : i32 to vector<16xi32>
        %and3A_2327 = arith.andi %add3A_2324, %and3A_2326 : vector<16xi32>
        %add3A_2328 = arith.addi %mul3A_1601, %and3A_2327 : vector<16xi32>
        %gather3A_2329 = tpu.vector_load_idx %arg10[%add3A_2328] : memref<4096xf32, #tpu.memory_space<vmem>>[vector<16xi32>], vector<16xf32>,
        %gather3A_2330 = tpu.vector_load_idx %arg11[%add3A_1586, %and3A_1589, %and3A_2327] : memref<64x8x64xf32, #tpu.memory_space<vmem>>[vector<16xi32>, vector<16xi32>, vector<16xi32>], vector<16xf32>,
        %sub3A_2331 = arith.subf %gather3A_2329, %gather3A_2330 : vector<16xf32>
        %mul3A_2332 = arith.mulf %sub3A_2331, %sub3A_2331 : vector<16xf32>
        %add3A_2333 = arith.addf %add3A_2321, %mul3A_2332 : vector<16xf32>
        %add3A_2334 = arith.constant 61 : i32
        %add3A_2335 = vector.broadcast %add3A_2334 : i32 to vector<16xi32>
        %add3A_2336 = arith.addi %iota3A, %add3A_2335 : vector<16xi32>
        %and3A_2337 = arith.constant 63 : i32
        %and3A_2338 = vector.broadcast %and3A_2337 : i32 to vector<16xi32>
        %and3A_2339 = arith.andi %add3A_2336, %and3A_2338 : vector<16xi32>
        %add3A_2340 = arith.addi %mul3A_1601, %and3A_2339 : vector<16xi32>
        %gather3A_2341 = tpu.vector_load_idx %arg10[%add3A_2340] : memref<4096xf32, #tpu.memory_space<vmem>>[vector<16xi32>], vector<16xf32>,
        %gather3A_2342 = tpu.vector_load_idx %arg11[%add3A_1586, %and3A_1589, %and3A_2339] : memref<64x8x64xf32, #tpu.memory_space<vmem>>[vector<16xi32>, vector<16xi32>, vector<16xi32>], vector<16xf32>,
        %sub3A_2343 = arith.subf %gather3A_2341, %gather3A_2342 : vector<16xf32>
        %mul3A_2344 = arith.mulf %sub3A_2343, %sub3A_2343 : vector<16xf32>
        %add3A_2345 = arith.addf %add3A_2333, %mul3A_2344 : vector<16xf32>
        %add3A_2346 = arith.constant 62 : i32
        %add3A_2347 = vector.broadcast %add3A_2346 : i32 to vector<16xi32>
        %add3A_2348 = arith.addi %iota3A, %add3A_2347 : vector<16xi32>
        %and3A_2349 = arith.constant 63 : i32
        %and3A_2350 = vector.broadcast %and3A_2349 : i32 to vector<16xi32>
        %and3A_2351 = arith.andi %add3A_2348, %and3A_2350 : vector<16xi32>
        %add3A_2352 = arith.addi %mul3A_1601, %and3A_2351 : vector<16xi32>
        %gather3A_2353 = tpu.vector_load_idx %arg10[%add3A_2352] : memref<4096xf32, #tpu.memory_space<vmem>>[vector<16xi32>], vector<16xf32>,
        %gather3A_2354 = tpu.vector_load_idx %arg11[%add3A_1586, %and3A_1589, %and3A_2351] : memref<64x8x64xf32, #tpu.memory_space<vmem>>[vector<16xi32>, vector<16xi32>, vector<16xi32>], vector<16xf32>,
        %sub3A_2355 = arith.subf %gather3A_2353, %gather3A_2354 : vector<16xf32>
        %mul3A_2356 = arith.mulf %sub3A_2355, %sub3A_2355 : vector<16xf32>
        %add3A_2357 = arith.addf %add3A_2345, %mul3A_2356 : vector<16xf32>
        %add3A_2358 = arith.constant 63 : i32
        %add3A_2359 = vector.broadcast %add3A_2358 : i32 to vector<16xi32>
        %add3A_2360 = arith.addi %iota3A, %add3A_2359 : vector<16xi32>
        %and3A_2361 = arith.constant 63 : i32
        %and3A_2362 = vector.broadcast %and3A_2361 : i32 to vector<16xi32>
        %and3A_2363 = arith.andi %add3A_2360, %and3A_2362 : vector<16xi32>
        %add3A_2364 = arith.addi %mul3A_1601, %and3A_2363 : vector<16xi32>
        %gather3A_2365 = tpu.vector_load_idx %arg10[%add3A_2364] : memref<4096xf32, #tpu.memory_space<vmem>>[vector<16xi32>], vector<16xf32>,
        %gather3A_2366 = tpu.vector_load_idx %arg11[%add3A_1586, %and3A_1589, %and3A_2363] : memref<64x8x64xf32, #tpu.memory_space<vmem>>[vector<16xi32>, vector<16xi32>, vector<16xi32>], vector<16xf32>,
        %sub3A_2367 = arith.subf %gather3A_2365, %gather3A_2366 : vector<16xf32>
        %mul3A_2368 = arith.mulf %sub3A_2367, %sub3A_2367 : vector<16xf32>
        %add3A_2369 = arith.addf %add3A_2357, %mul3A_2368 : vector<16xf32>
        %mul3A_2370 = arith.constant 16 : i32
        %mul3A_2371 = arith.muli %scan3A_1575, %mul3A_2370 : i32
        %swap3A_2372 = arith.constant 0 : i32
        %swap3A_2373 = arith.index_cast %swap3A_2372 : i32 to index
        %swap3A_2374 = arith.index_cast %mul3A_2371 : i32 to index
        %swap3A_2375 = tpu.vector_load %arg12[%swap3A_2373, %swap3A_2374] {strides = array<i32>} : memref<1x32xf32, #tpu.memory_space<vmem>>, vector<16xf32>,
        tpu.vector_store %arg12[%swap3A_2373, %swap3A_2374], %add3A_2369 {strides = array<i32>} : memref<1x32xf32, #tpu.memory_space<vmem>>, vector<16xf32>,
        %scan3A_2376 = arith.constant 0 : i32
        scf.yield %scan3A_2376 : i32
      }
      %scan3A_1571 = arith.constant 2 : i32
      %run_scoped3A_1572 = arith.constant 0 : i32
      "tpu.region"() ({
        %run_scoped3A_1575 = tpu.sem_alloc : memref<!tpu.dma_semaphore, #tpu.memory_space<semaphore_mem>>
        %dma_start3A_1576 = arith.constant 0 : i32
        %dma_start3A_1577 = tpu.memref_slice %arg13[%run_scoped3A_1572, %dma_start3A_1576] : memref<1x32xf32, #tpu.memory_space<vmem>> -> memref<1x32xf32, #tpu.memory_space<vmem>>
        %dma_start3A_1578 = tpu.memref_squeeze %dma_start3A_1577 : memref<1x32xf32, #tpu.memory_space<vmem>> -> memref<32xf32, #tpu.memory_space<vmem>>
        %dma_start3A_1579 = arith.constant 0 : i32
        %dma_start3A_1580 = tpu.memref_slice %arg9[%scan3A_809, %dma_start3A_1579] : memref<16x32xi32, #tpu.memory_space<vmem>> -> memref<1x32xi32, #tpu.memory_space<vmem>>
        %dma_start3A_1581 = tpu.memref_squeeze %dma_start3A_1580 : memref<1x32xi32, #tpu.memory_space<vmem>> -> memref<32xi32, #tpu.memory_space<vmem>>
        %dma_start3A_1582 = arith.constant 0 : i32
        %dma_start3A_1583 = tpu.memref_slice %arg7[%dma_start3A_1582] : memref<100352xf32, #tpu.memory_space<vmem_shared>> -> memref<100352xf32, #tpu.memory_space<vmem_shared>>
        tpu.enqueue_indirect_dma source(%dma_start3A_1578 : memref<32xf32, #tpu.memory_space<vmem>>) target(%dma_start3A_1583 : memref<100352xf32, #tpu.memory_space<vmem_shared>>) offsets(%dma_start3A_1581 : memref<32xi32, #tpu.memory_space<vmem>>) semaphore(%run_scoped3A_1575 : memref<!tpu.dma_semaphore, #tpu.memory_space<semaphore_mem>>) {add = true}
        %dma_wait3A_1584 = arith.constant 0 : i32
        %dma_wait3A_1585 = tpu.memref_slice %arg13[%run_scoped3A_1572, %dma_wait3A_1584] : memref<1x32xf32, #tpu.memory_space<vmem>> -> memref<1x32xf32, #tpu.memory_space<vmem>>
        %dma_wait3A_1586 = tpu.memref_squeeze %dma_wait3A_1585 : memref<1x32xf32, #tpu.memory_space<vmem>> -> memref<32xf32, #tpu.memory_space<vmem>>
        %dma_wait3A_1587 = arith.constant 0 : i32
        %dma_wait3A_1588 = tpu.memref_slice %arg9[%scan3A_809, %dma_wait3A_1587] : memref<16x32xi32, #tpu.memory_space<vmem>> -> memref<1x32xi32, #tpu.memory_space<vmem>>
        %dma_wait3A_1589 = tpu.memref_squeeze %dma_wait3A_1588 : memref<1x32xi32, #tpu.memory_space<vmem>> -> memref<32xi32, #tpu.memory_space<vmem>>
        %dma_wait3A_1590 = arith.constant 0 : i32
        %dma_wait3A_1591 = tpu.memref_slice %arg7[%dma_wait3A_1590] : memref<100352xf32, #tpu.memory_space<vmem_shared>> -> memref<100352xf32, #tpu.memory_space<vmem_shared>>
        tpu.wait_indirect_dma semaphore(%run_scoped3A_1575 : memref<!tpu.dma_semaphore, #tpu.memory_space<semaphore_mem>>) src(%dma_wait3A_1586 : memref<32xf32, #tpu.memory_space<vmem>>) dst(%dma_wait3A_1591 : memref<100352xf32, #tpu.memory_space<vmem_shared>>)
        tpu.yield
      }) : () -> ()
      %run_scoped3A_1573 = arith.constant 0 : i32
      "tpu.region"() ({
        %run_scoped3A_1575 = tpu.sem_alloc : memref<!tpu.dma_semaphore, #tpu.memory_space<semaphore_mem>>
        %dma_start3A_1576 = arith.constant 0 : i32
        %dma_start3A_1577 = tpu.memref_slice %arg12[%run_scoped3A_1573, %dma_start3A_1576] : memref<1x32xf32, #tpu.memory_space<vmem>> -> memref<1x32xf32, #tpu.memory_space<vmem>>
        %dma_start3A_1578 = tpu.memref_squeeze %dma_start3A_1577 : memref<1x32xf32, #tpu.memory_space<vmem>> -> memref<32xf32, #tpu.memory_space<vmem>>
        %dma_start3A_1579 = arith.constant 0 : i32
        %dma_start3A_1580 = tpu.memref_slice %arg9[%scan3A_809, %dma_start3A_1579] : memref<16x32xi32, #tpu.memory_space<vmem>> -> memref<1x32xi32, #tpu.memory_space<vmem>>
        %dma_start3A_1581 = tpu.memref_squeeze %dma_start3A_1580 : memref<1x32xi32, #tpu.memory_space<vmem>> -> memref<32xi32, #tpu.memory_space<vmem>>
        %dma_start3A_1582 = arith.constant 0 : i32
        %dma_start3A_1583 = tpu.memref_slice %arg8[%dma_start3A_1582] : memref<100352xf32, #tpu.memory_space<vmem_shared>> -> memref<100352xf32, #tpu.memory_space<vmem_shared>>
        tpu.enqueue_indirect_dma source(%dma_start3A_1578 : memref<32xf32, #tpu.memory_space<vmem>>) target(%dma_start3A_1583 : memref<100352xf32, #tpu.memory_space<vmem_shared>>) offsets(%dma_start3A_1581 : memref<32xi32, #tpu.memory_space<vmem>>) semaphore(%run_scoped3A_1575 : memref<!tpu.dma_semaphore, #tpu.memory_space<semaphore_mem>>) {add = true}
        %dma_wait3A_1584 = arith.constant 0 : i32
        %dma_wait3A_1585 = tpu.memref_slice %arg12[%run_scoped3A_1573, %dma_wait3A_1584] : memref<1x32xf32, #tpu.memory_space<vmem>> -> memref<1x32xf32, #tpu.memory_space<vmem>>
        %dma_wait3A_1586 = tpu.memref_squeeze %dma_wait3A_1585 : memref<1x32xf32, #tpu.memory_space<vmem>> -> memref<32xf32, #tpu.memory_space<vmem>>
        %dma_wait3A_1587 = arith.constant 0 : i32
        %dma_wait3A_1588 = tpu.memref_slice %arg9[%scan3A_809, %dma_wait3A_1587] : memref<16x32xi32, #tpu.memory_space<vmem>> -> memref<1x32xi32, #tpu.memory_space<vmem>>
        %dma_wait3A_1589 = tpu.memref_squeeze %dma_wait3A_1588 : memref<1x32xi32, #tpu.memory_space<vmem>> -> memref<32xi32, #tpu.memory_space<vmem>>
        %dma_wait3A_1590 = arith.constant 0 : i32
        %dma_wait3A_1591 = tpu.memref_slice %arg8[%dma_wait3A_1590] : memref<100352xf32, #tpu.memory_space<vmem_shared>> -> memref<100352xf32, #tpu.memory_space<vmem_shared>>
        tpu.wait_indirect_dma semaphore(%run_scoped3A_1575 : memref<!tpu.dma_semaphore, #tpu.memory_space<semaphore_mem>>) src(%dma_wait3A_1586 : memref<32xf32, #tpu.memory_space<vmem>>) dst(%dma_wait3A_1591 : memref<100352xf32, #tpu.memory_space<vmem_shared>>)
        tpu.yield
      }) : () -> ()
      %scan3A_1574 = arith.constant 0 : i32
      scf.yield %scan3A_1574 : i32
    }
    %scan3A_793 = arith.constant 16 : i32
    %barrier3A_794 = arith.constant 0 : index
    tpu.barrier barrier_id(%barrier3A_794)
    %mul3A_795 = arith.constant 6272 : i32
    %mul3A_796 = arith.muli %arg1, %mul3A_795 : i32
    "tpu.region"() ({
      %run_scoped3A_809 = tpu.sem_alloc : memref<!tpu.dma_semaphore, #tpu.memory_space<semaphore_mem>>
      %dma_start3A_810 = tpu.memref_slice %arg7[%mul3A_796] : memref<100352xf32, #tpu.memory_space<vmem_shared>> -> memref<6272xf32, #tpu.memory_space<vmem_shared>>
      %dma_start3A_811 = tpu.memref_slice %arg7[%mul3A_796] : memref<100352xf32, #tpu.memory_space<vmem_shared>> -> memref<6272xf32, #tpu.memory_space<vmem_shared>>
      tpu.enqueue_dma source(%dma_start3A_811 : memref<6272xf32, #tpu.memory_space<vmem_shared>>) target(%arg14 : memref<6272xf32, #tpu.memory_space<vmem>>) target_semaphore(%run_scoped3A_809 : memref<!tpu.dma_semaphore, #tpu.memory_space<semaphore_mem>>)
      %dma_wait3A = tpu.memref_slice %arg7[%mul3A_796] : memref<100352xf32, #tpu.memory_space<vmem_shared>> -> memref<6272xf32, #tpu.memory_space<vmem_shared>>
      %dma_wait3A_812 = tpu.memref_slice %arg7[%mul3A_796] : memref<100352xf32, #tpu.memory_space<vmem_shared>> -> memref<6272xf32, #tpu.memory_space<vmem_shared>>
      tpu.wait_dma2 semaphore(%run_scoped3A_809 : memref<!tpu.dma_semaphore, #tpu.memory_space<semaphore_mem>>) src(%dma_wait3A_812 : memref<6272xf32, #tpu.memory_space<vmem_shared>>) dst(%arg14 : memref<6272xf32, #tpu.memory_space<vmem>>)
      tpu.yield
    }) : () -> ()
    %mul3A_797 = arith.constant 100352 : i32
    %mul3A_798 = arith.muli %arg0, %mul3A_797 : i32
    %mul3A_799 = arith.constant 6272 : i32
    %mul3A_800 = arith.muli %arg1, %mul3A_799 : i32
    %add3A_801 = arith.addi %mul3A_798, %mul3A_800 : i32
    "tpu.region"() ({
      %run_scoped3A_809 = tpu.sem_alloc : memref<!tpu.dma_semaphore, #tpu.memory_space<semaphore_mem>>
      %dma_start3A_810 = tpu.memref_slice %arg5[%add3A_801] : memref<200704xf32, #tpu.memory_space<hbm>> -> memref<6272xf32, #tpu.memory_space<hbm>>
      %dma_start3A_811 = tpu.memref_slice %arg5[%add3A_801] : memref<200704xf32, #tpu.memory_space<hbm>> -> memref<6272xf32, #tpu.memory_space<hbm>>
      tpu.enqueue_dma source(%arg14 : memref<6272xf32, #tpu.memory_space<vmem>>) target(%dma_start3A_811 : memref<6272xf32, #tpu.memory_space<hbm>>) target_semaphore(%run_scoped3A_809 : memref<!tpu.dma_semaphore, #tpu.memory_space<semaphore_mem>>)
      %dma_wait3A = tpu.memref_slice %arg5[%add3A_801] : memref<200704xf32, #tpu.memory_space<hbm>> -> memref<6272xf32, #tpu.memory_space<hbm>>
      %dma_wait3A_812 = tpu.memref_slice %arg5[%add3A_801] : memref<200704xf32, #tpu.memory_space<hbm>> -> memref<6272xf32, #tpu.memory_space<hbm>>
      tpu.wait_dma2 semaphore(%run_scoped3A_809 : memref<!tpu.dma_semaphore, #tpu.memory_space<semaphore_mem>>) src(%arg14 : memref<6272xf32, #tpu.memory_space<vmem>>) dst(%dma_wait3A_812 : memref<6272xf32, #tpu.memory_space<hbm>>)
      tpu.yield
    }) : () -> ()
    %mul3A_802 = arith.constant 6272 : i32
    %mul3A_803 = arith.muli %arg1, %mul3A_802 : i32
    "tpu.region"() ({
      %run_scoped3A_809 = tpu.sem_alloc : memref<!tpu.dma_semaphore, #tpu.memory_space<semaphore_mem>>
      %dma_start3A_810 = tpu.memref_slice %arg8[%mul3A_803] : memref<100352xf32, #tpu.memory_space<vmem_shared>> -> memref<6272xf32, #tpu.memory_space<vmem_shared>>
      %dma_start3A_811 = tpu.memref_slice %arg8[%mul3A_803] : memref<100352xf32, #tpu.memory_space<vmem_shared>> -> memref<6272xf32, #tpu.memory_space<vmem_shared>>
      tpu.enqueue_dma source(%dma_start3A_811 : memref<6272xf32, #tpu.memory_space<vmem_shared>>) target(%arg14 : memref<6272xf32, #tpu.memory_space<vmem>>) target_semaphore(%run_scoped3A_809 : memref<!tpu.dma_semaphore, #tpu.memory_space<semaphore_mem>>)
      %dma_wait3A = tpu.memref_slice %arg8[%mul3A_803] : memref<100352xf32, #tpu.memory_space<vmem_shared>> -> memref<6272xf32, #tpu.memory_space<vmem_shared>>
      %dma_wait3A_812 = tpu.memref_slice %arg8[%mul3A_803] : memref<100352xf32, #tpu.memory_space<vmem_shared>> -> memref<6272xf32, #tpu.memory_space<vmem_shared>>
      tpu.wait_dma2 semaphore(%run_scoped3A_809 : memref<!tpu.dma_semaphore, #tpu.memory_space<semaphore_mem>>) src(%dma_wait3A_812 : memref<6272xf32, #tpu.memory_space<vmem_shared>>) dst(%arg14 : memref<6272xf32, #tpu.memory_space<vmem>>)
      tpu.yield
    }) : () -> ()
    %mul3A_804 = arith.constant 100352 : i32
    %mul3A_805 = arith.muli %arg0, %mul3A_804 : i32
    %mul3A_806 = arith.constant 6272 : i32
    %mul3A_807 = arith.muli %arg1, %mul3A_806 : i32
    %add3A_808 = arith.addi %mul3A_805, %mul3A_807 : i32
    "tpu.region"() ({
      %run_scoped3A_809 = tpu.sem_alloc : memref<!tpu.dma_semaphore, #tpu.memory_space<semaphore_mem>>
      %dma_start3A_810 = tpu.memref_slice %arg6[%add3A_808] : memref<200704xf32, #tpu.memory_space<hbm>> -> memref<6272xf32, #tpu.memory_space<hbm>>
      %dma_start3A_811 = tpu.memref_slice %arg6[%add3A_808] : memref<200704xf32, #tpu.memory_space<hbm>> -> memref<6272xf32, #tpu.memory_space<hbm>>
      tpu.enqueue_dma source(%arg14 : memref<6272xf32, #tpu.memory_space<vmem>>) target(%dma_start3A_811 : memref<6272xf32, #tpu.memory_space<hbm>>) target_semaphore(%run_scoped3A_809 : memref<!tpu.dma_semaphore, #tpu.memory_space<semaphore_mem>>)
      %dma_wait3A = tpu.memref_slice %arg6[%add3A_808] : memref<200704xf32, #tpu.memory_space<hbm>> -> memref<6272xf32, #tpu.memory_space<hbm>>
      %dma_wait3A_812 = tpu.memref_slice %arg6[%add3A_808] : memref<200704xf32, #tpu.memory_space<hbm>> -> memref<6272xf32, #tpu.memory_space<hbm>>
      tpu.wait_dma2 semaphore(%run_scoped3A_809 : memref<!tpu.dma_semaphore, #tpu.memory_space<semaphore_mem>>) src(%arg14 : memref<6272xf32, #tpu.memory_space<vmem>>) dst(%dma_wait3A_812 : memref<6272xf32, #tpu.memory_space<hbm>>)
      tpu.yield
    }) : () -> ()
    return
  }
}

</mosaic_0001>

<sc_bundles>
// kernel: _center_loss.4.cloned.1.call-start
scs
__scs_entry_jumppad:
0x0: {  	(pc) =	sbr.rel $0x88, $3  }
0x1: {  	(tag) =	ssettag $0x0;
	lr =	simm.s32 $0x1  }
0x2: {  	[smem:$0x3F9E] =	sst lr;
	_ =	strace $0xD0000000  }
0x3: {  	_ = 	snop  }
0x4: {  	_ = 	snop  }
0x5: {  	_ = 	snop  }
0x6: {  	_ = 	snop  }
0x7: {  	_ = 	snop  }
__scs_overlays_trampoline_lowered:
0x8: {  	[smem:$0x3FAD] =	sst s0  }
0x9: {  	[smem:$0x3FAE] =	sst s1  }
0xa: {  	[smem:$0x3FAF] =	sst s2  }
0xb: {  	[smem:$0x3FB0] =	sst s3  }
0xc: {  	[smem:$0x3FB1] =	sst s4  }
0xd: {  	[smem:$0x3FB2] =	sst s5  }
0xe: {  	[smem:$0x3FB3] =	sst s6  }
0xf: {  	[smem:$0x3FB4] =	sst s7  }
0x10: {  	[smem:$0x3FB5] =	sst s8  }
0x11: {  	[smem:$0x3FB6] =	sst s9;
	s0 =	simm.s32 @!p0 $0x0  }
0x12: {  	s1 =	sld [smem:$0x3F9C];
	s0 =	simm.s32 @p0 $0x1  }
0x13: {  	[smem:$0x3FB7] =	sst s0;
	s0 =	simm.s32 @!p1 $0x0  }
0x14: {  	s2 =	sld [smem:$0x3F9B];
	s0 =	simm.s32 @p1 $0x1  }
0x15: {  	[smem:$0x3FB8] =	sst s0;
	s0 =	simm.s32 @!p2 $0x0  }
0x16: {  	s3 =	sld [smem:$0x3FDB];
	s0 =	simm.s32 @p2 $0x1  }
0x17: {  	s4 =	simm.s32 $0x1BF5;
	[smem:$0x3FBA] =	sst s0  }
0x18: {  	s0 =	sld [smem:$0x3F9D];
	_ =	swait.ge [sflag:s4], $0x0  }
0x19: {  	s7 =	sld [smem:$0x3F9E]  }
0x1a: {  	s8 =	sadd.s32 $0xFFFFE003, lr  }
0x1b: {  	s9 =	sadd.s32 $0xFFFFFEF7, lr;
	s5 =	simm.s32 $0xFFFFFFFF;
	p2 =	slt.u32 s8, $0xFFFFF086  }
0x1c: {  	p1 =	slt.u32 s9, $0xF7A;
	s5 =	simm.s32 @!p2 $0x0  }
0x1d: {  	s5 =	simm.s32 @p1 $0x1;
	p0 =	seq.s32 s7, s2  }
0x1e: {  	s7 =	smul.u32 @!p0 $0xF7A, s2;
	p2 =	seq.s32 @!p0 s5, $0x0  }
0x1f: {  	s9 =	smul.u32 $0xF7A, s1;
	s8 =	simm.s32 @!p0 $0x1BF5;
	p2 =	por !p2, p0  }
0x20: {  	[sflag:s8] =	ssyncset.s32 @!p0 $0xFFFFF086;
	s6 =	sadd.s32 @!p0 s3, s7;
	s7 =	simm.s32 @!p0 $0x108  }
0x21: {  	s3 =	sadd.s32 s3, s9;
	s6 =	sadd.s32 @!p0 $0x88, s6;
	s7 =	simm.s32 @p2 $0x1082  }
0x22: {  	[simem:s7], [sflag:s8] =	dma.local @!p0 [hbm:s6], $0xF7A  }
0x23: {  	s9 =	sor.u32 $0xD0000000, s2;
	s6 =	simm.s32 $0x108;
	_ =	swait.ge @!p0 [sflag:s8], $0x0  }
0x24: {  	s3 =	sadd.s32 $0x88, s3;
	s6 =	simm.s32 @!p1 $0x1082;
	[sflag:s4] =	ssyncset.s32 $0xFFFFF086  }
0x25: {  	[simem:s6], [sflag:s4] =	dma.local [hbm:s3], $0xF7A  }
0x26: {  	[smem:$0x3F9E] =	sst s1;
	(tag) =	ssettag s2;
	_ =	strace s9  }
0x27: {  	s1 =	sld [smem:$0x3FAE]  }
0x28: {  	s2 =	sld [smem:$0x3FAF]  }
0x29: {  	s4 =	sld [smem:$0x3FB1]  }
0x2a: {  	p0 =	seq.s32 s5, $0x0;
	s5 =	sld [smem:$0x3FB2]  }
0x2b: {  	s6 =	sld [smem:$0x3FB3]  }
0x2c: {  	s7 =	sld [smem:$0x3FB4]  }
0x2d: {  	s3 =	simm.s32 $0x108;
	s8 =	sld [smem:$0x3FB5]  }
0x2e: {  	s3 =	simm.s32 @!p0 $0x1082;
	s9 =	sld [smem:$0x3FB6]  }
0x2f: {  	lr =	sadd.s32 s0, s3;
	s0 =	sld [smem:$0x3FAD]  }
0x30: {  	s3 =	sld [smem:$0x3FB0]  }
0x31: {  	[smem:$0x3FB9] =	sst s10  }
0x32: {  	s10 =	sld [smem:$0x3FB7];
	_ =	sdelay $0x3  }
0x33: {  	p0 =	seq.s32 s10, $0x1;
	s10 =	sld [smem:$0x3FB9];
	_ =	sdelay $0x3  }
0x34: {  	[smem:$0x3FB9] =	sst s10  }
0x35: {  	s10 =	sld [smem:$0x3FB8];
	_ =	sdelay $0x3  }
0x36: {  	p1 =	seq.s32 s10, $0x1;
	s10 =	sld [smem:$0x3FB9];
	_ =	sdelay $0x3  }
0x37: {  	[smem:$0x3FB9] =	sst s10  }
0x38: {  	s10 =	sld [smem:$0x3FBA]  }
0x39: {  	_ = 	snop;
	(pc) =	sbr.ind lr, $3  }
0x3a: {  	_ = 	snop  }
0x3b: {  	_ = 	snop  }
0x3c: {  	p2 =	seq.s32 s10, $0x1;
	s10 =	sld [smem:$0x3FB9]  }
0x3d: {  	_ =	shalt  }
0x3e: {  	_ =	shalt  }
0x3f: {  	_ =	shalt  }
0x40: {  	_ =	shalt  }
0x41: {  	_ =	shalt  }
0x42: {  	_ =	shalt  }
0x43: {  	_ =	shalt  }
0x44: {  	_ =	shalt  }
0x45: {  	_ =	shalt  }
0x46: {  	_ =	shalt  }
0x47: {  	_ =	shalt  }
0x48: {  	_ =	shalt  }
0x49: {  	_ =	shalt  }
0x4a: {  	_ =	shalt  }
0x4b: {  	_ =	shalt  }
0x4c: {  	_ =	shalt  }
0x4d: {  	_ =	shalt  }
0x4e: {  	_ =	shalt  }
0x4f: {  	_ =	shalt  }
0x50: {  	_ =	shalt  }
0x51: {  	_ =	shalt  }
0x52: {  	_ =	shalt  }
0x53: {  	_ =	shalt  }
0x54: {  	_ =	shalt  }
0x55: {  	_ =	shalt  }
0x56: {  	_ =	shalt  }
0x57: {  	_ =	shalt  }
0x58: {  	_ =	shalt  }
0x59: {  	_ =	shalt  }
0x5a: {  	_ =	shalt  }
0x5b: {  	_ =	shalt  }
0x5c: {  	_ =	shalt  }
0x5d: {  	_ =	shalt  }
0x5e: {  	_ =	shalt  }
0x5f: {  	_ =	shalt  }
0x60: {  	_ =	shalt  }
0x61: {  	_ =	shalt  }
0x62: {  	_ =	shalt  }
0x63: {  	_ =	shalt  }
0x64: {  	_ =	shalt  }
0x65: {  	_ =	shalt  }
0x66: {  	_ =	shalt  }
0x67: {  	_ =	shalt  }
0x68: {  	_ =	shalt  }
0x69: {  	_ =	shalt  }
0x6a: {  	_ =	shalt  }
0x6b: {  	_ =	shalt  }
0x6c: {  	_ =	shalt  }
0x6d: {  	_ =	shalt  }
0x6e: {  	_ =	shalt  }
0x6f: {  	_ =	shalt  }
0x70: {  	_ =	shalt  }
0x71: {  	_ =	shalt  }
0x72: {  	_ =	shalt  }
0x73: {  	_ =	shalt  }
0x74: {  	_ =	shalt  }
0x75: {  	_ =	shalt  }
0x76: {  	_ =	shalt  }
0x77: {  	_ =	shalt  }
0x78: {  	_ =	shalt  }
0x79: {  	_ =	shalt  }
0x7a: {  	_ =	shalt  }
0x7b: {  	_ =	shalt  }
0x7c: {  	_ =	shalt  }
0x7d: {  	_ =	shalt  }
0x7e: {  	_ =	shalt  }
0x7f: {  	_ =	shalt  }
0x80: {  	_ =	shalt  }
0x81: {  	_ =	shalt  }
0x82: {  	_ =	shalt  }
0x83: {  	_ =	shalt  }
0x84: {  	_ =	shalt  }
0x85: {  	_ =	shalt  }
0x86: {  	_ =	shalt  }
0x87: {  	_ =	shalt  }
.Lfunc_end0:
.L_simem_size_0:
called_computation_lowered:
.L_overlay_start_0:
0x88: {  	s2 =	sld [smem:$0x3FD9]  }
0x89: {  	s3 =	sld [smem:$0x3FFE];
	_ =	sdelay $0x1  }
0x8a: {  	s1 =	srdreg.scid  }
0x8b: {  	s0 =	sand.u32 $0x1, s1  }
0x8c: {  	s17 =	sshll.u32 s0, $0xA;
	s2 =	sadd.s32 s3, s2  }
0x8d: {  	s2 =	sadd.s32 s2, s17  }
0x8e: {  	[smem:$0x3FC5] =	sst s2  }
0x8f: {  	_ = 	snop  }
0x90: {  	s2 =	sld [smem:$0x3FC8];
	(tm) =	ssettm $0x1  }
0x91: {  	s18 =	sld [smem:$0x3FFB];
	_ =	sdelay $0x3  }
0x92: {  	_ =	strace s18  }
0x93: {  	s3 =	sld [smem:$0x3FFC];
	_ =	sdelay $0x3  }
0x94: {  	_ =	strace s3  }
0x95: {  	s3 =	sld [smem:$0x3FFD];
	_ =	sdelay $0x3  }
0x96: {  	_ =	strace s3  }
0x97: {  	_ =	strace $0x8FFFFFFF  }
0x98: {  	s19 =	sld [smem:$0x3FDB];
	_ =	sdelay $0x1  }
0x99: {  	s4 =	simm.s32 $_scs_section_size  }
0x9a: {  	s5 =	simm.s32 $_size__tile_overlayer_lowered;
	s6 =	simm.s32 $_tile_overlayer_lowered  }
0x9b: {  	s22 =	simm.s32 $0x1BFF;
	s21 =	sshll.u32 s6, $0x1;
	s3 =	sadd.s32 s4, s19  }
0x9c: {  	s7 =	simm.s32 $0x0;
	s20 =	sshll.u32 s5, $0x1;
	s5 =	sadd.s32 s21, s3  }
0x9d: {  	[timem:s7], [sflag:s22] =	dma.local [hbm:s5], s20  }
0x9e: {  	_ =	swait.ge [sflag:s22], s20  }
0x9f: {  	s4 =	ssub.s32 $0x0, s20;
	[sflag:s22] =	ssyncset.done $0x0  }
0xa0: {  	[sflag:s22] =	ssyncadd.s32 s4;
	_ =	sdelay $0x1  }
0xa1: {  	s23 =	simm.s32 $0x1B8B  }
0xa2: {  	_ =	swait.ge [sflag:s23], $0x1  }
0xa3: {  	[sflag:s23] =	ssyncset.done $0x0  }
0xa4: {  	s25 =	simm.s32 $0x1B8E;
	s24 =	sld [smem:$0x3FFE];
	[sflag:s23] =	ssyncadd.s32 $0xFFFFFFFF  }
0xa5: {  	s26 =	simm.s32 $execute0_lowered;
	[smem:$0x3FD2] =	sst s25  }
0xa6: {  	s5 =	sshll.u32 s26, $0x1;
	_ =	strace $0x80000046;
	[dreg:$0x1] =	wrdreg $0xFFFFFFFF  }
0xa7: {  	s28 =	simm.s32 $_size_execute0_lowered;
	s3 =	sadd.s32 s3, s5;
	[dreg:$0x0] =	wrdreg $0x0  }
0xa8: {  	s5 =	sshll.u32 s28, $0x1;
	[dreg:$0x2] =	wrdreg s3  }
0xa9: {  	[dreg:$0x3] =	wrdreg s5  }
0xaa: {  	[dreg:$0x4] =	wrdreg $0xC0  }
0xab: {  	_ =	task [dreg:s7], $0x5FFFF  }
0xac: {  	[dreg:$0x1] =	wrdreg $0xFFFFFFFF  }
0xad: {  	[dreg:$0x0] =	wrdreg $0x60  }
0xae: {  	[dreg:$0x2] =	wrdreg s24  }
0xaf: {  	[dreg:$0x3] =	wrdreg s2  }
0xb0: {  	[dreg:$0x4] =	wrdreg $0x0  }
0xb1: {  	[dreg:$0x5] =	wrdreg $0x18800  }
0xb2: {  	[dreg:$0x6] =	wrdreg $0x9  }
0xb3: {  	_ =	task.clear_ibuf [dreg:s7], $0x7FFFF;
	_ =	strace $0x90000046  }
0xb4: {  	s29 =	simm.s32 $0x9;
	_ =	strace $0x80000048  }
0xb5: {  	_ =	swait.ge [sflag:s29], $0x1  }
0xb6: {  	[sflag:s29] =	ssyncadd.s32 $0xFFFFFFFF  }
0xb7: {  	_ =	strace $0x90000048  }
0xb8: {  	_ =	sfence  }
0xb9: {  	s30 =	sld [smem:$0x0];
	_ =	sdelay $0x2  }
0xba: {  	s31 =	sshll.u32 s1, $0xD;
	s1 =	sshrl.u32 s1, $0x2  }
0xbb: {  	s3 =	sand.u32 $0x4000, s31;
	s1 =	sadd.s32 s1, s30  }
0xbc: {  	s0 =	sor.u32 s3, s0;
	s1 =	sshll.u32 s1, $0x11  }
0xbd: {  	s0 =	sor.u32 s1, s0  }
0xbe: {  	s0 =	sadd.s32 $0x8F2B, s0  }
0xbf: {  	[sflag:s0] =	ssyncadd.remote.s32 $0x1  }
0xc0: {  	_ =	sfence.sel $0xFFFF  }
0xc1: {  	[dreg:$0x0] =	wrdreg $0xFFFFFFFF;
	(pc) =	sbr.abs _section_cstart, $3  }
0xc2: {  	[dreg:$0x1] =	wrdreg $0xFFFFFFFF  }
0xc3: {  	_ =	task.clear_ibuf [dreg:s7], $0x2FFFF;
	_ =	strace $0x9FFFFFFF  }
0xc4: {  	(tm) =	ssettm $0x7FFFFFFF  }
0xc5: {  	_ =	shalt  }
tec
execute0_lowered:
.L_overlay_start_1:
0x0: {  	(tag) =	ssettag $0x1  }
0x1: {  	v0 =	vlaneseq.u32;
	v3 =	vimm.f32 $0.0e+00;
	v1 =	vimm.s32 $0x34333231  }
0x2: {  	v2 =	vimm.s32 $0x38373635;
	vm0 =	vcmask $0x1F10;
	v39 =	vimm.s32 $0x35343332  }
0x3: {  	v40 =	vimm.s32 $0x3D3C3B3A;
	v41 =	vimm.s32 $0x1003F3E;
	v61 =	vimm.s32 $0x36353433  }
0x4: {  	v62 =	vimm.s32 $0x3A393837;
	v46 =	vimm.s32 $0x3020100;
	v50 =	vimm.s32 $0x3F3E3D3C  }
0x5: {  	v51 =	vimm.s32 $0x37363534;
	v47 =	vimm.s32 $0x3B3A3938;
	v49 =	vimm.s32 $0x98765432  }
0x6: {  	vm1 =	vcmask $0x2F10;
	vm2 =	vcmask $0x3F30;
	v4 =	vadd.s32 $0x1, v0  }
0x7: {  	v5 =	vadd.s32 $0x2, v0;
	v7 =	vadd.s32 $0x3, v0;
	v9 =	vadd.s32 $0x4, v0  }
0x8: {  	v11 =	vadd.s32 $0x5, v0;
	v12 =	vadd.s32 $0x6, v0;
	v13 =	vadd.s32 $0x7, v0  }
0x9: {  	v18 =	vadd.s32 $0x8, v0;
	v19 =	vadd.s32 $0x9, v0;
	v20 =	vadd.s32 $0xA, v0  }
0xa: {  	v21 =	vadd.s32 $0xB, v0;
	v22 =	vadd.s32 $0xC, v0;
	v23 =	vadd.s32 $0xD, v0  }
0xb: {  	v24 =	vadd.s32 $0xE, v0;
	v25 =	vadd.s32 $0xF, v0;
	v26 =	vor.u32 $0x10, v0  }
0xc: {  	v27 =	vadd.s32 $0x11, v0;
	v28 =	vadd.s32 $0x12, v0;
	v29 =	vadd.s32 $0x13, v0  }
0xd: {  	v30 =	vadd.s32 $0x14, v0;
	v31 =	vadd.s32 $0x15, v0;
	v32 =	vadd.s32 $0x16, v0  }
0xe: {  	v33 =	vadd.s32 $0x17, v0;
	v34 =	vadd.s32 $0x18, v0;
	v35 =	vadd.s32 $0x19, v0  }
0xf: {  	v36 =	vadd.s32 $0x1A, v0;
	v37 =	vadd.s32 $0x1B, v0;
	v42 =	vadd.s32 $0x1C, v0  }
0x10: {  	v43 =	vadd.s32 $0x1D, v0;
	v44 =	vadd.s32 $0x1E, v0;
	v45 =	vadd.s32 $0x1F, v0  }
0x11: {  	v52 =	vor.u32 $0x20, v0;
	v53 =	vadd.s32 $0x21, v0;
	v54 =	vadd.s32 $0x22, v0  }
0x12: {  	v55 =	vadd.s32 $0x23, v0;
	v38 =	vunpack.c.0.s8.s32 v1;
	v59 =	vunpack.c.0.s8.s32 v2  }
0x13: {  	v1 =	vimm.s32 $0x3C3B3A39;
	v2 =	vimm.s32 $0x3F3E3D;
	v39 =	vunpack.c.0.s8.s32 v39  }
0x14: {  	v8 =	vunpack.c.0.s8.s32 v40;
	v58 =	vadd.s32 $0x24, v0;
	v10 =	vadd.s32 $0x25, v0  }
0x15: {  	v16 =	vunpack.c.0.s8.s32 v62;
	v63 =	vunpack.c.0.s8.s32 v46;
	v17 =	vunpack.c.0.s8.s32 v50  }
0x16: {  	s3 =	rddreg [dreg:$0x0];
	v48 =	vunpack.c.0.s8.s32 v47;
	v46 =	vimm.s32 $0x201003F;
	v62 =	vimm.s32 $0x87654321  }
0x17: {  	s6 =	rddreg [dreg:$0x1];
	v50 =	vimm.s32 $0x32107654;
	v49 =	vunpack.c.l.s4.s8 v49;
	v60 =	vunpack.c.0.s8.s32 v1  }
0x18: {  	s0 =	rddreg [dreg:$0x2];
	s4 =	simm.s32 $0x0;
	v2 =	vunpack.c.0.s8.s32 v2;
	v1 =	vimm.s32 $0x39383736;
	v47 =	vunpack.c.l.s4.s8 v62  }
0x19: {  	[smem:$0x7FF] =	sst s4;
	v6 =	vunpack.c.0.s8.s32 v1;
	v1 =	vunpack.c.0.s8.s32 v41;
	v38 =	vsel vm0, v59, v38  }
0x1a: {  	s2 =	rddreg [dreg:$0x3];
	_ =	strace $0x80000047;
	[tilespmem:$0x1FF70] =	vst v10;
	v62 =	vunpack.c.0.s8.s32 v49;
	v49 =	vimm.s32 $0x6050403;
	v40 =	vsel vm0, v2, v60  }
0x1b: {  	[tilespmem:$0x1FFD0] =	vst v4;
	v47 =	vunpack.c.0.s8.s32 v47;
	v39 =	vsel vm0, v6, v39;
	v41 =	vsel vm0, v1, v8  }
0x1c: {  	[tilespmem:$0x1FFF0] =	vst v5;
	v14 =	vcombine.low v38, v40;
	v38 =	vunpack.c.0.s8.s32 v61;
	v61 =	vunpack.c.0.s8.s32 v51  }
0x1d: {  	s1 =	srdreg.scid;
	[tilespmem:$0x1FE60] =	vst v48;
	v51 =	vunpack.c.l.s4.s8 v50;
	v15 =	vcombine.low v39, v41;
	v39 =	vsel vm0, v63, v17  }
0x1e: {  	s7 =	sand.u32 $0x1, s1;
	[tilespmem:$0x1FF60] =	vst v8;
	v63 =	vimm.s32 $0x4030201;
	v56 =	vsel vm0, v16, v38;
	v38 =	vsel vm0, v48, v61  }
0x1f: {  	s5 =	stileid.u32;
	s1 =	sshll.u32 s7, $0x4;
	[tilespmem:$0x1FFA0] =	vst v16;
	v48 =	vunpack.c.0.s8.s32 v63;
	v61 =	vand.u32 $0xF, v47;
	v63 =	vunpack.c.0.s8.s32 v51  }
0x20: {  	s8 =	sor.u32 s5, s1;
	[tilespmem:$0x1FFB0] =	vst v17;
	v51 =	vimm.s32 $0x76543210;
	v38 =	vcombine.low v38, v39;
	v39 =	vcombine.low v40, v61  }
0x21: {  	s29 =	simm.s32 $0x14A00;
	s16 =	sshll.u32 s8, $0xC;
	[tilespmem:$0x1FF50] =	vst v6;
	v57 =	vsel vm0, v48, v2;
	v61 =	vand.u32 $0xF, v63;
	v63 =	vimm.s32 $0xB0A0908  }
0x22: {  	s30 =	simm.s32 $0x3;
	s8 =	sshll.u32 s8, $0x6;
	v48 =	vimm.s32 $0x6543A987;
	[tilespmem:$0x1FE80] =	vst v57;
	v57 =	vand.u32 $0xF, v62;
	v62 =	vimm.s32 $0x43218765  }
0x23: {  	s31 =	simm.s32 $0x3900;
	s15 =	smul.u32 $0x1880, s5;
	s6 =	sadd.s32 s6, s8;
	[tilespmem:$0x1FE70] =	vst v38;
	v38 =	vimm.s32 $0x5040302;
	v50 =	vsel vm1, v61, v17;
	v47 =	vunpack.c.l.s4.s8 v62  }
0x24: {  	s9 =	smul.u32 $0x18800, s7;
	s7 =	ssub.s32 $0x2, s7;
	s8 =	sadd.s32 $0x4, s6;
	[tilespmem:$0x1FE90] =	vst v39;
	v39 =	vcombine.low v41, v57;
	v57 =	vunpack.c.0.s8.s32 v63;
	v62 =	vimm.s32 $0x54329876  }
0x25: {  	s5 =	sadd.s32 $0x20C00, s3;
	s17 =	sadd.s32 $0x8, s6;
	[dreg:$0x5] =	wrdreg s8;
	[tilespmem:$0x1FF80] =	vst v14;
	v63 =	vimm.s32 $0xC0B0A09;
	v38 =	vunpack.c.0.s8.s32 v38;
	v61 =	vunpack.c.0.s8.s32 v47  }
0x26: {  	s11 =	sshrl.u32 s7, $0x1;
	s18 =	sadd.s32 $0xC, s6;
	[dreg:$0x6] =	wrdreg s17;
	[tilespmem:$0x1FEA0] =	vst v39;
	v39 =	vsel vm2, v57, v50;
	v47 =	vunpack.c.l.s4.s8 v62;
	v50 =	vunpack.c.l.s4.s8 v48  }
0x27: {  	s1 =	simm.s32 $0x4900;
	s19 =	sadd.s32 $0x10, s6;
	[dreg:$0x7] =	wrdreg s18;
	v38 =	vsel vm0, v38, v1;
	[tilespmem:$0x1FEB0] =	vst v39;
	v39 =	vunpack.c.0.s8.s32 v63;
	v41 =	vand.u32 $0xF, v61  }
0x28: {  	s9 =	sadd.s32 s15, s9;
	s20 =	sadd.s32 $0x14, s6;
	[dreg:$0x8] =	wrdreg s19;
	[tilespmem:$0x1FF90] =	vst v15;
	v63 =	vunpack.c.0.s8.s32 v49;
	v40 =	vunpack.c.0.s8.s32 v47;
	v2 =	vsel vm1, v41, v2  }
0x29: {  	s7 =	ssub.s32 s7, s11;
	s21 =	sadd.s32 $0x18, s6;
	[dreg:$0x9] =	wrdreg s20;
	[tilespmem:$0x1FFC0] =	vst v56;
	v61 =	vimm.s32 $0xA9876543;
	v47 =	vsel vm2, v39, v2;
	v2 =	vimm.s32 $0xD0C0B0A  }
0x2a: {  	s11 =	simm.s32 $0x0;
	s22 =	sadd.s32 $0x1C, s6;
	[dreg:$0xa] =	wrdreg s21;
	[tilespmem:$0x1FEC0] =	vst v38;
	v57 =	vand.u32 $0xF, v40;
	v39 =	vunpack.c.0.s8.s32 v50;
	v50 =	vunpack.c.0.s8.s32 v46  }
0x2b: {  	s10 =	sadd.s32 s16, s3;
	s23 =	sadd.s32 $0x20, s6;
	[dreg:$0xb] =	wrdreg s22;
	v46 =	vunpack.c.l.s4.s8 v51;
	v1 =	vsel vm1, v57, v1;
	v57 =	vadd.s32 $0x2D, v0;
	[tilespmem:$0x1FFE0] =	vst v47  }
0x2c: {  	s9 =	sshrl.u32 s9, $0x3;
	s24 =	sadd.s32 $0x24, s6;
	[dreg:$0xc] =	wrdreg s23;
	v41 =	vadd.s32 $0x28, v0;
	v2 =	vunpack.c.0.s8.s32 v2;
	v48 =	vsel vm0, v63, v50;
	[tilespmem:$0x1FF10] =	vst v57  }
0x2d: {  	s3 =	sadd.s32 s9, s3;
	s25 =	sadd.s32 $0x28, s6;
	[dreg:$0xd] =	wrdreg s24;
	v62 =	vand.u32 $0xF, v39;
	v51 =	vunpack.c.0.s8.s32 v46;
	v63 =	vor.u32 $0x30, v0;
	[tilespmem:$0x1FEE0] =	vst v48  }
0x2e: {  	s26 =	sadd.s32 $0x2C, s6;
	s28 =	sadd.s32 $0x3C, s6;
	[dreg:$0xe] =	wrdreg s25;
	v39 =	vadd.s32 $0x27, v0;
	v1 =	vsel vm2, v2, v1;
	v2 =	vunpack.c.l.s4.s8 v61;
	[tilespmem:$0x1FF40] =	vst v63  }
0x2f: {  	s9 =	simm.s32 $0x14980;
	[dreg:$0xf] =	wrdreg s26;
	s18 =	sadd.s32 $0x30, s6;
	v46 =	vadd.s32 $0x2A, v0;
	v38 =	vsel vm1, v62, v50;
	[tilespmem:$0x1FED0] =	vst v1;
	v1 =	vimm.s32 $0xE0D0C0B  }
0x30: {  	s19 =	sadd.s32 $0x34, s6;
	s21 =	sadd.s32 $0xC00, s10;
	s23 =	sadd.s32 $0x1A7600, s3;
	v61 =	vadd.s32 $0x2E, v0;
	[tilespmem:$0x1FEF0] =	vst v51;
	v1 =	vunpack.c.0.s8.s32 v1;
	v2 =	vunpack.c.0.s8.s32 v2  }
0x31: {  	s20 =	sadd.s32 s15, s0;
	s22 =	sadd.s32 s15, s2;
	s24 =	sadd.s32 $0x1AD800, s3;
	v48 =	vadd.s32 $0x2B, v0;
	v62 =	vadd.s32 $0x2F, v0;
	v51 =	vadd.s32 $0x2C, v0;
	[tilespmem:$0x1FF20] =	vst v61  }
0x32: {  	s25 =	smax.u32 s7, $0x1;
	s26 =	sadd.s32 $0x38, s6;
	s3 =	simm.s32 $0x2;
	[tilespmem:$0x1FF30] =	vst v62;
	v49 =	vsel vm2, v1, v38;
	v1 =	vimm.s32 $0x3E3D3C3B;
	v2 =	vand.u32 $0xF, v2  }
0x33: {  	s7 =	simm.s32 $0x1;
	s8 =	simm.s32 $0x20;
	s10 =	simm.s32 $0x14900;
	v38 =	vadd.s32 $0x29, v0;
	v1 =	vunpack.c.0.s8.s32 v1;
	[tilespmem:$0x1FF00] =	vst v2;
	v2 =	vadd.s32 $0x26, v0  }
.LBB2_1:
0x34: {  	s12 =	simm.s32 $0x3100  }
0x35: {  	[tilespmem:s12], [sflag:$0x3] =	stream.linear.gather [hbm4b:s6+s4], $0x20, $0x38;
	[tilespmem:$0x16280] =	vst v63  }
0x36: {  	_ =	swait.ge [sflag:s30], $0x20  }
0x37: {  	[sflag:s30] =	ssyncset.done $0x0  }
0x38: {  	s13 =	simm.s32 $0x3180;
	s17 =	rddreg [dreg:$0x5];
	[sflag:s30] =	ssyncadd.s32 $0xFFFFFFE0  }
0x39: {  	[tilespmem:s13], [sflag:$0x3] =	stream.linear.gather [hbm4b:s17+s4], $0x20, $0x38;
	[tilespmem:$0x16280] =	vst v63  }
0x3a: {  	_ =	swait.ge [sflag:s30], $0x20  }
0x3b: {  	[sflag:s30] =	ssyncset.done $0x0  }
0x3c: {  	s15 =	simm.s32 $0x3200;
	s14 =	rddreg [dreg:$0x6];
	[sflag:s30] =	ssyncadd.s32 $0xFFFFFFE0  }
0x3d: {  	[tilespmem:s15], [sflag:$0x3] =	stream.linear.gather [hbm4b:s14+s4], $0x20, $0x38;
	[tilespmem:$0x16280] =	vst v63  }
0x3e: {  	_ =	swait.ge [sflag:s30], $0x20  }
0x3f: {  	[sflag:s30] =	ssyncset.done $0x0  }
0x40: {  	s17 =	simm.s32 $0x3280;
	s16 =	rddreg [dreg:$0x7];
	[sflag:s30] =	ssyncadd.s32 $0xFFFFFFE0  }
0x41: {  	[tilespmem:s17], [sflag:$0x3] =	stream.linear.gather [hbm4b:s16+s4], $0x20, $0x38;
	[tilespmem:$0x16280] =	vst v63  }
0x42: {  	_ =	swait.ge [sflag:s30], $0x20  }
0x43: {  	[sflag:s30] =	ssyncset.done $0x0  }
0x44: {  	s15 =	simm.s32 $0x3300;
	s14 =	rddreg [dreg:$0x8];
	[sflag:s30] =	ssyncadd.s32 $0xFFFFFFE0  }
0x45: {  	[tilespmem:s15], [sflag:$0x3] =	stream.linear.gather [hbm4b:s14+s4], $0x20, $0x38;
	[tilespmem:$0x16280] =	vst v63  }
0x46: {  	_ =	swait.ge [sflag:s30], $0x20  }
0x47: {  	[sflag:s30] =	ssyncset.done $0x0  }
0x48: {  	s17 =	simm.s32 $0x3380;
	s16 =	rddreg [dreg:$0x9];
	[sflag:s30] =	ssyncadd.s32 $0xFFFFFFE0  }
0x49: {  	[tilespmem:s17], [sflag:$0x3] =	stream.linear.gather [hbm4b:s16+s4], $0x20, $0x38;
	[tilespmem:$0x16280] =	vst v63  }
0x4a: {  	_ =	swait.ge [sflag:s30], $0x20  }
0x4b: {  	[sflag:s30] =	ssyncset.done $0x0  }
0x4c: {  	s15 =	simm.s32 $0x3400;
	s14 =	rddreg [dreg:$0xa];
	[sflag:s30] =	ssyncadd.s32 $0xFFFFFFE0  }
0x4d: {  	[tilespmem:s15], [sflag:$0x3] =	stream.linear.gather [hbm4b:s14+s4], $0x20, $0x38;
	[tilespmem:$0x16280] =	vst v63  }
0x4e: {  	_ =	swait.ge [sflag:s30], $0x20  }
0x4f: {  	[sflag:s30] =	ssyncset.done $0x0  }
0x50: {  	s17 =	simm.s32 $0x3480;
	s16 =	rddreg [dreg:$0xb];
	[sflag:s30] =	ssyncadd.s32 $0xFFFFFFE0  }
0x51: {  	[tilespmem:s17], [sflag:$0x3] =	stream.linear.gather [hbm4b:s16+s4], $0x20, $0x38;
	[tilespmem:$0x16280] =	vst v63  }
0x52: {  	_ =	swait.ge [sflag:s30], $0x20  }
0x53: {  	[sflag:s30] =	ssyncset.done $0x0  }
0x54: {  	s15 =	simm.s32 $0x3500;
	s14 =	rddreg [dreg:$0xc];
	[sflag:s30] =	ssyncadd.s32 $0xFFFFFFE0  }
0x55: {  	[tilespmem:s15], [sflag:$0x3] =	stream.linear.gather [hbm4b:s14+s4], $0x20, $0x38;
	[tilespmem:$0x16280] =	vst v63  }
0x56: {  	_ =	swait.ge [sflag:s30], $0x20  }
0x57: {  	[sflag:s30] =	ssyncset.done $0x0  }
0x58: {  	s17 =	simm.s32 $0x3580;
	s16 =	rddreg [dreg:$0xd];
	[sflag:s30] =	ssyncadd.s32 $0xFFFFFFE0  }
0x59: {  	[tilespmem:s17], [sflag:$0x3] =	stream.linear.gather [hbm4b:s16+s4], $0x20, $0x38;
	[tilespmem:$0x16280] =	vst v63  }
0x5a: {  	_ =	swait.ge [sflag:s30], $0x20  }
0x5b: {  	[sflag:s30] =	ssyncset.done $0x0  }
0x5c: {  	s15 =	simm.s32 $0x3600;
	s14 =	rddreg [dreg:$0xe];
	[sflag:s30] =	ssyncadd.s32 $0xFFFFFFE0  }
0x5d: {  	[tilespmem:s15], [sflag:$0x3] =	stream.linear.gather [hbm4b:s14+s4], $0x20, $0x38;
	[tilespmem:$0x16280] =	vst v63  }
0x5e: {  	_ =	swait.ge [sflag:s30], $0x20  }
0x5f: {  	[sflag:s30] =	ssyncset.done $0x0  }
0x60: {  	s17 =	simm.s32 $0x3680;
	s16 =	rddreg [dreg:$0xf];
	[sflag:s30] =	ssyncadd.s32 $0xFFFFFFE0  }
0x61: {  	[tilespmem:s17], [sflag:$0x3] =	stream.linear.gather [hbm4b:s16+s4], $0x20, $0x38;
	[tilespmem:$0x16280] =	vst v63  }
0x62: {  	_ =	swait.ge [sflag:s30], $0x20  }
0x63: {  	[sflag:s30] =	ssyncset.done $0x0  }
0x64: {  	s14 =	simm.s32 $0x3700;
	[sflag:s30] =	ssyncadd.s32 $0xFFFFFFE0  }
0x65: {  	[tilespmem:s14], [sflag:$0x3] =	stream.linear.gather [hbm4b:s18+s4], $0x20, $0x38;
	[tilespmem:$0x16280] =	vst v63  }
0x66: {  	_ =	swait.ge [sflag:s30], $0x20  }
0x67: {  	[sflag:s30] =	ssyncset.done $0x0  }
0x68: {  	s15 =	simm.s32 $0x3780;
	[sflag:s30] =	ssyncadd.s32 $0xFFFFFFE0  }
0x69: {  	[tilespmem:s15], [sflag:$0x3] =	stream.linear.gather [hbm4b:s19+s4], $0x20, $0x38;
	[tilespmem:$0x16280] =	vst v63  }
0x6a: {  	_ =	swait.ge [sflag:s30], $0x20  }
0x6b: {  	[sflag:s30] =	ssyncset.done $0x0  }
0x6c: {  	s16 =	simm.s32 $0x3800;
	[sflag:s30] =	ssyncadd.s32 $0xFFFFFFE0  }
0x6d: {  	[tilespmem:s16], [sflag:$0x3] =	stream.linear.gather [hbm4b:s26+s4], $0x20, $0x38;
	[tilespmem:$0x16280] =	vst v63  }
0x6e: {  	_ =	swait.ge [sflag:s30], $0x20  }
0x6f: {  	[sflag:s30] =	ssyncset.done $0x0  }
0x70: {  	s17 =	simm.s32 $0x3880;
	[sflag:s30] =	ssyncadd.s32 $0xFFFFFFE0  }
0x71: {  	[tilespmem:s17], [sflag:$0x3] =	stream.linear.gather [hbm4b:s28+s4], $0x20, $0x38;
	[tilespmem:$0x16280] =	vst v63  }
0x72: {  	_ =	swait.ge [sflag:s30], $0x20  }
0x73: {  	[sflag:s30] =	ssyncset.done $0x0  }
0x74: {  	s12 =	simm.s32 $0x40;
	s13 =	simm.s32 $0x0;
	[sflag:s30] =	ssyncadd.s32 $0xFFFFFFE0  }
.LBB2_2:
0x75: {  	p0 =	sne.s32 s12, $0x61C0;
	[tilespmem:s13+$0x14A00] =	vst v3;
	s13 =	smov.u32 s12;
	s12 =	sadd.s32 $0x40, s12  }
.Ltmp0:
0x76: {  	(pc) =	sbr.rel @p0 .LBB2_2-.Ltmp0, $2  }
0x77: {  	_ =	sdelay $0x2  }
0x78: {  	s13 =	sshra.s32 s13, $0x2  }
0x79: {  	[tilespmem:s13+$0x14A00] =	vst v3  }
0x7a: {  	[spmem:s20] =	stream.linear.scatter [tilespmem:s29], [sflag:$0x3], $0x1880, $0x38;
	[tilespmem:$0x16280] =	vst v63  }
0x7b: {  	_ =	swait.ge [sflag:s30], $0x1880  }
0x7c: {  	[sflag:s30] =	ssyncset.done $0x0  }
0x7d: {  	[sflag:s30] =	ssyncadd.s32 $0xFFFFE780  }
0x7e: {  	[spmem:s22] =	stream.linear.scatter [tilespmem:s29], [sflag:$0x3], $0x1880, $0x38;
	[tilespmem:$0x16280] =	vst v63  }
0x7f: {  	_ =	swait.ge [sflag:s30], $0x1880  }
0x80: {  	[sflag:s30] =	ssyncset.done $0x0  }
0x81: {  	v3 =	vimm.f32 $1.000000000e+00;
	[sflag:s30] =	ssyncadd.s32 $0xFFFFE780  }
0x82: {  	[tilespmem:$0x14980] =	vst v3  }
0x83: {  	s13 =	simm.s32 $0x0;
	[tilespmem:$0x14990] =	vst v3  }
0x84: {  	[tilespmem:s31], [sflag:$0x2] =	stream.linear.gather [hbm4b:s21+s13], $0x800, $0x38;
	[tilespmem:$0x16280] =	vst v63  }
0x85: {  	v56 =	vld [tilespmem:$0x3100];
	_ =	sdelay $0x4  }
0x86: {  	v56 =	vshll.u32 v56, $0x4  }
0x87: {  	(v2sf) =	vpush v56, $0x0;
	_ =	sdelay $0x1  }
0x88: {  	(v2sf) =	vpush v56, $0x1;
	_ =	sdelay $0x4  }
0x89: {  	(v2sf) =	vpush v56, $0x2;
	_ =	sdelay $0x1  }
0x8a: {  	(v2sf) =	vpush v56, $0x3;
	_ =	sdelay $0x5  }
0x8b: {  	s12 =	spop (v2sf);
	(v2sf) =	vpush v56, $0x4  }
0x8c: {  	s12 =	sand.u32 $0x1FFFFF80, s12  }
0x8d: {  	s17 =	spop (v2sf);
	(v2sf) =	vpush v56, $0x5;
	s12 =	sadd.s32 s5, s12  }
0x8e: {  	[tilespmem:s1], [sflag:$0x1] =	stream.linear.gather [hbm4b:s12+s13], $0x400, $0x38;
	[tilespmem:$0x16280] =	vst v63  }
0x8f: {  	s12 =	sand.u32 $0x1FFFFF80, s17  }
0x90: {  	s14 =	simm.s32 $0x4D00;
	s12 =	sadd.s32 s5, s12  }
0x91: {  	[tilespmem:s14], [sflag:$0x1] =	stream.linear.gather [hbm4b:s12+s13], $0x400, $0x38;
	[tilespmem:$0x16280] =	vst v63  }
0x92: {  	s14 =	spop (v2sf);
	(v2sf) =	vpush v56, $0x6;
	_ =	sdelay $0x1  }
0x93: {  	s16 =	spop (v2sf);
	(v2sf) =	vpush v56, $0x7;
	_ =	sdelay $0x2  }
0x94: {  	s12 =	sand.u32 $0x1FFFFF80, s14  }
0x95: {  	s15 =	simm.s32 $0x5100;
	s12 =	sadd.s32 s5, s12  }
0x96: {  	[tilespmem:s15], [sflag:$0x1] =	stream.linear.gather [hbm4b:s12+s13], $0x400, $0x38;
	[tilespmem:$0x16280] =	vst v63  }
0x97: {  	s14 =	spop (v2sf);
	(v2sf) =	vpush v56, $0x8  }
0x98: {  	s12 =	sand.u32 $0x1FFFFF80, s16  }
0x99: {  	s17 =	simm.s32 $0x5500;
	s12 =	sadd.s32 s5, s12;
	s16 =	spop (v2sf);
	(v2sf) =	vpush v56, $0x9  }
0x9a: {  	[tilespmem:s17], [sflag:$0x1] =	stream.linear.gather [hbm4b:s12+s13], $0x400, $0x38;
	[tilespmem:$0x16280] =	vst v63  }
0x9b: {  	s12 =	sand.u32 $0x1FFFFF80, s14  }
0x9c: {  	s15 =	simm.s32 $0x5900;
	s12 =	sadd.s32 s5, s12  }
0x9d: {  	[tilespmem:s15], [sflag:$0x1] =	stream.linear.gather [hbm4b:s12+s13], $0x400, $0x38;
	[tilespmem:$0x16280] =	vst v63  }
0x9e: {  	s14 =	spop (v2sf);
	(v2sf) =	vpush v56, $0xA  }
0x9f: {  	s12 =	sand.u32 $0x1FFFFF80, s16  }
0xa0: {  	s17 =	simm.s32 $0x5D00;
	s12 =	sadd.s32 s5, s12;
	s16 =	spop (v2sf);
	(v2sf) =	vpush v56, $0xB  }
0xa1: {  	[tilespmem:s17], [sflag:$0x1] =	stream.linear.gather [hbm4b:s12+s13], $0x400, $0x38;
	[tilespmem:$0x16280] =	vst v63  }
0xa2: {  	s12 =	sand.u32 $0x1FFFFF80, s14  }
0xa3: {  	s15 =	simm.s32 $0x6100;
	s12 =	sadd.s32 s5, s12  }
0xa4: {  	[tilespmem:s15], [sflag:$0x1] =	stream.linear.gather [hbm4b:s12+s13], $0x400, $0x38;
	[tilespmem:$0x16280] =	vst v63  }
0xa5: {  	s12 =	sand.u32 $0x1FFFFF80, s16  }
0xa6: {  	s17 =	simm.s32 $0x6500;
	s12 =	sadd.s32 s5, s12;
	s14 =	spop (v2sf);
	(v2sf) =	vpush v56, $0xC  }
0xa7: {  	[tilespmem:s17], [sflag:$0x1] =	stream.linear.gather [hbm4b:s12+s13], $0x400, $0x38;
	[tilespmem:$0x16280] =	vst v63  }
0xa8: {  	s16 =	spop (v2sf);
	(v2sf) =	vpush v56, $0xD  }
0xa9: {  	s12 =	sand.u32 $0x1FFFFF80, s14  }
0xaa: {  	s15 =	simm.s32 $0x6900;
	s12 =	sadd.s32 s5, s12  }
0xab: {  	[tilespmem:s15], [sflag:$0x1] =	stream.linear.gather [hbm4b:s12+s13], $0x400, $0x38;
	[tilespmem:$0x16280] =	vst v63  }
0xac: {  	s12 =	sand.u32 $0x1FFFFF80, s16  }
0xad: {  	s17 =	simm.s32 $0x6D00;
	s12 =	sadd.s32 s5, s12;
	s14 =	spop (v2sf);
	(v2sf) =	vpush v56, $0xE  }
0xae: {  	[tilespmem:s17], [sflag:$0x1] =	stream.linear.gather [hbm4b:s12+s13], $0x400, $0x38;
	[tilespmem:$0x16280] =	vst v63  }
0xaf: {  	s12 =	sand.u32 $0x1FFFFF80, s14;
	s16 =	spop (v2sf);
	(v2sf) =	vpush v56, $0xF  }
0xb0: {  	s15 =	simm.s32 $0x7100;
	s12 =	sadd.s32 s5, s12  }
0xb1: {  	[tilespmem:s15], [sflag:$0x1] =	stream.linear.gather [hbm4b:s12+s13], $0x400, $0x38;
	[tilespmem:$0x16280] =	vst v63  }
0xb2: {  	s12 =	sand.u32 $0x1FFFFF80, s16  }
0xb3: {  	s17 =	simm.s32 $0x7500;
	s12 =	sadd.s32 s5, s12  }
0xb4: {  	[tilespmem:s17], [sflag:$0x1] =	stream.linear.gather [hbm4b:s12+s13], $0x400, $0x38;
	[tilespmem:$0x16280] =	vst v63  }
0xb5: {  	s14 =	spop (v2sf)  }
0xb6: {  	s12 =	sand.u32 $0x1FFFFF80, s14  }
0xb7: {  	s15 =	simm.s32 $0x7900;
	s16 =	spop (v2sf);
	s12 =	sadd.s32 s5, s12  }
0xb8: {  	[tilespmem:s15], [sflag:$0x1] =	stream.linear.gather [hbm4b:s12+s13], $0x400, $0x38;
	[tilespmem:$0x16280] =	vst v63  }
0xb9: {  	s12 =	sand.u32 $0x1FFFFF80, s16  }
0xba: {  	s17 =	simm.s32 $0x7D00;
	s12 =	sadd.s32 s5, s12  }
0xbb: {  	[tilespmem:s17], [sflag:$0x1] =	stream.linear.gather [hbm4b:s12+s13], $0x400, $0x38;
	[tilespmem:$0x16280] =	vst v63  }
0xbc: {  	s14 =	spop (v2sf)  }
0xbd: {  	s12 =	sand.u32 $0x1FFFFF80, s14  }
0xbe: {  	s15 =	simm.s32 $0x8100;
	s16 =	spop (v2sf);
	s12 =	sadd.s32 s5, s12  }
0xbf: {  	[tilespmem:s15], [sflag:$0x1] =	stream.linear.gather [hbm4b:s12+s13], $0x400, $0x38;
	[tilespmem:$0x16280] =	vst v63  }
0xc0: {  	s12 =	sand.u32 $0x1FFFFF80, s16  }
0xc1: {  	s17 =	simm.s32 $0x8500;
	s12 =	sadd.s32 s5, s12  }
0xc2: {  	[tilespmem:s17], [sflag:$0x1] =	stream.linear.gather [hbm4b:s12+s13], $0x400, $0x38;
	[tilespmem:$0x16280] =	vst v63  }
0xc3: {  	v63 =	vld [tilespmem:$0x3110];
	_ =	sdelay $0x4  }
0xc4: {  	v56 =	vshll.u32 v63, $0x4  }
0xc5: {  	(v2sf) =	vpush v56, $0x0;
	_ =	sdelay $0x1  }
0xc6: {  	(v2sf) =	vpush v56, $0x1;
	_ =	sdelay $0x1  }
0xc7: {  	(v2sf) =	vpush v56, $0x2;
	_ =	sdelay $0x2  }
0xc8: {  	(v2sf) =	vpush v56, $0x3;
	_ =	sdelay $0x7  }
0xc9: {  	s14 =	spop (v2sf);
	(v2sf) =	vpush v56, $0x4;
	_ =	sdelay $0x1  }
0xca: {  	s16 =	spop (v2sf);
	(v2sf) =	vpush v56, $0x5;
	_ =	sdelay $0x1  }
0xcb: {  	s12 =	sand.u32 $0x1FFFFF80, s14;
	s14 =	spop (v2sf);
	(v2sf) =	vpush v56, $0x6  }
0xcc: {  	s15 =	simm.s32 $0x8900;
	s12 =	sadd.s32 s5, s12  }
0xcd: {  	[tilespmem:s15], [sflag:$0x1] =	stream.linear.gather [hbm4b:s12+s13], $0x400, $0x38;
	[tilespmem:$0x16280] =	vst v63  }
0xce: {  	s12 =	sand.u32 $0x1FFFFF80, s16;
	s16 =	spop (v2sf);
	(v2sf) =	vpush v56, $0x7;
	_ =	sdelay $0x2  }
0xcf: {  	s17 =	simm.s32 $0x8D00;
	s12 =	sadd.s32 s5, s12  }
0xd0: {  	[tilespmem:s17], [sflag:$0x1] =	stream.linear.gather [hbm4b:s12+s13], $0x400, $0x38;
	[tilespmem:$0x16280] =	vst v63  }
0xd1: {  	s12 =	sand.u32 $0x1FFFFF80, s14  }
0xd2: {  	s15 =	simm.s32 $0x9100;
	s12 =	sadd.s32 s5, s12  }
0xd3: {  	[tilespmem:s15], [sflag:$0x1] =	stream.linear.gather [hbm4b:s12+s13], $0x400, $0x38;
	[tilespmem:$0x16280] =	vst v63  }
0xd4: {  	s14 =	spop (v2sf);
	(v2sf) =	vpush v56, $0x8  }
0xd5: {  	s12 =	sand.u32 $0x1FFFFF80, s16  }
0xd6: {  	s17 =	simm.s32 $0x9500;
	s12 =	sadd.s32 s5, s12;
	s16 =	spop (v2sf);
	(v2sf) =	vpush v56, $0x9  }
0xd7: {  	[tilespmem:s17], [sflag:$0x1] =	stream.linear.gather [hbm4b:s12+s13], $0x400, $0x38;
	[tilespmem:$0x16280] =	vst v63  }
0xd8: {  	s12 =	sand.u32 $0x1FFFFF80, s14;
	s14 =	spop (v2sf);
	(v2sf) =	vpush v56, $0xA  }
0xd9: {  	s15 =	simm.s32 $0x9900;
	s12 =	sadd.s32 s5, s12  }
0xda: {  	[tilespmem:s15], [sflag:$0x1] =	stream.linear.gather [hbm4b:s12+s13], $0x400, $0x38;
	[tilespmem:$0x16280] =	vst v63  }
0xdb: {  	s12 =	sand.u32 $0x1FFFFF80, s16;
	s16 =	spop (v2sf);
	(v2sf) =	vpush v56, $0xB;
	_ =	sdelay $0x1  }
0xdc: {  	s17 =	simm.s32 $0x9D00;
	s12 =	sadd.s32 s5, s12  }
0xdd: {  	[tilespmem:s17], [sflag:$0x1] =	stream.linear.gather [hbm4b:s12+s13], $0x400, $0x38;
	[tilespmem:$0x16280] =	vst v63  }
0xde: {  	s12 =	sand.u32 $0x1FFFFF80, s14  }
0xdf: {  	s15 =	simm.s32 $0xA100;
	s12 =	sadd.s32 s5, s12  }
0xe0: {  	[tilespmem:s15], [sflag:$0x1] =	stream.linear.gather [hbm4b:s12+s13], $0x400, $0x38;
	[tilespmem:$0x16280] =	vst v63  }
0xe1: {  	s12 =	sand.u32 $0x1FFFFF80, s16  }
0xe2: {  	s17 =	simm.s32 $0xA500;
	s12 =	sadd.s32 s5, s12;
	s14 =	spop (v2sf);
	(v2sf) =	vpush v56, $0xC  }
0xe3: {  	[tilespmem:s17], [sflag:$0x1] =	stream.linear.gather [hbm4b:s12+s13], $0x400, $0x38;
	[tilespmem:$0x16280] =	vst v63  }
0xe4: {  	s16 =	spop (v2sf);
	(v2sf) =	vpush v56, $0xD  }
0xe5: {  	s12 =	sand.u32 $0x1FFFFF80, s14  }
0xe6: {  	s15 =	simm.s32 $0xA900;
	s12 =	sadd.s32 s5, s12;
	s14 =	spop (v2sf)  }
0xe7: {  	(v2sf) =	vpush v56, $0xE;
	[tilespmem:s15], [sflag:$0x1] =	stream.linear.gather [hbm4b:s12+s13], $0x400, $0x38;
	[tilespmem:$0x16280] =	vst v63  }
0xe8: {  	s12 =	sand.u32 $0x1FFFFF80, s16  }
0xe9: {  	s17 =	simm.s32 $0xAD00;
	s16 =	spop (v2sf);
	s12 =	sadd.s32 s5, s12  }
0xea: {  	(v2sf) =	vpush v56, $0xF;
	[tilespmem:s17], [sflag:$0x1] =	stream.linear.gather [hbm4b:s12+s13], $0x400, $0x38;
	[tilespmem:$0x16280] =	vst v63  }
0xeb: {  	s12 =	sand.u32 $0x1FFFFF80, s14  }
0xec: {  	s15 =	simm.s32 $0xB100;
	s12 =	sadd.s32 s5, s12  }
0xed: {  	[tilespmem:s15], [sflag:$0x1] =	stream.linear.gather [hbm4b:s12+s13], $0x400, $0x38;
	[tilespmem:$0x16280] =	vst v63  }
0xee: {  	s12 =	sand.u32 $0x1FFFFF80, s16  }
0xef: {  	s17 =	simm.s32 $0xB500;
	s12 =	sadd.s32 s5, s12  }
0xf0: {  	[tilespmem:s17], [sflag:$0x1] =	stream.linear.gather [hbm4b:s12+s13], $0x400, $0x38;
	[tilespmem:$0x16280] =	vst v63  }
0xf1: {  	s14 =	spop (v2sf)  }
0xf2: {  	s12 =	sand.u32 $0x1FFFFF80, s14  }
0xf3: {  	s15 =	simm.s32 $0xB900;
	s16 =	spop (v2sf);
	s12 =	sadd.s32 s5, s12  }
0xf4: {  	[tilespmem:s15], [sflag:$0x1] =	stream.linear.gather [hbm4b:s12+s13], $0x400, $0x38;
	[tilespmem:$0x16280] =	vst v63  }
0xf5: {  	s12 =	sand.u32 $0x1FFFFF80, s16  }
0xf6: {  	s17 =	simm.s32 $0xBD00;
	s14 =	spop (v2sf);
	s12 =	sadd.s32 s5, s12  }
0xf7: {  	[tilespmem:s17], [sflag:$0x1] =	stream.linear.gather [hbm4b:s12+s13], $0x400, $0x38;
	[tilespmem:$0x16280] =	vst v63  }
0xf8: {  	s12 =	sand.u32 $0x1FFFFF80, s14  }
0xf9: {  	s15 =	simm.s32 $0xC100;
	s16 =	spop (v2sf);
	s12 =	sadd.s32 s5, s12  }
0xfa: {  	[tilespmem:s15], [sflag:$0x1] =	stream.linear.gather [hbm4b:s12+s13], $0x400, $0x38;
	[tilespmem:$0x16280] =	vst v63  }
0xfb: {  	s12 =	sand.u32 $0x1FFFFF80, s16  }
0xfc: {  	s17 =	simm.s32 $0xC500;
	s12 =	sadd.s32 s5, s12  }
0xfd: {  	[tilespmem:s17], [sflag:$0x1] =	stream.linear.gather [hbm4b:s12+s13], $0x400, $0x38;
	[tilespmem:$0x16280] =	vst v63  }
0xfe: {  	[bflag:$0x0] =	sbarrier.arrive $0xFFFF  }
.LBB2_4:
0xff: {  	p0 =	seq.s32 s13, $0xF  }
.Ltmp1:
0x100: {  	_ = 	snop;
	(pc) =	sbr.rel @p0 .LBB2_6-.Ltmp1, $2  }
0x101: {  	_ =	sdelay $0x2  }
0x102: {  	s12 =	sadd.s32 $0x1, s13  }
0x103: {  	s14 =	sand.u32 $0x1, s12  }
0x104: {  	s16 =	sshll.u32 s12, $0x8;
	s15 =	sshll.u32 s14, $0xB  }
0x105: {  	s16 =	sadd.s32 s16, s21;
	s15 =	sadd.s32 $0x3900, s15  }
0x106: {  	[tilespmem:s15], [sflag:$0x2] =	stream.linear.gather [hbm4b:s16+s4], $0x800, $0x38;
	[tilespmem:$0x16280] =	vst v63  }
0x107: {  	s16 =	sshll.u32 s12, $0x7  }
0x108: {  	s15 =	sand.u32 $0x3FFFFF80, s16  }
0x109: {  	v56 =	vld [tilespmem:s15+$0x3100];
	_ =	sdelay $0x4  }
0x10a: {  	v56 =	vshll.u32 v56, $0x4  }
0x10b: {  	(v2sf) =	vpush v56, $0x0;
	_ =	sdelay $0x3  }
0x10c: {  	(v2sf) =	vpush v56, $0x1;
	_ =	sdelay $0x3  }
0x10d: {  	(v2sf) =	vpush v56, $0x2;
	_ =	sdelay $0x3  }
0x10e: {  	(v2sf) =	vpush v56, $0x3;
	_ =	sdelay $0x2  }
0x10f: {  	s17 =	spop (v2sf)  }
0x110: {  	s14 =	sshll.u32 s14, $0xF;
	(v2sf) =	vpush v56, $0x4;
	s16 =	sand.u32 $0x1FFFFF80, s17  }
0x111: {  	s17 =	sor.u32 $0x4900, s14;
	s16 =	sadd.s32 s5, s16  }
0x112: {  	[tilespmem:s17], [sflag:$0x1] =	stream.linear.gather [hbm4b:s16+s4], $0x400, $0x38;
	[tilespmem:$0x16280] =	vst v63  }
0x113: {  	s17 =	spop (v2sf)  }
0x114: {  	(v2sf) =	vpush v56, $0x5;
	s16 =	sand.u32 $0x1FFFFF80, s17  }
0x115: {  	s17 =	sor.u32 $0x4D00, s14;
	s16 =	sadd.s32 s5, s16  }
0x116: {  	[tilespmem:s17], [sflag:$0x1] =	stream.linear.gather [hbm4b:s16+s4], $0x400, $0x38;
	[tilespmem:$0x16280] =	vst v63  }
0x117: {  	s17 =	spop (v2sf)  }
0x118: {  	(v2sf) =	vpush v56, $0x6;
	s16 =	sand.u32 $0x1FFFFF80, s17  }
0x119: {  	s17 =	sor.u32 $0x5100, s14;
	s16 =	sadd.s32 s5, s16  }
0x11a: {  	[tilespmem:s17], [sflag:$0x1] =	stream.linear.gather [hbm4b:s16+s4], $0x400, $0x38;
	[tilespmem:$0x16280] =	vst v63  }
0x11b: {  	s17 =	spop (v2sf)  }
0x11c: {  	(v2sf) =	vpush v56, $0x7;
	s16 =	sand.u32 $0x1FFFFF80, s17  }
0x11d: {  	s17 =	sor.u32 $0x5500, s14;
	s16 =	sadd.s32 s5, s16  }
0x11e: {  	[tilespmem:s17], [sflag:$0x1] =	stream.linear.gather [hbm4b:s16+s4], $0x400, $0x38;
	[tilespmem:$0x16280] =	vst v63  }
0x11f: {  	s17 =	spop (v2sf)  }
0x120: {  	(v2sf) =	vpush v56, $0x8;
	s16 =	sand.u32 $0x1FFFFF80, s17  }
0x121: {  	s17 =	sor.u32 $0x5900, s14;
	s16 =	sadd.s32 s5, s16  }
0x122: {  	[tilespmem:s17], [sflag:$0x1] =	stream.linear.gather [hbm4b:s16+s4], $0x400, $0x38;
	[tilespmem:$0x16280] =	vst v63  }
0x123: {  	s17 =	spop (v2sf)  }
0x124: {  	(v2sf) =	vpush v56, $0x9;
	s16 =	sand.u32 $0x1FFFFF80, s17  }
0x125: {  	s17 =	sor.u32 $0x5D00, s14;
	s16 =	sadd.s32 s5, s16  }
0x126: {  	[tilespmem:s17], [sflag:$0x1] =	stream.linear.gather [hbm4b:s16+s4], $0x400, $0x38;
	[tilespmem:$0x16280] =	vst v63  }
0x127: {  	s17 =	spop (v2sf)  }
0x128: {  	(v2sf) =	vpush v56, $0xA;
	s16 =	sand.u32 $0x1FFFFF80, s17  }
0x129: {  	s17 =	sor.u32 $0x6100, s14;
	s16 =	sadd.s32 s5, s16  }
0x12a: {  	[tilespmem:s17], [sflag:$0x1] =	stream.linear.gather [hbm4b:s16+s4], $0x400, $0x38;
	[tilespmem:$0x16280] =	vst v63  }
0x12b: {  	s17 =	spop (v2sf)  }
0x12c: {  	(v2sf) =	vpush v56, $0xB;
	s16 =	sand.u32 $0x1FFFFF80, s17  }
0x12d: {  	s17 =	sor.u32 $0x6500, s14;
	s16 =	sadd.s32 s5, s16  }
0x12e: {  	[tilespmem:s17], [sflag:$0x1] =	stream.linear.gather [hbm4b:s16+s4], $0x400, $0x38;
	[tilespmem:$0x16280] =	vst v63  }
0x12f: {  	s17 =	spop (v2sf)  }
0x130: {  	(v2sf) =	vpush v56, $0xC;
	s16 =	sand.u32 $0x1FFFFF80, s17  }
0x131: {  	s17 =	sor.u32 $0x6900, s14;
	s16 =	sadd.s32 s5, s16  }
0x132: {  	[tilespmem:s17], [sflag:$0x1] =	stream.linear.gather [hbm4b:s16+s4], $0x400, $0x38;
	[tilespmem:$0x16280] =	vst v63  }
0x133: {  	s17 =	spop (v2sf)  }
0x134: {  	(v2sf) =	vpush v56, $0xD;
	s16 =	sand.u32 $0x1FFFFF80, s17  }
0x135: {  	s17 =	sor.u32 $0x6D00, s14;
	s16 =	sadd.s32 s5, s16  }
0x136: {  	[tilespmem:s17], [sflag:$0x1] =	stream.linear.gather [hbm4b:s16+s4], $0x400, $0x38;
	[tilespmem:$0x16280] =	vst v63  }
0x137: {  	s17 =	spop (v2sf)  }
0x138: {  	(v2sf) =	vpush v56, $0xE;
	s16 =	sand.u32 $0x1FFFFF80, s17  }
0x139: {  	s17 =	sor.u32 $0x7100, s14;
	s16 =	sadd.s32 s5, s16  }
0x13a: {  	[tilespmem:s17], [sflag:$0x1] =	stream.linear.gather [hbm4b:s16+s4], $0x400, $0x38;
	[tilespmem:$0x16280] =	vst v63  }
0x13b: {  	s17 =	spop (v2sf)  }
0x13c: {  	(v2sf) =	vpush v56, $0xF;
	s16 =	sand.u32 $0x1FFFFF80, s17  }
0x13d: {  	s17 =	sor.u32 $0x7500, s14;
	s16 =	sadd.s32 s5, s16  }
0x13e: {  	[tilespmem:s17], [sflag:$0x1] =	stream.linear.gather [hbm4b:s16+s4], $0x400, $0x38;
	[tilespmem:$0x16280] =	vst v63  }
0x13f: {  	s17 =	spop (v2sf)  }
0x140: {  	s16 =	sand.u32 $0x1FFFFF80, s17  }
0x141: {  	s17 =	sor.u32 $0x7900, s14;
	s16 =	sadd.s32 s5, s16  }
0x142: {  	[tilespmem:s17], [sflag:$0x1] =	stream.linear.gather [hbm4b:s16+s4], $0x400, $0x38;
	[tilespmem:$0x16280] =	vst v63  }
0x143: {  	s17 =	spop (v2sf)  }
0x144: {  	s16 =	sand.u32 $0x1FFFFF80, s17  }
0x145: {  	s17 =	sor.u32 $0x7D00, s14;
	s16 =	sadd.s32 s5, s16  }
0x146: {  	[tilespmem:s17], [sflag:$0x1] =	stream.linear.gather [hbm4b:s16+s4], $0x400, $0x38;
	[tilespmem:$0x16280] =	vst v63  }
0x147: {  	s17 =	spop (v2sf)  }
0x148: {  	s16 =	sand.u32 $0x1FFFFF80, s17  }
0x149: {  	s17 =	sadd.s32 $0x8100, s14;
	s16 =	sadd.s32 s5, s16  }
0x14a: {  	[tilespmem:s17], [sflag:$0x1] =	stream.linear.gather [hbm4b:s16+s4], $0x400, $0x38;
	[tilespmem:$0x16280] =	vst v63  }
0x14b: {  	s17 =	spop (v2sf)  }
0x14c: {  	s16 =	sand.u32 $0x1FFFFF80, s17  }
0x14d: {  	s17 =	sadd.s32 $0x8500, s14;
	s16 =	sadd.s32 s5, s16  }
0x14e: {  	[tilespmem:s17], [sflag:$0x1] =	stream.linear.gather [hbm4b:s16+s4], $0x400, $0x38;
	[tilespmem:$0x16280] =	vst v63  }
0x14f: {  	v63 =	vld [tilespmem:s15+$0x3110];
	_ =	sdelay $0x4  }
0x150: {  	v56 =	vshll.u32 v63, $0x4  }
0x151: {  	(v2sf) =	vpush v56, $0x0;
	_ =	sdelay $0x1  }
0x152: {  	(v2sf) =	vpush v56, $0x1;
	_ =	sdelay $0x2  }
0x153: {  	(v2sf) =	vpush v56, $0x2;
	_ =	sdelay $0x1  }
0x154: {  	(v2sf) =	vpush v56, $0x3;
	_ =	sdelay $0x2  }
0x155: {  	(v2sf) =	vpush v56, $0x4;
	_ =	sdelay $0x4  }
0x156: {  	s16 =	spop (v2sf);
	(v2sf) =	vpush v56, $0x5  }
0x157: {  	s15 =	sand.u32 $0x1FFFFF80, s16  }
0x158: {  	s17 =	sadd.s32 $0x8900, s14;
	s16 =	spop (v2sf);
	s15 =	sadd.s32 s5, s15  }
0x159: {  	[tilespmem:s17], [sflag:$0x1] =	stream.linear.gather [hbm4b:s15+s4], $0x400, $0x38;
	[tilespmem:$0x16280] =	vst v63  }
0x15a: {  	s15 =	sand.u32 $0x1FFFFF80, s16  }
0x15b: {  	s17 =	sadd.s32 $0x8D00, s14;
	s16 =	spop (v2sf);
	(v2sf) =	vpush v56, $0x6;
	s15 =	sadd.s32 s5, s15  }
0x15c: {  	[tilespmem:s17], [sflag:$0x1] =	stream.linear.gather [hbm4b:s15+s4], $0x400, $0x38;
	[tilespmem:$0x16280] =	vst v63  }
0x15d: {  	s15 =	sand.u32 $0x1FFFFF80, s16;
	s16 =	spop (v2sf);
	(v2sf) =	vpush v56, $0x7  }
0x15e: {  	s17 =	sadd.s32 $0x9100, s14;
	s15 =	sadd.s32 s5, s15  }
0x15f: {  	[tilespmem:s17], [sflag:$0x1] =	stream.linear.gather [hbm4b:s15+s4], $0x400, $0x38;
	[tilespmem:$0x16280] =	vst v63  }
0x160: {  	s15 =	sand.u32 $0x1FFFFF80, s16;
	s16 =	spop (v2sf);
	(v2sf) =	vpush v56, $0x8;
	_ =	sdelay $0x1  }
0x161: {  	s17 =	sadd.s32 $0x9500, s14;
	s15 =	sadd.s32 s5, s15  }
0x162: {  	[tilespmem:s17], [sflag:$0x1] =	stream.linear.gather [hbm4b:s15+s4], $0x400, $0x38;
	[tilespmem:$0x16280] =	vst v63  }
0x163: {  	s15 =	sand.u32 $0x1FFFFF80, s16  }
0x164: {  	s17 =	sadd.s32 $0x9900, s14;
	s15 =	sadd.s32 s5, s15;
	s16 =	spop (v2sf);
	(v2sf) =	vpush v56, $0x9  }
0x165: {  	[tilespmem:s17], [sflag:$0x1] =	stream.linear.gather [hbm4b:s15+s4], $0x400, $0x38;
	[tilespmem:$0x16280] =	vst v63  }
0x166: {  	s15 =	sand.u32 $0x1FFFFF80, s16  }
0x167: {  	s17 =	sadd.s32 $0x9D00, s14;
	s15 =	sadd.s32 s5, s15  }
0x168: {  	(v2sf) =	vpush v56, $0xA;
	[tilespmem:s17], [sflag:$0x1] =	stream.linear.gather [hbm4b:s15+s4], $0x400, $0x38;
	[tilespmem:$0x16280] =	vst v63  }
0x169: {  	s16 =	spop (v2sf)  }
0x16a: {  	(v2sf) =	vpush v56, $0xB;
	s15 =	sand.u32 $0x1FFFFF80, s16  }
0x16b: {  	s17 =	sadd.s32 $0xA100, s14;
	s15 =	sadd.s32 s5, s15;
	s16 =	spop (v2sf)  }
0x16c: {  	[tilespmem:s17], [sflag:$0x1] =	stream.linear.gather [hbm4b:s15+s4], $0x400, $0x38;
	[tilespmem:$0x16280] =	vst v63  }
0x16d: {  	(v2sf) =	vpush v56, $0xC;
	s15 =	sand.u32 $0x1FFFFF80, s16  }
0x16e: {  	s17 =	sadd.s32 $0xA500, s14;
	s15 =	sadd.s32 s5, s15;
	s16 =	spop (v2sf)  }
0x16f: {  	[tilespmem:s17], [sflag:$0x1] =	stream.linear.gather [hbm4b:s15+s4], $0x400, $0x38;
	[tilespmem:$0x16280] =	vst v63  }
0x170: {  	(v2sf) =	vpush v56, $0xD;
	s15 =	sand.u32 $0x1FFFFF80, s16  }
0x171: {  	s17 =	sadd.s32 $0xA900, s14;
	s15 =	sadd.s32 s5, s15  }
0x172: {  	[tilespmem:s17], [sflag:$0x1] =	stream.linear.gather [hbm4b:s15+s4], $0x400, $0x38;
	[tilespmem:$0x16280] =	vst v63  }
0x173: {  	s16 =	spop (v2sf)  }
0x174: {  	s15 =	sand.u32 $0x1FFFFF80, s16  }
0x175: {  	s17 =	sadd.s32 $0xAD00, s14;
	(v2sf) =	vpush v56, $0xE;
	s15 =	sadd.s32 s5, s15  }
0x176: {  	[tilespmem:s17], [sflag:$0x1] =	stream.linear.gather [hbm4b:s15+s4], $0x400, $0x38;
	[tilespmem:$0x16280] =	vst v63  }
0x177: {  	s17 =	spop (v2sf)  }
0x178: {  	s15 =	sand.u32 $0x1FFFFF80, s17  }
0x179: {  	(v2sf) =	vpush v56, $0xF;
	s16 =	spop (v2sf);
	s17 =	sadd.s32 $0xB100, s14;
	s15 =	sadd.s32 s5, s15  }
0x17a: {  	[tilespmem:s17], [sflag:$0x1] =	stream.linear.gather [hbm4b:s15+s4], $0x400, $0x38;
	[tilespmem:$0x16280] =	vst v63  }
0x17b: {  	s15 =	sand.u32 $0x1FFFFF80, s16  }
0x17c: {  	s16 =	spop (v2sf);
	s17 =	sadd.s32 $0xB500, s14;
	s15 =	sadd.s32 s5, s15  }
0x17d: {  	[tilespmem:s17], [sflag:$0x1] =	stream.linear.gather [hbm4b:s15+s4], $0x400, $0x38;
	[tilespmem:$0x16280] =	vst v63  }
0x17e: {  	s15 =	sand.u32 $0x1FFFFF80, s16  }
0x17f: {  	s16 =	spop (v2sf);
	s17 =	sadd.s32 $0xB900, s14;
	s15 =	sadd.s32 s5, s15  }
0x180: {  	[tilespmem:s17], [sflag:$0x1] =	stream.linear.gather [hbm4b:s15+s4], $0x400, $0x38;
	[tilespmem:$0x16280] =	vst v63  }
0x181: {  	s15 =	sand.u32 $0x1FFFFF80, s16  }
0x182: {  	s17 =	sadd.s32 $0xBD00, s14;
	s15 =	sadd.s32 s5, s15  }
0x183: {  	[tilespmem:s17], [sflag:$0x1] =	stream.linear.gather [hbm4b:s15+s4], $0x400, $0x38;
	[tilespmem:$0x16280] =	vst v63  }
0x184: {  	s16 =	spop (v2sf)  }
0x185: {  	s16 =	sand.u32 $0x1FFFFF80, s16  }
0x186: {  	s17 =	sadd.s32 $0xC100, s14;
	s15 =	sadd.s32 s5, s16  }
0x187: {  	[tilespmem:s17], [sflag:$0x1] =	stream.linear.gather [hbm4b:s15+s4], $0x400, $0x38;
	[tilespmem:$0x16280] =	vst v63  }
0x188: {  	s17 =	spop (v2sf)  }
0x189: {  	s15 =	sand.u32 $0x1FFFFF80, s17  }
0x18a: {  	s14 =	sadd.s32 $0xC500, s14;
	s15 =	sadd.s32 s5, s15  }
0x18b: {  	[tilespmem:s14], [sflag:$0x1] =	stream.linear.gather [hbm4b:s15+s4], $0x400, $0x38;
	[tilespmem:$0x16280] =	vst v63  }
.LBB2_6:
0x18c: {  	_ =	swait.ge [sflag:s3], $0x800  }
0x18d: {  	[sflag:s3] =	ssyncset.done $0x0  }
0x18e: {  	[sflag:s3] =	ssyncadd.s32 $0xFFFFF800  }
0x18f: {  	_ =	swait.ge [sflag:s7], $0x400  }
0x190: {  	[sflag:s7] =	ssyncset.done $0x0  }
0x191: {  	[sflag:s7] =	ssyncadd.s32 $0xFFFFFC00  }
0x192: {  	_ =	swait.ge [sflag:s7], $0x400  }
0x193: {  	[sflag:s7] =	ssyncset.done $0x0  }
0x194: {  	[sflag:s7] =	ssyncadd.s32 $0xFFFFFC00  }
0x195: {  	_ =	swait.ge [sflag:s7], $0x400  }
0x196: {  	[sflag:s7] =	ssyncset.done $0x0  }
0x197: {  	[sflag:s7] =	ssyncadd.s32 $0xFFFFFC00  }
0x198: {  	_ =	swait.ge [sflag:s7], $0x400  }
0x199: {  	[sflag:s7] =	ssyncset.done $0x0  }
0x19a: {  	[sflag:s7] =	ssyncadd.s32 $0xFFFFFC00  }
0x19b: {  	_ =	swait.ge [sflag:s7], $0x400  }
0x19c: {  	[sflag:s7] =	ssyncset.done $0x0  }
0x19d: {  	[sflag:s7] =	ssyncadd.s32 $0xFFFFFC00  }
0x19e: {  	_ =	swait.ge [sflag:s7], $0x400  }
0x19f: {  	[sflag:s7] =	ssyncset.done $0x0  }
0x1a0: {  	[sflag:s7] =	ssyncadd.s32 $0xFFFFFC00  }
0x1a1: {  	_ =	swait.ge [sflag:s7], $0x400  }
0x1a2: {  	[sflag:s7] =	ssyncset.done $0x0  }
0x1a3: {  	[sflag:s7] =	ssyncadd.s32 $0xFFFFFC00  }
0x1a4: {  	_ =	swait.ge [sflag:s7], $0x400  }
0x1a5: {  	[sflag:s7] =	ssyncset.done $0x0  }
0x1a6: {  	[sflag:s7] =	ssyncadd.s32 $0xFFFFFC00  }
0x1a7: {  	_ =	swait.ge [sflag:s7], $0x400  }
0x1a8: {  	[sflag:s7] =	ssyncset.done $0x0  }
0x1a9: {  	[sflag:s7] =	ssyncadd.s32 $0xFFFFFC00  }
0x1aa: {  	_ =	swait.ge [sflag:s7], $0x400  }
0x1ab: {  	[sflag:s7] =	ssyncset.done $0x0  }
0x1ac: {  	[sflag:s7] =	ssyncadd.s32 $0xFFFFFC00  }
0x1ad: {  	_ =	swait.ge [sflag:s7], $0x400  }
0x1ae: {  	[sflag:s7] =	ssyncset.done $0x0  }
0x1af: {  	[sflag:s7] =	ssyncadd.s32 $0xFFFFFC00  }
0x1b0: {  	_ =	swait.ge [sflag:s7], $0x400  }
0x1b1: {  	[sflag:s7] =	ssyncset.done $0x0  }
0x1b2: {  	[sflag:s7] =	ssyncadd.s32 $0xFFFFFC00  }
0x1b3: {  	_ =	swait.ge [sflag:s7], $0x400  }
0x1b4: {  	[sflag:s7] =	ssyncset.done $0x0  }
0x1b5: {  	[sflag:s7] =	ssyncadd.s32 $0xFFFFFC00  }
0x1b6: {  	_ =	swait.ge [sflag:s7], $0x400  }
0x1b7: {  	[sflag:s7] =	ssyncset.done $0x0  }
0x1b8: {  	[sflag:s7] =	ssyncadd.s32 $0xFFFFFC00  }
0x1b9: {  	_ =	swait.ge [sflag:s7], $0x400  }
0x1ba: {  	[sflag:s7] =	ssyncset.done $0x0  }
0x1bb: {  	[sflag:s7] =	ssyncadd.s32 $0xFFFFFC00  }
0x1bc: {  	_ =	swait.ge [sflag:s7], $0x400  }
0x1bd: {  	[sflag:s7] =	ssyncset.done $0x0  }
0x1be: {  	[sflag:s7] =	ssyncadd.s32 $0xFFFFFC00  }
0x1bf: {  	_ =	swait.ge [sflag:s7], $0x400  }
0x1c0: {  	[sflag:s7] =	ssyncset.done $0x0  }
0x1c1: {  	[sflag:s7] =	ssyncadd.s32 $0xFFFFFC00  }
0x1c2: {  	_ =	swait.ge [sflag:s7], $0x400  }
0x1c3: {  	[sflag:s7] =	ssyncset.done $0x0  }
0x1c4: {  	[sflag:s7] =	ssyncadd.s32 $0xFFFFFC00  }
0x1c5: {  	_ =	swait.ge [sflag:s7], $0x400  }
0x1c6: {  	[sflag:s7] =	ssyncset.done $0x0  }
0x1c7: {  	[sflag:s7] =	ssyncadd.s32 $0xFFFFFC00  }
0x1c8: {  	_ =	swait.ge [sflag:s7], $0x400  }
0x1c9: {  	[sflag:s7] =	ssyncset.done $0x0  }
0x1ca: {  	[sflag:s7] =	ssyncadd.s32 $0xFFFFFC00  }
0x1cb: {  	_ =	swait.ge [sflag:s7], $0x400  }
0x1cc: {  	[sflag:s7] =	ssyncset.done $0x0  }
0x1cd: {  	[sflag:s7] =	ssyncadd.s32 $0xFFFFFC00  }
0x1ce: {  	_ =	swait.ge [sflag:s7], $0x400  }
0x1cf: {  	[sflag:s7] =	ssyncset.done $0x0  }
0x1d0: {  	[sflag:s7] =	ssyncadd.s32 $0xFFFFFC00  }
0x1d1: {  	_ =	swait.ge [sflag:s7], $0x400  }
0x1d2: {  	[sflag:s7] =	ssyncset.done $0x0  }
0x1d3: {  	[sflag:s7] =	ssyncadd.s32 $0xFFFFFC00  }
0x1d4: {  	_ =	swait.ge [sflag:s7], $0x400  }
0x1d5: {  	[sflag:s7] =	ssyncset.done $0x0  }
0x1d6: {  	[sflag:s7] =	ssyncadd.s32 $0xFFFFFC00  }
0x1d7: {  	_ =	swait.ge [sflag:s7], $0x400  }
0x1d8: {  	[sflag:s7] =	ssyncset.done $0x0  }
0x1d9: {  	[sflag:s7] =	ssyncadd.s32 $0xFFFFFC00  }
0x1da: {  	_ =	swait.ge [sflag:s7], $0x400  }
0x1db: {  	[sflag:s7] =	ssyncset.done $0x0  }
0x1dc: {  	[sflag:s7] =	ssyncadd.s32 $0xFFFFFC00  }
0x1dd: {  	_ =	swait.ge [sflag:s7], $0x400  }
0x1de: {  	[sflag:s7] =	ssyncset.done $0x0  }
0x1df: {  	[sflag:s7] =	ssyncadd.s32 $0xFFFFFC00  }
0x1e0: {  	_ =	swait.ge [sflag:s7], $0x400  }
0x1e1: {  	[sflag:s7] =	ssyncset.done $0x0  }
0x1e2: {  	[sflag:s7] =	ssyncadd.s32 $0xFFFFFC00  }
0x1e3: {  	_ =	swait.ge [sflag:s7], $0x400  }
0x1e4: {  	[sflag:s7] =	ssyncset.done $0x0  }
0x1e5: {  	[sflag:s7] =	ssyncadd.s32 $0xFFFFFC00  }
0x1e6: {  	_ =	swait.ge [sflag:s7], $0x400  }
0x1e7: {  	[sflag:s7] =	ssyncset.done $0x0  }
0x1e8: {  	[sflag:s7] =	ssyncadd.s32 $0xFFFFFC00  }
0x1e9: {  	_ =	swait.ge [sflag:s7], $0x400  }
0x1ea: {  	s14 =	sshll.u32 s13, $0x7;
	[sflag:s7] =	ssyncset.done $0x0  }
0x1eb: {  	s15 =	sand.u32 $0x3FFFFF80, s14;
	[sflag:s7] =	ssyncadd.s32 $0xFFFFFC00  }
0x1ec: {  	s17 =	sshll.u32 s13, $0x5;
	s13 =	sadd.s32 $0x3100, s15;
	_ =	swait.ge [sflag:s7], $0x400  }
0x1ed: {  	p0 =	por $0x1, $0x1;
	v3 =	vmov s13;
	[sflag:s7] =	ssyncset.done $0x0  }
0x1ee: {  	s14 =	sand.u32 $0x20, s17;
	s15 =	simm.s32 $0x0;
	[tilespmem:$0x1FE50] =	vst v3;
	[sflag:s7] =	ssyncadd.s32 $0xFFFFFC00  }
.LBB2_7:
0x1ef: {  	v3 =	vld [tilespmem:$0x1FE50];
	_ =	sdelay $0x7  }
0x1f0: {  	v57 =	vld.idx.msk [tilespmem:v3+s15+$0x0 ss:$0x1], $0xffff;
	_ =	sdelay $0x3  }
0x1f1: {  	s16 =	sor.u32 s14, s15  }
0x1f2: {  	v61 =	vor.u32 s16, v0;
	v62 =	vshll.u32 v57, $0x7  }
0x1f3: {  	v57 =	vshll.u32 v61, $0x6;
	v61 =	vshll.u32 v61, $0xA;
	v62 =	vand.u32 $0x380, v62  }
0x1f4: {  	v61 =	vor.u32 v61, v62  }
0x1f5: {  	v63 =	vor.u32 v0, v57;
	v62 =	vor.u32 v0, v61  }
0x1f6: {  	v0 =	vor.u32 v4, v57;
	v3 =	vor.u32 v4, v61;
	v4 =	vor.u32 v5, v57;
	v5 =	vld [tilespmem:$0x1FFF0];
	_ =	sdelay $0x3  }
0x1f7: {  	v63 =	vld.idx.msk [tilespmem:v63+s31+$0x0], $0xffff  }
0x1f8: {  	v62 =	vld.idx.msk [tilespmem:v62+s1+$0x0], $0xffff;
	v5 =	vor.u32 v5, v61  }
0x1f9: {  	v6 =	vor.u32 v7, v57;
	v0 =	vld.idx.msk [tilespmem:v0+s31+$0x0], $0xffff  }
0x1fa: {  	v16 =	vmov v7;
	v7 =	vor.u32 v7, v61;
	v3 =	vld.idx.msk [tilespmem:v3+s1+$0x0], $0xffff;
	_ =	sdelay $0x1  }
0x1fb: {  	v8 =	vor.u32 v9, v57;
	v4 =	vld.idx.msk [tilespmem:v4+s31+$0x0], $0xffff  }
0x1fc: {  	v17 =	vmov v9;
	v9 =	vor.u32 v9, v61;
	v5 =	vld.idx.msk [tilespmem:v5+s1+$0x0], $0xffff  }
0x1fd: {  	v10 =	vor.u32 v11, v57;
	v6 =	vld.idx.msk [tilespmem:v6+s31+$0x0], $0xffff  }
0x1fe: {  	v62 =	vsub.f32 v63, v62;
	v0 =	vsub.f32 v0, v3;
	v3 =	vld.idx.msk [tilespmem:v7+s1+$0x0], $0xffff;
	v7 =	vor.u32 v11, v61;
	_ =	sdelay $0x1  }
0x1ff: {  	v56 =	vor.u32 v12, v57;
	v8 =	vld.idx.msk [tilespmem:v8+s31+$0x0], $0xffff;
	v62 =	vmul.f32 v62, v62;
	v0 =	vmul.f32 v0, v0  }
0x200: {  	v4 =	vsub.f32 v4, v5;
	v5 =	vld.idx.msk [tilespmem:v9+s1+$0x0], $0xffff;
	v9 =	vor.u32 v12, v61  }
0x201: {  	v40 =	vor.u32 v13, v57;
	v10 =	vld.idx.msk [tilespmem:v10+s31+$0x0], $0xffff;
	v0 =	vadd.f32 v0, v62  }
0x202: {  	v3 =	vsub.f32 v6, v3;
	v6 =	vld.idx.msk [tilespmem:v7+s1+$0x0], $0xffff;
	v7 =	vor.u32 v13, v61;
	v4 =	vmul.f32 v4, v4;
	_ =	sdelay $0x1  }
0x203: {  	v3 =	vmul.f32 v3, v3;
	v0 =	vadd.f32 v4, v0;
	v4 =	vld.idx.msk [tilespmem:v56+s31+$0x0], $0xffff;
	v56 =	vor.u32 v18, v57  }
0x204: {  	v5 =	vsub.f32 v8, v5;
	v8 =	vld.idx.msk [tilespmem:v9+s1+$0x0], $0xffff;
	v9 =	vor.u32 v18, v61  }
0x205: {  	v0 =	vadd.f32 v3, v0;
	v3 =	vld.idx.msk [tilespmem:v40+s31+$0x0], $0xffff;
	v40 =	vor.u32 v19, v57  }
0x206: {  	v6 =	vsub.f32 v10, v6;
	v7 =	vld.idx.msk [tilespmem:v7+s1+$0x0], $0xffff;
	v10 =	vor.u32 v19, v61;
	v5 =	vmul.f32 v5, v5;
	_ =	sdelay $0x1  }
0x207: {  	v0 =	vadd.f32 v5, v0;
	v5 =	vmul.f32 v6, v6;
	v6 =	vld.idx.msk [tilespmem:v56+s31+$0x0], $0xffff;
	v56 =	vor.u32 v20, v57  }
0x208: {  	v4 =	vsub.f32 v4, v8;
	v8 =	vld.idx.msk [tilespmem:v9+s1+$0x0], $0xffff;
	v9 =	vor.u32 v20, v61  }
0x209: {  	v0 =	vadd.f32 v5, v0;
	v5 =	vld.idx.msk [tilespmem:v40+s31+$0x0], $0xffff;
	v40 =	vor.u32 v21, v57  }
0x20a: {  	v3 =	vsub.f32 v3, v7;
	v7 =	vld.idx.msk [tilespmem:v10+s1+$0x0], $0xffff;
	v10 =	vor.u32 v21, v61;
	v4 =	vmul.f32 v4, v4;
	_ =	sdelay $0x1  }
0x20b: {  	v3 =	vmul.f32 v3, v3;
	v0 =	vadd.f32 v4, v0;
	v4 =	vld.idx.msk [tilespmem:v56+s31+$0x0], $0xffff;
	v56 =	vor.u32 v22, v57  }
0x20c: {  	v6 =	vsub.f32 v6, v8;
	v8 =	vld.idx.msk [tilespmem:v9+s1+$0x0], $0xffff;
	v9 =	vor.u32 v22, v61  }
0x20d: {  	v0 =	vadd.f32 v3, v0;
	v3 =	vld.idx.msk [tilespmem:v40+s31+$0x0], $0xffff;
	v40 =	vor.u32 v23, v57  }
0x20e: {  	v5 =	vsub.f32 v5, v7;
	v7 =	vld.idx.msk [tilespmem:v10+s1+$0x0], $0xffff;
	v10 =	vor.u32 v23, v61;
	v6 =	vmul.f32 v6, v6;
	_ =	sdelay $0x1  }
0x20f: {  	v5 =	vmul.f32 v5, v5;
	v0 =	vadd.f32 v6, v0;
	v6 =	vld.idx.msk [tilespmem:v56+s31+$0x0], $0xffff;
	v56 =	vor.u32 v24, v57  }
0x210: {  	v4 =	vsub.f32 v4, v8;
	v8 =	vld.idx.msk [tilespmem:v9+s1+$0x0], $0xffff;
	v9 =	vor.u32 v24, v61  }
0x211: {  	v0 =	vadd.f32 v5, v0;
	v5 =	vld.idx.msk [tilespmem:v40+s31+$0x0], $0xffff;
	v40 =	vor.u32 v25, v57  }
0x212: {  	v3 =	vsub.f32 v3, v7;
	v7 =	vld.idx.msk [tilespmem:v10+s1+$0x0], $0xffff;
	v10 =	vor.u32 v25, v61;
	v4 =	vmul.f32 v4, v4;
	_ =	sdelay $0x1  }
0x213: {  	v3 =	vmul.f32 v3, v3;
	v0 =	vadd.f32 v4, v0;
	v4 =	vld.idx.msk [tilespmem:v56+s31+$0x0], $0xffff;
	v56 =	vor.u32 v26, v57  }
0x214: {  	v6 =	vsub.f32 v6, v8;
	v8 =	vld.idx.msk [tilespmem:v9+s1+$0x0], $0xffff;
	v9 =	vor.u32 v26, v61  }
0x215: {  	v0 =	vadd.f32 v3, v0;
	v3 =	vld.idx.msk [tilespmem:v40+s31+$0x0], $0xffff;
	v40 =	vor.u32 v27, v57  }
0x216: {  	v5 =	vsub.f32 v5, v7;
	v7 =	vld.idx.msk [tilespmem:v10+s1+$0x0], $0xffff;
	v10 =	vor.u32 v27, v61;
	v6 =	vmul.f32 v6, v6;
	_ =	sdelay $0x1  }
0x217: {  	v5 =	vmul.f32 v5, v5;
	v0 =	vadd.f32 v6, v0;
	v6 =	vld.idx.msk [tilespmem:v56+s31+$0x0], $0xffff;
	v56 =	vor.u32 v28, v57  }
0x218: {  	v4 =	vsub.f32 v4, v8;
	v8 =	vld.idx.msk [tilespmem:v9+s1+$0x0], $0xffff;
	v9 =	vor.u32 v28, v61  }
0x219: {  	v0 =	vadd.f32 v5, v0;
	v5 =	vld.idx.msk [tilespmem:v40+s31+$0x0], $0xffff;
	v40 =	vor.u32 v29, v57  }
0x21a: {  	v3 =	vsub.f32 v3, v7;
	v7 =	vld.idx.msk [tilespmem:v10+s1+$0x0], $0xffff;
	v10 =	vor.u32 v29, v61;
	v4 =	vmul.f32 v4, v4;
	_ =	sdelay $0x1  }
0x21b: {  	v3 =	vmul.f32 v3, v3;
	v0 =	vadd.f32 v4, v0;
	v4 =	vld.idx.msk [tilespmem:v56+s31+$0x0], $0xffff;
	v56 =	vor.u32 v30, v57  }
0x21c: {  	v6 =	vsub.f32 v6, v8;
	v8 =	vld.idx.msk [tilespmem:v9+s1+$0x0], $0xffff;
	v9 =	vor.u32 v30, v61  }
0x21d: {  	v0 =	vadd.f32 v3, v0;
	v3 =	vld.idx.msk [tilespmem:v40+s31+$0x0], $0xffff;
	v40 =	vor.u32 v31, v57  }
0x21e: {  	v5 =	vsub.f32 v5, v7;
	v7 =	vld.idx.msk [tilespmem:v10+s1+$0x0], $0xffff;
	v10 =	vor.u32 v31, v61;
	v6 =	vmul.f32 v6, v6;
	_ =	sdelay $0x1  }
0x21f: {  	v5 =	vmul.f32 v5, v5;
	v0 =	vadd.f32 v6, v0;
	v6 =	vld.idx.msk [tilespmem:v56+s31+$0x0], $0xffff;
	v56 =	vor.u32 v32, v57  }
0x220: {  	v4 =	vsub.f32 v4, v8;
	v8 =	vld.idx.msk [tilespmem:v9+s1+$0x0], $0xffff;
	v9 =	vor.u32 v32, v61  }
0x221: {  	v0 =	vadd.f32 v5, v0;
	v5 =	vld.idx.msk [tilespmem:v40+s31+$0x0], $0xffff;
	v40 =	vor.u32 v33, v57  }
0x222: {  	v3 =	vsub.f32 v3, v7;
	v7 =	vld.idx.msk [tilespmem:v10+s1+$0x0], $0xffff;
	v10 =	vor.u32 v33, v61;
	v4 =	vmul.f32 v4, v4;
	_ =	sdelay $0x1  }
0x223: {  	v3 =	vmul.f32 v3, v3;
	v0 =	vadd.f32 v4, v0;
	v4 =	vld.idx.msk [tilespmem:v56+s31+$0x0], $0xffff;
	v56 =	vor.u32 v34, v57  }
0x224: {  	v6 =	vsub.f32 v6, v8;
	v8 =	vld.idx.msk [tilespmem:v9+s1+$0x0], $0xffff;
	v9 =	vor.u32 v34, v61  }
0x225: {  	v0 =	vadd.f32 v3, v0;
	v3 =	vld.idx.msk [tilespmem:v40+s31+$0x0], $0xffff;
	v40 =	vor.u32 v35, v57  }
0x226: {  	v5 =	vsub.f32 v5, v7;
	v7 =	vld.idx.msk [tilespmem:v10+s1+$0x0], $0xffff;
	v10 =	vor.u32 v35, v61;
	v6 =	vmul.f32 v6, v6;
	_ =	sdelay $0x1  }
0x227: {  	v5 =	vmul.f32 v5, v5;
	v0 =	vadd.f32 v6, v0;
	v6 =	vld.idx.msk [tilespmem:v56+s31+$0x0], $0xffff;
	v56 =	vor.u32 v36, v57  }
0x228: {  	v4 =	vsub.f32 v4, v8;
	v8 =	vld.idx.msk [tilespmem:v9+s1+$0x0], $0xffff;
	v9 =	vor.u32 v36, v61  }
0x229: {  	v0 =	vadd.f32 v5, v0;
	v5 =	vld.idx.msk [tilespmem:v40+s31+$0x0], $0xffff;
	v40 =	vor.u32 v37, v57  }
0x22a: {  	v3 =	vsub.f32 v3, v7;
	v7 =	vld.idx.msk [tilespmem:v10+s1+$0x0], $0xffff;
	v10 =	vor.u32 v37, v61;
	v4 =	vmul.f32 v4, v4;
	_ =	sdelay $0x1  }
0x22b: {  	v3 =	vmul.f32 v3, v3;
	v0 =	vadd.f32 v4, v0;
	v4 =	vld.idx.msk [tilespmem:v56+s31+$0x0], $0xffff;
	v56 =	vor.u32 v42, v57  }
0x22c: {  	v6 =	vsub.f32 v6, v8;
	v8 =	vld.idx.msk [tilespmem:v9+s1+$0x0], $0xffff;
	v9 =	vor.u32 v42, v61  }
0x22d: {  	v0 =	vadd.f32 v3, v0;
	v3 =	vld.idx.msk [tilespmem:v40+s31+$0x0], $0xffff;
	v40 =	vor.u32 v43, v57  }
0x22e: {  	v5 =	vsub.f32 v5, v7;
	v7 =	vld.idx.msk [tilespmem:v10+s1+$0x0], $0xffff;
	v10 =	vor.u32 v43, v61;
	v6 =	vmul.f32 v6, v6;
	_ =	sdelay $0x1  }
0x22f: {  	v5 =	vmul.f32 v5, v5;
	v0 =	vadd.f32 v6, v0;
	v6 =	vld.idx.msk [tilespmem:v56+s31+$0x0], $0xffff;
	v56 =	vor.u32 v44, v57  }
0x230: {  	v4 =	vsub.f32 v4, v8;
	v8 =	vld.idx.msk [tilespmem:v9+s1+$0x0], $0xffff;
	v9 =	vor.u32 v44, v61  }
0x231: {  	v0 =	vadd.f32 v5, v0;
	v5 =	vld.idx.msk [tilespmem:v40+s31+$0x0], $0xffff;
	v40 =	vor.u32 v45, v57  }
0x232: {  	v3 =	vsub.f32 v3, v7;
	v7 =	vld.idx.msk [tilespmem:v10+s1+$0x0], $0xffff;
	v10 =	vor.u32 v45, v61;
	v4 =	vmul.f32 v4, v4;
	_ =	sdelay $0x1  }
0x233: {  	v3 =	vmul.f32 v3, v3;
	v0 =	vadd.f32 v4, v0;
	v4 =	vld.idx.msk [tilespmem:v56+s31+$0x0], $0xffff;
	v56 =	vor.u32 v52, v57  }
0x234: {  	v6 =	vsub.f32 v6, v8;
	v8 =	vld.idx.msk [tilespmem:v9+s1+$0x0], $0xffff;
	v9 =	vor.u32 v52, v61  }
0x235: {  	v0 =	vadd.f32 v3, v0;
	v3 =	vld.idx.msk [tilespmem:v40+s31+$0x0], $0xffff;
	v40 =	vor.u32 v53, v57  }
0x236: {  	v5 =	vsub.f32 v5, v7;
	v7 =	vld.idx.msk [tilespmem:v10+s1+$0x0], $0xffff;
	v10 =	vor.u32 v53, v61;
	v6 =	vmul.f32 v6, v6  }
0x237: {  	v14 =	vld [tilespmem:$0x1FF70]  }
0x238: {  	v5 =	vmul.f32 v5, v5;
	v0 =	vadd.f32 v6, v0;
	v6 =	vld.idx.msk [tilespmem:v56+s31+$0x0], $0xffff;
	v56 =	vor.u32 v54, v57  }
0x239: {  	v4 =	vsub.f32 v4, v8;
	v8 =	vld.idx.msk [tilespmem:v9+s1+$0x0], $0xffff;
	v9 =	vor.u32 v54, v61  }
0x23a: {  	v0 =	vadd.f32 v5, v0;
	v5 =	vld.idx.msk [tilespmem:v40+s31+$0x0], $0xffff;
	v40 =	vor.u32 v55, v57  }
0x23b: {  	v3 =	vsub.f32 v3, v7;
	v7 =	vld.idx.msk [tilespmem:v10+s1+$0x0], $0xffff;
	v10 =	vor.u32 v55, v61;
	v4 =	vmul.f32 v4, v4;
	_ =	sdelay $0x1  }
0x23c: {  	v3 =	vmul.f32 v3, v3;
	v0 =	vadd.f32 v4, v0;
	v4 =	vld.idx.msk [tilespmem:v56+s31+$0x0], $0xffff;
	v56 =	vor.u32 v58, v57  }
0x23d: {  	v6 =	vsub.f32 v6, v8;
	v8 =	vld.idx.msk [tilespmem:v9+s1+$0x0], $0xffff;
	v9 =	vor.u32 v58, v61  }
0x23e: {  	v0 =	vadd.f32 v3, v0;
	v3 =	vld.idx.msk [tilespmem:v40+s31+$0x0], $0xffff;
	v40 =	vor.u32 v14, v57  }
0x23f: {  	v5 =	vsub.f32 v5, v7;
	v7 =	vld.idx.msk [tilespmem:v10+s1+$0x0], $0xffff;
	v10 =	vor.u32 v14, v61;
	v6 =	vmul.f32 v6, v6;
	_ =	sdelay $0x1  }
0x240: {  	v5 =	vmul.f32 v5, v5;
	v0 =	vadd.f32 v6, v0;
	v6 =	vld.idx.msk [tilespmem:v56+s31+$0x0], $0xffff;
	v56 =	vor.u32 v2, v57  }
0x241: {  	v4 =	vsub.f32 v4, v8;
	v8 =	vld.idx.msk [tilespmem:v9+s1+$0x0], $0xffff;
	v9 =	vor.u32 v2, v61  }
0x242: {  	v0 =	vadd.f32 v5, v0;
	v5 =	vld.idx.msk [tilespmem:v40+s31+$0x0], $0xffff;
	v40 =	vor.u32 v39, v57  }
0x243: {  	v3 =	vsub.f32 v3, v7;
	v7 =	vld.idx.msk [tilespmem:v10+s1+$0x0], $0xffff;
	v10 =	vor.u32 v39, v61;
	v4 =	vmul.f32 v4, v4;
	_ =	sdelay $0x1  }
0x244: {  	v3 =	vmul.f32 v3, v3;
	v0 =	vadd.f32 v4, v0;
	v4 =	vld.idx.msk [tilespmem:v56+s31+$0x0], $0xffff;
	v56 =	vor.u32 v41, v57  }
0x245: {  	v6 =	vsub.f32 v6, v8;
	v8 =	vld.idx.msk [tilespmem:v9+s1+$0x0], $0xffff;
	v9 =	vor.u32 v41, v61  }
0x246: {  	v0 =	vadd.f32 v3, v0;
	v3 =	vld.idx.msk [tilespmem:v40+s31+$0x0], $0xffff;
	v40 =	vor.u32 v38, v57  }
0x247: {  	v5 =	vsub.f32 v5, v7;
	v7 =	vld.idx.msk [tilespmem:v10+s1+$0x0], $0xffff;
	v10 =	vor.u32 v38, v61;
	v6 =	vmul.f32 v6, v6;
	_ =	sdelay $0x1  }
0x248: {  	v5 =	vmul.f32 v5, v5;
	v0 =	vadd.f32 v6, v0;
	v6 =	vld.idx.msk [tilespmem:v56+s31+$0x0], $0xffff;
	v56 =	vor.u32 v46, v57  }
0x249: {  	v4 =	vsub.f32 v4, v8;
	v8 =	vld.idx.msk [tilespmem:v9+s1+$0x0], $0xffff;
	v9 =	vor.u32 v46, v61  }
0x24a: {  	v0 =	vadd.f32 v5, v0;
	v5 =	vld.idx.msk [tilespmem:v40+s31+$0x0], $0xffff;
	v40 =	vor.u32 v48, v57  }
0x24b: {  	v3 =	vsub.f32 v3, v7;
	v7 =	vld.idx.msk [tilespmem:v10+s1+$0x0], $0xffff;
	v10 =	vor.u32 v48, v61;
	v4 =	vmul.f32 v4, v4  }
0x24c: {  	v14 =	vld [tilespmem:$0x1FF10]  }
0x24d: {  	v3 =	vmul.f32 v3, v3;
	v0 =	vadd.f32 v4, v0;
	v4 =	vld.idx.msk [tilespmem:v56+s31+$0x0], $0xffff  }
0x24e: {  	v6 =	vsub.f32 v6, v8;
	v8 =	vld.idx.msk [tilespmem:v9+s1+$0x0], $0xffff  }
0x24f: {  	v56 =	vor.u32 v51, v57;
	v0 =	vadd.f32 v3, v0;
	v3 =	vld.idx.msk [tilespmem:v40+s31+$0x0], $0xffff  }
0x250: {  	v9 =	vor.u32 v51, v61;
	v5 =	vsub.f32 v5, v7;
	v7 =	vld.idx.msk [tilespmem:v10+s1+$0x0], $0xffff  }
0x251: {  	v40 =	vor.u32 v14, v57;
	v10 =	vor.u32 v14, v61;
	v14 =	vld [tilespmem:$0x1FF20]  }
0x252: {  	v6 =	vmul.f32 v6, v6;
	_ =	sdelay $0x1  }
0x253: {  	v0 =	vadd.f32 v6, v0;
	v6 =	vld.idx.msk [tilespmem:v56+s31+$0x0], $0xffff  }
0x254: {  	v4 =	vsub.f32 v4, v8;
	v8 =	vld.idx.msk [tilespmem:v9+s1+$0x0], $0xffff  }
0x255: {  	v56 =	vor.u32 v14, v57;
	v9 =	vor.u32 v14, v61;
	v14 =	vld [tilespmem:$0x1FF30]  }
0x256: {  	v5 =	vmul.f32 v5, v5;
	_ =	sdelay $0x1  }
0x257: {  	v0 =	vadd.f32 v5, v0;
	v5 =	vld.idx.msk [tilespmem:v40+s31+$0x0], $0xffff  }
0x258: {  	v3 =	vsub.f32 v3, v7;
	v7 =	vld.idx.msk [tilespmem:v10+s1+$0x0], $0xffff  }
0x259: {  	v40 =	vor.u32 v14, v57;
	v10 =	vor.u32 v14, v61;
	v14 =	vld [tilespmem:$0x1FF40]  }
0x25a: {  	v4 =	vmul.f32 v4, v4;
	_ =	sdelay $0x1  }
0x25b: {  	v0 =	vadd.f32 v4, v0;
	v4 =	vld.idx.msk [tilespmem:v56+s31+$0x0], $0xffff  }
0x25c: {  	v6 =	vsub.f32 v6, v8;
	v8 =	vld.idx.msk [tilespmem:v9+s1+$0x0], $0xffff  }
0x25d: {  	v56 =	vor.u32 v14, v57;
	v9 =	vor.u32 v14, v61;
	v14 =	vld [tilespmem:$0x1FF80];
	_ =	sdelay $0x3  }
0x25e: {  	v5 =	vsub.f32 v5, v7;
	v7 =	vld.idx.msk [tilespmem:v10+s1+$0x0], $0xffff  }
0x25f: {  	v3 =	vmul.f32 v3, v3;
	v10 =	vor.u32 v14, v57;
	v62 =	vor.u32 v14, v61;
	v14 =	vld [tilespmem:$0x1FF90];
	_ =	sdelay $0x1  }
0x260: {  	v0 =	vadd.f32 v3, v0;
	v6 =	vmul.f32 v6, v6  }
0x261: {  	v15 =	vmov v48;
	v63 =	vsel vm0, v50, v1;
	v3 =	vld.idx.msk [tilespmem:v40+s31+$0x0], $0xffff  }
0x262: {  	v48 =	vmovc v50;
	v50 =	vmovc v43;
	v43 =	vmov v36;
	v36 =	vmov v33;
	v0 =	vadd.f32 v6, v0;
	v6 =	vld.idx.msk [tilespmem:v56+s31+$0x0], $0xffff  }
0x263: {  	v33 =	vmovc v30;
	v30 =	vmov v27;
	v4 =	vsub.f32 v4, v8;
	v8 =	vld.idx.msk [tilespmem:v9+s1+$0x0], $0xffff;
	v9 =	vor.u32 v14, v57  }
0x264: {  	v27 =	vmovc v24;
	v24 =	vmovc v21;
	v21 =	vmov v18;
	v18 =	vmov v11;
	v11 =	vor.u32 v14, v61;
	v14 =	vld [tilespmem:$0x1FE70]  }
0x265: {  	v56 =	vmov v19;
	v19 =	vmov v12;
	v12 =	vld [tilespmem:$0x1FFC0]  }
0x266: {  	v5 =	vmul.f32 v5, v5  }
0x267: {  	v3 =	vsub.f32 v3, v7;
	v7 =	vld.idx.msk [tilespmem:v62+s1+$0x0], $0xffff  }
0x268: {  	v0 =	vadd.f32 v5, v0;
	v4 =	vmul.f32 v4, v4;
	v6 =	vsub.f32 v6, v8;
	v8 =	vld.idx.msk [tilespmem:v9+s31+$0x0], $0xffff  }
0x269: {  	v9 =	vor.u32 v14, v57;
	v62 =	vor.u32 v14, v61;
	v14 =	vld [tilespmem:$0x1FE80]  }
0x26a: {  	v0 =	vadd.f32 v4, v0;
	v3 =	vmul.f32 v3, v3;
	v12 =	vcombine.low v12, v63;
	_ =	sdelay $0x1  }
0x26b: {  	v0 =	vadd.f32 v3, v0;
	v5 =	vld.idx.msk [tilespmem:v10+s31+$0x0], $0xffff;
	v10 =	vor.u32 v12, v57  }
0x26c: {  	v4 =	vor.u32 v12, v61;
	v12 =	vsel vm0, v60, v59;
	v3 =	vmul.f32 v6, v6;
	v6 =	vld [tilespmem:$0x1FF50]  }
0x26d: {  	v12 =	vcombine.low v12, v14;
	v14 =	vld [tilespmem:$0x1FF60];
	_ =	sdelay $0x4  }
0x26e: {  	v6 =	vsel vm0, v14, v6;
	v14 =	vld [tilespmem:$0x1FEC0];
	_ =	sdelay $0x4  }
0x26f: {  	v6 =	vcombine.low v6, v14;
	v14 =	vmov v51  }
0x270: {  	v51 =	vmovc v46;
	v46 =	vmovc v2;
	v2 =	vmov v60;
	v60 =	vmov v59;
	v59 =	vmov v55  }
0x271: {  	v55 =	vmovc v53;
	v53 =	vmovc v45;
	v45 =	vmov v42;
	v42 =	vmov v35;
	v35 =	vmov v32  }
0x272: {  	v32 =	vmovc v29;
	v29 =	vmovc v26;
	v26 =	vmov v23;
	v23 =	vmov v20;
	v20 =	vmov v13;
	v13 =	vld [tilespmem:$0x1FFA0]  }
0x273: {  	v40 =	vld [tilespmem:$0x1FEE0];
	v5 =	vsub.f32 v5, v7;
	_ =	sdelay $0x1  }
0x274: {  	v0 =	vadd.f32 v3, v0;
	v11 =	vld.idx.msk [tilespmem:v11+s1+$0x0], $0xffff;
	v5 =	vmul.f32 v5, v5  }
0x275: {  	v7 =	vld.idx.msk [tilespmem:v10+s31+$0x0], $0xffff  }
0x276: {  	v0 =	vadd.f32 v5, v0;
	v5 =	vld [tilespmem:$0x1FFB0];
	v10 =	vor.u32 v12, v57;
	v13 =	vsel vm0, v1, v13  }
0x277: {  	v13 =	vcombine.low v13, v40;
	v40 =	vld [tilespmem:$0x1FE60]  }
0x278: {  	v3 =	vld.idx.msk [tilespmem:v4+s1+$0x0], $0xffff  }
0x279: {  	v9 =	vld.idx.msk [tilespmem:v9+s31+$0x0], $0xffff;
	v4 =	vor.u32 v12, v61  }
0x27a: {  	v8 =	vsub.f32 v8, v11;
	v11 =	vld.idx.msk [tilespmem:v62+s1+$0x0], $0xffff;
	v12 =	vor.u32 v6, v57  }
0x27b: {  	v10 =	vld.idx.msk [tilespmem:v10+s31+$0x0], $0xffff;
	v6 =	vor.u32 v6, v61  }
0x27c: {  	v8 =	vmul.f32 v8, v8;
	v5 =	vsel vm0, v5, v40;
	v40 =	vld [tilespmem:$0x1FEF0]  }
0x27d: {  	v3 =	vsub.f32 v7, v3;
	v62 =	vor.u32 v13, v57;
	v7 =	vor.u32 v13, v61;
	v13 =	vld [tilespmem:$0x1FE90]  }
0x27e: {  	v4 =	vld.idx.msk [tilespmem:v4+s1+$0x0], $0xffff  }
0x27f: {  	v0 =	vadd.f32 v8, v0;
	v8 =	vld.idx.msk [tilespmem:v12+s31+$0x0], $0xffff  }
0x280: {  	v3 =	vmul.f32 v3, v3;
	v9 =	vsub.f32 v9, v11;
	v6 =	vld.idx.msk [tilespmem:v6+s1+$0x0], $0xffff  }
0x281: {  	v5 =	vcombine.low v5, v40  }
0x282: {  	v47 =	vld [tilespmem:$0x1FEA0];
	v0 =	vadd.f32 v3, v0;
	v3 =	vmul.f32 v9, v9;
	v11 =	vor.u32 v13, v57  }
0x283: {  	v4 =	vsub.f32 v10, v4;
	v10 =	vor.u32 v13, v61;
	v13 =	vld [tilespmem:$0x1FF00];
	v12 =	vor.u32 v5, v57  }
0x284: {  	v5 =	vor.u32 v5, v61  }
0x285: {  	v0 =	vadd.f32 v3, v0;
	v4 =	vmul.f32 v4, v4;
	v6 =	vsub.f32 v8, v6;
	v9 =	vld.idx.msk [tilespmem:v62+s31+$0x0], $0xffff  }
0x286: {  	v7 =	vld.idx.msk [tilespmem:v7+s1+$0x0], $0xffff  }
0x287: {  	v0 =	vadd.f32 v4, v0;
	v4 =	vmul.f32 v6, v6;
	v6 =	vld.idx.msk [tilespmem:v11+s31+$0x0], $0xffff  }
0x288: {  	v40 =	vmov v47;
	v13 =	vcombine.low v63, v13;
	v3 =	vld.idx.msk [tilespmem:v12+s31+$0x0], $0xffff;
	v12 =	vor.u32 v47, v57  }
0x289: {  	v8 =	vor.u32 v40, v61;
	v5 =	vld.idx.msk [tilespmem:v5+s1+$0x0], $0xffff  }
0x28a: {  	v40 =	vor.u32 v13, v57;
	v11 =	vor.u32 v13, v61;
	v13 =	vld [tilespmem:$0x1FEB0]  }
0x28b: {  	v47 =	vld [tilespmem:$0x1FFE0]  }
0x28c: {  	v7 =	vsub.f32 v9, v7;
	v9 =	vld.idx.msk [tilespmem:v10+s1+$0x0], $0xffff  }
0x28d: {  	v0 =	vadd.f32 v4, v0;
	v4 =	vld.idx.msk [tilespmem:v12+s31+$0x0], $0xffff  }
0x28e: {  	v3 =	vsub.f32 v3, v5;
	v5 =	vld.idx.msk [tilespmem:v8+s1+$0x0], $0xffff  }
0x28f: {  	v10 =	vor.u32 v13, v57;
	v12 =	vor.u32 v13, v61;
	v13 =	vld.idx.msk [tilespmem:v40+s31+$0x0], $0xffff  }
0x290: {  	v8 =	vor.u32 v47, v57;
	v40 =	vor.u32 v47, v61;
	v47 =	vld [tilespmem:$0x1FED0];
	_ =	sdelay $0x2  }
0x291: {  	v7 =	vmul.f32 v7, v7;
	_ =	sdelay $0x1  }
0x292: {  	v0 =	vadd.f32 v7, v0;
	v7 =	vld.idx.msk [tilespmem:v11+s1+$0x0], $0xffff;
	v3 =	vmul.f32 v3, v3;
	v11 =	vor.u32 v47, v57  }
0x293: {  	v6 =	vsub.f32 v6, v9;
	v9 =	vld.idx.msk [tilespmem:v10+s31+$0x0], $0xffff;
	v10 =	vor.u32 v47, v61  }
0x294: {  	v0 =	vadd.f32 v3, v0;
	v3 =	vld.idx.msk [tilespmem:v12+s1+$0x0], $0xffff;
	v12 =	vor.u32 v49, v57  }
0x295: {  	v4 =	vsub.f32 v4, v5;
	v5 =	vmul.f32 v6, v6;
	v6 =	vld.idx.msk [tilespmem:v8+s31+$0x0], $0xffff;
	v8 =	vor.u32 v49, v61  }
0x296: {  	v57 =	vld.idx.msk [tilespmem:v40+s1+$0x0], $0xffff  }
0x297: {  	v0 =	vadd.f32 v5, v0;
	v5 =	vsub.f32 v13, v7;
	v4 =	vmul.f32 v4, v4;
	v7 =	vld.idx.msk [tilespmem:v11+s31+$0x0], $0xffff  }
0x298: {  	v10 =	vld.idx.msk [tilespmem:v10+s1+$0x0], $0xffff  }
0x299: {  	v0 =	vadd.f32 v4, v0;
	v4 =	vmul.f32 v5, v5;
	v3 =	vsub.f32 v9, v3;
	v5 =	vld.idx.msk [tilespmem:v12+s31+$0x0], $0xffff  }
0x29a: {  	v8 =	vld.idx.msk [tilespmem:v8+s1+$0x0], $0xffff  }
0x29b: {  	v0 =	vadd.f32 v4, v0;
	v4 =	vsub.f32 v6, v57;
	v3 =	vmul.f32 v3, v3;
	_ =	sdelay $0x1  }
0x29c: {  	v4 =	vmul.f32 v4, v4;
	v0 =	vadd.f32 v3, v0;
	v3 =	vsub.f32 v7, v10  }
0x29d: {  	v13 =	vmovc v20;
	v20 =	vmov v23;
	v23 =	vmov v26;
	v26 =	vmov v29  }
0x29e: {  	v29 =	vmovc v32;
	v0 =	vadd.f32 v4, v0;
	v4 =	vsub.f32 v5, v8;
	v3 =	vmul.f32 v3, v3  }
0x29f: {  	p1 =	por p0, p0;
	v32 =	vmovc v35;
	v35 =	vmovc v42;
	v42 =	vmov v45;
	v45 =	vmov v53;
	v53 =	vmov v55  }
.Ltmp2:
0x2a0: {  	v55 =	vmovc v59;
	v59 =	vmovc v60;
	v60 =	vmov v2;
	v0 =	vadd.f32 v3, v0;
	v3 =	vmul.f32 v4, v4;
	(pc) =	sbr.rel @p1 .LBB2_7-.Ltmp2, $4  }
0x2a1: {  	v2 =	vmovc v46;
	v46 =	vmovc v51;
	v51 =	vmov v14;
	v11 =	vmov v18;
	v18 =	vmov v21  }
0x2a2: {  	v21 =	vmovc v24;
	v24 =	vmovc v27;
	v27 =	vmov v30;
	v30 =	vmov v33;
	v0 =	vadd.f32 v3, v0  }
0x2a3: {  	v33 =	vmovc v36;
	v36 =	vmovc v43;
	v43 =	vmov v50;
	v50 =	vmov v48;
	v48 =	vmov v15;
	v5 =	vld [tilespmem:$0x1FFF0]  }
0x2a4: {  	p0 =	por $0x0, $0x0;
	v9 =	vmovc v17;
	v12 =	vmovc v19;
	v19 =	vmov v56;
	v7 =	vmov v16;
	v4 =	vld [tilespmem:$0x1FFD0];
	[tilespmem:s15+$0x14900] =	vst v0;
	v0 =	vlaneseq.u32;
	s15 =	simm.s32 $0x10  }
0x2a5: {  	[spmem:s0] =	stream.indirect.scatter.add.f32 [tilespmem:s9], [sflag:$0x3], $0x1, s13, s8, $0xb8;
	[tilespmem:$0x16280] =	vst v63  }
0x2a6: {  	_ =	swait.ge [sflag:s30], $0x20  }
0x2a7: {  	p0 =	sne.s32 s12, $0x10;
	[sflag:s30] =	ssyncset.done $0x0  }
.Ltmp3:
0x2a8: {  	[sflag:s30] =	ssyncadd.s32 $0xFFFFFFE0;
	(pc) =	sbr.rel @p0 .LBB2_4-.Ltmp3, $4  }
0x2a9: {  	[spmem:s2] =	stream.indirect.scatter.add.f32 [tilespmem:s10], [sflag:$0x3], $0x1, s13, s8, $0xb8;
	[tilespmem:$0x16280] =	vst v63  }
0x2aa: {  	_ =	swait.ge [sflag:s30], $0x20  }
0x2ab: {  	[sflag:s30] =	ssyncset.done $0x0  }
0x2ac: {  	s13 =	smov.u32 s12;
	[sflag:s30] =	ssyncadd.s32 $0xFFFFFFE0  }
0x2ad: {  	[bflag:$0x0] =	sbarrier.arrive $0xFFFF  }
0x2ae: {  	[tilespmem:s29], [sflag:$0x3] =	stream.linear.gather [spmem:s20], $0x1880, $0x38;
	[tilespmem:$0x16280] =	vst v63  }
0x2af: {  	_ =	swait.ge [sflag:s30], $0x1880  }
0x2b0: {  	[sflag:s30] =	ssyncset.done $0x0  }
0x2b1: {  	[sflag:s30] =	ssyncadd.s32 $0xFFFFE780  }
0x2b2: {  	[hbm4b:s23+s4] =	stream.linear.scatter [tilespmem:s29], [sflag:$0x3], $0x1880, $0x38;
	[tilespmem:$0x16280] =	vst v63  }
0x2b3: {  	_ =	swait.ge [sflag:s30], $0x1880  }
0x2b4: {  	[sflag:s30] =	ssyncset.done $0x0  }
0x2b5: {  	[sflag:s30] =	ssyncadd.s32 $0xFFFFE780  }
0x2b6: {  	[tilespmem:s29], [sflag:$0x3] =	stream.linear.gather [spmem:s22], $0x1880, $0x38;
	[tilespmem:$0x16280] =	vst v63  }
0x2b7: {  	s11 =	sadd.s32 $0x1, s11;
	_ =	swait.ge [sflag:s30], $0x1880  }
0x2b8: {  	p0 =	sne.s32 s11, s25;
	[sflag:s30] =	ssyncset.done $0x0  }
.Ltmp4:
0x2b9: {  	[sflag:s30] =	ssyncadd.s32 $0xFFFFE780;
	(pc) =	sbr.rel @p0 .LBB2_1-.Ltmp4, $4  }
0x2ba: {  	[hbm4b:s24+s4] =	stream.linear.scatter [tilespmem:s29], [sflag:$0x3], $0x1880, $0x38;
	[tilespmem:$0x16280] =	vst v63  }
0x2bb: {  	_ =	swait.ge [sflag:s30], $0x1880  }
0x2bc: {  	[sflag:s30] =	ssyncset.done $0x0  }
0x2bd: {  	v3 =	vimm.f32 $0.0e+00;
	[sflag:s30] =	ssyncadd.s32 $0xFFFFE780  }
0x2be: {  	_ =	sfence.sel $0x180000  }
0x2bf: {  	[bflag:$0x0] =	sbarrier.arrive $0xFFFF  }
0x2c0: {  	_ =	strace $0x90000047  }
0x2c1: {  	s0 =	stileid.u32;
	[bflag:$0x2] =	sbarrier.arrive $0xFFFF  }
0x2c2: {  	p0 =	sne.s32 s0, $0x0;
	s0 =	rddreg [dreg:$0x4]  }
0x2c3: {  	s0 =	sadd.s32 @!p0 $0x100000, s0  }
0x2c4: {  	[sflag:s0] =	ssyncadd.tile.s32 @!p0 $0x1;
	_ =	shalt  }
.Lfunc_end2:
_tile_overlayer_lowered:
.L_overlay_start_2:
0x2c5: {  	(tag) =	ssettag $0x2  }
0x2c6: {  	s0 =	rddreg [dreg:$0x0];
	s2 =	stileid.u32  }
0x2c7: {  	s1 =	rddreg [dreg:$0x1];
	p0 =	sne.s32 s2, $0x0  }
0x2c8: {  	s3 =	rddreg [dreg:$0x2];
	[bflag:$0x3] =	sbarrier.arrive $0xFFFF;
	s2 =	simm.s32 @!p0 $0x1C03  }
0x2c9: {  	[timem:s3], [sflag:s2] =	dma.local @!p0 [hbm:s0], s1  }
0x2ca: {  	s0 =	simm.s32 @!p0 $0x3  }
0x2cb: {  	_ =	swait.ge @!p0 [sflag:s0], s1  }
0x2cc: {  	s1 =	ssub.s32 @!p0 $0x0, s1;
	[sflag:s0] =	ssyncset.done @!p0 $0x0  }
0x2cd: {  	[sflag:s0] =	ssyncadd.s32 @!p0 s1  }
0x2ce: {  	[bflag:$0x3] =	sbarrier.arrive $0xFFFF  }
0x2cf: {  	_ =	shalt  }

// kernel: _center_loss.7.cloned.1.call-start
scs
__scs_entry_jumppad:
0x0: {  	(pc) =	sbr.rel $0x88, $3  }
0x1: {  	(tag) =	ssettag $0x0;
	lr =	simm.s32 $0x1  }
0x2: {  	[smem:$0x3F9E] =	sst lr;
	_ =	strace $0xD0000000  }
0x3: {  	_ = 	snop  }
0x4: {  	_ = 	snop  }
0x5: {  	_ = 	snop  }
0x6: {  	_ = 	snop  }
0x7: {  	_ = 	snop  }
__scs_overlays_trampoline_lowered:
0x8: {  	[smem:$0x3FAD] =	sst s0  }
0x9: {  	[smem:$0x3FAE] =	sst s1  }
0xa: {  	[smem:$0x3FAF] =	sst s2  }
0xb: {  	[smem:$0x3FB0] =	sst s3  }
0xc: {  	[smem:$0x3FB1] =	sst s4  }
0xd: {  	[smem:$0x3FB2] =	sst s5  }
0xe: {  	[smem:$0x3FB3] =	sst s6  }
0xf: {  	[smem:$0x3FB4] =	sst s7  }
0x10: {  	[smem:$0x3FB5] =	sst s8  }
0x11: {  	[smem:$0x3FB6] =	sst s9;
	s0 =	simm.s32 @!p0 $0x0  }
0x12: {  	s1 =	sld [smem:$0x3F9C];
	s0 =	simm.s32 @p0 $0x1  }
0x13: {  	[smem:$0x3FB7] =	sst s0;
	s0 =	simm.s32 @!p1 $0x0  }
0x14: {  	s2 =	sld [smem:$0x3F9B];
	s0 =	simm.s32 @p1 $0x1  }
0x15: {  	[smem:$0x3FB8] =	sst s0;
	s0 =	simm.s32 @!p2 $0x0  }
0x16: {  	s3 =	sld [smem:$0x3FDB];
	s0 =	simm.s32 @p2 $0x1  }
0x17: {  	s4 =	simm.s32 $0x1BF5;
	[smem:$0x3FBA] =	sst s0  }
0x18: {  	s0 =	sld [smem:$0x3F9D];
	_ =	swait.ge [sflag:s4], $0x0  }
0x19: {  	s7 =	sld [smem:$0x3F9E]  }
0x1a: {  	s8 =	sadd.s32 $0xFFFFE003, lr  }
0x1b: {  	s9 =	sadd.s32 $0xFFFFFEF7, lr;
	s5 =	simm.s32 $0xFFFFFFFF;
	p2 =	slt.u32 s8, $0xFFFFF086  }
0x1c: {  	p1 =	slt.u32 s9, $0xF7A;
	s5 =	simm.s32 @!p2 $0x0  }
0x1d: {  	s5 =	simm.s32 @p1 $0x1;
	p0 =	seq.s32 s7, s2  }
0x1e: {  	s7 =	smul.u32 @!p0 $0xF7A, s2;
	p2 =	seq.s32 @!p0 s5, $0x0  }
0x1f: {  	s9 =	smul.u32 $0xF7A, s1;
	s8 =	simm.s32 @!p0 $0x1BF5;
	p2 =	por !p2, p0  }
0x20: {  	[sflag:s8] =	ssyncset.s32 @!p0 $0xFFFFF086;
	s6 =	sadd.s32 @!p0 s3, s7;
	s7 =	simm.s32 @!p0 $0x108  }
0x21: {  	s3 =	sadd.s32 s3, s9;
	s6 =	sadd.s32 @!p0 $0x88, s6;
	s7 =	simm.s32 @p2 $0x1082  }
0x22: {  	[simem:s7], [sflag:s8] =	dma.local @!p0 [hbm:s6], $0xF7A  }
0x23: {  	s9 =	sor.u32 $0xD0000000, s2;
	s6 =	simm.s32 $0x108;
	_ =	swait.ge @!p0 [sflag:s8], $0x0  }
0x24: {  	s3 =	sadd.s32 $0x88, s3;
	s6 =	simm.s32 @!p1 $0x1082;
	[sflag:s4] =	ssyncset.s32 $0xFFFFF086  }
0x25: {  	[simem:s6], [sflag:s4] =	dma.local [hbm:s3], $0xF7A  }
0x26: {  	[smem:$0x3F9E] =	sst s1;
	(tag) =	ssettag s2;
	_ =	strace s9  }
0x27: {  	s1 =	sld [smem:$0x3FAE]  }
0x28: {  	s2 =	sld [smem:$0x3FAF]  }
0x29: {  	s4 =	sld [smem:$0x3FB1]  }
0x2a: {  	p0 =	seq.s32 s5, $0x0;
	s5 =	sld [smem:$0x3FB2]  }
0x2b: {  	s6 =	sld [smem:$0x3FB3]  }
0x2c: {  	s7 =	sld [smem:$0x3FB4]  }
0x2d: {  	s3 =	simm.s32 $0x108;
	s8 =	sld [smem:$0x3FB5]  }
0x2e: {  	s3 =	simm.s32 @!p0 $0x1082;
	s9 =	sld [smem:$0x3FB6]  }
0x2f: {  	lr =	sadd.s32 s0, s3;
	s0 =	sld [smem:$0x3FAD]  }
0x30: {  	s3 =	sld [smem:$0x3FB0]  }
0x31: {  	[smem:$0x3FB9] =	sst s10  }
0x32: {  	s10 =	sld [smem:$0x3FB7];
	_ =	sdelay $0x3  }
0x33: {  	p0 =	seq.s32 s10, $0x1;
	s10 =	sld [smem:$0x3FB9];
	_ =	sdelay $0x3  }
0x34: {  	[smem:$0x3FB9] =	sst s10  }
0x35: {  	s10 =	sld [smem:$0x3FB8];
	_ =	sdelay $0x3  }
0x36: {  	p1 =	seq.s32 s10, $0x1;
	s10 =	sld [smem:$0x3FB9];
	_ =	sdelay $0x3  }
0x37: {  	[smem:$0x3FB9] =	sst s10  }
0x38: {  	s10 =	sld [smem:$0x3FBA]  }
0x39: {  	_ = 	snop;
	(pc) =	sbr.ind lr, $3  }
0x3a: {  	_ = 	snop  }
0x3b: {  	_ = 	snop  }
0x3c: {  	p2 =	seq.s32 s10, $0x1;
	s10 =	sld [smem:$0x3FB9]  }
0x3d: {  	_ =	shalt  }
0x3e: {  	_ =	shalt  }
0x3f: {  	_ =	shalt  }
0x40: {  	_ =	shalt  }
0x41: {  	_ =	shalt  }
0x42: {  	_ =	shalt  }
0x43: {  	_ =	shalt  }
0x44: {  	_ =	shalt  }
0x45: {  	_ =	shalt  }
0x46: {  	_ =	shalt  }
0x47: {  	_ =	shalt  }
0x48: {  	_ =	shalt  }
0x49: {  	_ =	shalt  }
0x4a: {  	_ =	shalt  }
0x4b: {  	_ =	shalt  }
0x4c: {  	_ =	shalt  }
0x4d: {  	_ =	shalt  }
0x4e: {  	_ =	shalt  }
0x4f: {  	_ =	shalt  }
0x50: {  	_ =	shalt  }
0x51: {  	_ =	shalt  }
0x52: {  	_ =	shalt  }
0x53: {  	_ =	shalt  }
0x54: {  	_ =	shalt  }
0x55: {  	_ =	shalt  }
0x56: {  	_ =	shalt  }
0x57: {  	_ =	shalt  }
0x58: {  	_ =	shalt  }
0x59: {  	_ =	shalt  }
0x5a: {  	_ =	shalt  }
0x5b: {  	_ =	shalt  }
0x5c: {  	_ =	shalt  }
0x5d: {  	_ =	shalt  }
0x5e: {  	_ =	shalt  }
0x5f: {  	_ =	shalt  }
0x60: {  	_ =	shalt  }
0x61: {  	_ =	shalt  }
0x62: {  	_ =	shalt  }
0x63: {  	_ =	shalt  }
0x64: {  	_ =	shalt  }
0x65: {  	_ =	shalt  }
0x66: {  	_ =	shalt  }
0x67: {  	_ =	shalt  }
0x68: {  	_ =	shalt  }
0x69: {  	_ =	shalt  }
0x6a: {  	_ =	shalt  }
0x6b: {  	_ =	shalt  }
0x6c: {  	_ =	shalt  }
0x6d: {  	_ =	shalt  }
0x6e: {  	_ =	shalt  }
0x6f: {  	_ =	shalt  }
0x70: {  	_ =	shalt  }
0x71: {  	_ =	shalt  }
0x72: {  	_ =	shalt  }
0x73: {  	_ =	shalt  }
0x74: {  	_ =	shalt  }
0x75: {  	_ =	shalt  }
0x76: {  	_ =	shalt  }
0x77: {  	_ =	shalt  }
0x78: {  	_ =	shalt  }
0x79: {  	_ =	shalt  }
0x7a: {  	_ =	shalt  }
0x7b: {  	_ =	shalt  }
0x7c: {  	_ =	shalt  }
0x7d: {  	_ =	shalt  }
0x7e: {  	_ =	shalt  }
0x7f: {  	_ =	shalt  }
0x80: {  	_ =	shalt  }
0x81: {  	_ =	shalt  }
0x82: {  	_ =	shalt  }
0x83: {  	_ =	shalt  }
0x84: {  	_ =	shalt  }
0x85: {  	_ =	shalt  }
0x86: {  	_ =	shalt  }
0x87: {  	_ =	shalt  }
.Lfunc_end0:
.L_simem_size_0:
called_computation.1_lowered:
.L_overlay_start_0:
0x88: {  	s2 =	sld [smem:$0x3FD9]  }
0x89: {  	s3 =	sld [smem:$0x3FFE];
	_ =	sdelay $0x1  }
0x8a: {  	s1 =	srdreg.scid  }
0x8b: {  	s0 =	sand.u32 $0x1, s1  }
0x8c: {  	s17 =	sshll.u32 s0, $0xA;
	s2 =	sadd.s32 s3, s2  }
0x8d: {  	s2 =	sadd.s32 s2, s17  }
0x8e: {  	[smem:$0x3FC5] =	sst s2  }
0x8f: {  	_ = 	snop  }
0x90: {  	s2 =	sld [smem:$0x3FD0];
	(tm) =	ssettm $0x1  }
0x91: {  	s18 =	sld [smem:$0x3FFB];
	_ =	sdelay $0x3  }
0x92: {  	_ =	strace s18  }
0x93: {  	s3 =	sld [smem:$0x3FFC];
	_ =	sdelay $0x3  }
0x94: {  	_ =	strace s3  }
0x95: {  	s3 =	sld [smem:$0x3FFD];
	_ =	sdelay $0x3  }
0x96: {  	_ =	strace s3  }
0x97: {  	_ =	strace $0x8FFFFFFF  }
0x98: {  	s19 =	sld [smem:$0x3FDB];
	_ =	sdelay $0x1  }
0x99: {  	s4 =	simm.s32 $_scs_section_size  }
0x9a: {  	s5 =	simm.s32 $_size__tile_overlayer_lowered;
	s6 =	simm.s32 $_tile_overlayer_lowered  }
0x9b: {  	s22 =	simm.s32 $0x1BFF;
	s21 =	sshll.u32 s6, $0x1;
	s3 =	sadd.s32 s4, s19  }
0x9c: {  	s7 =	simm.s32 $0x0;
	s20 =	sshll.u32 s5, $0x1;
	s5 =	sadd.s32 s21, s3  }
0x9d: {  	[timem:s7], [sflag:s22] =	dma.local [hbm:s5], s20  }
0x9e: {  	_ =	swait.ge [sflag:s22], s20  }
0x9f: {  	s4 =	ssub.s32 $0x0, s20;
	[sflag:s22] =	ssyncset.done $0x0  }
0xa0: {  	[sflag:s22] =	ssyncadd.s32 s4;
	_ =	sdelay $0x1  }
0xa1: {  	s23 =	simm.s32 $0x1B8B  }
0xa2: {  	_ =	swait.ge [sflag:s23], $0x1  }
0xa3: {  	[sflag:s23] =	ssyncset.done $0x0  }
0xa4: {  	s25 =	simm.s32 $0x1B8E;
	s24 =	sld [smem:$0x3FFE];
	[sflag:s23] =	ssyncadd.s32 $0xFFFFFFFF  }
0xa5: {  	s26 =	simm.s32 $execute0_lowered;
	[smem:$0x3FD2] =	sst s25  }
0xa6: {  	s5 =	sshll.u32 s26, $0x1;
	_ =	strace $0x80000049;
	[dreg:$0x1] =	wrdreg $0xFFFFFFFF  }
0xa7: {  	s28 =	simm.s32 $_size_execute0_lowered;
	s3 =	sadd.s32 s3, s5;
	[dreg:$0x0] =	wrdreg $0x0  }
0xa8: {  	s5 =	sshll.u32 s28, $0x1;
	[dreg:$0x2] =	wrdreg s3  }
0xa9: {  	[dreg:$0x3] =	wrdreg s5  }
0xaa: {  	[dreg:$0x4] =	wrdreg $0xC0  }
0xab: {  	_ =	task [dreg:s7], $0x5FFFF  }
0xac: {  	[dreg:$0x1] =	wrdreg $0xFFFFFFFF  }
0xad: {  	[dreg:$0x0] =	wrdreg $0x60  }
0xae: {  	[dreg:$0x2] =	wrdreg s24  }
0xaf: {  	[dreg:$0x3] =	wrdreg s2  }
0xb0: {  	[dreg:$0x4] =	wrdreg $0x0  }
0xb1: {  	[dreg:$0x5] =	wrdreg $0x9  }
0xb2: {  	_ =	task.clear_ibuf [dreg:s7], $0x6FFFF;
	_ =	strace $0x90000049  }
0xb3: {  	s29 =	simm.s32 $0x9;
	_ =	strace $0x8000004B  }
0xb4: {  	_ =	swait.ge [sflag:s29], $0x1  }
0xb5: {  	[sflag:s29] =	ssyncadd.s32 $0xFFFFFFFF  }
0xb6: {  	_ =	strace $0x9000004B  }
0xb7: {  	_ =	sfence  }
0xb8: {  	s30 =	sld [smem:$0x0];
	_ =	sdelay $0x2  }
0xb9: {  	s31 =	sshll.u32 s1, $0xD;
	s1 =	sshrl.u32 s1, $0x2  }
0xba: {  	s3 =	sand.u32 $0x4000, s31;
	s1 =	sadd.s32 s1, s30  }
0xbb: {  	s0 =	sor.u32 s3, s0;
	s1 =	sshll.u32 s1, $0x11  }
0xbc: {  	s0 =	sor.u32 s1, s0  }
0xbd: {  	s0 =	sadd.s32 $0x8F2B, s0  }
0xbe: {  	[sflag:s0] =	ssyncadd.remote.s32 $0x1  }
0xbf: {  	_ =	sfence.sel $0xFFFF  }
0xc0: {  	[dreg:$0x0] =	wrdreg $0xFFFFFFFF;
	(pc) =	sbr.abs _section_cstart, $3  }
0xc1: {  	[dreg:$0x1] =	wrdreg $0xFFFFFFFF  }
0xc2: {  	_ =	task.clear_ibuf [dreg:s7], $0x2FFFF;
	_ =	strace $0x9FFFFFFF  }
0xc3: {  	(tm) =	ssettm $0x7FFFFFFF  }
tec
execute0_lowered:
.L_overlay_start_1:
0x0: {  	(tag) =	ssettag $0x1  }
0x1: {  	s2 =	srdreg.scid  }
0x2: {  	s2 =	sand.u32 $0x1, s2  }
0x3: {  	p0 =	seq.s32 s2, $0x1  }
.Ltmp0:
0x4: {  	s5 =	rddreg [dreg:$0x0];
	(pc) =	sbr.rel @p0 .LBB2_4-.Ltmp0, $4  }
0x5: {  	s1 =	rddreg [dreg:$0x1]  }
0x6: {  	s3 =	rddreg [dreg:$0x2];
	s4 =	simm.s32 $0x0  }
0x7: {  	[smem:$0x7FF] =	sst s4  }
0x8: {  	s0 =	rddreg [dreg:$0x3];
	_ =	strace $0x8000004A;
	s2 =	stileid.u32  }
0x9: {  	s6 =	smul.u32 $0x1880, s2;
	_ =	sdelay $0x1  }
0xa: {  	s7 =	sadd.s32 $0x1A7600, s5;
	s6 =	sshrl.u32 s6, $0x3  }
0xb: {  	s9 =	simm.s32 $0x10;
	s23 =	simm.s32 $0x1;
	s8 =	sadd.s32 s7, s6  }
0xc: {  	[tilespmem:s9], [sflag:$0x1] =	stream.linear.gather [hbm4b:s8+s4], $0x1880, $0x38;
	[tilespmem:$0x6310] =	vst v63  }
0xd: {  	_ =	swait.ge [sflag:s23], $0x1880  }
0xe: {  	s24 =	sadd.s32 $0x3100, s6;
	[sflag:s23] =	ssyncset.done $0x0  }
0xf: {  	s10 =	simm.s32 $0x1890;
	s7 =	sadd.s32 s7, s24;
	[sflag:s23] =	ssyncadd.s32 $0xFFFFE780  }
0x10: {  	[tilespmem:s10], [sflag:$0x1] =	stream.linear.gather [hbm4b:s7+s4], $0x1880, $0x38;
	[tilespmem:$0x6310] =	vst v63  }
0x11: {  	_ =	swait.ge [sflag:s23], $0x1880  }
0x12: {  	s25 =	sadd.s32 $0x1AD800, s5;
	[sflag:s23] =	ssyncset.done $0x0  }
0x13: {  	s26 =	simm.s32 $0x3110;
	s6 =	sadd.s32 s25, s6;
	[sflag:s23] =	ssyncadd.s32 $0xFFFFE780  }
0x14: {  	[tilespmem:s26], [sflag:$0x1] =	stream.linear.gather [hbm4b:s6+s4], $0x1880, $0x38;
	[tilespmem:$0x6310] =	vst v63  }
0x15: {  	_ =	swait.ge [sflag:s23], $0x1880  }
0x16: {  	[sflag:s23] =	ssyncset.done $0x0  }
0x17: {  	s28 =	simm.s32 $0x4990;
	s5 =	sadd.s32 s25, s24;
	[sflag:s23] =	ssyncadd.s32 $0xFFFFE780  }
0x18: {  	[tilespmem:s28], [sflag:$0x1] =	stream.linear.gather [hbm4b:s5+s4], $0x1880, $0x38;
	[tilespmem:$0x6310] =	vst v63  }
0x19: {  	_ =	swait.ge [sflag:s23], $0x1880  }
0x1a: {  	[sflag:s23] =	ssyncset.done $0x0  }
0x1b: {  	s29 =	simm.s32 $0x0;
	[sflag:s23] =	ssyncadd.s32 $0xFFFFE780  }
0x1c: {  	v0 =	vld [tilespmem:s29+$0x10]  }
0x1d: {  	v1 =	vld [tilespmem:s29+$0x1890];
	_ =	sdelay $0x4  }
0x1e: {  	v0 =	vadd.f32 v1, v0;
	_ =	sdelay $0x1  }
0x1f: {  	s30 =	simm.s32 $0x10;
	v0 =	vadd.f32 v0, v0  }
0x20: {  	v2 =	vld [tilespmem:s30+$0x1890]  }
0x21: {  	v1 =	vld [tilespmem:s30+$0x10];
	v0 =	vadd.f32 $2.000000000e+00, v0;
	_ =	sdelay $0x1  }
0x22: {  	s5 =	simm.s32 $0x20;
	(erf) = vrcp.f32 v0  }
0x23: {  	v3 =	vld [tilespmem:s5+$0x10]  }
0x24: {  	v0 =	vld [tilespmem:s5+$0x1890]  }
0x25: {  	v1 =	vadd.f32 v2, v1;
	_ =	sdelay $0x1  }
0x26: {  	v5 =	vld [tilespmem:s29+$0x3110];
	v1 =	vadd.f32 v1, v1  }
0x27: {  	v6 =	vld [tilespmem:s29+$0x4990]  }
0x28: {  	v0 =	vadd.f32 v0, v3;
	v3 =	vadd.f32 $2.000000000e+00, v1  }
0x29: {  	s6 =	simm.s32 $0x30  }
0x2a: {  	v4 =	vld [tilespmem:s6+$0x1890];
	v8 =	vpop (erf);
	(erf) = vrcp.f32 v3  }
0x2b: {  	v2 =	vld [tilespmem:s6+$0x10]  }
0x2c: {  	v5 =	vadd.f32 v6, v5;
	v1 =	vld [tilespmem:s30+$0x3110];
	v7 =	vadd.f32 v0, v0  }
0x2d: {  	s31 =	sshll.u32 s2, $0x4;
	v3 =	vld [tilespmem:s30+$0x4990]  }
0x2e: {  	s7 =	simm.s32 $0x100;
	s4 =	sadd.s32 s31, s3;
	v0 =	vimm.f32 $0.0e+00;
	v6 =	vadd.f32 $2.000000000e+00, v7;
	v5 =	vmul.f32 v8, v5  }
.LBB2_2:
0x2f: {  	s8 =	sshra.s32 s7, $0x2;
	p0 =	sne.s32 s7, $0x61C0  }
.Ltmp1:
0x30: {  	s7 =	sadd.s32 $0x40, s7;
	v7 =	vadd.f32 v4, v2;
	v2 =	vld [tilespmem:s8+$0x10];
	(erf) = vrcp.f32 v6;
	v0 =	vadd.f32 v5, v0;
	(pc) =	sbr.rel @p0 .LBB2_2-.Ltmp1, $4  }
0x31: {  	v4 =	vld [tilespmem:s8+$0x1890]  }
0x32: {  	v5 =	vadd.f32 v7, v7;
	v7 =	vadd.f32 v3, v1;
	v1 =	vld [tilespmem:s5+$0x3110]  }
0x33: {  	v3 =	vld [tilespmem:s5+$0x4990];
	v8 =	vpop (erf);
	s5 =	smov.u32 s6;
	s6 =	smov.u32 s8  }
0x34: {  	v6 =	vadd.f32 $2.000000000e+00, v5;
	v5 =	vmul.f32 v8, v7  }
0x35: {  	_ = 	snop  }
0x36: {  	v2 =	vadd.f32 v4, v2;
	_ =	sdelay $0x1  }
0x37: {  	v2 =	vadd.f32 v2, v2;
	_ =	sdelay $0x1  }
0x38: {  	(erf) = vrcp.f32 v6;
	v2 =	vadd.f32 $2.000000000e+00, v2;
	_ =	sdelay $0x1  }
0x39: {  	v55 =	vld [tilespmem:s5+$0x3110];
	(erf) = vrcp.f32 v2  }
0x3a: {  	v56 =	vld [tilespmem:s5+$0x4990]  }
0x3b: {  	v57 =	vld [tilespmem:s6+$0x3110]  }
0x3c: {  	v7 =	vld [tilespmem:s6+$0x4990]  }
0x3d: {  	v1 =	vadd.f32 v3, v1  }
0x3e: {  	v58 =	vpop (erf)  }
0x3f: {  	v0 =	vadd.f32 v5, v0;
	v1 =	vmul.f32 v58, v1;
	v2 =	vadd.f32 v56, v55  }
0x40: {  	v59 =	vpop (erf)  }
0x41: {  	v61 =	vadd.f32 v7, v57;
	v0 =	vadd.f32 v1, v0;
	v60 =	vmul.f32 v59, v2  }
0x42: {  	v62 =	vpop (erf)  }
0x43: {  	v0 =	vadd.f32 v60, v0;
	v63 =	vmul.f32 v62, v61;
	_ =	sdelay $0x1  }
0x44: {  	v0 =	vadd.f32 v63, v0;
	_ =	sdelay $0x1  }
0x45: {  	s30 =	simm.s32 $0x6210;
	s31 =	simm.s32 $0x1;
	[tilespmem:$0x6210] =	vst v0  }
0x46: {  	[spmem:s4] =	stream.linear.scatter [tilespmem:s30], [sflag:$0x1], $0x10, $0x38;
	[tilespmem:$0x6310] =	vst v63  }
0x47: {  	_ =	swait.ge [sflag:s31], $0x10  }
0x48: {  	[sflag:s31] =	ssyncset.done $0x0  }
0x49: {  	p0 =	sne.s32 s2, $0x0;
	[sflag:s31] =	ssyncadd.s32 $0xFFFFFFF0  }
0x4a: {  	s4 =	simm.s32 @!p0 $0x6210;
	[bflag:$0x0] =	sbarrier.arrive $0xFFFF  }
0x4b: {  	[tilespmem:s4], [sflag:$0x1] =	stream.linear.gather @!p0 [spmem:s3], $0x100, $0x38;
	[tilespmem:$0x6310] =	vst v63  }
0x4c: {  	s3 =	simm.s32 @!p0 $0x1  }
0x4d: {  	_ =	swait.ge @!p0 [sflag:s3], $0x100  }
0x4e: {  	[sflag:s3] =	ssyncset.done @!p0 $0x0  }
0x4f: {  	[sflag:s3] =	ssyncadd.s32 @!p0 $0xFFFFFF00  }
0x50: {  	v0 =	vld @!p0 [tilespmem:$0x6210];
	_ =	sdelay $0x1  }
0x51: {  	v1 =	vld @!p0 [tilespmem:$0x6220];
	_ =	sdelay $0x1  }
0x52: {  	v2 =	vld @!p0 [tilespmem:$0x6230]  }
0x53: {  	v0 =	vadd.f32 @!p0 $0.0e+00, v0  }
0x54: {  	v3 =	vld @!p0 [tilespmem:$0x6240]  }
0x55: {  	v0 =	vadd.f32 @!p0 v1, v0  }
0x56: {  	v1 =	vld @!p0 [tilespmem:$0x6250]  }
0x57: {  	v0 =	vadd.f32 @!p0 v2, v0  }
0x58: {  	v2 =	vld @!p0 [tilespmem:$0x6260]  }
0x59: {  	v0 =	vadd.f32 @!p0 v3, v0  }
0x5a: {  	v3 =	vld @!p0 [tilespmem:$0x6270]  }
0x5b: {  	v0 =	vadd.f32 @!p0 v1, v0  }
0x5c: {  	v1 =	vld @!p0 [tilespmem:$0x6280]  }
0x5d: {  	v0 =	vadd.f32 @!p0 v2, v0  }
0x5e: {  	v2 =	vld @!p0 [tilespmem:$0x6290]  }
0x5f: {  	v0 =	vadd.f32 @!p0 v3, v0  }
0x60: {  	v3 =	vld @!p0 [tilespmem:$0x62A0]  }
0x61: {  	v0 =	vadd.f32 @!p0 v1, v0  }
0x62: {  	v1 =	vld @!p0 [tilespmem:$0x62B0]  }
0x63: {  	v0 =	vadd.f32 @!p0 v2, v0  }
0x64: {  	v2 =	vld @!p0 [tilespmem:$0x62C0]  }
0x65: {  	v0 =	vadd.f32 @!p0 v3, v0  }
0x66: {  	v3 =	vld @!p0 [tilespmem:$0x62D0]  }
0x67: {  	v0 =	vadd.f32 @!p0 v1, v0  }
0x68: {  	v1 =	vld @!p0 [tilespmem:$0x62E0]  }
0x69: {  	v0 =	vadd.f32 @!p0 v2, v0  }
0x6a: {  	v2 =	vld @!p0 [tilespmem:$0x62F0]  }
0x6b: {  	v0 =	vadd.f32 @!p0 v3, v0  }
0x6c: {  	v3 =	vld @!p0 [tilespmem:$0x6300]  }
0x6d: {  	v0 =	vadd.f32 @!p0 v1, v0;
	_ =	sdelay $0x1  }
0x6e: {  	v0 =	vadd.f32 @!p0 v2, v0;
	_ =	sdelay $0x1  }
0x6f: {  	v0 =	vadd.f32 @!p0 v3, v0;
	_ =	sdelay $0x1  }
0x70: {  	(xrf2) =	vadd.scan.msk.f32 @!p0 $0xffff, v0;
	_ =	sdelay $0x9  }
0x71: {  	v0, _, _ =	vpop @!p0 (xrf2)  }
0x72: {  	v0 =	vmul.f32 @!p0 $6.103515630e-05, v0;
	_ =	sdelay $0x1  }
0x73: {  	s5 =	simm.s32 @!p0 $0x0;
	[tilespmem:$0x6210] =	vst @!p0 v0  }
0x74: {  	[hbm4b:s1+s5] =	stream.linear.scatter @!p0 [tilespmem:s4], [sflag:$0x1], $0x10, $0x38;
	[tilespmem:$0x6310] =	vst v63  }
0x75: {  	_ =	swait.ge @!p0 [sflag:s3], $0x10  }
0x76: {  	[sflag:s3] =	ssyncset.done @!p0 $0x0  }
0x77: {  	[sflag:s3] =	ssyncadd.s32 @!p0 $0xFFFFFFF0  }
.LBB2_4:
0x78: {  	_ =	sfence.sel $0x180000  }
0x79: {  	[bflag:$0x0] =	sbarrier.arrive $0xFFFF  }
0x7a: {  	p0 =	sne.s32 s2, $0x0;
	_ =	strace $0x9000004A  }
0x7b: {  	s0 =	sadd.s32 @!p0 $0x100000, s0;
	[bflag:$0x2] =	sbarrier.arrive $0xFFFF  }
0x7c: {  	[sflag:s0] =	ssyncadd.tile.s32 @!p0 $0x1;
	_ =	shalt  }
.Lfunc_end2:
_tile_overlayer_lowered:
.L_overlay_start_2:
0x7d: {  	(tag) =	ssettag $0x2  }
0x7e: {  	s0 =	rddreg [dreg:$0x0];
	s2 =	stileid.u32  }
0x7f: {  	s1 =	rddreg [dreg:$0x1];
	p0 =	sne.s32 s2, $0x0  }
0x80: {  	s3 =	rddreg [dreg:$0x2];
	[bflag:$0x3] =	sbarrier.arrive $0xFFFF;
	s2 =	simm.s32 @!p0 $0x1C01  }
0x81: {  	[timem:s3], [sflag:s2] =	dma.local @!p0 [hbm:s0], s1  }
0x82: {  	s0 =	simm.s32 @!p0 $0x1  }
0x83: {  	_ =	swait.ge @!p0 [sflag:s0], s1  }
0x84: {  	s1 =	ssub.s32 @!p0 $0x0, s1;
	[sflag:s0] =	ssyncset.done @!p0 $0x0  }
0x85: {  	[sflag:s0] =	ssyncadd.s32 @!p0 s1  }
0x86: {  	[bflag:$0x3] =	sbarrier.arrive $0xFFFF  }
0x87: {  	_ =	shalt  }

</sc_bundles>
